<compile_context>
chip_gen: v7x
topology: tpu7x:2x2x1
jax: 0.10.2.dev20260603
libtpu: 0.0.44.dev20260713+nightly
codegen_flags: <defaults>
</compile_context>

<pallas_src>
import functools
import math

import jax
import jax.numpy as jnp
from jax import lax
from jax.experimental import pallas as pl
from jax.experimental.pallas import tpu as pltpu
from jax.experimental.pallas import tpu_sc as plsc

VOCAB = 1000000
D = 64
BATCH = 1024
SEQ = 200

NC = 2
NS = 16
NW = NC * NS

NPOS = BATCH * SEQ
CHUNK = 128
CPW = NPOS // (NW * CHUNK)
POS_PER_W = CPW * CHUNK

_SCALE = math.sqrt(D)


def _pe_body(out_ref):
    pos = lax.broadcasted_iota(jnp.int32, (SEQ, D), 0).astype(jnp.float32)
    i = lax.broadcasted_iota(jnp.int32, (SEQ, D), 1)
    two_i = (2 * (i // 2)).astype(jnp.float32)
    inv_rate = jnp.exp(-(math.log(10000.0) / D) * two_i)
    angles = pos * inv_rate
    even = (i % 2) == 0
    out_ref[...] = jnp.where(even, jnp.sin(angles), jnp.cos(angles))


def _positional_encoding():
    return pl.pallas_call(
        _pe_body,
        out_shape=jax.ShapeDtypeStruct((SEQ, D), jnp.float32),
    )()


H = 512000
TW = 12800


def _t2_body(a_ref, b_ref, out_ref):
    r = lax.broadcasted_iota(jnp.int32, (D, D), 0)
    c = lax.broadcasted_iota(jnp.int32, (D, D), 1)
    ident = jnp.where(r == c, 1.0, 0.0).astype(jnp.float32)
    dn = (((0,), (0,)), ((), ()))
    out_ref[:, 0:D] = lax.dot_general(
        a_ref[...], ident, dn, preferred_element_type=jnp.float32)
    out_ref[:, D:2 * D] = lax.dot_general(
        b_ref[...], ident, dn, preferred_element_type=jnp.float32)


def _pack_table(tview):
    nb_b = VOCAB // TW

    return pl.pallas_call(
        _t2_body,
        grid=(H // TW,),
        in_specs=[
            pl.BlockSpec((D, TW), lambda j: (0, j)),
            pl.BlockSpec((D, TW), lambda j: (0, jnp.minimum(j + H // TW, nb_b))),
        ],
        out_specs=pl.BlockSpec((TW, 2 * D), lambda j: (j, 0)),
        out_shape=jax.ShapeDtypeStruct((H, 2 * D), jnp.float32),
    )(tview, tview)


def _sc_body(x_hbm, t2_hbm, pe_hbm, out_hbm,
             idx_v, pair_v, paroff_v, g0, g1, o0, o1, pe_v,
             gsem0, gsem1, osem0, osem1):
    cid = lax.axis_index("c")
    sid = lax.axis_index("s")
    wid = sid * NC + cid
    p0 = wid * POS_PER_W

    gbufs = (g0, g1)
    gsems = (gsem0, gsem1)
    obufs = (o0, o1)
    osems = (osem0, osem1)

    pltpu.sync_copy(x_hbm.at[pl.ds(p0, POS_PER_W)], idx_v)
    pltpu.sync_copy(pe_hbm, pe_v)

    def prep(i, c2):
        sl = (pl.ds(i * 16, 16),)
        v = idx_v[sl]
        nh = ~((v - H) >> 31)
        pair_v[sl] = v - (nh & H)
        paroff_v[sl] = nh & 64
        return c2

    lax.fori_loop(0, POS_PER_W // 16, prep, 0)

    def gather_desc(t, p):
        return pltpu.make_async_copy(
            t2_hbm.at[pair_v.at[pl.ds(t * CHUNK, CHUNK)]], gbufs[p], gsems[p])

    def out_desc(t, p):
        return pltpu.make_async_copy(
            obufs[p], out_hbm.at[pl.ds(p0 + t * CHUNK, CHUNK)], osems[p])

    def compute(t, p):
        gbuf = gbufs[p]
        obuf = obufs[p]

        def group(g, c2):
            base = t * CHUNK + g * 16
            parvec = paroff_v[pl.ds(base, 16)]
            for j in range(16):
                col = parvec[j]
                r = g * 16 + j
                s = lax.rem(base + j, SEQ)
                for c in range(D // 16):
                    obuf[r, pl.ds(c * 16, 16)] = (
                        gbuf[r, pl.ds(col + c * 16, 16)] * _SCALE
                        + pe_v[s, pl.ds(c * 16, 16)])
            return c2

        lax.fori_loop(0, CHUNK // 16, group, 0)

    gather_desc(0, 0).start()

    def chunk_pair(u, c2):
        for p in (0, 1):
            t = 2 * u + p

            if p == 0:
                gather_desc(t + 1, 1).start()
            else:
                @pl.when(u < CPW // 2 - 1)
                def _():
                    gather_desc(t + 1, 0).start()

            gather_desc(t, p).wait()

            @pl.when(u > 0)
            def _():
                out_desc(t - 2, p).wait()

            compute(t, p)
            out_desc(t, p).start()
        return c2

    lax.fori_loop(0, CPW // 2, chunk_pair, 0)
    out_desc(CPW - 2, 0).wait()
    out_desc(CPW - 1, 1).wait()


@jax.jit
def _embed(x2, t2, pe):
    mesh = plsc.VectorSubcoreMesh(core_axis_name="c", subcore_axis_name="s")
    fn = functools.partial(
        pl.kernel,
        mesh=mesh,
        out_type=jax.ShapeDtypeStruct((NPOS, D), jnp.float32),
        scratch_types=[
            pltpu.VMEM((POS_PER_W,), jnp.int32),
            pltpu.VMEM((POS_PER_W,), jnp.int32),
            pltpu.VMEM((POS_PER_W,), jnp.int32),
            pltpu.VMEM((CHUNK, 2 * D), jnp.float32),
            pltpu.VMEM((CHUNK, 2 * D), jnp.float32),
            pltpu.VMEM((CHUNK, D), jnp.float32),
            pltpu.VMEM((CHUNK, D), jnp.float32),
            pltpu.VMEM((SEQ, D), jnp.float32),
            pltpu.SemaphoreType.DMA,
            pltpu.SemaphoreType.DMA,
            pltpu.SemaphoreType.DMA,
            pltpu.SemaphoreType.DMA,
        ],
        compiler_params=pltpu.CompilerParams(use_tc_tiling_on_sc=True),
    )(_sc_body)
    return fn(x2, t2, pe)


def kernel(x, table):
    pe = _positional_encoding()
    x2 = x.reshape(NPOS)
    t2 = _pack_table(jnp.transpose(table))
    return _embed(x2, t2, pe).reshape(BATCH, SEQ, D)

# --- scband reference (transcript-rebuilt; emitter-appended) ---
"""Pipeline reference for scband-embedding-4372276707347 (READ-ONLY COPY).

The authoritative reference and input builder live on the scoring server;
editing this copy changes nothing except your own understanding.
"""

import jax, jax.numpy as jnp
import numpy as np
import math

VOCAB = 1000000
D_MODEL = 64
BATCH = 1024
SEQ = 200

def positional_encoding(batch, seq_len, d_model):
    positions = jnp.arange(seq_len, dtype=jnp.float32)[:, None]
    indexes = jnp.arange(d_model)[None, :]
    angle_rates = jnp.power(jnp.float32(10000.0), (2 * (indexes // 2)).astype(jnp.float32) / jnp.float32(d_model))
    angles = positions / angle_rates
    even_mask = (jnp.arange(d_model) % 2 == 0)[None, :]
    pe = jnp.where(even_mask, jnp.sin(angles), jnp.cos(angles))
    return jnp.broadcast_to(pe[None, :, :], (batch, seq_len, d_model))

def setup_inputs(seed: int = 0):
    key = jax.random.key(seed)
    k1, k2 = jax.random.split(key)
    x = jax.random.randint(k1, (BATCH, SEQ), 0, VOCAB, dtype=jnp.int32)
    table = jax.random.normal(k2, (VOCAB, D_MODEL), dtype=jnp.float32) * (D_MODEL ** -0.5)
    table = table.at[0].set(0.0)  # padding_idx = 0
    return {"x": x, "table": table}

def reference(x, table):
    d_model = table.shape[1]
    scale = math.sqrt(d_model)
    emb = jnp.take(table, x, axis=0) * scale
    pe = positional_encoding(x.shape[0], x.shape[1], d_model)
    # dropout is identity in eval/inference mode
    return emb + pe

if __name__ == "__main__":
    import jax
    _d = setup_inputs()
    print(jax.jit(kernel)(*tuple(_d.values())))

</pallas_src>

<mosaic_0001>
#map = affine_map<(d0, d1) -> (0)>
#map1 = affine_map<(d0, d1) -> (0, 0)>
module attributes {stable_mosaic.version = 14 : i64} {
  func.func @_sc_body(%arg0: i32, %arg1: i32, %arg2: memref<204800xi32, #tpu.memory_space<hbm>>, %arg3: memref<512000x128xf32, #tpu.memory_space<hbm>>, %arg4: memref<200x64xf32, #tpu.memory_space<hbm>>, %arg5: memref<204800x64xf32, #tpu.memory_space<hbm>>, %arg6: memref<6400xi32, #tpu.memory_space<vmem>>, %arg7: memref<6400xi32, #tpu.memory_space<vmem>>, %arg8: memref<6400xi32, #tpu.memory_space<vmem>>, %arg9: memref<128x128xf32, #tpu.memory_space<vmem>>, %arg10: memref<128x128xf32, #tpu.memory_space<vmem>>, %arg11: memref<128x64xf32, #tpu.memory_space<vmem>>, %arg12: memref<128x64xf32, #tpu.memory_space<vmem>>, %arg13: memref<200x64xf32, #tpu.memory_space<vmem>>, %arg14: memref<!tpu.dma_semaphore, #tpu.memory_space<semaphore_mem>>, %arg15: memref<!tpu.dma_semaphore, #tpu.memory_space<semaphore_mem>>, %arg16: memref<!tpu.dma_semaphore, #tpu.memory_space<semaphore_mem>>, %arg17: memref<!tpu.dma_semaphore, #tpu.memory_space<semaphore_mem>>) attributes {dimension_semantics = [#tpu.dimension_semantics<core_parallel>, #tpu.dimension_semantics<subcore_parallel>], iteration_bounds = array<i64: 2, 16>, scalar_prefetch = 0 : i64, scratch_operands = 12 : i64, tpu.core_type = #tpu.core_type<sc_vector_subcore>, window_params = [{transform_indices = #map}, {transform_indices = #map1}, {transform_indices = #map1}, {transform_indices = #map1}]} {
    %mul3A = arith.constant 2 : i32
    %mul3A_0 = arith.muli %arg1, %mul3A : i32
    %add3A = arith.addi %mul3A_0, %arg0 : i32
    %mul3A_1 = arith.constant 6400 : i32
    %mul3A_2 = arith.muli %add3A, %mul3A_1 : i32
    "tpu.region"() ({
      %run_scoped3A = tpu.sem_alloc : memref<!tpu.dma_semaphore, #tpu.memory_space<semaphore_mem>>
      %dma_start3A_29 = tpu.memref_slice %arg2[%mul3A_2] : memref<204800xi32, #tpu.memory_space<hbm>> -> memref<6400xi32, #tpu.memory_space<hbm>>
      %dma_start3A_30 = tpu.memref_slice %arg2[%mul3A_2] : memref<204800xi32, #tpu.memory_space<hbm>> -> memref<6400xi32, #tpu.memory_space<hbm>>
      tpu.enqueue_dma source(%dma_start3A_30 : memref<6400xi32, #tpu.memory_space<hbm>>) target(%arg6 : memref<6400xi32, #tpu.memory_space<vmem>>) target_semaphore(%run_scoped3A : memref<!tpu.dma_semaphore, #tpu.memory_space<semaphore_mem>>)
      %dma_wait3A_31 = tpu.memref_slice %arg2[%mul3A_2] : memref<204800xi32, #tpu.memory_space<hbm>> -> memref<6400xi32, #tpu.memory_space<hbm>>
      %dma_wait3A_32 = tpu.memref_slice %arg2[%mul3A_2] : memref<204800xi32, #tpu.memory_space<hbm>> -> memref<6400xi32, #tpu.memory_space<hbm>>
      tpu.wait_dma2 semaphore(%run_scoped3A : memref<!tpu.dma_semaphore, #tpu.memory_space<semaphore_mem>>) src(%dma_wait3A_32 : memref<6400xi32, #tpu.memory_space<hbm>>) dst(%arg6 : memref<6400xi32, #tpu.memory_space<vmem>>)
      tpu.yield
    }) : () -> ()
    "tpu.region"() ({
      %run_scoped3A = tpu.sem_alloc : memref<!tpu.dma_semaphore, #tpu.memory_space<semaphore_mem>>
      tpu.enqueue_dma source(%arg4 : memref<200x64xf32, #tpu.memory_space<hbm>>) target(%arg13 : memref<200x64xf32, #tpu.memory_space<vmem>>) target_semaphore(%run_scoped3A : memref<!tpu.dma_semaphore, #tpu.memory_space<semaphore_mem>>)
      tpu.wait_dma2 semaphore(%run_scoped3A : memref<!tpu.dma_semaphore, #tpu.memory_space<semaphore_mem>>) src(%arg4 : memref<200x64xf32, #tpu.memory_space<hbm>>) dst(%arg13 : memref<200x64xf32, #tpu.memory_space<vmem>>)
      tpu.yield
    }) : () -> ()
    %scan3A = arith.constant 0 : i32
    %scan3A_3 = arith.constant 0 : i32
    %scan3A_4 = arith.constant 400 : i32
    %scan3A_5 = arith.addi %scan3A_3, %scan3A_4 : i32
    %scan3A_6 = arith.constant 1 : i32
    scf.for %scan3A_29 = %scan3A_3 to %scan3A_5 step %scan3A_6  : i32 {
      %mul3A_30 = arith.constant 16 : i32
      %mul3A_31 = arith.muli %scan3A_29, %mul3A_30 : i32
      %get3A = arith.index_cast %mul3A_31 : i32 to index
      %get3A_32 = tpu.vector_load %arg6[%get3A] {strides = array<i32>} : memref<6400xi32, #tpu.memory_space<vmem>>, vector<16xi32>,
      %get3A_33 = vector.shape_cast %get3A_32 : vector<16xi32> to vector<16xi32>
      %sub3A = arith.constant 512000 : i32
      %sub3A_34 = vector.broadcast %sub3A : i32 to vector<16xi32>
      %sub3A_35 = arith.subi %get3A_33, %sub3A_34 : vector<16xi32>
      %shift_right_arithmetic3A = arith.constant 31 : i32
      %shift_right_arithmetic3A_36 = vector.broadcast %shift_right_arithmetic3A : i32 to vector<16xi32>
      %shift_right_arithmetic3A_37 = arith.shrsi %sub3A_35, %shift_right_arithmetic3A_36 : vector<16xi32>
      %not3A = arith.constant dense<-1> : vector<16xi32>
      %not3A_38 = arith.xori %shift_right_arithmetic3A_37, %not3A : vector<16xi32>
      %and3A = arith.constant 512000 : i32
      %and3A_39 = vector.broadcast %and3A : i32 to vector<16xi32>
      %and3A_40 = arith.andi %not3A_38, %and3A_39 : vector<16xi32>
      %sub3A_41 = arith.subi %get3A_33, %and3A_40 : vector<16xi32>
      %swap3A = arith.index_cast %mul3A_31 : i32 to index
      %swap3A_42 = tpu.vector_load %arg7[%swap3A] {strides = array<i32>} : memref<6400xi32, #tpu.memory_space<vmem>>, vector<16xi32>,
      %swap3A_43 = vector.shape_cast %swap3A_42 : vector<16xi32> to vector<16xi32>
      %swap3A_44 = vector.shape_cast %sub3A_41 : vector<16xi32> to vector<16xi32>
      tpu.vector_store %arg7[%swap3A], %swap3A_44 {strides = array<i32>} : memref<6400xi32, #tpu.memory_space<vmem>>, vector<16xi32>,
      %and3A_45 = arith.constant 64 : i32
      %and3A_46 = vector.broadcast %and3A_45 : i32 to vector<16xi32>
      %and3A_47 = arith.andi %not3A_38, %and3A_46 : vector<16xi32>
      %swap3A_48 = arith.index_cast %mul3A_31 : i32 to index
      %swap3A_49 = tpu.vector_load %arg8[%swap3A_48] {strides = array<i32>} : memref<6400xi32, #tpu.memory_space<vmem>>, vector<16xi32>,
      %swap3A_50 = vector.shape_cast %swap3A_49 : vector<16xi32> to vector<16xi32>
      %swap3A_51 = vector.shape_cast %and3A_47 : vector<16xi32> to vector<16xi32>
      tpu.vector_store %arg8[%swap3A_48], %swap3A_51 {strides = array<i32>} : memref<6400xi32, #tpu.memory_space<vmem>>, vector<16xi32>,
    }
    %scan3A_7 = arith.constant 400 : i32
    %dma_start3A = arith.constant 0 : i32
    %dma_start3A_8 = tpu.memref_slice %arg7[%dma_start3A] : memref<6400xi32, #tpu.memory_space<vmem>> -> memref<128xi32, #tpu.memory_space<vmem>>
    %dma_start3A_9 = arith.constant 0 : i32
    %dma_start3A_10 = arith.constant 0 : i32
    %dma_start3A_11 = tpu.memref_slice %arg3[%dma_start3A_9, %dma_start3A_10] : memref<512000x128xf32, #tpu.memory_space<hbm>> -> memref<512000x128xf32, #tpu.memory_space<hbm>>
    tpu.enqueue_indirect_dma source(%dma_start3A_11 : memref<512000x128xf32, #tpu.memory_space<hbm>>) target(%arg9 : memref<128x128xf32, #tpu.memory_space<vmem>>) offsets(%dma_start3A_8 : memref<128xi32, #tpu.memory_space<vmem>>) semaphore(%arg14 : memref<!tpu.dma_semaphore, #tpu.memory_space<semaphore_mem>>)
    %scan3A_12 = arith.constant 0 : i32
    %scan3A_13 = arith.constant 0 : i32
    %scan3A_14 = arith.constant 25 : i32
    %scan3A_15 = arith.addi %scan3A_13, %scan3A_14 : i32
    %scan3A_16 = arith.constant 1 : i32
    scf.for %scan3A_29 = %scan3A_13 to %scan3A_15 step %scan3A_16  : i32 {
      %mul3A_30 = arith.constant 2 : i32
      %mul3A_31 = arith.muli %mul3A_30, %scan3A_29 : i32
      %add3A_32 = arith.constant 0 : i32
      %add3A_33 = arith.addi %mul3A_31, %add3A_32 : i32
      %add3A_34 = arith.constant 1 : i32
      %add3A_35 = arith.addi %add3A_33, %add3A_34 : i32
      %mul3A_36 = arith.constant 128 : i32
      %mul3A_37 = arith.muli %add3A_35, %mul3A_36 : i32
      %dma_start3A_38 = tpu.memref_slice %arg7[%mul3A_37] : memref<6400xi32, #tpu.memory_space<vmem>> -> memref<128xi32, #tpu.memory_space<vmem>>
      %dma_start3A_39 = arith.constant 0 : i32
      %dma_start3A_40 = arith.constant 0 : i32
      %dma_start3A_41 = tpu.memref_slice %arg3[%dma_start3A_39, %dma_start3A_40] : memref<512000x128xf32, #tpu.memory_space<hbm>> -> memref<512000x128xf32, #tpu.memory_space<hbm>>
      tpu.enqueue_indirect_dma source(%dma_start3A_41 : memref<512000x128xf32, #tpu.memory_space<hbm>>) target(%arg10 : memref<128x128xf32, #tpu.memory_space<vmem>>) offsets(%dma_start3A_38 : memref<128xi32, #tpu.memory_space<vmem>>) semaphore(%arg15 : memref<!tpu.dma_semaphore, #tpu.memory_space<semaphore_mem>>)
      %mul3A_42 = arith.constant 128 : i32
      %mul3A_43 = arith.muli %add3A_33, %mul3A_42 : i32
      %dma_wait3A_44 = tpu.memref_slice %arg7[%mul3A_43] : memref<6400xi32, #tpu.memory_space<vmem>> -> memref<128xi32, #tpu.memory_space<vmem>>
      %dma_wait3A_45 = arith.constant 0 : i32
      %dma_wait3A_46 = arith.constant 0 : i32
      %dma_wait3A_47 = tpu.memref_slice %arg3[%dma_wait3A_45, %dma_wait3A_46] : memref<512000x128xf32, #tpu.memory_space<hbm>> -> memref<512000x128xf32, #tpu.memory_space<hbm>>
      tpu.wait_indirect_dma semaphore(%arg14 : memref<!tpu.dma_semaphore, #tpu.memory_space<semaphore_mem>>) src(%dma_wait3A_47 : memref<512000x128xf32, #tpu.memory_space<hbm>>) dst(%arg9 : memref<128x128xf32, #tpu.memory_space<vmem>>)
      %gt3A = arith.constant 0 : i32
      %gt3A_48 = arith.cmpi sgt, %scan3A_29, %gt3A : i32
      %convert_element_type3A = arith.extui %gt3A_48 : i1 to i32
      %cond3A = arith.constant 0 : i32
      %cond3A_49 = arith.cmpi ne, %convert_element_type3A, %cond3A : i32
      scf.if %cond3A_49 {
        %sub3A = arith.constant 2 : i32
        %sub3A_95 = arith.subi %add3A_33, %sub3A : i32
        %mul3A_96 = arith.constant 128 : i32
        %mul3A_97 = arith.muli %sub3A_95, %mul3A_96 : i32
        %add3A_98 = arith.addi %mul3A_2, %mul3A_97 : i32
        %dma_wait3A_99 = arith.constant 0 : i32
        %dma_wait3A_100 = tpu.memref_slice %arg5[%add3A_98, %dma_wait3A_99] : memref<204800x64xf32, #tpu.memory_space<hbm>> -> memref<128x64xf32, #tpu.memory_space<hbm>>
        %dma_wait3A_101 = arith.constant 0 : i32
        %dma_wait3A_102 = tpu.memref_slice %arg5[%add3A_98, %dma_wait3A_101] : memref<204800x64xf32, #tpu.memory_space<hbm>> -> memref<128x64xf32, #tpu.memory_space<hbm>>
        tpu.wait_dma2 semaphore(%arg16 : memref<!tpu.dma_semaphore, #tpu.memory_space<semaphore_mem>>) src(%arg11 : memref<128x64xf32, #tpu.memory_space<vmem>>) dst(%dma_wait3A_102 : memref<128x64xf32, #tpu.memory_space<hbm>>)
      } else {
      }
      %scan3A_50 = arith.constant 0 : i32
      %scan3A_51 = arith.constant 0 : i32
      %scan3A_52 = arith.constant 8 : i32
      %scan3A_53 = arith.addi %scan3A_51, %scan3A_52 : i32
      %scan3A_54 = arith.constant 1 : i32
      scf.for %scan3A_95 = %scan3A_51 to %scan3A_53 step %scan3A_54  : i32 {
        %mul3A_96 = arith.constant 128 : i32
        %mul3A_97 = arith.muli %add3A_33, %mul3A_96 : i32
        %mul3A_98 = arith.constant 16 : i32
        %mul3A_99 = arith.muli %scan3A_95, %mul3A_98 : i32
        %add3A_100 = arith.addi %mul3A_97, %mul3A_99 : i32
        %get3A = arith.index_cast %add3A_100 : i32 to index
        %get3A_101 = tpu.vector_load %arg8[%get3A] {strides = array<i32>} : memref<6400xi32, #tpu.memory_space<vmem>>, vector<16xi32>,
        %get3A_102 = vector.shape_cast %get3A_101 : vector<16xi32> to vector<16xi32>
        %slice3A = vector.extract_strided_slice %get3A_102 {offsets = [0], sizes = [1], strides = [1]} : vector<16xi32> to vector<1xi32>
        %squeeze3A = vector.extract %slice3A[0] : i32 from vector<1xi32>
        %mul3A_103 = arith.constant 16 : i32
        %mul3A_104 = arith.muli %scan3A_95, %mul3A_103 : i32
        %add3A_105 = arith.constant 0 : i32
        %add3A_106 = arith.addi %mul3A_104, %add3A_105 : i32
        %add3A_107 = arith.constant 0 : i32
        %add3A_108 = arith.addi %add3A_100, %add3A_107 : i32
        %rem3A = arith.constant 200 : i32
        %rem3A_109 = arith.remsi %add3A_108, %rem3A : i32
        %add3A_110 = arith.constant 0 : i32
        %add3A_111 = arith.addi %squeeze3A, %add3A_110 : i32
        %get3A_112 = arith.index_cast %add3A_106 : i32 to index
        %get3A_113 = arith.index_cast %add3A_111 : i32 to index
        %get3A_114 = tpu.vector_load %arg9[%get3A_112, %get3A_113] {strides = array<i32>} : memref<128x128xf32, #tpu.memory_space<vmem>>, vector<1x16xf32>,
        %get3A_115 = vector.shape_cast %get3A_114 : vector<1x16xf32> to vector<16xf32>
        %mul3A_116 = arith.constant 8.000000e+00 : f32
        %mul3A_117 = vector.broadcast %mul3A_116 : f32 to vector<16xf32>
        %mul3A_118 = arith.mulf %get3A_115, %mul3A_117 : vector<16xf32>
        %get3A_119 = arith.index_cast %rem3A_109 : i32 to index
        %get3A_120 = arith.constant 0 : index
        %get3A_121 = tpu.vector_load %arg13[%get3A_119, %get3A_120] {strides = array<i32>} : memref<200x64xf32, #tpu.memory_space<vmem>>, vector<1x16xf32>,
        %get3A_122 = vector.shape_cast %get3A_121 : vector<1x16xf32> to vector<16xf32>
        %add3A_123 = arith.addf %mul3A_118, %get3A_122 : vector<16xf32>
        %swap3A = arith.index_cast %add3A_106 : i32 to index
        %swap3A_124 = arith.constant 0 : index
        %swap3A_125 = tpu.vector_load %arg11[%swap3A, %swap3A_124] {strides = array<i32>} : memref<128x64xf32, #tpu.memory_space<vmem>>, vector<1x16xf32>,
        %swap3A_126 = vector.shape_cast %swap3A_125 : vector<1x16xf32> to vector<16xf32>
        %swap3A_127 = vector.shape_cast %add3A_123 : vector<16xf32> to vector<1x16xf32>
        tpu.vector_store %arg11[%swap3A, %swap3A_124], %swap3A_127 {strides = array<i32>} : memref<128x64xf32, #tpu.memory_space<vmem>>, vector<1x16xf32>,
        %add3A_128 = arith.constant 16 : i32
        %add3A_129 = arith.addi %squeeze3A, %add3A_128 : i32
        %get3A_130 = arith.index_cast %add3A_106 : i32 to index
        %get3A_131 = arith.index_cast %add3A_129 : i32 to index
        %get3A_132 = tpu.vector_load %arg9[%get3A_130, %get3A_131] {strides = array<i32>} : memref<128x128xf32, #tpu.memory_space<vmem>>, vector<1x16xf32>,
        %get3A_133 = vector.shape_cast %get3A_132 : vector<1x16xf32> to vector<16xf32>
        %mul3A_134 = arith.constant 8.000000e+00 : f32
        %mul3A_135 = vector.broadcast %mul3A_134 : f32 to vector<16xf32>
        %mul3A_136 = arith.mulf %get3A_133, %mul3A_135 : vector<16xf32>
        %get3A_137 = arith.index_cast %rem3A_109 : i32 to index
        %get3A_138 = arith.constant 16 : index
        %get3A_139 = tpu.vector_load %arg13[%get3A_137, %get3A_138] {strides = array<i32>} : memref<200x64xf32, #tpu.memory_space<vmem>>, vector<1x16xf32>,
        %get3A_140 = vector.shape_cast %get3A_139 : vector<1x16xf32> to vector<16xf32>
        %add3A_141 = arith.addf %mul3A_136, %get3A_140 : vector<16xf32>
        %swap3A_142 = arith.index_cast %add3A_106 : i32 to index
        %swap3A_143 = arith.constant 16 : index
        %swap3A_144 = tpu.vector_load %arg11[%swap3A_142, %swap3A_143] {strides = array<i32>} : memref<128x64xf32, #tpu.memory_space<vmem>>, vector<1x16xf32>,
        %swap3A_145 = vector.shape_cast %swap3A_144 : vector<1x16xf32> to vector<16xf32>
        %swap3A_146 = vector.shape_cast %add3A_141 : vector<16xf32> to vector<1x16xf32>
        tpu.vector_store %arg11[%swap3A_142, %swap3A_143], %swap3A_146 {strides = array<i32>} : memref<128x64xf32, #tpu.memory_space<vmem>>, vector<1x16xf32>,
        %add3A_147 = arith.constant 32 : i32
        %add3A_148 = arith.addi %squeeze3A, %add3A_147 : i32
        %get3A_149 = arith.index_cast %add3A_106 : i32 to index
        %get3A_150 = arith.index_cast %add3A_148 : i32 to index
        %get3A_151 = tpu.vector_load %arg9[%get3A_149, %get3A_150] {strides = array<i32>} : memref<128x128xf32, #tpu.memory_space<vmem>>, vector<1x16xf32>,
        %get3A_152 = vector.shape_cast %get3A_151 : vector<1x16xf32> to vector<16xf32>
        %mul3A_153 = arith.constant 8.000000e+00 : f32
        %mul3A_154 = vector.broadcast %mul3A_153 : f32 to vector<16xf32>
        %mul3A_155 = arith.mulf %get3A_152, %mul3A_154 : vector<16xf32>
        %get3A_156 = arith.index_cast %rem3A_109 : i32 to index
        %get3A_157 = arith.constant 32 : index
        %get3A_158 = tpu.vector_load %arg13[%get3A_156, %get3A_157] {strides = array<i32>} : memref<200x64xf32, #tpu.memory_space<vmem>>, vector<1x16xf32>,
        %get3A_159 = vector.shape_cast %get3A_158 : vector<1x16xf32> to vector<16xf32>
        %add3A_160 = arith.addf %mul3A_155, %get3A_159 : vector<16xf32>
        %swap3A_161 = arith.index_cast %add3A_106 : i32 to index
        %swap3A_162 = arith.constant 32 : index
        %swap3A_163 = tpu.vector_load %arg11[%swap3A_161, %swap3A_162] {strides = array<i32>} : memref<128x64xf32, #tpu.memory_space<vmem>>, vector<1x16xf32>,
        %swap3A_164 = vector.shape_cast %swap3A_163 : vector<1x16xf32> to vector<16xf32>
        %swap3A_165 = vector.shape_cast %add3A_160 : vector<16xf32> to vector<1x16xf32>
        tpu.vector_store %arg11[%swap3A_161, %swap3A_162], %swap3A_165 {strides = array<i32>} : memref<128x64xf32, #tpu.memory_space<vmem>>, vector<1x16xf32>,
        %add3A_166 = arith.constant 48 : i32
        %add3A_167 = arith.addi %squeeze3A, %add3A_166 : i32
        %get3A_168 = arith.index_cast %add3A_106 : i32 to index
        %get3A_169 = arith.index_cast %add3A_167 : i32 to index
        %get3A_170 = tpu.vector_load %arg9[%get3A_168, %get3A_169] {strides = array<i32>} : memref<128x128xf32, #tpu.memory_space<vmem>>, vector<1x16xf32>,
        %get3A_171 = vector.shape_cast %get3A_170 : vector<1x16xf32> to vector<16xf32>
        %mul3A_172 = arith.constant 8.000000e+00 : f32
        %mul3A_173 = vector.broadcast %mul3A_172 : f32 to vector<16xf32>
        %mul3A_174 = arith.mulf %get3A_171, %mul3A_173 : vector<16xf32>
        %get3A_175 = arith.index_cast %rem3A_109 : i32 to index
        %get3A_176 = arith.constant 48 : index
        %get3A_177 = tpu.vector_load %arg13[%get3A_175, %get3A_176] {strides = array<i32>} : memref<200x64xf32, #tpu.memory_space<vmem>>, vector<1x16xf32>,
        %get3A_178 = vector.shape_cast %get3A_177 : vector<1x16xf32> to vector<16xf32>
        %add3A_179 = arith.addf %mul3A_174, %get3A_178 : vector<16xf32>
        %swap3A_180 = arith.index_cast %add3A_106 : i32 to index
        %swap3A_181 = arith.constant 48 : index
        %swap3A_182 = tpu.vector_load %arg11[%swap3A_180, %swap3A_181] {strides = array<i32>} : memref<128x64xf32, #tpu.memory_space<vmem>>, vector<1x16xf32>,
        %swap3A_183 = vector.shape_cast %swap3A_182 : vector<1x16xf32> to vector<16xf32>
        %swap3A_184 = vector.shape_cast %add3A_179 : vector<16xf32> to vector<1x16xf32>
        tpu.vector_store %arg11[%swap3A_180, %swap3A_181], %swap3A_184 {strides = array<i32>} : memref<128x64xf32, #tpu.memory_space<vmem>>, vector<1x16xf32>,
        %slice3A_185 = vector.extract_strided_slice %get3A_102 {offsets = [1], sizes = [1], strides = [1]} : vector<16xi32> to vector<1xi32>
        %squeeze3A_186 = vector.extract %slice3A_185[0] : i32 from vector<1xi32>
        %mul3A_187 = arith.constant 16 : i32
        %mul3A_188 = arith.muli %scan3A_95, %mul3A_187 : i32
        %add3A_189 = arith.constant 1 : i32
        %add3A_190 = arith.addi %mul3A_188, %add3A_189 : i32
        %add3A_191 = arith.constant 1 : i32
        %add3A_192 = arith.addi %add3A_100, %add3A_191 : i32
        %rem3A_193 = arith.constant 200 : i32
        %rem3A_194 = arith.remsi %add3A_192, %rem3A_193 : i32
        %add3A_195 = arith.constant 0 : i32
        %add3A_196 = arith.addi %squeeze3A_186, %add3A_195 : i32
        %get3A_197 = arith.index_cast %add3A_190 : i32 to index
        %get3A_198 = arith.index_cast %add3A_196 : i32 to index
        %get3A_199 = tpu.vector_load %arg9[%get3A_197, %get3A_198] {strides = array<i32>} : memref<128x128xf32, #tpu.memory_space<vmem>>, vector<1x16xf32>,
        %get3A_200 = vector.shape_cast %get3A_199 : vector<1x16xf32> to vector<16xf32>
        %mul3A_201 = arith.constant 8.000000e+00 : f32
        %mul3A_202 = vector.broadcast %mul3A_201 : f32 to vector<16xf32>
        %mul3A_203 = arith.mulf %get3A_200, %mul3A_202 : vector<16xf32>
        %get3A_204 = arith.index_cast %rem3A_194 : i32 to index
        %get3A_205 = arith.constant 0 : index
        %get3A_206 = tpu.vector_load %arg13[%get3A_204, %get3A_205] {strides = array<i32>} : memref<200x64xf32, #tpu.memory_space<vmem>>, vector<1x16xf32>,
        %get3A_207 = vector.shape_cast %get3A_206 : vector<1x16xf32> to vector<16xf32>
        %add3A_208 = arith.addf %mul3A_203, %get3A_207 : vector<16xf32>
        %swap3A_209 = arith.index_cast %add3A_190 : i32 to index
        %swap3A_210 = arith.constant 0 : index
        %swap3A_211 = tpu.vector_load %arg11[%swap3A_209, %swap3A_210] {strides = array<i32>} : memref<128x64xf32, #tpu.memory_space<vmem>>, vector<1x16xf32>,
        %swap3A_212 = vector.shape_cast %swap3A_211 : vector<1x16xf32> to vector<16xf32>
        %swap3A_213 = vector.shape_cast %add3A_208 : vector<16xf32> to vector<1x16xf32>
        tpu.vector_store %arg11[%swap3A_209, %swap3A_210], %swap3A_213 {strides = array<i32>} : memref<128x64xf32, #tpu.memory_space<vmem>>, vector<1x16xf32>,
        %add3A_214 = arith.constant 16 : i32
        %add3A_215 = arith.addi %squeeze3A_186, %add3A_214 : i32
        %get3A_216 = arith.index_cast %add3A_190 : i32 to index
        %get3A_217 = arith.index_cast %add3A_215 : i32 to index
        %get3A_218 = tpu.vector_load %arg9[%get3A_216, %get3A_217] {strides = array<i32>} : memref<128x128xf32, #tpu.memory_space<vmem>>, vector<1x16xf32>,
        %get3A_219 = vector.shape_cast %get3A_218 : vector<1x16xf32> to vector<16xf32>
        %mul3A_220 = arith.constant 8.000000e+00 : f32
        %mul3A_221 = vector.broadcast %mul3A_220 : f32 to vector<16xf32>
        %mul3A_222 = arith.mulf %get3A_219, %mul3A_221 : vector<16xf32>
        %get3A_223 = arith.index_cast %rem3A_194 : i32 to index
        %get3A_224 = arith.constant 16 : index
        %get3A_225 = tpu.vector_load %arg13[%get3A_223, %get3A_224] {strides = array<i32>} : memref<200x64xf32, #tpu.memory_space<vmem>>, vector<1x16xf32>,
        %get3A_226 = vector.shape_cast %get3A_225 : vector<1x16xf32> to vector<16xf32>
        %add3A_227 = arith.addf %mul3A_222, %get3A_226 : vector<16xf32>
        %swap3A_228 = arith.index_cast %add3A_190 : i32 to index
        %swap3A_229 = arith.constant 16 : index
        %swap3A_230 = tpu.vector_load %arg11[%swap3A_228, %swap3A_229] {strides = array<i32>} : memref<128x64xf32, #tpu.memory_space<vmem>>, vector<1x16xf32>,
        %swap3A_231 = vector.shape_cast %swap3A_230 : vector<1x16xf32> to vector<16xf32>
        %swap3A_232 = vector.shape_cast %add3A_227 : vector<16xf32> to vector<1x16xf32>
        tpu.vector_store %arg11[%swap3A_228, %swap3A_229], %swap3A_232 {strides = array<i32>} : memref<128x64xf32, #tpu.memory_space<vmem>>, vector<1x16xf32>,
        %add3A_233 = arith.constant 32 : i32
        %add3A_234 = arith.addi %squeeze3A_186, %add3A_233 : i32
        %get3A_235 = arith.index_cast %add3A_190 : i32 to index
        %get3A_236 = arith.index_cast %add3A_234 : i32 to index
        %get3A_237 = tpu.vector_load %arg9[%get3A_235, %get3A_236] {strides = array<i32>} : memref<128x128xf32, #tpu.memory_space<vmem>>, vector<1x16xf32>,
        %get3A_238 = vector.shape_cast %get3A_237 : vector<1x16xf32> to vector<16xf32>
        %mul3A_239 = arith.constant 8.000000e+00 : f32
        %mul3A_240 = vector.broadcast %mul3A_239 : f32 to vector<16xf32>
        %mul3A_241 = arith.mulf %get3A_238, %mul3A_240 : vector<16xf32>
        %get3A_242 = arith.index_cast %rem3A_194 : i32 to index
        %get3A_243 = arith.constant 32 : index
        %get3A_244 = tpu.vector_load %arg13[%get3A_242, %get3A_243] {strides = array<i32>} : memref<200x64xf32, #tpu.memory_space<vmem>>, vector<1x16xf32>,
        %get3A_245 = vector.shape_cast %get3A_244 : vector<1x16xf32> to vector<16xf32>
        %add3A_246 = arith.addf %mul3A_241, %get3A_245 : vector<16xf32>
        %swap3A_247 = arith.index_cast %add3A_190 : i32 to index
        %swap3A_248 = arith.constant 32 : index
        %swap3A_249 = tpu.vector_load %arg11[%swap3A_247, %swap3A_248] {strides = array<i32>} : memref<128x64xf32, #tpu.memory_space<vmem>>, vector<1x16xf32>,
        %swap3A_250 = vector.shape_cast %swap3A_249 : vector<1x16xf32> to vector<16xf32>
        %swap3A_251 = vector.shape_cast %add3A_246 : vector<16xf32> to vector<1x16xf32>
        tpu.vector_store %arg11[%swap3A_247, %swap3A_248], %swap3A_251 {strides = array<i32>} : memref<128x64xf32, #tpu.memory_space<vmem>>, vector<1x16xf32>,
        %add3A_252 = arith.constant 48 : i32
        %add3A_253 = arith.addi %squeeze3A_186, %add3A_252 : i32
        %get3A_254 = arith.index_cast %add3A_190 : i32 to index
        %get3A_255 = arith.index_cast %add3A_253 : i32 to index
        %get3A_256 = tpu.vector_load %arg9[%get3A_254, %get3A_255] {strides = array<i32>} : memref<128x128xf32, #tpu.memory_space<vmem>>, vector<1x16xf32>,
        %get3A_257 = vector.shape_cast %get3A_256 : vector<1x16xf32> to vector<16xf32>
        %mul3A_258 = arith.constant 8.000000e+00 : f32
        %mul3A_259 = vector.broadcast %mul3A_258 : f32 to vector<16xf32>
        %mul3A_260 = arith.mulf %get3A_257, %mul3A_259 : vector<16xf32>
        %get3A_261 = arith.index_cast %rem3A_194 : i32 to index
        %get3A_262 = arith.constant 48 : index
        %get3A_263 = tpu.vector_load %arg13[%get3A_261, %get3A_262] {strides = array<i32>} : memref<200x64xf32, #tpu.memory_space<vmem>>, vector<1x16xf32>,
        %get3A_264 = vector.shape_cast %get3A_263 : vector<1x16xf32> to vector<16xf32>
        %add3A_265 = arith.addf %mul3A_260, %get3A_264 : vector<16xf32>
        %swap3A_266 = arith.index_cast %add3A_190 : i32 to index
        %swap3A_267 = arith.constant 48 : index
        %swap3A_268 = tpu.vector_load %arg11[%swap3A_266, %swap3A_267] {strides = array<i32>} : memref<128x64xf32, #tpu.memory_space<vmem>>, vector<1x16xf32>,
        %swap3A_269 = vector.shape_cast %swap3A_268 : vector<1x16xf32> to vector<16xf32>
        %swap3A_270 = vector.shape_cast %add3A_265 : vector<16xf32> to vector<1x16xf32>
        tpu.vector_store %arg11[%swap3A_266, %swap3A_267], %swap3A_270 {strides = array<i32>} : memref<128x64xf32, #tpu.memory_space<vmem>>, vector<1x16xf32>,
        %slice3A_271 = vector.extract_strided_slice %get3A_102 {offsets = [2], sizes = [1], strides = [1]} : vector<16xi32> to vector<1xi32>
        %squeeze3A_272 = vector.extract %slice3A_271[0] : i32 from vector<1xi32>
        %mul3A_273 = arith.constant 16 : i32
        %mul3A_274 = arith.muli %scan3A_95, %mul3A_273 : i32
        %add3A_275 = arith.constant 2 : i32
        %add3A_276 = arith.addi %mul3A_274, %add3A_275 : i32
        %add3A_277 = arith.constant 2 : i32
        %add3A_278 = arith.addi %add3A_100, %add3A_277 : i32
        %rem3A_279 = arith.constant 200 : i32
        %rem3A_280 = arith.remsi %add3A_278, %rem3A_279 : i32
        %add3A_281 = arith.constant 0 : i32
        %add3A_282 = arith.addi %squeeze3A_272, %add3A_281 : i32
        %get3A_283 = arith.index_cast %add3A_276 : i32 to index
        %get3A_284 = arith.index_cast %add3A_282 : i32 to index
        %get3A_285 = tpu.vector_load %arg9[%get3A_283, %get3A_284] {strides = array<i32>} : memref<128x128xf32, #tpu.memory_space<vmem>>, vector<1x16xf32>,
        %get3A_286 = vector.shape_cast %get3A_285 : vector<1x16xf32> to vector<16xf32>
        %mul3A_287 = arith.constant 8.000000e+00 : f32
        %mul3A_288 = vector.broadcast %mul3A_287 : f32 to vector<16xf32>
        %mul3A_289 = arith.mulf %get3A_286, %mul3A_288 : vector<16xf32>
        %get3A_290 = arith.index_cast %rem3A_280 : i32 to index
        %get3A_291 = arith.constant 0 : index
        %get3A_292 = tpu.vector_load %arg13[%get3A_290, %get3A_291] {strides = array<i32>} : memref<200x64xf32, #tpu.memory_space<vmem>>, vector<1x16xf32>,
        %get3A_293 = vector.shape_cast %get3A_292 : vector<1x16xf32> to vector<16xf32>
        %add3A_294 = arith.addf %mul3A_289, %get3A_293 : vector<16xf32>
        %swap3A_295 = arith.index_cast %add3A_276 : i32 to index
        %swap3A_296 = arith.constant 0 : index
        %swap3A_297 = tpu.vector_load %arg11[%swap3A_295, %swap3A_296] {strides = array<i32>} : memref<128x64xf32, #tpu.memory_space<vmem>>, vector<1x16xf32>,
        %swap3A_298 = vector.shape_cast %swap3A_297 : vector<1x16xf32> to vector<16xf32>
        %swap3A_299 = vector.shape_cast %add3A_294 : vector<16xf32> to vector<1x16xf32>
        tpu.vector_store %arg11[%swap3A_295, %swap3A_296], %swap3A_299 {strides = array<i32>} : memref<128x64xf32, #tpu.memory_space<vmem>>, vector<1x16xf32>,
        %add3A_300 = arith.constant 16 : i32
        %add3A_301 = arith.addi %squeeze3A_272, %add3A_300 : i32
        %get3A_302 = arith.index_cast %add3A_276 : i32 to index
        %get3A_303 = arith.index_cast %add3A_301 : i32 to index
        %get3A_304 = tpu.vector_load %arg9[%get3A_302, %get3A_303] {strides = array<i32>} : memref<128x128xf32, #tpu.memory_space<vmem>>, vector<1x16xf32>,
        %get3A_305 = vector.shape_cast %get3A_304 : vector<1x16xf32> to vector<16xf32>
        %mul3A_306 = arith.constant 8.000000e+00 : f32
        %mul3A_307 = vector.broadcast %mul3A_306 : f32 to vector<16xf32>
        %mul3A_308 = arith.mulf %get3A_305, %mul3A_307 : vector<16xf32>
        %get3A_309 = arith.index_cast %rem3A_280 : i32 to index
        %get3A_310 = arith.constant 16 : index
        %get3A_311 = tpu.vector_load %arg13[%get3A_309, %get3A_310] {strides = array<i32>} : memref<200x64xf32, #tpu.memory_space<vmem>>, vector<1x16xf32>,
        %get3A_312 = vector.shape_cast %get3A_311 : vector<1x16xf32> to vector<16xf32>
        %add3A_313 = arith.addf %mul3A_308, %get3A_312 : vector<16xf32>
        %swap3A_314 = arith.index_cast %add3A_276 : i32 to index
        %swap3A_315 = arith.constant 16 : index
        %swap3A_316 = tpu.vector_load %arg11[%swap3A_314, %swap3A_315] {strides = array<i32>} : memref<128x64xf32, #tpu.memory_space<vmem>>, vector<1x16xf32>,
        %swap3A_317 = vector.shape_cast %swap3A_316 : vector<1x16xf32> to vector<16xf32>
        %swap3A_318 = vector.shape_cast %add3A_313 : vector<16xf32> to vector<1x16xf32>
        tpu.vector_store %arg11[%swap3A_314, %swap3A_315], %swap3A_318 {strides = array<i32>} : memref<128x64xf32, #tpu.memory_space<vmem>>, vector<1x16xf32>,
        %add3A_319 = arith.constant 32 : i32
        %add3A_320 = arith.addi %squeeze3A_272, %add3A_319 : i32
        %get3A_321 = arith.index_cast %add3A_276 : i32 to index
        %get3A_322 = arith.index_cast %add3A_320 : i32 to index
        %get3A_323 = tpu.vector_load %arg9[%get3A_321, %get3A_322] {strides = array<i32>} : memref<128x128xf32, #tpu.memory_space<vmem>>, vector<1x16xf32>,
        %get3A_324 = vector.shape_cast %get3A_323 : vector<1x16xf32> to vector<16xf32>
        %mul3A_325 = arith.constant 8.000000e+00 : f32
        %mul3A_326 = vector.broadcast %mul3A_325 : f32 to vector<16xf32>
        %mul3A_327 = arith.mulf %get3A_324, %mul3A_326 : vector<16xf32>
        %get3A_328 = arith.index_cast %rem3A_280 : i32 to index
        %get3A_329 = arith.constant 32 : index
        %get3A_330 = tpu.vector_load %arg13[%get3A_328, %get3A_329] {strides = array<i32>} : memref<200x64xf32, #tpu.memory_space<vmem>>, vector<1x16xf32>,
        %get3A_331 = vector.shape_cast %get3A_330 : vector<1x16xf32> to vector<16xf32>
        %add3A_332 = arith.addf %mul3A_327, %get3A_331 : vector<16xf32>
        %swap3A_333 = arith.index_cast %add3A_276 : i32 to index
        %swap3A_334 = arith.constant 32 : index
        %swap3A_335 = tpu.vector_load %arg11[%swap3A_333, %swap3A_334] {strides = array<i32>} : memref<128x64xf32, #tpu.memory_space<vmem>>, vector<1x16xf32>,
        %swap3A_336 = vector.shape_cast %swap3A_335 : vector<1x16xf32> to vector<16xf32>
        %swap3A_337 = vector.shape_cast %add3A_332 : vector<16xf32> to vector<1x16xf32>
        tpu.vector_store %arg11[%swap3A_333, %swap3A_334], %swap3A_337 {strides = array<i32>} : memref<128x64xf32, #tpu.memory_space<vmem>>, vector<1x16xf32>,
        %add3A_338 = arith.constant 48 : i32
        %add3A_339 = arith.addi %squeeze3A_272, %add3A_338 : i32
        %get3A_340 = arith.index_cast %add3A_276 : i32 to index
        %get3A_341 = arith.index_cast %add3A_339 : i32 to index
        %get3A_342 = tpu.vector_load %arg9[%get3A_340, %get3A_341] {strides = array<i32>} : memref<128x128xf32, #tpu.memory_space<vmem>>, vector<1x16xf32>,
        %get3A_343 = vector.shape_cast %get3A_342 : vector<1x16xf32> to vector<16xf32>
        %mul3A_344 = arith.constant 8.000000e+00 : f32
        %mul3A_345 = vector.broadcast %mul3A_344 : f32 to vector<16xf32>
        %mul3A_346 = arith.mulf %get3A_343, %mul3A_345 : vector<16xf32>
        %get3A_347 = arith.index_cast %rem3A_280 : i32 to index
        %get3A_348 = arith.constant 48 : index
        %get3A_349 = tpu.vector_load %arg13[%get3A_347, %get3A_348] {strides = array<i32>} : memref<200x64xf32, #tpu.memory_space<vmem>>, vector<1x16xf32>,
        %get3A_350 = vector.shape_cast %get3A_349 : vector<1x16xf32> to vector<16xf32>
        %add3A_351 = arith.addf %mul3A_346, %get3A_350 : vector<16xf32>
        %swap3A_352 = arith.index_cast %add3A_276 : i32 to index
        %swap3A_353 = arith.constant 48 : index
        %swap3A_354 = tpu.vector_load %arg11[%swap3A_352, %swap3A_353] {strides = array<i32>} : memref<128x64xf32, #tpu.memory_space<vmem>>, vector<1x16xf32>,
        %swap3A_355 = vector.shape_cast %swap3A_354 : vector<1x16xf32> to vector<16xf32>
        %swap3A_356 = vector.shape_cast %add3A_351 : vector<16xf32> to vector<1x16xf32>
        tpu.vector_store %arg11[%swap3A_352, %swap3A_353], %swap3A_356 {strides = array<i32>} : memref<128x64xf32, #tpu.memory_space<vmem>>, vector<1x16xf32>,
        %slice3A_357 = vector.extract_strided_slice %get3A_102 {offsets = [3], sizes = [1], strides = [1]} : vector<16xi32> to vector<1xi32>
        %squeeze3A_358 = vector.extract %slice3A_357[0] : i32 from vector<1xi32>
        %mul3A_359 = arith.constant 16 : i32
        %mul3A_360 = arith.muli %scan3A_95, %mul3A_359 : i32
        %add3A_361 = arith.constant 3 : i32
        %add3A_362 = arith.addi %mul3A_360, %add3A_361 : i32
        %add3A_363 = arith.constant 3 : i32
        %add3A_364 = arith.addi %add3A_100, %add3A_363 : i32
        %rem3A_365 = arith.constant 200 : i32
        %rem3A_366 = arith.remsi %add3A_364, %rem3A_365 : i32
        %add3A_367 = arith.constant 0 : i32
        %add3A_368 = arith.addi %squeeze3A_358, %add3A_367 : i32
        %get3A_369 = arith.index_cast %add3A_362 : i32 to index
        %get3A_370 = arith.index_cast %add3A_368 : i32 to index
        %get3A_371 = tpu.vector_load %arg9[%get3A_369, %get3A_370] {strides = array<i32>} : memref<128x128xf32, #tpu.memory_space<vmem>>, vector<1x16xf32>,
        %get3A_372 = vector.shape_cast %get3A_371 : vector<1x16xf32> to vector<16xf32>
        %mul3A_373 = arith.constant 8.000000e+00 : f32
        %mul3A_374 = vector.broadcast %mul3A_373 : f32 to vector<16xf32>
        %mul3A_375 = arith.mulf %get3A_372, %mul3A_374 : vector<16xf32>
        %get3A_376 = arith.index_cast %rem3A_366 : i32 to index
        %get3A_377 = arith.constant 0 : index
        %get3A_378 = tpu.vector_load %arg13[%get3A_376, %get3A_377] {strides = array<i32>} : memref<200x64xf32, #tpu.memory_space<vmem>>, vector<1x16xf32>,
        %get3A_379 = vector.shape_cast %get3A_378 : vector<1x16xf32> to vector<16xf32>
        %add3A_380 = arith.addf %mul3A_375, %get3A_379 : vector<16xf32>
        %swap3A_381 = arith.index_cast %add3A_362 : i32 to index
        %swap3A_382 = arith.constant 0 : index
        %swap3A_383 = tpu.vector_load %arg11[%swap3A_381, %swap3A_382] {strides = array<i32>} : memref<128x64xf32, #tpu.memory_space<vmem>>, vector<1x16xf32>,
        %swap3A_384 = vector.shape_cast %swap3A_383 : vector<1x16xf32> to vector<16xf32>
        %swap3A_385 = vector.shape_cast %add3A_380 : vector<16xf32> to vector<1x16xf32>
        tpu.vector_store %arg11[%swap3A_381, %swap3A_382], %swap3A_385 {strides = array<i32>} : memref<128x64xf32, #tpu.memory_space<vmem>>, vector<1x16xf32>,
        %add3A_386 = arith.constant 16 : i32
        %add3A_387 = arith.addi %squeeze3A_358, %add3A_386 : i32
        %get3A_388 = arith.index_cast %add3A_362 : i32 to index
        %get3A_389 = arith.index_cast %add3A_387 : i32 to index
        %get3A_390 = tpu.vector_load %arg9[%get3A_388, %get3A_389] {strides = array<i32>} : memref<128x128xf32, #tpu.memory_space<vmem>>, vector<1x16xf32>,
        %get3A_391 = vector.shape_cast %get3A_390 : vector<1x16xf32> to vector<16xf32>
        %mul3A_392 = arith.constant 8.000000e+00 : f32
        %mul3A_393 = vector.broadcast %mul3A_392 : f32 to vector<16xf32>
        %mul3A_394 = arith.mulf %get3A_391, %mul3A_393 : vector<16xf32>
        %get3A_395 = arith.index_cast %rem3A_366 : i32 to index
        %get3A_396 = arith.constant 16 : index
        %get3A_397 = tpu.vector_load %arg13[%get3A_395, %get3A_396] {strides = array<i32>} : memref<200x64xf32, #tpu.memory_space<vmem>>, vector<1x16xf32>,
        %get3A_398 = vector.shape_cast %get3A_397 : vector<1x16xf32> to vector<16xf32>
        %add3A_399 = arith.addf %mul3A_394, %get3A_398 : vector<16xf32>
        %swap3A_400 = arith.index_cast %add3A_362 : i32 to index
        %swap3A_401 = arith.constant 16 : index
        %swap3A_402 = tpu.vector_load %arg11[%swap3A_400, %swap3A_401] {strides = array<i32>} : memref<128x64xf32, #tpu.memory_space<vmem>>, vector<1x16xf32>,
        %swap3A_403 = vector.shape_cast %swap3A_402 : vector<1x16xf32> to vector<16xf32>
        %swap3A_404 = vector.shape_cast %add3A_399 : vector<16xf32> to vector<1x16xf32>
        tpu.vector_store %arg11[%swap3A_400, %swap3A_401], %swap3A_404 {strides = array<i32>} : memref<128x64xf32, #tpu.memory_space<vmem>>, vector<1x16xf32>,
        %add3A_405 = arith.constant 32 : i32
        %add3A_406 = arith.addi %squeeze3A_358, %add3A_405 : i32
        %get3A_407 = arith.index_cast %add3A_362 : i32 to index
        %get3A_408 = arith.index_cast %add3A_406 : i32 to index
        %get3A_409 = tpu.vector_load %arg9[%get3A_407, %get3A_408] {strides = array<i32>} : memref<128x128xf32, #tpu.memory_space<vmem>>, vector<1x16xf32>,
        %get3A_410 = vector.shape_cast %get3A_409 : vector<1x16xf32> to vector<16xf32>
        %mul3A_411 = arith.constant 8.000000e+00 : f32
        %mul3A_412 = vector.broadcast %mul3A_411 : f32 to vector<16xf32>
        %mul3A_413 = arith.mulf %get3A_410, %mul3A_412 : vector<16xf32>
        %get3A_414 = arith.index_cast %rem3A_366 : i32 to index
        %get3A_415 = arith.constant 32 : index
        %get3A_416 = tpu.vector_load %arg13[%get3A_414, %get3A_415] {strides = array<i32>} : memref<200x64xf32, #tpu.memory_space<vmem>>, vector<1x16xf32>,
        %get3A_417 = vector.shape_cast %get3A_416 : vector<1x16xf32> to vector<16xf32>
        %add3A_418 = arith.addf %mul3A_413, %get3A_417 : vector<16xf32>
        %swap3A_419 = arith.index_cast %add3A_362 : i32 to index
        %swap3A_420 = arith.constant 32 : index
        %swap3A_421 = tpu.vector_load %arg11[%swap3A_419, %swap3A_420] {strides = array<i32>} : memref<128x64xf32, #tpu.memory_space<vmem>>, vector<1x16xf32>,
        %swap3A_422 = vector.shape_cast %swap3A_421 : vector<1x16xf32> to vector<16xf32>
        %swap3A_423 = vector.shape_cast %add3A_418 : vector<16xf32> to vector<1x16xf32>
        tpu.vector_store %arg11[%swap3A_419, %swap3A_420], %swap3A_423 {strides = array<i32>} : memref<128x64xf32, #tpu.memory_space<vmem>>, vector<1x16xf32>,
        %add3A_424 = arith.constant 48 : i32
        %add3A_425 = arith.addi %squeeze3A_358, %add3A_424 : i32
        %get3A_426 = arith.index_cast %add3A_362 : i32 to index
        %get3A_427 = arith.index_cast %add3A_425 : i32 to index
        %get3A_428 = tpu.vector_load %arg9[%get3A_426, %get3A_427] {strides = array<i32>} : memref<128x128xf32, #tpu.memory_space<vmem>>, vector<1x16xf32>,
        %get3A_429 = vector.shape_cast %get3A_428 : vector<1x16xf32> to vector<16xf32>
        %mul3A_430 = arith.constant 8.000000e+00 : f32
        %mul3A_431 = vector.broadcast %mul3A_430 : f32 to vector<16xf32>
        %mul3A_432 = arith.mulf %get3A_429, %mul3A_431 : vector<16xf32>
        %get3A_433 = arith.index_cast %rem3A_366 : i32 to index
        %get3A_434 = arith.constant 48 : index
        %get3A_435 = tpu.vector_load %arg13[%get3A_433, %get3A_434] {strides = array<i32>} : memref<200x64xf32, #tpu.memory_space<vmem>>, vector<1x16xf32>,
        %get3A_436 = vector.shape_cast %get3A_435 : vector<1x16xf32> to vector<16xf32>
        %add3A_437 = arith.addf %mul3A_432, %get3A_436 : vector<16xf32>
        %swap3A_438 = arith.index_cast %add3A_362 : i32 to index
        %swap3A_439 = arith.constant 48 : index
        %swap3A_440 = tpu.vector_load %arg11[%swap3A_438, %swap3A_439] {strides = array<i32>} : memref<128x64xf32, #tpu.memory_space<vmem>>, vector<1x16xf32>,
        %swap3A_441 = vector.shape_cast %swap3A_440 : vector<1x16xf32> to vector<16xf32>
        %swap3A_442 = vector.shape_cast %add3A_437 : vector<16xf32> to vector<1x16xf32>
        tpu.vector_store %arg11[%swap3A_438, %swap3A_439], %swap3A_442 {strides = array<i32>} : memref<128x64xf32, #tpu.memory_space<vmem>>, vector<1x16xf32>,
        %slice3A_443 = vector.extract_strided_slice %get3A_102 {offsets = [4], sizes = [1], strides = [1]} : vector<16xi32> to vector<1xi32>
        %squeeze3A_444 = vector.extract %slice3A_443[0] : i32 from vector<1xi32>
        %mul3A_445 = arith.constant 16 : i32
        %mul3A_446 = arith.muli %scan3A_95, %mul3A_445 : i32
        %add3A_447 = arith.constant 4 : i32
        %add3A_448 = arith.addi %mul3A_446, %add3A_447 : i32
        %add3A_449 = arith.constant 4 : i32
        %add3A_450 = arith.addi %add3A_100, %add3A_449 : i32
        %rem3A_451 = arith.constant 200 : i32
        %rem3A_452 = arith.remsi %add3A_450, %rem3A_451 : i32
        %add3A_453 = arith.constant 0 : i32
        %add3A_454 = arith.addi %squeeze3A_444, %add3A_453 : i32
        %get3A_455 = arith.index_cast %add3A_448 : i32 to index
        %get3A_456 = arith.index_cast %add3A_454 : i32 to index
        %get3A_457 = tpu.vector_load %arg9[%get3A_455, %get3A_456] {strides = array<i32>} : memref<128x128xf32, #tpu.memory_space<vmem>>, vector<1x16xf32>,
        %get3A_458 = vector.shape_cast %get3A_457 : vector<1x16xf32> to vector<16xf32>
        %mul3A_459 = arith.constant 8.000000e+00 : f32
        %mul3A_460 = vector.broadcast %mul3A_459 : f32 to vector<16xf32>
        %mul3A_461 = arith.mulf %get3A_458, %mul3A_460 : vector<16xf32>
        %get3A_462 = arith.index_cast %rem3A_452 : i32 to index
        %get3A_463 = arith.constant 0 : index
        %get3A_464 = tpu.vector_load %arg13[%get3A_462, %get3A_463] {strides = array<i32>} : memref<200x64xf32, #tpu.memory_space<vmem>>, vector<1x16xf32>,
        %get3A_465 = vector.shape_cast %get3A_464 : vector<1x16xf32> to vector<16xf32>
        %add3A_466 = arith.addf %mul3A_461, %get3A_465 : vector<16xf32>
        %swap3A_467 = arith.index_cast %add3A_448 : i32 to index
        %swap3A_468 = arith.constant 0 : index
        %swap3A_469 = tpu.vector_load %arg11[%swap3A_467, %swap3A_468] {strides = array<i32>} : memref<128x64xf32, #tpu.memory_space<vmem>>, vector<1x16xf32>,
        %swap3A_470 = vector.shape_cast %swap3A_469 : vector<1x16xf32> to vector<16xf32>
        %swap3A_471 = vector.shape_cast %add3A_466 : vector<16xf32> to vector<1x16xf32>
        tpu.vector_store %arg11[%swap3A_467, %swap3A_468], %swap3A_471 {strides = array<i32>} : memref<128x64xf32, #tpu.memory_space<vmem>>, vector<1x16xf32>,
        %add3A_472 = arith.constant 16 : i32
        %add3A_473 = arith.addi %squeeze3A_444, %add3A_472 : i32
        %get3A_474 = arith.index_cast %add3A_448 : i32 to index
        %get3A_475 = arith.index_cast %add3A_473 : i32 to index
        %get3A_476 = tpu.vector_load %arg9[%get3A_474, %get3A_475] {strides = array<i32>} : memref<128x128xf32, #tpu.memory_space<vmem>>, vector<1x16xf32>,
        %get3A_477 = vector.shape_cast %get3A_476 : vector<1x16xf32> to vector<16xf32>
        %mul3A_478 = arith.constant 8.000000e+00 : f32
        %mul3A_479 = vector.broadcast %mul3A_478 : f32 to vector<16xf32>
        %mul3A_480 = arith.mulf %get3A_477, %mul3A_479 : vector<16xf32>
        %get3A_481 = arith.index_cast %rem3A_452 : i32 to index
        %get3A_482 = arith.constant 16 : index
        %get3A_483 = tpu.vector_load %arg13[%get3A_481, %get3A_482] {strides = array<i32>} : memref<200x64xf32, #tpu.memory_space<vmem>>, vector<1x16xf32>,
        %get3A_484 = vector.shape_cast %get3A_483 : vector<1x16xf32> to vector<16xf32>
        %add3A_485 = arith.addf %mul3A_480, %get3A_484 : vector<16xf32>
        %swap3A_486 = arith.index_cast %add3A_448 : i32 to index
        %swap3A_487 = arith.constant 16 : index
        %swap3A_488 = tpu.vector_load %arg11[%swap3A_486, %swap3A_487] {strides = array<i32>} : memref<128x64xf32, #tpu.memory_space<vmem>>, vector<1x16xf32>,
        %swap3A_489 = vector.shape_cast %swap3A_488 : vector<1x16xf32> to vector<16xf32>
        %swap3A_490 = vector.shape_cast %add3A_485 : vector<16xf32> to vector<1x16xf32>
        tpu.vector_store %arg11[%swap3A_486, %swap3A_487], %swap3A_490 {strides = array<i32>} : memref<128x64xf32, #tpu.memory_space<vmem>>, vector<1x16xf32>,
        %add3A_491 = arith.constant 32 : i32
        %add3A_492 = arith.addi %squeeze3A_444, %add3A_491 : i32
        %get3A_493 = arith.index_cast %add3A_448 : i32 to index
        %get3A_494 = arith.index_cast %add3A_492 : i32 to index
        %get3A_495 = tpu.vector_load %arg9[%get3A_493, %get3A_494] {strides = array<i32>} : memref<128x128xf32, #tpu.memory_space<vmem>>, vector<1x16xf32>,
        %get3A_496 = vector.shape_cast %get3A_495 : vector<1x16xf32> to vector<16xf32>
        %mul3A_497 = arith.constant 8.000000e+00 : f32
        %mul3A_498 = vector.broadcast %mul3A_497 : f32 to vector<16xf32>
        %mul3A_499 = arith.mulf %get3A_496, %mul3A_498 : vector<16xf32>
        %get3A_500 = arith.index_cast %rem3A_452 : i32 to index
        %get3A_501 = arith.constant 32 : index
        %get3A_502 = tpu.vector_load %arg13[%get3A_500, %get3A_501] {strides = array<i32>} : memref<200x64xf32, #tpu.memory_space<vmem>>, vector<1x16xf32>,
        %get3A_503 = vector.shape_cast %get3A_502 : vector<1x16xf32> to vector<16xf32>
        %add3A_504 = arith.addf %mul3A_499, %get3A_503 : vector<16xf32>
        %swap3A_505 = arith.index_cast %add3A_448 : i32 to index
        %swap3A_506 = arith.constant 32 : index
        %swap3A_507 = tpu.vector_load %arg11[%swap3A_505, %swap3A_506] {strides = array<i32>} : memref<128x64xf32, #tpu.memory_space<vmem>>, vector<1x16xf32>,
        %swap3A_508 = vector.shape_cast %swap3A_507 : vector<1x16xf32> to vector<16xf32>
        %swap3A_509 = vector.shape_cast %add3A_504 : vector<16xf32> to vector<1x16xf32>
        tpu.vector_store %arg11[%swap3A_505, %swap3A_506], %swap3A_509 {strides = array<i32>} : memref<128x64xf32, #tpu.memory_space<vmem>>, vector<1x16xf32>,
        %add3A_510 = arith.constant 48 : i32
        %add3A_511 = arith.addi %squeeze3A_444, %add3A_510 : i32
        %get3A_512 = arith.index_cast %add3A_448 : i32 to index
        %get3A_513 = arith.index_cast %add3A_511 : i32 to index
        %get3A_514 = tpu.vector_load %arg9[%get3A_512, %get3A_513] {strides = array<i32>} : memref<128x128xf32, #tpu.memory_space<vmem>>, vector<1x16xf32>,
        %get3A_515 = vector.shape_cast %get3A_514 : vector<1x16xf32> to vector<16xf32>
        %mul3A_516 = arith.constant 8.000000e+00 : f32
        %mul3A_517 = vector.broadcast %mul3A_516 : f32 to vector<16xf32>
        %mul3A_518 = arith.mulf %get3A_515, %mul3A_517 : vector<16xf32>
        %get3A_519 = arith.index_cast %rem3A_452 : i32 to index
        %get3A_520 = arith.constant 48 : index
        %get3A_521 = tpu.vector_load %arg13[%get3A_519, %get3A_520] {strides = array<i32>} : memref<200x64xf32, #tpu.memory_space<vmem>>, vector<1x16xf32>,
        %get3A_522 = vector.shape_cast %get3A_521 : vector<1x16xf32> to vector<16xf32>
        %add3A_523 = arith.addf %mul3A_518, %get3A_522 : vector<16xf32>
        %swap3A_524 = arith.index_cast %add3A_448 : i32 to index
        %swap3A_525 = arith.constant 48 : index
        %swap3A_526 = tpu.vector_load %arg11[%swap3A_524, %swap3A_525] {strides = array<i32>} : memref<128x64xf32, #tpu.memory_space<vmem>>, vector<1x16xf32>,
        %swap3A_527 = vector.shape_cast %swap3A_526 : vector<1x16xf32> to vector<16xf32>
        %swap3A_528 = vector.shape_cast %add3A_523 : vector<16xf32> to vector<1x16xf32>
        tpu.vector_store %arg11[%swap3A_524, %swap3A_525], %swap3A_528 {strides = array<i32>} : memref<128x64xf32, #tpu.memory_space<vmem>>, vector<1x16xf32>,
        %slice3A_529 = vector.extract_strided_slice %get3A_102 {offsets = [5], sizes = [1], strides = [1]} : vector<16xi32> to vector<1xi32>
        %squeeze3A_530 = vector.extract %slice3A_529[0] : i32 from vector<1xi32>
        %mul3A_531 = arith.constant 16 : i32
        %mul3A_532 = arith.muli %scan3A_95, %mul3A_531 : i32
        %add3A_533 = arith.constant 5 : i32
        %add3A_534 = arith.addi %mul3A_532, %add3A_533 : i32
        %add3A_535 = arith.constant 5 : i32
        %add3A_536 = arith.addi %add3A_100, %add3A_535 : i32
        %rem3A_537 = arith.constant 200 : i32
        %rem3A_538 = arith.remsi %add3A_536, %rem3A_537 : i32
        %add3A_539 = arith.constant 0 : i32
        %add3A_540 = arith.addi %squeeze3A_530, %add3A_539 : i32
        %get3A_541 = arith.index_cast %add3A_534 : i32 to index
        %get3A_542 = arith.index_cast %add3A_540 : i32 to index
        %get3A_543 = tpu.vector_load %arg9[%get3A_541, %get3A_542] {strides = array<i32>} : memref<128x128xf32, #tpu.memory_space<vmem>>, vector<1x16xf32>,
        %get3A_544 = vector.shape_cast %get3A_543 : vector<1x16xf32> to vector<16xf32>
        %mul3A_545 = arith.constant 8.000000e+00 : f32
        %mul3A_546 = vector.broadcast %mul3A_545 : f32 to vector<16xf32>
        %mul3A_547 = arith.mulf %get3A_544, %mul3A_546 : vector<16xf32>
        %get3A_548 = arith.index_cast %rem3A_538 : i32 to index
        %get3A_549 = arith.constant 0 : index
        %get3A_550 = tpu.vector_load %arg13[%get3A_548, %get3A_549] {strides = array<i32>} : memref<200x64xf32, #tpu.memory_space<vmem>>, vector<1x16xf32>,
        %get3A_551 = vector.shape_cast %get3A_550 : vector<1x16xf32> to vector<16xf32>
        %add3A_552 = arith.addf %mul3A_547, %get3A_551 : vector<16xf32>
        %swap3A_553 = arith.index_cast %add3A_534 : i32 to index
        %swap3A_554 = arith.constant 0 : index
        %swap3A_555 = tpu.vector_load %arg11[%swap3A_553, %swap3A_554] {strides = array<i32>} : memref<128x64xf32, #tpu.memory_space<vmem>>, vector<1x16xf32>,
        %swap3A_556 = vector.shape_cast %swap3A_555 : vector<1x16xf32> to vector<16xf32>
        %swap3A_557 = vector.shape_cast %add3A_552 : vector<16xf32> to vector<1x16xf32>
        tpu.vector_store %arg11[%swap3A_553, %swap3A_554], %swap3A_557 {strides = array<i32>} : memref<128x64xf32, #tpu.memory_space<vmem>>, vector<1x16xf32>,
        %add3A_558 = arith.constant 16 : i32
        %add3A_559 = arith.addi %squeeze3A_530, %add3A_558 : i32
        %get3A_560 = arith.index_cast %add3A_534 : i32 to index
        %get3A_561 = arith.index_cast %add3A_559 : i32 to index
        %get3A_562 = tpu.vector_load %arg9[%get3A_560, %get3A_561] {strides = array<i32>} : memref<128x128xf32, #tpu.memory_space<vmem>>, vector<1x16xf32>,
        %get3A_563 = vector.shape_cast %get3A_562 : vector<1x16xf32> to vector<16xf32>
        %mul3A_564 = arith.constant 8.000000e+00 : f32
        %mul3A_565 = vector.broadcast %mul3A_564 : f32 to vector<16xf32>
        %mul3A_566 = arith.mulf %get3A_563, %mul3A_565 : vector<16xf32>
        %get3A_567 = arith.index_cast %rem3A_538 : i32 to index
        %get3A_568 = arith.constant 16 : index
        %get3A_569 = tpu.vector_load %arg13[%get3A_567, %get3A_568] {strides = array<i32>} : memref<200x64xf32, #tpu.memory_space<vmem>>, vector<1x16xf32>,
        %get3A_570 = vector.shape_cast %get3A_569 : vector<1x16xf32> to vector<16xf32>
        %add3A_571 = arith.addf %mul3A_566, %get3A_570 : vector<16xf32>
        %swap3A_572 = arith.index_cast %add3A_534 : i32 to index
        %swap3A_573 = arith.constant 16 : index
        %swap3A_574 = tpu.vector_load %arg11[%swap3A_572, %swap3A_573] {strides = array<i32>} : memref<128x64xf32, #tpu.memory_space<vmem>>, vector<1x16xf32>,
        %swap3A_575 = vector.shape_cast %swap3A_574 : vector<1x16xf32> to vector<16xf32>
        %swap3A_576 = vector.shape_cast %add3A_571 : vector<16xf32> to vector<1x16xf32>
        tpu.vector_store %arg11[%swap3A_572, %swap3A_573], %swap3A_576 {strides = array<i32>} : memref<128x64xf32, #tpu.memory_space<vmem>>, vector<1x16xf32>,
        %add3A_577 = arith.constant 32 : i32
        %add3A_578 = arith.addi %squeeze3A_530, %add3A_577 : i32
        %get3A_579 = arith.index_cast %add3A_534 : i32 to index
        %get3A_580 = arith.index_cast %add3A_578 : i32 to index
        %get3A_581 = tpu.vector_load %arg9[%get3A_579, %get3A_580] {strides = array<i32>} : memref<128x128xf32, #tpu.memory_space<vmem>>, vector<1x16xf32>,
        %get3A_582 = vector.shape_cast %get3A_581 : vector<1x16xf32> to vector<16xf32>
        %mul3A_583 = arith.constant 8.000000e+00 : f32
        %mul3A_584 = vector.broadcast %mul3A_583 : f32 to vector<16xf32>
        %mul3A_585 = arith.mulf %get3A_582, %mul3A_584 : vector<16xf32>
        %get3A_586 = arith.index_cast %rem3A_538 : i32 to index
        %get3A_587 = arith.constant 32 : index
        %get3A_588 = tpu.vector_load %arg13[%get3A_586, %get3A_587] {strides = array<i32>} : memref<200x64xf32, #tpu.memory_space<vmem>>, vector<1x16xf32>,
        %get3A_589 = vector.shape_cast %get3A_588 : vector<1x16xf32> to vector<16xf32>
        %add3A_590 = arith.addf %mul3A_585, %get3A_589 : vector<16xf32>
        %swap3A_591 = arith.index_cast %add3A_534 : i32 to index
        %swap3A_592 = arith.constant 32 : index
        %swap3A_593 = tpu.vector_load %arg11[%swap3A_591, %swap3A_592] {strides = array<i32>} : memref<128x64xf32, #tpu.memory_space<vmem>>, vector<1x16xf32>,
        %swap3A_594 = vector.shape_cast %swap3A_593 : vector<1x16xf32> to vector<16xf32>
        %swap3A_595 = vector.shape_cast %add3A_590 : vector<16xf32> to vector<1x16xf32>
        tpu.vector_store %arg11[%swap3A_591, %swap3A_592], %swap3A_595 {strides = array<i32>} : memref<128x64xf32, #tpu.memory_space<vmem>>, vector<1x16xf32>,
        %add3A_596 = arith.constant 48 : i32
        %add3A_597 = arith.addi %squeeze3A_530, %add3A_596 : i32
        %get3A_598 = arith.index_cast %add3A_534 : i32 to index
        %get3A_599 = arith.index_cast %add3A_597 : i32 to index
        %get3A_600 = tpu.vector_load %arg9[%get3A_598, %get3A_599] {strides = array<i32>} : memref<128x128xf32, #tpu.memory_space<vmem>>, vector<1x16xf32>,
        %get3A_601 = vector.shape_cast %get3A_600 : vector<1x16xf32> to vector<16xf32>
        %mul3A_602 = arith.constant 8.000000e+00 : f32
        %mul3A_603 = vector.broadcast %mul3A_602 : f32 to vector<16xf32>
        %mul3A_604 = arith.mulf %get3A_601, %mul3A_603 : vector<16xf32>
        %get3A_605 = arith.index_cast %rem3A_538 : i32 to index
        %get3A_606 = arith.constant 48 : index
        %get3A_607 = tpu.vector_load %arg13[%get3A_605, %get3A_606] {strides = array<i32>} : memref<200x64xf32, #tpu.memory_space<vmem>>, vector<1x16xf32>,
        %get3A_608 = vector.shape_cast %get3A_607 : vector<1x16xf32> to vector<16xf32>
        %add3A_609 = arith.addf %mul3A_604, %get3A_608 : vector<16xf32>
        %swap3A_610 = arith.index_cast %add3A_534 : i32 to index
        %swap3A_611 = arith.constant 48 : index
        %swap3A_612 = tpu.vector_load %arg11[%swap3A_610, %swap3A_611] {strides = array<i32>} : memref<128x64xf32, #tpu.memory_space<vmem>>, vector<1x16xf32>,
        %swap3A_613 = vector.shape_cast %swap3A_612 : vector<1x16xf32> to vector<16xf32>
        %swap3A_614 = vector.shape_cast %add3A_609 : vector<16xf32> to vector<1x16xf32>
        tpu.vector_store %arg11[%swap3A_610, %swap3A_611], %swap3A_614 {strides = array<i32>} : memref<128x64xf32, #tpu.memory_space<vmem>>, vector<1x16xf32>,
        %slice3A_615 = vector.extract_strided_slice %get3A_102 {offsets = [6], sizes = [1], strides = [1]} : vector<16xi32> to vector<1xi32>
        %squeeze3A_616 = vector.extract %slice3A_615[0] : i32 from vector<1xi32>
        %mul3A_617 = arith.constant 16 : i32
        %mul3A_618 = arith.muli %scan3A_95, %mul3A_617 : i32
        %add3A_619 = arith.constant 6 : i32
        %add3A_620 = arith.addi %mul3A_618, %add3A_619 : i32
        %add3A_621 = arith.constant 6 : i32
        %add3A_622 = arith.addi %add3A_100, %add3A_621 : i32
        %rem3A_623 = arith.constant 200 : i32
        %rem3A_624 = arith.remsi %add3A_622, %rem3A_623 : i32
        %add3A_625 = arith.constant 0 : i32
        %add3A_626 = arith.addi %squeeze3A_616, %add3A_625 : i32
        %get3A_627 = arith.index_cast %add3A_620 : i32 to index
        %get3A_628 = arith.index_cast %add3A_626 : i32 to index
        %get3A_629 = tpu.vector_load %arg9[%get3A_627, %get3A_628] {strides = array<i32>} : memref<128x128xf32, #tpu.memory_space<vmem>>, vector<1x16xf32>,
        %get3A_630 = vector.shape_cast %get3A_629 : vector<1x16xf32> to vector<16xf32>
        %mul3A_631 = arith.constant 8.000000e+00 : f32
        %mul3A_632 = vector.broadcast %mul3A_631 : f32 to vector<16xf32>
        %mul3A_633 = arith.mulf %get3A_630, %mul3A_632 : vector<16xf32>
        %get3A_634 = arith.index_cast %rem3A_624 : i32 to index
        %get3A_635 = arith.constant 0 : index
        %get3A_636 = tpu.vector_load %arg13[%get3A_634, %get3A_635] {strides = array<i32>} : memref<200x64xf32, #tpu.memory_space<vmem>>, vector<1x16xf32>,
        %get3A_637 = vector.shape_cast %get3A_636 : vector<1x16xf32> to vector<16xf32>
        %add3A_638 = arith.addf %mul3A_633, %get3A_637 : vector<16xf32>
        %swap3A_639 = arith.index_cast %add3A_620 : i32 to index
        %swap3A_640 = arith.constant 0 : index
        %swap3A_641 = tpu.vector_load %arg11[%swap3A_639, %swap3A_640] {strides = array<i32>} : memref<128x64xf32, #tpu.memory_space<vmem>>, vector<1x16xf32>,
        %swap3A_642 = vector.shape_cast %swap3A_641 : vector<1x16xf32> to vector<16xf32>
        %swap3A_643 = vector.shape_cast %add3A_638 : vector<16xf32> to vector<1x16xf32>
        tpu.vector_store %arg11[%swap3A_639, %swap3A_640], %swap3A_643 {strides = array<i32>} : memref<128x64xf32, #tpu.memory_space<vmem>>, vector<1x16xf32>,
        %add3A_644 = arith.constant 16 : i32
        %add3A_645 = arith.addi %squeeze3A_616, %add3A_644 : i32
        %get3A_646 = arith.index_cast %add3A_620 : i32 to index
        %get3A_647 = arith.index_cast %add3A_645 : i32 to index
        %get3A_648 = tpu.vector_load %arg9[%get3A_646, %get3A_647] {strides = array<i32>} : memref<128x128xf32, #tpu.memory_space<vmem>>, vector<1x16xf32>,
        %get3A_649 = vector.shape_cast %get3A_648 : vector<1x16xf32> to vector<16xf32>
        %mul3A_650 = arith.constant 8.000000e+00 : f32
        %mul3A_651 = vector.broadcast %mul3A_650 : f32 to vector<16xf32>
        %mul3A_652 = arith.mulf %get3A_649, %mul3A_651 : vector<16xf32>
        %get3A_653 = arith.index_cast %rem3A_624 : i32 to index
        %get3A_654 = arith.constant 16 : index
        %get3A_655 = tpu.vector_load %arg13[%get3A_653, %get3A_654] {strides = array<i32>} : memref<200x64xf32, #tpu.memory_space<vmem>>, vector<1x16xf32>,
        %get3A_656 = vector.shape_cast %get3A_655 : vector<1x16xf32> to vector<16xf32>
        %add3A_657 = arith.addf %mul3A_652, %get3A_656 : vector<16xf32>
        %swap3A_658 = arith.index_cast %add3A_620 : i32 to index
        %swap3A_659 = arith.constant 16 : index
        %swap3A_660 = tpu.vector_load %arg11[%swap3A_658, %swap3A_659] {strides = array<i32>} : memref<128x64xf32, #tpu.memory_space<vmem>>, vector<1x16xf32>,
        %swap3A_661 = vector.shape_cast %swap3A_660 : vector<1x16xf32> to vector<16xf32>
        %swap3A_662 = vector.shape_cast %add3A_657 : vector<16xf32> to vector<1x16xf32>
        tpu.vector_store %arg11[%swap3A_658, %swap3A_659], %swap3A_662 {strides = array<i32>} : memref<128x64xf32, #tpu.memory_space<vmem>>, vector<1x16xf32>,
        %add3A_663 = arith.constant 32 : i32
        %add3A_664 = arith.addi %squeeze3A_616, %add3A_663 : i32
        %get3A_665 = arith.index_cast %add3A_620 : i32 to index
        %get3A_666 = arith.index_cast %add3A_664 : i32 to index
        %get3A_667 = tpu.vector_load %arg9[%get3A_665, %get3A_666] {strides = array<i32>} : memref<128x128xf32, #tpu.memory_space<vmem>>, vector<1x16xf32>,
        %get3A_668 = vector.shape_cast %get3A_667 : vector<1x16xf32> to vector<16xf32>
        %mul3A_669 = arith.constant 8.000000e+00 : f32
        %mul3A_670 = vector.broadcast %mul3A_669 : f32 to vector<16xf32>
        %mul3A_671 = arith.mulf %get3A_668, %mul3A_670 : vector<16xf32>
        %get3A_672 = arith.index_cast %rem3A_624 : i32 to index
        %get3A_673 = arith.constant 32 : index
        %get3A_674 = tpu.vector_load %arg13[%get3A_672, %get3A_673] {strides = array<i32>} : memref<200x64xf32, #tpu.memory_space<vmem>>, vector<1x16xf32>,
        %get3A_675 = vector.shape_cast %get3A_674 : vector<1x16xf32> to vector<16xf32>
        %add3A_676 = arith.addf %mul3A_671, %get3A_675 : vector<16xf32>
        %swap3A_677 = arith.index_cast %add3A_620 : i32 to index
        %swap3A_678 = arith.constant 32 : index
        %swap3A_679 = tpu.vector_load %arg11[%swap3A_677, %swap3A_678] {strides = array<i32>} : memref<128x64xf32, #tpu.memory_space<vmem>>, vector<1x16xf32>,
        %swap3A_680 = vector.shape_cast %swap3A_679 : vector<1x16xf32> to vector<16xf32>
        %swap3A_681 = vector.shape_cast %add3A_676 : vector<16xf32> to vector<1x16xf32>
        tpu.vector_store %arg11[%swap3A_677, %swap3A_678], %swap3A_681 {strides = array<i32>} : memref<128x64xf32, #tpu.memory_space<vmem>>, vector<1x16xf32>,
        %add3A_682 = arith.constant 48 : i32
        %add3A_683 = arith.addi %squeeze3A_616, %add3A_682 : i32
        %get3A_684 = arith.index_cast %add3A_620 : i32 to index
        %get3A_685 = arith.index_cast %add3A_683 : i32 to index
        %get3A_686 = tpu.vector_load %arg9[%get3A_684, %get3A_685] {strides = array<i32>} : memref<128x128xf32, #tpu.memory_space<vmem>>, vector<1x16xf32>,
        %get3A_687 = vector.shape_cast %get3A_686 : vector<1x16xf32> to vector<16xf32>
        %mul3A_688 = arith.constant 8.000000e+00 : f32
        %mul3A_689 = vector.broadcast %mul3A_688 : f32 to vector<16xf32>
        %mul3A_690 = arith.mulf %get3A_687, %mul3A_689 : vector<16xf32>
        %get3A_691 = arith.index_cast %rem3A_624 : i32 to index
        %get3A_692 = arith.constant 48 : index
        %get3A_693 = tpu.vector_load %arg13[%get3A_691, %get3A_692] {strides = array<i32>} : memref<200x64xf32, #tpu.memory_space<vmem>>, vector<1x16xf32>,
        %get3A_694 = vector.shape_cast %get3A_693 : vector<1x16xf32> to vector<16xf32>
        %add3A_695 = arith.addf %mul3A_690, %get3A_694 : vector<16xf32>
        %swap3A_696 = arith.index_cast %add3A_620 : i32 to index
        %swap3A_697 = arith.constant 48 : index
        %swap3A_698 = tpu.vector_load %arg11[%swap3A_696, %swap3A_697] {strides = array<i32>} : memref<128x64xf32, #tpu.memory_space<vmem>>, vector<1x16xf32>,
        %swap3A_699 = vector.shape_cast %swap3A_698 : vector<1x16xf32> to vector<16xf32>
        %swap3A_700 = vector.shape_cast %add3A_695 : vector<16xf32> to vector<1x16xf32>
        tpu.vector_store %arg11[%swap3A_696, %swap3A_697], %swap3A_700 {strides = array<i32>} : memref<128x64xf32, #tpu.memory_space<vmem>>, vector<1x16xf32>,
        %slice3A_701 = vector.extract_strided_slice %get3A_102 {offsets = [7], sizes = [1], strides = [1]} : vector<16xi32> to vector<1xi32>
        %squeeze3A_702 = vector.extract %slice3A_701[0] : i32 from vector<1xi32>
        %mul3A_703 = arith.constant 16 : i32
        %mul3A_704 = arith.muli %scan3A_95, %mul3A_703 : i32
        %add3A_705 = arith.constant 7 : i32
        %add3A_706 = arith.addi %mul3A_704, %add3A_705 : i32
        %add3A_707 = arith.constant 7 : i32
        %add3A_708 = arith.addi %add3A_100, %add3A_707 : i32
        %rem3A_709 = arith.constant 200 : i32
        %rem3A_710 = arith.remsi %add3A_708, %rem3A_709 : i32
        %add3A_711 = arith.constant 0 : i32
        %add3A_712 = arith.addi %squeeze3A_702, %add3A_711 : i32
        %get3A_713 = arith.index_cast %add3A_706 : i32 to index
        %get3A_714 = arith.index_cast %add3A_712 : i32 to index
        %get3A_715 = tpu.vector_load %arg9[%get3A_713, %get3A_714] {strides = array<i32>} : memref<128x128xf32, #tpu.memory_space<vmem>>, vector<1x16xf32>,
        %get3A_716 = vector.shape_cast %get3A_715 : vector<1x16xf32> to vector<16xf32>
        %mul3A_717 = arith.constant 8.000000e+00 : f32
        %mul3A_718 = vector.broadcast %mul3A_717 : f32 to vector<16xf32>
        %mul3A_719 = arith.mulf %get3A_716, %mul3A_718 : vector<16xf32>
        %get3A_720 = arith.index_cast %rem3A_710 : i32 to index
        %get3A_721 = arith.constant 0 : index
        %get3A_722 = tpu.vector_load %arg13[%get3A_720, %get3A_721] {strides = array<i32>} : memref<200x64xf32, #tpu.memory_space<vmem>>, vector<1x16xf32>,
        %get3A_723 = vector.shape_cast %get3A_722 : vector<1x16xf32> to vector<16xf32>
        %add3A_724 = arith.addf %mul3A_719, %get3A_723 : vector<16xf32>
        %swap3A_725 = arith.index_cast %add3A_706 : i32 to index
        %swap3A_726 = arith.constant 0 : index
        %swap3A_727 = tpu.vector_load %arg11[%swap3A_725, %swap3A_726] {strides = array<i32>} : memref<128x64xf32, #tpu.memory_space<vmem>>, vector<1x16xf32>,
        %swap3A_728 = vector.shape_cast %swap3A_727 : vector<1x16xf32> to vector<16xf32>
        %swap3A_729 = vector.shape_cast %add3A_724 : vector<16xf32> to vector<1x16xf32>
        tpu.vector_store %arg11[%swap3A_725, %swap3A_726], %swap3A_729 {strides = array<i32>} : memref<128x64xf32, #tpu.memory_space<vmem>>, vector<1x16xf32>,
        %add3A_730 = arith.constant 16 : i32
        %add3A_731 = arith.addi %squeeze3A_702, %add3A_730 : i32
        %get3A_732 = arith.index_cast %add3A_706 : i32 to index
        %get3A_733 = arith.index_cast %add3A_731 : i32 to index
        %get3A_734 = tpu.vector_load %arg9[%get3A_732, %get3A_733] {strides = array<i32>} : memref<128x128xf32, #tpu.memory_space<vmem>>, vector<1x16xf32>,
        %get3A_735 = vector.shape_cast %get3A_734 : vector<1x16xf32> to vector<16xf32>
        %mul3A_736 = arith.constant 8.000000e+00 : f32
        %mul3A_737 = vector.broadcast %mul3A_736 : f32 to vector<16xf32>
        %mul3A_738 = arith.mulf %get3A_735, %mul3A_737 : vector<16xf32>
        %get3A_739 = arith.index_cast %rem3A_710 : i32 to index
        %get3A_740 = arith.constant 16 : index
        %get3A_741 = tpu.vector_load %arg13[%get3A_739, %get3A_740] {strides = array<i32>} : memref<200x64xf32, #tpu.memory_space<vmem>>, vector<1x16xf32>,
        %get3A_742 = vector.shape_cast %get3A_741 : vector<1x16xf32> to vector<16xf32>
        %add3A_743 = arith.addf %mul3A_738, %get3A_742 : vector<16xf32>
        %swap3A_744 = arith.index_cast %add3A_706 : i32 to index
        %swap3A_745 = arith.constant 16 : index
        %swap3A_746 = tpu.vector_load %arg11[%swap3A_744, %swap3A_745] {strides = array<i32>} : memref<128x64xf32, #tpu.memory_space<vmem>>, vector<1x16xf32>,
        %swap3A_747 = vector.shape_cast %swap3A_746 : vector<1x16xf32> to vector<16xf32>
        %swap3A_748 = vector.shape_cast %add3A_743 : vector<16xf32> to vector<1x16xf32>
        tpu.vector_store %arg11[%swap3A_744, %swap3A_745], %swap3A_748 {strides = array<i32>} : memref<128x64xf32, #tpu.memory_space<vmem>>, vector<1x16xf32>,
        %add3A_749 = arith.constant 32 : i32
        %add3A_750 = arith.addi %squeeze3A_702, %add3A_749 : i32
        %get3A_751 = arith.index_cast %add3A_706 : i32 to index
        %get3A_752 = arith.index_cast %add3A_750 : i32 to index
        %get3A_753 = tpu.vector_load %arg9[%get3A_751, %get3A_752] {strides = array<i32>} : memref<128x128xf32, #tpu.memory_space<vmem>>, vector<1x16xf32>,
        %get3A_754 = vector.shape_cast %get3A_753 : vector<1x16xf32> to vector<16xf32>
        %mul3A_755 = arith.constant 8.000000e+00 : f32
        %mul3A_756 = vector.broadcast %mul3A_755 : f32 to vector<16xf32>
        %mul3A_757 = arith.mulf %get3A_754, %mul3A_756 : vector<16xf32>
        %get3A_758 = arith.index_cast %rem3A_710 : i32 to index
        %get3A_759 = arith.constant 32 : index
        %get3A_760 = tpu.vector_load %arg13[%get3A_758, %get3A_759] {strides = array<i32>} : memref<200x64xf32, #tpu.memory_space<vmem>>, vector<1x16xf32>,
        %get3A_761 = vector.shape_cast %get3A_760 : vector<1x16xf32> to vector<16xf32>
        %add3A_762 = arith.addf %mul3A_757, %get3A_761 : vector<16xf32>
        %swap3A_763 = arith.index_cast %add3A_706 : i32 to index
        %swap3A_764 = arith.constant 32 : index
        %swap3A_765 = tpu.vector_load %arg11[%swap3A_763, %swap3A_764] {strides = array<i32>} : memref<128x64xf32, #tpu.memory_space<vmem>>, vector<1x16xf32>,
        %swap3A_766 = vector.shape_cast %swap3A_765 : vector<1x16xf32> to vector<16xf32>
        %swap3A_767 = vector.shape_cast %add3A_762 : vector<16xf32> to vector<1x16xf32>
        tpu.vector_store %arg11[%swap3A_763, %swap3A_764], %swap3A_767 {strides = array<i32>} : memref<128x64xf32, #tpu.memory_space<vmem>>, vector<1x16xf32>,
        %add3A_768 = arith.constant 48 : i32
        %add3A_769 = arith.addi %squeeze3A_702, %add3A_768 : i32
        %get3A_770 = arith.index_cast %add3A_706 : i32 to index
        %get3A_771 = arith.index_cast %add3A_769 : i32 to index
        %get3A_772 = tpu.vector_load %arg9[%get3A_770, %get3A_771] {strides = array<i32>} : memref<128x128xf32, #tpu.memory_space<vmem>>, vector<1x16xf32>,
        %get3A_773 = vector.shape_cast %get3A_772 : vector<1x16xf32> to vector<16xf32>
        %mul3A_774 = arith.constant 8.000000e+00 : f32
        %mul3A_775 = vector.broadcast %mul3A_774 : f32 to vector<16xf32>
        %mul3A_776 = arith.mulf %get3A_773, %mul3A_775 : vector<16xf32>
        %get3A_777 = arith.index_cast %rem3A_710 : i32 to index
        %get3A_778 = arith.constant 48 : index
        %get3A_779 = tpu.vector_load %arg13[%get3A_777, %get3A_778] {strides = array<i32>} : memref<200x64xf32, #tpu.memory_space<vmem>>, vector<1x16xf32>,
        %get3A_780 = vector.shape_cast %get3A_779 : vector<1x16xf32> to vector<16xf32>
        %add3A_781 = arith.addf %mul3A_776, %get3A_780 : vector<16xf32>
        %swap3A_782 = arith.index_cast %add3A_706 : i32 to index
        %swap3A_783 = arith.constant 48 : index
        %swap3A_784 = tpu.vector_load %arg11[%swap3A_782, %swap3A_783] {strides = array<i32>} : memref<128x64xf32, #tpu.memory_space<vmem>>, vector<1x16xf32>,
        %swap3A_785 = vector.shape_cast %swap3A_784 : vector<1x16xf32> to vector<16xf32>
        %swap3A_786 = vector.shape_cast %add3A_781 : vector<16xf32> to vector<1x16xf32>
        tpu.vector_store %arg11[%swap3A_782, %swap3A_783], %swap3A_786 {strides = array<i32>} : memref<128x64xf32, #tpu.memory_space<vmem>>, vector<1x16xf32>,
        %slice3A_787 = vector.extract_strided_slice %get3A_102 {offsets = [8], sizes = [1], strides = [1]} : vector<16xi32> to vector<1xi32>
        %squeeze3A_788 = vector.extract %slice3A_787[0] : i32 from vector<1xi32>
        %mul3A_789 = arith.constant 16 : i32
        %mul3A_790 = arith.muli %scan3A_95, %mul3A_789 : i32
        %add3A_791 = arith.constant 8 : i32
        %add3A_792 = arith.addi %mul3A_790, %add3A_791 : i32
        %add3A_793 = arith.constant 8 : i32
        %add3A_794 = arith.addi %add3A_100, %add3A_793 : i32
        %rem3A_795 = arith.constant 200 : i32
        %rem3A_796 = arith.remsi %add3A_794, %rem3A_795 : i32
        %add3A_797 = arith.constant 0 : i32
        %add3A_798 = arith.addi %squeeze3A_788, %add3A_797 : i32
        %get3A_799 = arith.index_cast %add3A_792 : i32 to index
        %get3A_800 = arith.index_cast %add3A_798 : i32 to index
        %get3A_801 = tpu.vector_load %arg9[%get3A_799, %get3A_800] {strides = array<i32>} : memref<128x128xf32, #tpu.memory_space<vmem>>, vector<1x16xf32>,
        %get3A_802 = vector.shape_cast %get3A_801 : vector<1x16xf32> to vector<16xf32>
        %mul3A_803 = arith.constant 8.000000e+00 : f32
        %mul3A_804 = vector.broadcast %mul3A_803 : f32 to vector<16xf32>
        %mul3A_805 = arith.mulf %get3A_802, %mul3A_804 : vector<16xf32>
        %get3A_806 = arith.index_cast %rem3A_796 : i32 to index
        %get3A_807 = arith.constant 0 : index
        %get3A_808 = tpu.vector_load %arg13[%get3A_806, %get3A_807] {strides = array<i32>} : memref<200x64xf32, #tpu.memory_space<vmem>>, vector<1x16xf32>,
        %get3A_809 = vector.shape_cast %get3A_808 : vector<1x16xf32> to vector<16xf32>
        %add3A_810 = arith.addf %mul3A_805, %get3A_809 : vector<16xf32>
        %swap3A_811 = arith.index_cast %add3A_792 : i32 to index
        %swap3A_812 = arith.constant 0 : index
        %swap3A_813 = tpu.vector_load %arg11[%swap3A_811, %swap3A_812] {strides = array<i32>} : memref<128x64xf32, #tpu.memory_space<vmem>>, vector<1x16xf32>,
        %swap3A_814 = vector.shape_cast %swap3A_813 : vector<1x16xf32> to vector<16xf32>
        %swap3A_815 = vector.shape_cast %add3A_810 : vector<16xf32> to vector<1x16xf32>
        tpu.vector_store %arg11[%swap3A_811, %swap3A_812], %swap3A_815 {strides = array<i32>} : memref<128x64xf32, #tpu.memory_space<vmem>>, vector<1x16xf32>,
        %add3A_816 = arith.constant 16 : i32
        %add3A_817 = arith.addi %squeeze3A_788, %add3A_816 : i32
        %get3A_818 = arith.index_cast %add3A_792 : i32 to index
        %get3A_819 = arith.index_cast %add3A_817 : i32 to index
        %get3A_820 = tpu.vector_load %arg9[%get3A_818, %get3A_819] {strides = array<i32>} : memref<128x128xf32, #tpu.memory_space<vmem>>, vector<1x16xf32>,
        %get3A_821 = vector.shape_cast %get3A_820 : vector<1x16xf32> to vector<16xf32>
        %mul3A_822 = arith.constant 8.000000e+00 : f32
        %mul3A_823 = vector.broadcast %mul3A_822 : f32 to vector<16xf32>
        %mul3A_824 = arith.mulf %get3A_821, %mul3A_823 : vector<16xf32>
        %get3A_825 = arith.index_cast %rem3A_796 : i32 to index
        %get3A_826 = arith.constant 16 : index
        %get3A_827 = tpu.vector_load %arg13[%get3A_825, %get3A_826] {strides = array<i32>} : memref<200x64xf32, #tpu.memory_space<vmem>>, vector<1x16xf32>,
        %get3A_828 = vector.shape_cast %get3A_827 : vector<1x16xf32> to vector<16xf32>
        %add3A_829 = arith.addf %mul3A_824, %get3A_828 : vector<16xf32>
        %swap3A_830 = arith.index_cast %add3A_792 : i32 to index
        %swap3A_831 = arith.constant 16 : index
        %swap3A_832 = tpu.vector_load %arg11[%swap3A_830, %swap3A_831] {strides = array<i32>} : memref<128x64xf32, #tpu.memory_space<vmem>>, vector<1x16xf32>,
        %swap3A_833 = vector.shape_cast %swap3A_832 : vector<1x16xf32> to vector<16xf32>
        %swap3A_834 = vector.shape_cast %add3A_829 : vector<16xf32> to vector<1x16xf32>
        tpu.vector_store %arg11[%swap3A_830, %swap3A_831], %swap3A_834 {strides = array<i32>} : memref<128x64xf32, #tpu.memory_space<vmem>>, vector<1x16xf32>,
        %add3A_835 = arith.constant 32 : i32
        %add3A_836 = arith.addi %squeeze3A_788, %add3A_835 : i32
        %get3A_837 = arith.index_cast %add3A_792 : i32 to index
        %get3A_838 = arith.index_cast %add3A_836 : i32 to index
        %get3A_839 = tpu.vector_load %arg9[%get3A_837, %get3A_838] {strides = array<i32>} : memref<128x128xf32, #tpu.memory_space<vmem>>, vector<1x16xf32>,
        %get3A_840 = vector.shape_cast %get3A_839 : vector<1x16xf32> to vector<16xf32>
        %mul3A_841 = arith.constant 8.000000e+00 : f32
        %mul3A_842 = vector.broadcast %mul3A_841 : f32 to vector<16xf32>
        %mul3A_843 = arith.mulf %get3A_840, %mul3A_842 : vector<16xf32>
        %get3A_844 = arith.index_cast %rem3A_796 : i32 to index
        %get3A_845 = arith.constant 32 : index
        %get3A_846 = tpu.vector_load %arg13[%get3A_844, %get3A_845] {strides = array<i32>} : memref<200x64xf32, #tpu.memory_space<vmem>>, vector<1x16xf32>,
        %get3A_847 = vector.shape_cast %get3A_846 : vector<1x16xf32> to vector<16xf32>
        %add3A_848 = arith.addf %mul3A_843, %get3A_847 : vector<16xf32>
        %swap3A_849 = arith.index_cast %add3A_792 : i32 to index
        %swap3A_850 = arith.constant 32 : index
        %swap3A_851 = tpu.vector_load %arg11[%swap3A_849, %swap3A_850] {strides = array<i32>} : memref<128x64xf32, #tpu.memory_space<vmem>>, vector<1x16xf32>,
        %swap3A_852 = vector.shape_cast %swap3A_851 : vector<1x16xf32> to vector<16xf32>
        %swap3A_853 = vector.shape_cast %add3A_848 : vector<16xf32> to vector<1x16xf32>
        tpu.vector_store %arg11[%swap3A_849, %swap3A_850], %swap3A_853 {strides = array<i32>} : memref<128x64xf32, #tpu.memory_space<vmem>>, vector<1x16xf32>,
        %add3A_854 = arith.constant 48 : i32
        %add3A_855 = arith.addi %squeeze3A_788, %add3A_854 : i32
        %get3A_856 = arith.index_cast %add3A_792 : i32 to index
        %get3A_857 = arith.index_cast %add3A_855 : i32 to index
        %get3A_858 = tpu.vector_load %arg9[%get3A_856, %get3A_857] {strides = array<i32>} : memref<128x128xf32, #tpu.memory_space<vmem>>, vector<1x16xf32>,
        %get3A_859 = vector.shape_cast %get3A_858 : vector<1x16xf32> to vector<16xf32>
        %mul3A_860 = arith.constant 8.000000e+00 : f32
        %mul3A_861 = vector.broadcast %mul3A_860 : f32 to vector<16xf32>
        %mul3A_862 = arith.mulf %get3A_859, %mul3A_861 : vector<16xf32>
        %get3A_863 = arith.index_cast %rem3A_796 : i32 to index
        %get3A_864 = arith.constant 48 : index
        %get3A_865 = tpu.vector_load %arg13[%get3A_863, %get3A_864] {strides = array<i32>} : memref<200x64xf32, #tpu.memory_space<vmem>>, vector<1x16xf32>,
        %get3A_866 = vector.shape_cast %get3A_865 : vector<1x16xf32> to vector<16xf32>
        %add3A_867 = arith.addf %mul3A_862, %get3A_866 : vector<16xf32>
        %swap3A_868 = arith.index_cast %add3A_792 : i32 to index
        %swap3A_869 = arith.constant 48 : index
        %swap3A_870 = tpu.vector_load %arg11[%swap3A_868, %swap3A_869] {strides = array<i32>} : memref<128x64xf32, #tpu.memory_space<vmem>>, vector<1x16xf32>,
        %swap3A_871 = vector.shape_cast %swap3A_870 : vector<1x16xf32> to vector<16xf32>
        %swap3A_872 = vector.shape_cast %add3A_867 : vector<16xf32> to vector<1x16xf32>
        tpu.vector_store %arg11[%swap3A_868, %swap3A_869], %swap3A_872 {strides = array<i32>} : memref<128x64xf32, #tpu.memory_space<vmem>>, vector<1x16xf32>,
        %slice3A_873 = vector.extract_strided_slice %get3A_102 {offsets = [9], sizes = [1], strides = [1]} : vector<16xi32> to vector<1xi32>
        %squeeze3A_874 = vector.extract %slice3A_873[0] : i32 from vector<1xi32>
        %mul3A_875 = arith.constant 16 : i32
        %mul3A_876 = arith.muli %scan3A_95, %mul3A_875 : i32
        %add3A_877 = arith.constant 9 : i32
        %add3A_878 = arith.addi %mul3A_876, %add3A_877 : i32
        %add3A_879 = arith.constant 9 : i32
        %add3A_880 = arith.addi %add3A_100, %add3A_879 : i32
        %rem3A_881 = arith.constant 200 : i32
        %rem3A_882 = arith.remsi %add3A_880, %rem3A_881 : i32
        %add3A_883 = arith.constant 0 : i32
        %add3A_884 = arith.addi %squeeze3A_874, %add3A_883 : i32
        %get3A_885 = arith.index_cast %add3A_878 : i32 to index
        %get3A_886 = arith.index_cast %add3A_884 : i32 to index
        %get3A_887 = tpu.vector_load %arg9[%get3A_885, %get3A_886] {strides = array<i32>} : memref<128x128xf32, #tpu.memory_space<vmem>>, vector<1x16xf32>,
        %get3A_888 = vector.shape_cast %get3A_887 : vector<1x16xf32> to vector<16xf32>
        %mul3A_889 = arith.constant 8.000000e+00 : f32
        %mul3A_890 = vector.broadcast %mul3A_889 : f32 to vector<16xf32>
        %mul3A_891 = arith.mulf %get3A_888, %mul3A_890 : vector<16xf32>
        %get3A_892 = arith.index_cast %rem3A_882 : i32 to index
        %get3A_893 = arith.constant 0 : index
        %get3A_894 = tpu.vector_load %arg13[%get3A_892, %get3A_893] {strides = array<i32>} : memref<200x64xf32, #tpu.memory_space<vmem>>, vector<1x16xf32>,
        %get3A_895 = vector.shape_cast %get3A_894 : vector<1x16xf32> to vector<16xf32>
        %add3A_896 = arith.addf %mul3A_891, %get3A_895 : vector<16xf32>
        %swap3A_897 = arith.index_cast %add3A_878 : i32 to index
        %swap3A_898 = arith.constant 0 : index
        %swap3A_899 = tpu.vector_load %arg11[%swap3A_897, %swap3A_898] {strides = array<i32>} : memref<128x64xf32, #tpu.memory_space<vmem>>, vector<1x16xf32>,
        %swap3A_900 = vector.shape_cast %swap3A_899 : vector<1x16xf32> to vector<16xf32>
        %swap3A_901 = vector.shape_cast %add3A_896 : vector<16xf32> to vector<1x16xf32>
        tpu.vector_store %arg11[%swap3A_897, %swap3A_898], %swap3A_901 {strides = array<i32>} : memref<128x64xf32, #tpu.memory_space<vmem>>, vector<1x16xf32>,
        %add3A_902 = arith.constant 16 : i32
        %add3A_903 = arith.addi %squeeze3A_874, %add3A_902 : i32
        %get3A_904 = arith.index_cast %add3A_878 : i32 to index
        %get3A_905 = arith.index_cast %add3A_903 : i32 to index
        %get3A_906 = tpu.vector_load %arg9[%get3A_904, %get3A_905] {strides = array<i32>} : memref<128x128xf32, #tpu.memory_space<vmem>>, vector<1x16xf32>,
        %get3A_907 = vector.shape_cast %get3A_906 : vector<1x16xf32> to vector<16xf32>
        %mul3A_908 = arith.constant 8.000000e+00 : f32
        %mul3A_909 = vector.broadcast %mul3A_908 : f32 to vector<16xf32>
        %mul3A_910 = arith.mulf %get3A_907, %mul3A_909 : vector<16xf32>
        %get3A_911 = arith.index_cast %rem3A_882 : i32 to index
        %get3A_912 = arith.constant 16 : index
        %get3A_913 = tpu.vector_load %arg13[%get3A_911, %get3A_912] {strides = array<i32>} : memref<200x64xf32, #tpu.memory_space<vmem>>, vector<1x16xf32>,
        %get3A_914 = vector.shape_cast %get3A_913 : vector<1x16xf32> to vector<16xf32>
        %add3A_915 = arith.addf %mul3A_910, %get3A_914 : vector<16xf32>
        %swap3A_916 = arith.index_cast %add3A_878 : i32 to index
        %swap3A_917 = arith.constant 16 : index
        %swap3A_918 = tpu.vector_load %arg11[%swap3A_916, %swap3A_917] {strides = array<i32>} : memref<128x64xf32, #tpu.memory_space<vmem>>, vector<1x16xf32>,
        %swap3A_919 = vector.shape_cast %swap3A_918 : vector<1x16xf32> to vector<16xf32>
        %swap3A_920 = vector.shape_cast %add3A_915 : vector<16xf32> to vector<1x16xf32>
        tpu.vector_store %arg11[%swap3A_916, %swap3A_917], %swap3A_920 {strides = array<i32>} : memref<128x64xf32, #tpu.memory_space<vmem>>, vector<1x16xf32>,
        %add3A_921 = arith.constant 32 : i32
        %add3A_922 = arith.addi %squeeze3A_874, %add3A_921 : i32
        %get3A_923 = arith.index_cast %add3A_878 : i32 to index
        %get3A_924 = arith.index_cast %add3A_922 : i32 to index
        %get3A_925 = tpu.vector_load %arg9[%get3A_923, %get3A_924] {strides = array<i32>} : memref<128x128xf32, #tpu.memory_space<vmem>>, vector<1x16xf32>,
        %get3A_926 = vector.shape_cast %get3A_925 : vector<1x16xf32> to vector<16xf32>
        %mul3A_927 = arith.constant 8.000000e+00 : f32
        %mul3A_928 = vector.broadcast %mul3A_927 : f32 to vector<16xf32>
        %mul3A_929 = arith.mulf %get3A_926, %mul3A_928 : vector<16xf32>
        %get3A_930 = arith.index_cast %rem3A_882 : i32 to index
        %get3A_931 = arith.constant 32 : index
        %get3A_932 = tpu.vector_load %arg13[%get3A_930, %get3A_931] {strides = array<i32>} : memref<200x64xf32, #tpu.memory_space<vmem>>, vector<1x16xf32>,
        %get3A_933 = vector.shape_cast %get3A_932 : vector<1x16xf32> to vector<16xf32>
        %add3A_934 = arith.addf %mul3A_929, %get3A_933 : vector<16xf32>
        %swap3A_935 = arith.index_cast %add3A_878 : i32 to index
        %swap3A_936 = arith.constant 32 : index
        %swap3A_937 = tpu.vector_load %arg11[%swap3A_935, %swap3A_936] {strides = array<i32>} : memref<128x64xf32, #tpu.memory_space<vmem>>, vector<1x16xf32>,
        %swap3A_938 = vector.shape_cast %swap3A_937 : vector<1x16xf32> to vector<16xf32>
        %swap3A_939 = vector.shape_cast %add3A_934 : vector<16xf32> to vector<1x16xf32>
        tpu.vector_store %arg11[%swap3A_935, %swap3A_936], %swap3A_939 {strides = array<i32>} : memref<128x64xf32, #tpu.memory_space<vmem>>, vector<1x16xf32>,
        %add3A_940 = arith.constant 48 : i32
        %add3A_941 = arith.addi %squeeze3A_874, %add3A_940 : i32
        %get3A_942 = arith.index_cast %add3A_878 : i32 to index
        %get3A_943 = arith.index_cast %add3A_941 : i32 to index
        %get3A_944 = tpu.vector_load %arg9[%get3A_942, %get3A_943] {strides = array<i32>} : memref<128x128xf32, #tpu.memory_space<vmem>>, vector<1x16xf32>,
        %get3A_945 = vector.shape_cast %get3A_944 : vector<1x16xf32> to vector<16xf32>
        %mul3A_946 = arith.constant 8.000000e+00 : f32
        %mul3A_947 = vector.broadcast %mul3A_946 : f32 to vector<16xf32>
        %mul3A_948 = arith.mulf %get3A_945, %mul3A_947 : vector<16xf32>
        %get3A_949 = arith.index_cast %rem3A_882 : i32 to index
        %get3A_950 = arith.constant 48 : index
        %get3A_951 = tpu.vector_load %arg13[%get3A_949, %get3A_950] {strides = array<i32>} : memref<200x64xf32, #tpu.memory_space<vmem>>, vector<1x16xf32>,
        %get3A_952 = vector.shape_cast %get3A_951 : vector<1x16xf32> to vector<16xf32>
        %add3A_953 = arith.addf %mul3A_948, %get3A_952 : vector<16xf32>
        %swap3A_954 = arith.index_cast %add3A_878 : i32 to index
        %swap3A_955 = arith.constant 48 : index
        %swap3A_956 = tpu.vector_load %arg11[%swap3A_954, %swap3A_955] {strides = array<i32>} : memref<128x64xf32, #tpu.memory_space<vmem>>, vector<1x16xf32>,
        %swap3A_957 = vector.shape_cast %swap3A_956 : vector<1x16xf32> to vector<16xf32>
        %swap3A_958 = vector.shape_cast %add3A_953 : vector<16xf32> to vector<1x16xf32>
        tpu.vector_store %arg11[%swap3A_954, %swap3A_955], %swap3A_958 {strides = array<i32>} : memref<128x64xf32, #tpu.memory_space<vmem>>, vector<1x16xf32>,
        %slice3A_959 = vector.extract_strided_slice %get3A_102 {offsets = [10], sizes = [1], strides = [1]} : vector<16xi32> to vector<1xi32>
        %squeeze3A_960 = vector.extract %slice3A_959[0] : i32 from vector<1xi32>
        %mul3A_961 = arith.constant 16 : i32
        %mul3A_962 = arith.muli %scan3A_95, %mul3A_961 : i32
        %add3A_963 = arith.constant 10 : i32
        %add3A_964 = arith.addi %mul3A_962, %add3A_963 : i32
        %add3A_965 = arith.constant 10 : i32
        %add3A_966 = arith.addi %add3A_100, %add3A_965 : i32
        %rem3A_967 = arith.constant 200 : i32
        %rem3A_968 = arith.remsi %add3A_966, %rem3A_967 : i32
        %add3A_969 = arith.constant 0 : i32
        %add3A_970 = arith.addi %squeeze3A_960, %add3A_969 : i32
        %get3A_971 = arith.index_cast %add3A_964 : i32 to index
        %get3A_972 = arith.index_cast %add3A_970 : i32 to index
        %get3A_973 = tpu.vector_load %arg9[%get3A_971, %get3A_972] {strides = array<i32>} : memref<128x128xf32, #tpu.memory_space<vmem>>, vector<1x16xf32>,
        %get3A_974 = vector.shape_cast %get3A_973 : vector<1x16xf32> to vector<16xf32>
        %mul3A_975 = arith.constant 8.000000e+00 : f32
        %mul3A_976 = vector.broadcast %mul3A_975 : f32 to vector<16xf32>
        %mul3A_977 = arith.mulf %get3A_974, %mul3A_976 : vector<16xf32>
        %get3A_978 = arith.index_cast %rem3A_968 : i32 to index
        %get3A_979 = arith.constant 0 : index
        %get3A_980 = tpu.vector_load %arg13[%get3A_978, %get3A_979] {strides = array<i32>} : memref<200x64xf32, #tpu.memory_space<vmem>>, vector<1x16xf32>,
        %get3A_981 = vector.shape_cast %get3A_980 : vector<1x16xf32> to vector<16xf32>
        %add3A_982 = arith.addf %mul3A_977, %get3A_981 : vector<16xf32>
        %swap3A_983 = arith.index_cast %add3A_964 : i32 to index
        %swap3A_984 = arith.constant 0 : index
        %swap3A_985 = tpu.vector_load %arg11[%swap3A_983, %swap3A_984] {strides = array<i32>} : memref<128x64xf32, #tpu.memory_space<vmem>>, vector<1x16xf32>,
        %swap3A_986 = vector.shape_cast %swap3A_985 : vector<1x16xf32> to vector<16xf32>
        %swap3A_987 = vector.shape_cast %add3A_982 : vector<16xf32> to vector<1x16xf32>
        tpu.vector_store %arg11[%swap3A_983, %swap3A_984], %swap3A_987 {strides = array<i32>} : memref<128x64xf32, #tpu.memory_space<vmem>>, vector<1x16xf32>,
        %add3A_988 = arith.constant 16 : i32
        %add3A_989 = arith.addi %squeeze3A_960, %add3A_988 : i32
        %get3A_990 = arith.index_cast %add3A_964 : i32 to index
        %get3A_991 = arith.index_cast %add3A_989 : i32 to index
        %get3A_992 = tpu.vector_load %arg9[%get3A_990, %get3A_991] {strides = array<i32>} : memref<128x128xf32, #tpu.memory_space<vmem>>, vector<1x16xf32>,
        %get3A_993 = vector.shape_cast %get3A_992 : vector<1x16xf32> to vector<16xf32>
        %mul3A_994 = arith.constant 8.000000e+00 : f32
        %mul3A_995 = vector.broadcast %mul3A_994 : f32 to vector<16xf32>
        %mul3A_996 = arith.mulf %get3A_993, %mul3A_995 : vector<16xf32>
        %get3A_997 = arith.index_cast %rem3A_968 : i32 to index
        %get3A_998 = arith.constant 16 : index
        %get3A_999 = tpu.vector_load %arg13[%get3A_997, %get3A_998] {strides = array<i32>} : memref<200x64xf32, #tpu.memory_space<vmem>>, vector<1x16xf32>,
        %get3A_1000 = vector.shape_cast %get3A_999 : vector<1x16xf32> to vector<16xf32>
        %add3A_1001 = arith.addf %mul3A_996, %get3A_1000 : vector<16xf32>
        %swap3A_1002 = arith.index_cast %add3A_964 : i32 to index
        %swap3A_1003 = arith.constant 16 : index
        %swap3A_1004 = tpu.vector_load %arg11[%swap3A_1002, %swap3A_1003] {strides = array<i32>} : memref<128x64xf32, #tpu.memory_space<vmem>>, vector<1x16xf32>,
        %swap3A_1005 = vector.shape_cast %swap3A_1004 : vector<1x16xf32> to vector<16xf32>
        %swap3A_1006 = vector.shape_cast %add3A_1001 : vector<16xf32> to vector<1x16xf32>
        tpu.vector_store %arg11[%swap3A_1002, %swap3A_1003], %swap3A_1006 {strides = array<i32>} : memref<128x64xf32, #tpu.memory_space<vmem>>, vector<1x16xf32>,
        %add3A_1007 = arith.constant 32 : i32
        %add3A_1008 = arith.addi %squeeze3A_960, %add3A_1007 : i32
        %get3A_1009 = arith.index_cast %add3A_964 : i32 to index
        %get3A_1010 = arith.index_cast %add3A_1008 : i32 to index
        %get3A_1011 = tpu.vector_load %arg9[%get3A_1009, %get3A_1010] {strides = array<i32>} : memref<128x128xf32, #tpu.memory_space<vmem>>, vector<1x16xf32>,
        %get3A_1012 = vector.shape_cast %get3A_1011 : vector<1x16xf32> to vector<16xf32>
        %mul3A_1013 = arith.constant 8.000000e+00 : f32
        %mul3A_1014 = vector.broadcast %mul3A_1013 : f32 to vector<16xf32>
        %mul3A_1015 = arith.mulf %get3A_1012, %mul3A_1014 : vector<16xf32>
        %get3A_1016 = arith.index_cast %rem3A_968 : i32 to index
        %get3A_1017 = arith.constant 32 : index
        %get3A_1018 = tpu.vector_load %arg13[%get3A_1016, %get3A_1017] {strides = array<i32>} : memref<200x64xf32, #tpu.memory_space<vmem>>, vector<1x16xf32>,
        %get3A_1019 = vector.shape_cast %get3A_1018 : vector<1x16xf32> to vector<16xf32>
        %add3A_1020 = arith.addf %mul3A_1015, %get3A_1019 : vector<16xf32>
        %swap3A_1021 = arith.index_cast %add3A_964 : i32 to index
        %swap3A_1022 = arith.constant 32 : index
        %swap3A_1023 = tpu.vector_load %arg11[%swap3A_1021, %swap3A_1022] {strides = array<i32>} : memref<128x64xf32, #tpu.memory_space<vmem>>, vector<1x16xf32>,
        %swap3A_1024 = vector.shape_cast %swap3A_1023 : vector<1x16xf32> to vector<16xf32>
        %swap3A_1025 = vector.shape_cast %add3A_1020 : vector<16xf32> to vector<1x16xf32>
        tpu.vector_store %arg11[%swap3A_1021, %swap3A_1022], %swap3A_1025 {strides = array<i32>} : memref<128x64xf32, #tpu.memory_space<vmem>>, vector<1x16xf32>,
        %add3A_1026 = arith.constant 48 : i32
        %add3A_1027 = arith.addi %squeeze3A_960, %add3A_1026 : i32
        %get3A_1028 = arith.index_cast %add3A_964 : i32 to index
        %get3A_1029 = arith.index_cast %add3A_1027 : i32 to index
        %get3A_1030 = tpu.vector_load %arg9[%get3A_1028, %get3A_1029] {strides = array<i32>} : memref<128x128xf32, #tpu.memory_space<vmem>>, vector<1x16xf32>,
        %get3A_1031 = vector.shape_cast %get3A_1030 : vector<1x16xf32> to vector<16xf32>
        %mul3A_1032 = arith.constant 8.000000e+00 : f32
        %mul3A_1033 = vector.broadcast %mul3A_1032 : f32 to vector<16xf32>
        %mul3A_1034 = arith.mulf %get3A_1031, %mul3A_1033 : vector<16xf32>
        %get3A_1035 = arith.index_cast %rem3A_968 : i32 to index
        %get3A_1036 = arith.constant 48 : index
        %get3A_1037 = tpu.vector_load %arg13[%get3A_1035, %get3A_1036] {strides = array<i32>} : memref<200x64xf32, #tpu.memory_space<vmem>>, vector<1x16xf32>,
        %get3A_1038 = vector.shape_cast %get3A_1037 : vector<1x16xf32> to vector<16xf32>
        %add3A_1039 = arith.addf %mul3A_1034, %get3A_1038 : vector<16xf32>
        %swap3A_1040 = arith.index_cast %add3A_964 : i32 to index
        %swap3A_1041 = arith.constant 48 : index
        %swap3A_1042 = tpu.vector_load %arg11[%swap3A_1040, %swap3A_1041] {strides = array<i32>} : memref<128x64xf32, #tpu.memory_space<vmem>>, vector<1x16xf32>,
        %swap3A_1043 = vector.shape_cast %swap3A_1042 : vector<1x16xf32> to vector<16xf32>
        %swap3A_1044 = vector.shape_cast %add3A_1039 : vector<16xf32> to vector<1x16xf32>
        tpu.vector_store %arg11[%swap3A_1040, %swap3A_1041], %swap3A_1044 {strides = array<i32>} : memref<128x64xf32, #tpu.memory_space<vmem>>, vector<1x16xf32>,
        %slice3A_1045 = vector.extract_strided_slice %get3A_102 {offsets = [11], sizes = [1], strides = [1]} : vector<16xi32> to vector<1xi32>
        %squeeze3A_1046 = vector.extract %slice3A_1045[0] : i32 from vector<1xi32>
        %mul3A_1047 = arith.constant 16 : i32
        %mul3A_1048 = arith.muli %scan3A_95, %mul3A_1047 : i32
        %add3A_1049 = arith.constant 11 : i32
        %add3A_1050 = arith.addi %mul3A_1048, %add3A_1049 : i32
        %add3A_1051 = arith.constant 11 : i32
        %add3A_1052 = arith.addi %add3A_100, %add3A_1051 : i32
        %rem3A_1053 = arith.constant 200 : i32
        %rem3A_1054 = arith.remsi %add3A_1052, %rem3A_1053 : i32
        %add3A_1055 = arith.constant 0 : i32
        %add3A_1056 = arith.addi %squeeze3A_1046, %add3A_1055 : i32
        %get3A_1057 = arith.index_cast %add3A_1050 : i32 to index
        %get3A_1058 = arith.index_cast %add3A_1056 : i32 to index
        %get3A_1059 = tpu.vector_load %arg9[%get3A_1057, %get3A_1058] {strides = array<i32>} : memref<128x128xf32, #tpu.memory_space<vmem>>, vector<1x16xf32>,
        %get3A_1060 = vector.shape_cast %get3A_1059 : vector<1x16xf32> to vector<16xf32>
        %mul3A_1061 = arith.constant 8.000000e+00 : f32
        %mul3A_1062 = vector.broadcast %mul3A_1061 : f32 to vector<16xf32>
        %mul3A_1063 = arith.mulf %get3A_1060, %mul3A_1062 : vector<16xf32>
        %get3A_1064 = arith.index_cast %rem3A_1054 : i32 to index
        %get3A_1065 = arith.constant 0 : index
        %get3A_1066 = tpu.vector_load %arg13[%get3A_1064, %get3A_1065] {strides = array<i32>} : memref<200x64xf32, #tpu.memory_space<vmem>>, vector<1x16xf32>,
        %get3A_1067 = vector.shape_cast %get3A_1066 : vector<1x16xf32> to vector<16xf32>
        %add3A_1068 = arith.addf %mul3A_1063, %get3A_1067 : vector<16xf32>
        %swap3A_1069 = arith.index_cast %add3A_1050 : i32 to index
        %swap3A_1070 = arith.constant 0 : index
        %swap3A_1071 = tpu.vector_load %arg11[%swap3A_1069, %swap3A_1070] {strides = array<i32>} : memref<128x64xf32, #tpu.memory_space<vmem>>, vector<1x16xf32>,
        %swap3A_1072 = vector.shape_cast %swap3A_1071 : vector<1x16xf32> to vector<16xf32>
        %swap3A_1073 = vector.shape_cast %add3A_1068 : vector<16xf32> to vector<1x16xf32>
        tpu.vector_store %arg11[%swap3A_1069, %swap3A_1070], %swap3A_1073 {strides = array<i32>} : memref<128x64xf32, #tpu.memory_space<vmem>>, vector<1x16xf32>,
        %add3A_1074 = arith.constant 16 : i32
        %add3A_1075 = arith.addi %squeeze3A_1046, %add3A_1074 : i32
        %get3A_1076 = arith.index_cast %add3A_1050 : i32 to index
        %get3A_1077 = arith.index_cast %add3A_1075 : i32 to index
        %get3A_1078 = tpu.vector_load %arg9[%get3A_1076, %get3A_1077] {strides = array<i32>} : memref<128x128xf32, #tpu.memory_space<vmem>>, vector<1x16xf32>,
        %get3A_1079 = vector.shape_cast %get3A_1078 : vector<1x16xf32> to vector<16xf32>
        %mul3A_1080 = arith.constant 8.000000e+00 : f32
        %mul3A_1081 = vector.broadcast %mul3A_1080 : f32 to vector<16xf32>
        %mul3A_1082 = arith.mulf %get3A_1079, %mul3A_1081 : vector<16xf32>
        %get3A_1083 = arith.index_cast %rem3A_1054 : i32 to index
        %get3A_1084 = arith.constant 16 : index
        %get3A_1085 = tpu.vector_load %arg13[%get3A_1083, %get3A_1084] {strides = array<i32>} : memref<200x64xf32, #tpu.memory_space<vmem>>, vector<1x16xf32>,
        %get3A_1086 = vector.shape_cast %get3A_1085 : vector<1x16xf32> to vector<16xf32>
        %add3A_1087 = arith.addf %mul3A_1082, %get3A_1086 : vector<16xf32>
        %swap3A_1088 = arith.index_cast %add3A_1050 : i32 to index
        %swap3A_1089 = arith.constant 16 : index
        %swap3A_1090 = tpu.vector_load %arg11[%swap3A_1088, %swap3A_1089] {strides = array<i32>} : memref<128x64xf32, #tpu.memory_space<vmem>>, vector<1x16xf32>,
        %swap3A_1091 = vector.shape_cast %swap3A_1090 : vector<1x16xf32> to vector<16xf32>
        %swap3A_1092 = vector.shape_cast %add3A_1087 : vector<16xf32> to vector<1x16xf32>
        tpu.vector_store %arg11[%swap3A_1088, %swap3A_1089], %swap3A_1092 {strides = array<i32>} : memref<128x64xf32, #tpu.memory_space<vmem>>, vector<1x16xf32>,
        %add3A_1093 = arith.constant 32 : i32
        %add3A_1094 = arith.addi %squeeze3A_1046, %add3A_1093 : i32
        %get3A_1095 = arith.index_cast %add3A_1050 : i32 to index
        %get3A_1096 = arith.index_cast %add3A_1094 : i32 to index
        %get3A_1097 = tpu.vector_load %arg9[%get3A_1095, %get3A_1096] {strides = array<i32>} : memref<128x128xf32, #tpu.memory_space<vmem>>, vector<1x16xf32>,
        %get3A_1098 = vector.shape_cast %get3A_1097 : vector<1x16xf32> to vector<16xf32>
        %mul3A_1099 = arith.constant 8.000000e+00 : f32
        %mul3A_1100 = vector.broadcast %mul3A_1099 : f32 to vector<16xf32>
        %mul3A_1101 = arith.mulf %get3A_1098, %mul3A_1100 : vector<16xf32>
        %get3A_1102 = arith.index_cast %rem3A_1054 : i32 to index
        %get3A_1103 = arith.constant 32 : index
        %get3A_1104 = tpu.vector_load %arg13[%get3A_1102, %get3A_1103] {strides = array<i32>} : memref<200x64xf32, #tpu.memory_space<vmem>>, vector<1x16xf32>,
        %get3A_1105 = vector.shape_cast %get3A_1104 : vector<1x16xf32> to vector<16xf32>
        %add3A_1106 = arith.addf %mul3A_1101, %get3A_1105 : vector<16xf32>
        %swap3A_1107 = arith.index_cast %add3A_1050 : i32 to index
        %swap3A_1108 = arith.constant 32 : index
        %swap3A_1109 = tpu.vector_load %arg11[%swap3A_1107, %swap3A_1108] {strides = array<i32>} : memref<128x64xf32, #tpu.memory_space<vmem>>, vector<1x16xf32>,
        %swap3A_1110 = vector.shape_cast %swap3A_1109 : vector<1x16xf32> to vector<16xf32>
        %swap3A_1111 = vector.shape_cast %add3A_1106 : vector<16xf32> to vector<1x16xf32>
        tpu.vector_store %arg11[%swap3A_1107, %swap3A_1108], %swap3A_1111 {strides = array<i32>} : memref<128x64xf32, #tpu.memory_space<vmem>>, vector<1x16xf32>,
        %add3A_1112 = arith.constant 48 : i32
        %add3A_1113 = arith.addi %squeeze3A_1046, %add3A_1112 : i32
        %get3A_1114 = arith.index_cast %add3A_1050 : i32 to index
        %get3A_1115 = arith.index_cast %add3A_1113 : i32 to index
        %get3A_1116 = tpu.vector_load %arg9[%get3A_1114, %get3A_1115] {strides = array<i32>} : memref<128x128xf32, #tpu.memory_space<vmem>>, vector<1x16xf32>,
        %get3A_1117 = vector.shape_cast %get3A_1116 : vector<1x16xf32> to vector<16xf32>
        %mul3A_1118 = arith.constant 8.000000e+00 : f32
        %mul3A_1119 = vector.broadcast %mul3A_1118 : f32 to vector<16xf32>
        %mul3A_1120 = arith.mulf %get3A_1117, %mul3A_1119 : vector<16xf32>
        %get3A_1121 = arith.index_cast %rem3A_1054 : i32 to index
        %get3A_1122 = arith.constant 48 : index
        %get3A_1123 = tpu.vector_load %arg13[%get3A_1121, %get3A_1122] {strides = array<i32>} : memref<200x64xf32, #tpu.memory_space<vmem>>, vector<1x16xf32>,
        %get3A_1124 = vector.shape_cast %get3A_1123 : vector<1x16xf32> to vector<16xf32>
        %add3A_1125 = arith.addf %mul3A_1120, %get3A_1124 : vector<16xf32>
        %swap3A_1126 = arith.index_cast %add3A_1050 : i32 to index
        %swap3A_1127 = arith.constant 48 : index
        %swap3A_1128 = tpu.vector_load %arg11[%swap3A_1126, %swap3A_1127] {strides = array<i32>} : memref<128x64xf32, #tpu.memory_space<vmem>>, vector<1x16xf32>,
        %swap3A_1129 = vector.shape_cast %swap3A_1128 : vector<1x16xf32> to vector<16xf32>
        %swap3A_1130 = vector.shape_cast %add3A_1125 : vector<16xf32> to vector<1x16xf32>
        tpu.vector_store %arg11[%swap3A_1126, %swap3A_1127], %swap3A_1130 {strides = array<i32>} : memref<128x64xf32, #tpu.memory_space<vmem>>, vector<1x16xf32>,
        %slice3A_1131 = vector.extract_strided_slice %get3A_102 {offsets = [12], sizes = [1], strides = [1]} : vector<16xi32> to vector<1xi32>
        %squeeze3A_1132 = vector.extract %slice3A_1131[0] : i32 from vector<1xi32>
        %mul3A_1133 = arith.constant 16 : i32
        %mul3A_1134 = arith.muli %scan3A_95, %mul3A_1133 : i32
        %add3A_1135 = arith.constant 12 : i32
        %add3A_1136 = arith.addi %mul3A_1134, %add3A_1135 : i32
        %add3A_1137 = arith.constant 12 : i32
        %add3A_1138 = arith.addi %add3A_100, %add3A_1137 : i32
        %rem3A_1139 = arith.constant 200 : i32
        %rem3A_1140 = arith.remsi %add3A_1138, %rem3A_1139 : i32
        %add3A_1141 = arith.constant 0 : i32
        %add3A_1142 = arith.addi %squeeze3A_1132, %add3A_1141 : i32
        %get3A_1143 = arith.index_cast %add3A_1136 : i32 to index
        %get3A_1144 = arith.index_cast %add3A_1142 : i32 to index
        %get3A_1145 = tpu.vector_load %arg9[%get3A_1143, %get3A_1144] {strides = array<i32>} : memref<128x128xf32, #tpu.memory_space<vmem>>, vector<1x16xf32>,
        %get3A_1146 = vector.shape_cast %get3A_1145 : vector<1x16xf32> to vector<16xf32>
        %mul3A_1147 = arith.constant 8.000000e+00 : f32
        %mul3A_1148 = vector.broadcast %mul3A_1147 : f32 to vector<16xf32>
        %mul3A_1149 = arith.mulf %get3A_1146, %mul3A_1148 : vector<16xf32>
        %get3A_1150 = arith.index_cast %rem3A_1140 : i32 to index
        %get3A_1151 = arith.constant 0 : index
        %get3A_1152 = tpu.vector_load %arg13[%get3A_1150, %get3A_1151] {strides = array<i32>} : memref<200x64xf32, #tpu.memory_space<vmem>>, vector<1x16xf32>,
        %get3A_1153 = vector.shape_cast %get3A_1152 : vector<1x16xf32> to vector<16xf32>
        %add3A_1154 = arith.addf %mul3A_1149, %get3A_1153 : vector<16xf32>
        %swap3A_1155 = arith.index_cast %add3A_1136 : i32 to index
        %swap3A_1156 = arith.constant 0 : index
        %swap3A_1157 = tpu.vector_load %arg11[%swap3A_1155, %swap3A_1156] {strides = array<i32>} : memref<128x64xf32, #tpu.memory_space<vmem>>, vector<1x16xf32>,
        %swap3A_1158 = vector.shape_cast %swap3A_1157 : vector<1x16xf32> to vector<16xf32>
        %swap3A_1159 = vector.shape_cast %add3A_1154 : vector<16xf32> to vector<1x16xf32>
        tpu.vector_store %arg11[%swap3A_1155, %swap3A_1156], %swap3A_1159 {strides = array<i32>} : memref<128x64xf32, #tpu.memory_space<vmem>>, vector<1x16xf32>,
        %add3A_1160 = arith.constant 16 : i32
        %add3A_1161 = arith.addi %squeeze3A_1132, %add3A_1160 : i32
        %get3A_1162 = arith.index_cast %add3A_1136 : i32 to index
        %get3A_1163 = arith.index_cast %add3A_1161 : i32 to index
        %get3A_1164 = tpu.vector_load %arg9[%get3A_1162, %get3A_1163] {strides = array<i32>} : memref<128x128xf32, #tpu.memory_space<vmem>>, vector<1x16xf32>,
        %get3A_1165 = vector.shape_cast %get3A_1164 : vector<1x16xf32> to vector<16xf32>
        %mul3A_1166 = arith.constant 8.000000e+00 : f32
        %mul3A_1167 = vector.broadcast %mul3A_1166 : f32 to vector<16xf32>
        %mul3A_1168 = arith.mulf %get3A_1165, %mul3A_1167 : vector<16xf32>
        %get3A_1169 = arith.index_cast %rem3A_1140 : i32 to index
        %get3A_1170 = arith.constant 16 : index
        %get3A_1171 = tpu.vector_load %arg13[%get3A_1169, %get3A_1170] {strides = array<i32>} : memref<200x64xf32, #tpu.memory_space<vmem>>, vector<1x16xf32>,
        %get3A_1172 = vector.shape_cast %get3A_1171 : vector<1x16xf32> to vector<16xf32>
        %add3A_1173 = arith.addf %mul3A_1168, %get3A_1172 : vector<16xf32>
        %swap3A_1174 = arith.index_cast %add3A_1136 : i32 to index
        %swap3A_1175 = arith.constant 16 : index
        %swap3A_1176 = tpu.vector_load %arg11[%swap3A_1174, %swap3A_1175] {strides = array<i32>} : memref<128x64xf32, #tpu.memory_space<vmem>>, vector<1x16xf32>,
        %swap3A_1177 = vector.shape_cast %swap3A_1176 : vector<1x16xf32> to vector<16xf32>
        %swap3A_1178 = vector.shape_cast %add3A_1173 : vector<16xf32> to vector<1x16xf32>
        tpu.vector_store %arg11[%swap3A_1174, %swap3A_1175], %swap3A_1178 {strides = array<i32>} : memref<128x64xf32, #tpu.memory_space<vmem>>, vector<1x16xf32>,
        %add3A_1179 = arith.constant 32 : i32
        %add3A_1180 = arith.addi %squeeze3A_1132, %add3A_1179 : i32
        %get3A_1181 = arith.index_cast %add3A_1136 : i32 to index
        %get3A_1182 = arith.index_cast %add3A_1180 : i32 to index
        %get3A_1183 = tpu.vector_load %arg9[%get3A_1181, %get3A_1182] {strides = array<i32>} : memref<128x128xf32, #tpu.memory_space<vmem>>, vector<1x16xf32>,
        %get3A_1184 = vector.shape_cast %get3A_1183 : vector<1x16xf32> to vector<16xf32>
        %mul3A_1185 = arith.constant 8.000000e+00 : f32
        %mul3A_1186 = vector.broadcast %mul3A_1185 : f32 to vector<16xf32>
        %mul3A_1187 = arith.mulf %get3A_1184, %mul3A_1186 : vector<16xf32>
        %get3A_1188 = arith.index_cast %rem3A_1140 : i32 to index
        %get3A_1189 = arith.constant 32 : index
        %get3A_1190 = tpu.vector_load %arg13[%get3A_1188, %get3A_1189] {strides = array<i32>} : memref<200x64xf32, #tpu.memory_space<vmem>>, vector<1x16xf32>,
        %get3A_1191 = vector.shape_cast %get3A_1190 : vector<1x16xf32> to vector<16xf32>
        %add3A_1192 = arith.addf %mul3A_1187, %get3A_1191 : vector<16xf32>
        %swap3A_1193 = arith.index_cast %add3A_1136 : i32 to index
        %swap3A_1194 = arith.constant 32 : index
        %swap3A_1195 = tpu.vector_load %arg11[%swap3A_1193, %swap3A_1194] {strides = array<i32>} : memref<128x64xf32, #tpu.memory_space<vmem>>, vector<1x16xf32>,
        %swap3A_1196 = vector.shape_cast %swap3A_1195 : vector<1x16xf32> to vector<16xf32>
        %swap3A_1197 = vector.shape_cast %add3A_1192 : vector<16xf32> to vector<1x16xf32>
        tpu.vector_store %arg11[%swap3A_1193, %swap3A_1194], %swap3A_1197 {strides = array<i32>} : memref<128x64xf32, #tpu.memory_space<vmem>>, vector<1x16xf32>,
        %add3A_1198 = arith.constant 48 : i32
        %add3A_1199 = arith.addi %squeeze3A_1132, %add3A_1198 : i32
        %get3A_1200 = arith.index_cast %add3A_1136 : i32 to index
        %get3A_1201 = arith.index_cast %add3A_1199 : i32 to index
        %get3A_1202 = tpu.vector_load %arg9[%get3A_1200, %get3A_1201] {strides = array<i32>} : memref<128x128xf32, #tpu.memory_space<vmem>>, vector<1x16xf32>,
        %get3A_1203 = vector.shape_cast %get3A_1202 : vector<1x16xf32> to vector<16xf32>
        %mul3A_1204 = arith.constant 8.000000e+00 : f32
        %mul3A_1205 = vector.broadcast %mul3A_1204 : f32 to vector<16xf32>
        %mul3A_1206 = arith.mulf %get3A_1203, %mul3A_1205 : vector<16xf32>
        %get3A_1207 = arith.index_cast %rem3A_1140 : i32 to index
        %get3A_1208 = arith.constant 48 : index
        %get3A_1209 = tpu.vector_load %arg13[%get3A_1207, %get3A_1208] {strides = array<i32>} : memref<200x64xf32, #tpu.memory_space<vmem>>, vector<1x16xf32>,
        %get3A_1210 = vector.shape_cast %get3A_1209 : vector<1x16xf32> to vector<16xf32>
        %add3A_1211 = arith.addf %mul3A_1206, %get3A_1210 : vector<16xf32>
        %swap3A_1212 = arith.index_cast %add3A_1136 : i32 to index
        %swap3A_1213 = arith.constant 48 : index
        %swap3A_1214 = tpu.vector_load %arg11[%swap3A_1212, %swap3A_1213] {strides = array<i32>} : memref<128x64xf32, #tpu.memory_space<vmem>>, vector<1x16xf32>,
        %swap3A_1215 = vector.shape_cast %swap3A_1214 : vector<1x16xf32> to vector<16xf32>
        %swap3A_1216 = vector.shape_cast %add3A_1211 : vector<16xf32> to vector<1x16xf32>
        tpu.vector_store %arg11[%swap3A_1212, %swap3A_1213], %swap3A_1216 {strides = array<i32>} : memref<128x64xf32, #tpu.memory_space<vmem>>, vector<1x16xf32>,
        %slice3A_1217 = vector.extract_strided_slice %get3A_102 {offsets = [13], sizes = [1], strides = [1]} : vector<16xi32> to vector<1xi32>
        %squeeze3A_1218 = vector.extract %slice3A_1217[0] : i32 from vector<1xi32>
        %mul3A_1219 = arith.constant 16 : i32
        %mul3A_1220 = arith.muli %scan3A_95, %mul3A_1219 : i32
        %add3A_1221 = arith.constant 13 : i32
        %add3A_1222 = arith.addi %mul3A_1220, %add3A_1221 : i32
        %add3A_1223 = arith.constant 13 : i32
        %add3A_1224 = arith.addi %add3A_100, %add3A_1223 : i32
        %rem3A_1225 = arith.constant 200 : i32
        %rem3A_1226 = arith.remsi %add3A_1224, %rem3A_1225 : i32
        %add3A_1227 = arith.constant 0 : i32
        %add3A_1228 = arith.addi %squeeze3A_1218, %add3A_1227 : i32
        %get3A_1229 = arith.index_cast %add3A_1222 : i32 to index
        %get3A_1230 = arith.index_cast %add3A_1228 : i32 to index
        %get3A_1231 = tpu.vector_load %arg9[%get3A_1229, %get3A_1230] {strides = array<i32>} : memref<128x128xf32, #tpu.memory_space<vmem>>, vector<1x16xf32>,
        %get3A_1232 = vector.shape_cast %get3A_1231 : vector<1x16xf32> to vector<16xf32>
        %mul3A_1233 = arith.constant 8.000000e+00 : f32
        %mul3A_1234 = vector.broadcast %mul3A_1233 : f32 to vector<16xf32>
        %mul3A_1235 = arith.mulf %get3A_1232, %mul3A_1234 : vector<16xf32>
        %get3A_1236 = arith.index_cast %rem3A_1226 : i32 to index
        %get3A_1237 = arith.constant 0 : index
        %get3A_1238 = tpu.vector_load %arg13[%get3A_1236, %get3A_1237] {strides = array<i32>} : memref<200x64xf32, #tpu.memory_space<vmem>>, vector<1x16xf32>,
        %get3A_1239 = vector.shape_cast %get3A_1238 : vector<1x16xf32> to vector<16xf32>
        %add3A_1240 = arith.addf %mul3A_1235, %get3A_1239 : vector<16xf32>
        %swap3A_1241 = arith.index_cast %add3A_1222 : i32 to index
        %swap3A_1242 = arith.constant 0 : index
        %swap3A_1243 = tpu.vector_load %arg11[%swap3A_1241, %swap3A_1242] {strides = array<i32>} : memref<128x64xf32, #tpu.memory_space<vmem>>, vector<1x16xf32>,
        %swap3A_1244 = vector.shape_cast %swap3A_1243 : vector<1x16xf32> to vector<16xf32>
        %swap3A_1245 = vector.shape_cast %add3A_1240 : vector<16xf32> to vector<1x16xf32>
        tpu.vector_store %arg11[%swap3A_1241, %swap3A_1242], %swap3A_1245 {strides = array<i32>} : memref<128x64xf32, #tpu.memory_space<vmem>>, vector<1x16xf32>,
        %add3A_1246 = arith.constant 16 : i32
        %add3A_1247 = arith.addi %squeeze3A_1218, %add3A_1246 : i32
        %get3A_1248 = arith.index_cast %add3A_1222 : i32 to index
        %get3A_1249 = arith.index_cast %add3A_1247 : i32 to index
        %get3A_1250 = tpu.vector_load %arg9[%get3A_1248, %get3A_1249] {strides = array<i32>} : memref<128x128xf32, #tpu.memory_space<vmem>>, vector<1x16xf32>,
        %get3A_1251 = vector.shape_cast %get3A_1250 : vector<1x16xf32> to vector<16xf32>
        %mul3A_1252 = arith.constant 8.000000e+00 : f32
        %mul3A_1253 = vector.broadcast %mul3A_1252 : f32 to vector<16xf32>
        %mul3A_1254 = arith.mulf %get3A_1251, %mul3A_1253 : vector<16xf32>
        %get3A_1255 = arith.index_cast %rem3A_1226 : i32 to index
        %get3A_1256 = arith.constant 16 : index
        %get3A_1257 = tpu.vector_load %arg13[%get3A_1255, %get3A_1256] {strides = array<i32>} : memref<200x64xf32, #tpu.memory_space<vmem>>, vector<1x16xf32>,
        %get3A_1258 = vector.shape_cast %get3A_1257 : vector<1x16xf32> to vector<16xf32>
        %add3A_1259 = arith.addf %mul3A_1254, %get3A_1258 : vector<16xf32>
        %swap3A_1260 = arith.index_cast %add3A_1222 : i32 to index
        %swap3A_1261 = arith.constant 16 : index
        %swap3A_1262 = tpu.vector_load %arg11[%swap3A_1260, %swap3A_1261] {strides = array<i32>} : memref<128x64xf32, #tpu.memory_space<vmem>>, vector<1x16xf32>,
        %swap3A_1263 = vector.shape_cast %swap3A_1262 : vector<1x16xf32> to vector<16xf32>
        %swap3A_1264 = vector.shape_cast %add3A_1259 : vector<16xf32> to vector<1x16xf32>
        tpu.vector_store %arg11[%swap3A_1260, %swap3A_1261], %swap3A_1264 {strides = array<i32>} : memref<128x64xf32, #tpu.memory_space<vmem>>, vector<1x16xf32>,
        %add3A_1265 = arith.constant 32 : i32
        %add3A_1266 = arith.addi %squeeze3A_1218, %add3A_1265 : i32
        %get3A_1267 = arith.index_cast %add3A_1222 : i32 to index
        %get3A_1268 = arith.index_cast %add3A_1266 : i32 to index
        %get3A_1269 = tpu.vector_load %arg9[%get3A_1267, %get3A_1268] {strides = array<i32>} : memref<128x128xf32, #tpu.memory_space<vmem>>, vector<1x16xf32>,
        %get3A_1270 = vector.shape_cast %get3A_1269 : vector<1x16xf32> to vector<16xf32>
        %mul3A_1271 = arith.constant 8.000000e+00 : f32
        %mul3A_1272 = vector.broadcast %mul3A_1271 : f32 to vector<16xf32>
        %mul3A_1273 = arith.mulf %get3A_1270, %mul3A_1272 : vector<16xf32>
        %get3A_1274 = arith.index_cast %rem3A_1226 : i32 to index
        %get3A_1275 = arith.constant 32 : index
        %get3A_1276 = tpu.vector_load %arg13[%get3A_1274, %get3A_1275] {strides = array<i32>} : memref<200x64xf32, #tpu.memory_space<vmem>>, vector<1x16xf32>,
        %get3A_1277 = vector.shape_cast %get3A_1276 : vector<1x16xf32> to vector<16xf32>
        %add3A_1278 = arith.addf %mul3A_1273, %get3A_1277 : vector<16xf32>
        %swap3A_1279 = arith.index_cast %add3A_1222 : i32 to index
        %swap3A_1280 = arith.constant 32 : index
        %swap3A_1281 = tpu.vector_load %arg11[%swap3A_1279, %swap3A_1280] {strides = array<i32>} : memref<128x64xf32, #tpu.memory_space<vmem>>, vector<1x16xf32>,
        %swap3A_1282 = vector.shape_cast %swap3A_1281 : vector<1x16xf32> to vector<16xf32>
        %swap3A_1283 = vector.shape_cast %add3A_1278 : vector<16xf32> to vector<1x16xf32>
        tpu.vector_store %arg11[%swap3A_1279, %swap3A_1280], %swap3A_1283 {strides = array<i32>} : memref<128x64xf32, #tpu.memory_space<vmem>>, vector<1x16xf32>,
        %add3A_1284 = arith.constant 48 : i32
        %add3A_1285 = arith.addi %squeeze3A_1218, %add3A_1284 : i32
        %get3A_1286 = arith.index_cast %add3A_1222 : i32 to index
        %get3A_1287 = arith.index_cast %add3A_1285 : i32 to index
        %get3A_1288 = tpu.vector_load %arg9[%get3A_1286, %get3A_1287] {strides = array<i32>} : memref<128x128xf32, #tpu.memory_space<vmem>>, vector<1x16xf32>,
        %get3A_1289 = vector.shape_cast %get3A_1288 : vector<1x16xf32> to vector<16xf32>
        %mul3A_1290 = arith.constant 8.000000e+00 : f32
        %mul3A_1291 = vector.broadcast %mul3A_1290 : f32 to vector<16xf32>
        %mul3A_1292 = arith.mulf %get3A_1289, %mul3A_1291 : vector<16xf32>
        %get3A_1293 = arith.index_cast %rem3A_1226 : i32 to index
        %get3A_1294 = arith.constant 48 : index
        %get3A_1295 = tpu.vector_load %arg13[%get3A_1293, %get3A_1294] {strides = array<i32>} : memref<200x64xf32, #tpu.memory_space<vmem>>, vector<1x16xf32>,
        %get3A_1296 = vector.shape_cast %get3A_1295 : vector<1x16xf32> to vector<16xf32>
        %add3A_1297 = arith.addf %mul3A_1292, %get3A_1296 : vector<16xf32>
        %swap3A_1298 = arith.index_cast %add3A_1222 : i32 to index
        %swap3A_1299 = arith.constant 48 : index
        %swap3A_1300 = tpu.vector_load %arg11[%swap3A_1298, %swap3A_1299] {strides = array<i32>} : memref<128x64xf32, #tpu.memory_space<vmem>>, vector<1x16xf32>,
        %swap3A_1301 = vector.shape_cast %swap3A_1300 : vector<1x16xf32> to vector<16xf32>
        %swap3A_1302 = vector.shape_cast %add3A_1297 : vector<16xf32> to vector<1x16xf32>
        tpu.vector_store %arg11[%swap3A_1298, %swap3A_1299], %swap3A_1302 {strides = array<i32>} : memref<128x64xf32, #tpu.memory_space<vmem>>, vector<1x16xf32>,
        %slice3A_1303 = vector.extract_strided_slice %get3A_102 {offsets = [14], sizes = [1], strides = [1]} : vector<16xi32> to vector<1xi32>
        %squeeze3A_1304 = vector.extract %slice3A_1303[0] : i32 from vector<1xi32>
        %mul3A_1305 = arith.constant 16 : i32
        %mul3A_1306 = arith.muli %scan3A_95, %mul3A_1305 : i32
        %add3A_1307 = arith.constant 14 : i32
        %add3A_1308 = arith.addi %mul3A_1306, %add3A_1307 : i32
        %add3A_1309 = arith.constant 14 : i32
        %add3A_1310 = arith.addi %add3A_100, %add3A_1309 : i32
        %rem3A_1311 = arith.constant 200 : i32
        %rem3A_1312 = arith.remsi %add3A_1310, %rem3A_1311 : i32
        %add3A_1313 = arith.constant 0 : i32
        %add3A_1314 = arith.addi %squeeze3A_1304, %add3A_1313 : i32
        %get3A_1315 = arith.index_cast %add3A_1308 : i32 to index
        %get3A_1316 = arith.index_cast %add3A_1314 : i32 to index
        %get3A_1317 = tpu.vector_load %arg9[%get3A_1315, %get3A_1316] {strides = array<i32>} : memref<128x128xf32, #tpu.memory_space<vmem>>, vector<1x16xf32>,
        %get3A_1318 = vector.shape_cast %get3A_1317 : vector<1x16xf32> to vector<16xf32>
        %mul3A_1319 = arith.constant 8.000000e+00 : f32
        %mul3A_1320 = vector.broadcast %mul3A_1319 : f32 to vector<16xf32>
        %mul3A_1321 = arith.mulf %get3A_1318, %mul3A_1320 : vector<16xf32>
        %get3A_1322 = arith.index_cast %rem3A_1312 : i32 to index
        %get3A_1323 = arith.constant 0 : index
        %get3A_1324 = tpu.vector_load %arg13[%get3A_1322, %get3A_1323] {strides = array<i32>} : memref<200x64xf32, #tpu.memory_space<vmem>>, vector<1x16xf32>,
        %get3A_1325 = vector.shape_cast %get3A_1324 : vector<1x16xf32> to vector<16xf32>
        %add3A_1326 = arith.addf %mul3A_1321, %get3A_1325 : vector<16xf32>
        %swap3A_1327 = arith.index_cast %add3A_1308 : i32 to index
        %swap3A_1328 = arith.constant 0 : index
        %swap3A_1329 = tpu.vector_load %arg11[%swap3A_1327, %swap3A_1328] {strides = array<i32>} : memref<128x64xf32, #tpu.memory_space<vmem>>, vector<1x16xf32>,
        %swap3A_1330 = vector.shape_cast %swap3A_1329 : vector<1x16xf32> to vector<16xf32>
        %swap3A_1331 = vector.shape_cast %add3A_1326 : vector<16xf32> to vector<1x16xf32>
        tpu.vector_store %arg11[%swap3A_1327, %swap3A_1328], %swap3A_1331 {strides = array<i32>} : memref<128x64xf32, #tpu.memory_space<vmem>>, vector<1x16xf32>,
        %add3A_1332 = arith.constant 16 : i32
        %add3A_1333 = arith.addi %squeeze3A_1304, %add3A_1332 : i32
        %get3A_1334 = arith.index_cast %add3A_1308 : i32 to index
        %get3A_1335 = arith.index_cast %add3A_1333 : i32 to index
        %get3A_1336 = tpu.vector_load %arg9[%get3A_1334, %get3A_1335] {strides = array<i32>} : memref<128x128xf32, #tpu.memory_space<vmem>>, vector<1x16xf32>,
        %get3A_1337 = vector.shape_cast %get3A_1336 : vector<1x16xf32> to vector<16xf32>
        %mul3A_1338 = arith.constant 8.000000e+00 : f32
        %mul3A_1339 = vector.broadcast %mul3A_1338 : f32 to vector<16xf32>
        %mul3A_1340 = arith.mulf %get3A_1337, %mul3A_1339 : vector<16xf32>
        %get3A_1341 = arith.index_cast %rem3A_1312 : i32 to index
        %get3A_1342 = arith.constant 16 : index
        %get3A_1343 = tpu.vector_load %arg13[%get3A_1341, %get3A_1342] {strides = array<i32>} : memref<200x64xf32, #tpu.memory_space<vmem>>, vector<1x16xf32>,
        %get3A_1344 = vector.shape_cast %get3A_1343 : vector<1x16xf32> to vector<16xf32>
        %add3A_1345 = arith.addf %mul3A_1340, %get3A_1344 : vector<16xf32>
        %swap3A_1346 = arith.index_cast %add3A_1308 : i32 to index
        %swap3A_1347 = arith.constant 16 : index
        %swap3A_1348 = tpu.vector_load %arg11[%swap3A_1346, %swap3A_1347] {strides = array<i32>} : memref<128x64xf32, #tpu.memory_space<vmem>>, vector<1x16xf32>,
        %swap3A_1349 = vector.shape_cast %swap3A_1348 : vector<1x16xf32> to vector<16xf32>
        %swap3A_1350 = vector.shape_cast %add3A_1345 : vector<16xf32> to vector<1x16xf32>
        tpu.vector_store %arg11[%swap3A_1346, %swap3A_1347], %swap3A_1350 {strides = array<i32>} : memref<128x64xf32, #tpu.memory_space<vmem>>, vector<1x16xf32>,
        %add3A_1351 = arith.constant 32 : i32
        %add3A_1352 = arith.addi %squeeze3A_1304, %add3A_1351 : i32
        %get3A_1353 = arith.index_cast %add3A_1308 : i32 to index
        %get3A_1354 = arith.index_cast %add3A_1352 : i32 to index
        %get3A_1355 = tpu.vector_load %arg9[%get3A_1353, %get3A_1354] {strides = array<i32>} : memref<128x128xf32, #tpu.memory_space<vmem>>, vector<1x16xf32>,
        %get3A_1356 = vector.shape_cast %get3A_1355 : vector<1x16xf32> to vector<16xf32>
        %mul3A_1357 = arith.constant 8.000000e+00 : f32
        %mul3A_1358 = vector.broadcast %mul3A_1357 : f32 to vector<16xf32>
        %mul3A_1359 = arith.mulf %get3A_1356, %mul3A_1358 : vector<16xf32>
        %get3A_1360 = arith.index_cast %rem3A_1312 : i32 to index
        %get3A_1361 = arith.constant 32 : index
        %get3A_1362 = tpu.vector_load %arg13[%get3A_1360, %get3A_1361] {strides = array<i32>} : memref<200x64xf32, #tpu.memory_space<vmem>>, vector<1x16xf32>,
        %get3A_1363 = vector.shape_cast %get3A_1362 : vector<1x16xf32> to vector<16xf32>
        %add3A_1364 = arith.addf %mul3A_1359, %get3A_1363 : vector<16xf32>
        %swap3A_1365 = arith.index_cast %add3A_1308 : i32 to index
        %swap3A_1366 = arith.constant 32 : index
        %swap3A_1367 = tpu.vector_load %arg11[%swap3A_1365, %swap3A_1366] {strides = array<i32>} : memref<128x64xf32, #tpu.memory_space<vmem>>, vector<1x16xf32>,
        %swap3A_1368 = vector.shape_cast %swap3A_1367 : vector<1x16xf32> to vector<16xf32>
        %swap3A_1369 = vector.shape_cast %add3A_1364 : vector<16xf32> to vector<1x16xf32>
        tpu.vector_store %arg11[%swap3A_1365, %swap3A_1366], %swap3A_1369 {strides = array<i32>} : memref<128x64xf32, #tpu.memory_space<vmem>>, vector<1x16xf32>,
        %add3A_1370 = arith.constant 48 : i32
        %add3A_1371 = arith.addi %squeeze3A_1304, %add3A_1370 : i32
        %get3A_1372 = arith.index_cast %add3A_1308 : i32 to index
        %get3A_1373 = arith.index_cast %add3A_1371 : i32 to index
        %get3A_1374 = tpu.vector_load %arg9[%get3A_1372, %get3A_1373] {strides = array<i32>} : memref<128x128xf32, #tpu.memory_space<vmem>>, vector<1x16xf32>,
        %get3A_1375 = vector.shape_cast %get3A_1374 : vector<1x16xf32> to vector<16xf32>
        %mul3A_1376 = arith.constant 8.000000e+00 : f32
        %mul3A_1377 = vector.broadcast %mul3A_1376 : f32 to vector<16xf32>
        %mul3A_1378 = arith.mulf %get3A_1375, %mul3A_1377 : vector<16xf32>
        %get3A_1379 = arith.index_cast %rem3A_1312 : i32 to index
        %get3A_1380 = arith.constant 48 : index
        %get3A_1381 = tpu.vector_load %arg13[%get3A_1379, %get3A_1380] {strides = array<i32>} : memref<200x64xf32, #tpu.memory_space<vmem>>, vector<1x16xf32>,
        %get3A_1382 = vector.shape_cast %get3A_1381 : vector<1x16xf32> to vector<16xf32>
        %add3A_1383 = arith.addf %mul3A_1378, %get3A_1382 : vector<16xf32>
        %swap3A_1384 = arith.index_cast %add3A_1308 : i32 to index
        %swap3A_1385 = arith.constant 48 : index
        %swap3A_1386 = tpu.vector_load %arg11[%swap3A_1384, %swap3A_1385] {strides = array<i32>} : memref<128x64xf32, #tpu.memory_space<vmem>>, vector<1x16xf32>,
        %swap3A_1387 = vector.shape_cast %swap3A_1386 : vector<1x16xf32> to vector<16xf32>
        %swap3A_1388 = vector.shape_cast %add3A_1383 : vector<16xf32> to vector<1x16xf32>
        tpu.vector_store %arg11[%swap3A_1384, %swap3A_1385], %swap3A_1388 {strides = array<i32>} : memref<128x64xf32, #tpu.memory_space<vmem>>, vector<1x16xf32>,
        %slice3A_1389 = vector.extract_strided_slice %get3A_102 {offsets = [15], sizes = [1], strides = [1]} : vector<16xi32> to vector<1xi32>
        %squeeze3A_1390 = vector.extract %slice3A_1389[0] : i32 from vector<1xi32>
        %mul3A_1391 = arith.constant 16 : i32
        %mul3A_1392 = arith.muli %scan3A_95, %mul3A_1391 : i32
        %add3A_1393 = arith.constant 15 : i32
        %add3A_1394 = arith.addi %mul3A_1392, %add3A_1393 : i32
        %add3A_1395 = arith.constant 15 : i32
        %add3A_1396 = arith.addi %add3A_100, %add3A_1395 : i32
        %rem3A_1397 = arith.constant 200 : i32
        %rem3A_1398 = arith.remsi %add3A_1396, %rem3A_1397 : i32
        %add3A_1399 = arith.constant 0 : i32
        %add3A_1400 = arith.addi %squeeze3A_1390, %add3A_1399 : i32
        %get3A_1401 = arith.index_cast %add3A_1394 : i32 to index
        %get3A_1402 = arith.index_cast %add3A_1400 : i32 to index
        %get3A_1403 = tpu.vector_load %arg9[%get3A_1401, %get3A_1402] {strides = array<i32>} : memref<128x128xf32, #tpu.memory_space<vmem>>, vector<1x16xf32>,
        %get3A_1404 = vector.shape_cast %get3A_1403 : vector<1x16xf32> to vector<16xf32>
        %mul3A_1405 = arith.constant 8.000000e+00 : f32
        %mul3A_1406 = vector.broadcast %mul3A_1405 : f32 to vector<16xf32>
        %mul3A_1407 = arith.mulf %get3A_1404, %mul3A_1406 : vector<16xf32>
        %get3A_1408 = arith.index_cast %rem3A_1398 : i32 to index
        %get3A_1409 = arith.constant 0 : index
        %get3A_1410 = tpu.vector_load %arg13[%get3A_1408, %get3A_1409] {strides = array<i32>} : memref<200x64xf32, #tpu.memory_space<vmem>>, vector<1x16xf32>,
        %get3A_1411 = vector.shape_cast %get3A_1410 : vector<1x16xf32> to vector<16xf32>
        %add3A_1412 = arith.addf %mul3A_1407, %get3A_1411 : vector<16xf32>
        %swap3A_1413 = arith.index_cast %add3A_1394 : i32 to index
        %swap3A_1414 = arith.constant 0 : index
        %swap3A_1415 = tpu.vector_load %arg11[%swap3A_1413, %swap3A_1414] {strides = array<i32>} : memref<128x64xf32, #tpu.memory_space<vmem>>, vector<1x16xf32>,
        %swap3A_1416 = vector.shape_cast %swap3A_1415 : vector<1x16xf32> to vector<16xf32>
        %swap3A_1417 = vector.shape_cast %add3A_1412 : vector<16xf32> to vector<1x16xf32>
        tpu.vector_store %arg11[%swap3A_1413, %swap3A_1414], %swap3A_1417 {strides = array<i32>} : memref<128x64xf32, #tpu.memory_space<vmem>>, vector<1x16xf32>,
        %add3A_1418 = arith.constant 16 : i32
        %add3A_1419 = arith.addi %squeeze3A_1390, %add3A_1418 : i32
        %get3A_1420 = arith.index_cast %add3A_1394 : i32 to index
        %get3A_1421 = arith.index_cast %add3A_1419 : i32 to index
        %get3A_1422 = tpu.vector_load %arg9[%get3A_1420, %get3A_1421] {strides = array<i32>} : memref<128x128xf32, #tpu.memory_space<vmem>>, vector<1x16xf32>,
        %get3A_1423 = vector.shape_cast %get3A_1422 : vector<1x16xf32> to vector<16xf32>
        %mul3A_1424 = arith.constant 8.000000e+00 : f32
        %mul3A_1425 = vector.broadcast %mul3A_1424 : f32 to vector<16xf32>
        %mul3A_1426 = arith.mulf %get3A_1423, %mul3A_1425 : vector<16xf32>
        %get3A_1427 = arith.index_cast %rem3A_1398 : i32 to index
        %get3A_1428 = arith.constant 16 : index
        %get3A_1429 = tpu.vector_load %arg13[%get3A_1427, %get3A_1428] {strides = array<i32>} : memref<200x64xf32, #tpu.memory_space<vmem>>, vector<1x16xf32>,
        %get3A_1430 = vector.shape_cast %get3A_1429 : vector<1x16xf32> to vector<16xf32>
        %add3A_1431 = arith.addf %mul3A_1426, %get3A_1430 : vector<16xf32>
        %swap3A_1432 = arith.index_cast %add3A_1394 : i32 to index
        %swap3A_1433 = arith.constant 16 : index
        %swap3A_1434 = tpu.vector_load %arg11[%swap3A_1432, %swap3A_1433] {strides = array<i32>} : memref<128x64xf32, #tpu.memory_space<vmem>>, vector<1x16xf32>,
        %swap3A_1435 = vector.shape_cast %swap3A_1434 : vector<1x16xf32> to vector<16xf32>
        %swap3A_1436 = vector.shape_cast %add3A_1431 : vector<16xf32> to vector<1x16xf32>
        tpu.vector_store %arg11[%swap3A_1432, %swap3A_1433], %swap3A_1436 {strides = array<i32>} : memref<128x64xf32, #tpu.memory_space<vmem>>, vector<1x16xf32>,
        %add3A_1437 = arith.constant 32 : i32
        %add3A_1438 = arith.addi %squeeze3A_1390, %add3A_1437 : i32
        %get3A_1439 = arith.index_cast %add3A_1394 : i32 to index
        %get3A_1440 = arith.index_cast %add3A_1438 : i32 to index
        %get3A_1441 = tpu.vector_load %arg9[%get3A_1439, %get3A_1440] {strides = array<i32>} : memref<128x128xf32, #tpu.memory_space<vmem>>, vector<1x16xf32>,
        %get3A_1442 = vector.shape_cast %get3A_1441 : vector<1x16xf32> to vector<16xf32>
        %mul3A_1443 = arith.constant 8.000000e+00 : f32
        %mul3A_1444 = vector.broadcast %mul3A_1443 : f32 to vector<16xf32>
        %mul3A_1445 = arith.mulf %get3A_1442, %mul3A_1444 : vector<16xf32>
        %get3A_1446 = arith.index_cast %rem3A_1398 : i32 to index
        %get3A_1447 = arith.constant 32 : index
        %get3A_1448 = tpu.vector_load %arg13[%get3A_1446, %get3A_1447] {strides = array<i32>} : memref<200x64xf32, #tpu.memory_space<vmem>>, vector<1x16xf32>,
        %get3A_1449 = vector.shape_cast %get3A_1448 : vector<1x16xf32> to vector<16xf32>
        %add3A_1450 = arith.addf %mul3A_1445, %get3A_1449 : vector<16xf32>
        %swap3A_1451 = arith.index_cast %add3A_1394 : i32 to index
        %swap3A_1452 = arith.constant 32 : index
        %swap3A_1453 = tpu.vector_load %arg11[%swap3A_1451, %swap3A_1452] {strides = array<i32>} : memref<128x64xf32, #tpu.memory_space<vmem>>, vector<1x16xf32>,
        %swap3A_1454 = vector.shape_cast %swap3A_1453 : vector<1x16xf32> to vector<16xf32>
        %swap3A_1455 = vector.shape_cast %add3A_1450 : vector<16xf32> to vector<1x16xf32>
        tpu.vector_store %arg11[%swap3A_1451, %swap3A_1452], %swap3A_1455 {strides = array<i32>} : memref<128x64xf32, #tpu.memory_space<vmem>>, vector<1x16xf32>,
        %add3A_1456 = arith.constant 48 : i32
        %add3A_1457 = arith.addi %squeeze3A_1390, %add3A_1456 : i32
        %get3A_1458 = arith.index_cast %add3A_1394 : i32 to index
        %get3A_1459 = arith.index_cast %add3A_1457 : i32 to index
        %get3A_1460 = tpu.vector_load %arg9[%get3A_1458, %get3A_1459] {strides = array<i32>} : memref<128x128xf32, #tpu.memory_space<vmem>>, vector<1x16xf32>,
        %get3A_1461 = vector.shape_cast %get3A_1460 : vector<1x16xf32> to vector<16xf32>
        %mul3A_1462 = arith.constant 8.000000e+00 : f32
        %mul3A_1463 = vector.broadcast %mul3A_1462 : f32 to vector<16xf32>
        %mul3A_1464 = arith.mulf %get3A_1461, %mul3A_1463 : vector<16xf32>
        %get3A_1465 = arith.index_cast %rem3A_1398 : i32 to index
        %get3A_1466 = arith.constant 48 : index
        %get3A_1467 = tpu.vector_load %arg13[%get3A_1465, %get3A_1466] {strides = array<i32>} : memref<200x64xf32, #tpu.memory_space<vmem>>, vector<1x16xf32>,
        %get3A_1468 = vector.shape_cast %get3A_1467 : vector<1x16xf32> to vector<16xf32>
        %add3A_1469 = arith.addf %mul3A_1464, %get3A_1468 : vector<16xf32>
        %swap3A_1470 = arith.index_cast %add3A_1394 : i32 to index
        %swap3A_1471 = arith.constant 48 : index
        %swap3A_1472 = tpu.vector_load %arg11[%swap3A_1470, %swap3A_1471] {strides = array<i32>} : memref<128x64xf32, #tpu.memory_space<vmem>>, vector<1x16xf32>,
        %swap3A_1473 = vector.shape_cast %swap3A_1472 : vector<1x16xf32> to vector<16xf32>
        %swap3A_1474 = vector.shape_cast %add3A_1469 : vector<16xf32> to vector<1x16xf32>
        tpu.vector_store %arg11[%swap3A_1470, %swap3A_1471], %swap3A_1474 {strides = array<i32>} : memref<128x64xf32, #tpu.memory_space<vmem>>, vector<1x16xf32>,
      }
      %scan3A_55 = arith.constant 8 : i32
      %mul3A_56 = arith.constant 128 : i32
      %mul3A_57 = arith.muli %add3A_33, %mul3A_56 : i32
      %add3A_58 = arith.addi %mul3A_2, %mul3A_57 : i32
      %dma_start3A_59 = arith.constant 0 : i32
      %dma_start3A_60 = tpu.memref_slice %arg5[%add3A_58, %dma_start3A_59] : memref<204800x64xf32, #tpu.memory_space<hbm>> -> memref<128x64xf32, #tpu.memory_space<hbm>>
      %dma_start3A_61 = arith.constant 0 : i32
      %dma_start3A_62 = tpu.memref_slice %arg5[%add3A_58, %dma_start3A_61] : memref<204800x64xf32, #tpu.memory_space<hbm>> -> memref<128x64xf32, #tpu.memory_space<hbm>>
      tpu.enqueue_dma source(%arg11 : memref<128x64xf32, #tpu.memory_space<vmem>>) target(%dma_start3A_62 : memref<128x64xf32, #tpu.memory_space<hbm>>) target_semaphore(%arg16 : memref<!tpu.dma_semaphore, #tpu.memory_space<semaphore_mem>>)
      %mul3A_63 = arith.constant 2 : i32
      %mul3A_64 = arith.muli %mul3A_63, %scan3A_29 : i32
      %add3A_65 = arith.constant 1 : i32
      %add3A_66 = arith.addi %mul3A_64, %add3A_65 : i32
      %lt3A = arith.constant 24 : i32
      %lt3A_67 = arith.cmpi slt, %scan3A_29, %lt3A : i32
      %convert_element_type3A_68 = arith.extui %lt3A_67 : i1 to i32
      %cond3A_69 = arith.constant 0 : i32
      %cond3A_70 = arith.cmpi ne, %convert_element_type3A_68, %cond3A_69 : i32
      scf.if %cond3A_70 {
        %add3A_95 = arith.constant 1 : i32
        %add3A_96 = arith.addi %add3A_66, %add3A_95 : i32
        %mul3A_97 = arith.constant 128 : i32
        %mul3A_98 = arith.muli %add3A_96, %mul3A_97 : i32
        %dma_start3A_99 = tpu.memref_slice %arg7[%mul3A_98] : memref<6400xi32, #tpu.memory_space<vmem>> -> memref<128xi32, #tpu.memory_space<vmem>>
        %dma_start3A_100 = arith.constant 0 : i32
        %dma_start3A_101 = arith.constant 0 : i32
        %dma_start3A_102 = tpu.memref_slice %arg3[%dma_start3A_100, %dma_start3A_101] : memref<512000x128xf32, #tpu.memory_space<hbm>> -> memref<512000x128xf32, #tpu.memory_space<hbm>>
        tpu.enqueue_indirect_dma source(%dma_start3A_102 : memref<512000x128xf32, #tpu.memory_space<hbm>>) target(%arg9 : memref<128x128xf32, #tpu.memory_space<vmem>>) offsets(%dma_start3A_99 : memref<128xi32, #tpu.memory_space<vmem>>) semaphore(%arg14 : memref<!tpu.dma_semaphore, #tpu.memory_space<semaphore_mem>>)
      } else {
      }
      %mul3A_71 = arith.constant 128 : i32
      %mul3A_72 = arith.muli %add3A_66, %mul3A_71 : i32
      %dma_wait3A_73 = tpu.memref_slice %arg7[%mul3A_72] : memref<6400xi32, #tpu.memory_space<vmem>> -> memref<128xi32, #tpu.memory_space<vmem>>
      %dma_wait3A_74 = arith.constant 0 : i32
      %dma_wait3A_75 = arith.constant 0 : i32
      %dma_wait3A_76 = tpu.memref_slice %arg3[%dma_wait3A_74, %dma_wait3A_75] : memref<512000x128xf32, #tpu.memory_space<hbm>> -> memref<512000x128xf32, #tpu.memory_space<hbm>>
      tpu.wait_indirect_dma semaphore(%arg15 : memref<!tpu.dma_semaphore, #tpu.memory_space<semaphore_mem>>) src(%dma_wait3A_76 : memref<512000x128xf32, #tpu.memory_space<hbm>>) dst(%arg10 : memref<128x128xf32, #tpu.memory_space<vmem>>)
      %gt3A_77 = arith.constant 0 : i32
      %gt3A_78 = arith.cmpi sgt, %scan3A_29, %gt3A_77 : i32
      %convert_element_type3A_79 = arith.extui %gt3A_78 : i1 to i32
      %cond3A_80 = arith.constant 0 : i32
      %cond3A_81 = arith.cmpi ne, %convert_element_type3A_79, %cond3A_80 : i32
      scf.if %cond3A_81 {
        %sub3A = arith.constant 2 : i32
        %sub3A_95 = arith.subi %add3A_66, %sub3A : i32
        %mul3A_96 = arith.constant 128 : i32
        %mul3A_97 = arith.muli %sub3A_95, %mul3A_96 : i32
        %add3A_98 = arith.addi %mul3A_2, %mul3A_97 : i32
        %dma_wait3A_99 = arith.constant 0 : i32
        %dma_wait3A_100 = tpu.memref_slice %arg5[%add3A_98, %dma_wait3A_99] : memref<204800x64xf32, #tpu.memory_space<hbm>> -> memref<128x64xf32, #tpu.memory_space<hbm>>
        %dma_wait3A_101 = arith.constant 0 : i32
        %dma_wait3A_102 = tpu.memref_slice %arg5[%add3A_98, %dma_wait3A_101] : memref<204800x64xf32, #tpu.memory_space<hbm>> -> memref<128x64xf32, #tpu.memory_space<hbm>>
        tpu.wait_dma2 semaphore(%arg17 : memref<!tpu.dma_semaphore, #tpu.memory_space<semaphore_mem>>) src(%arg12 : memref<128x64xf32, #tpu.memory_space<vmem>>) dst(%dma_wait3A_102 : memref<128x64xf32, #tpu.memory_space<hbm>>)
      } else {
      }
      %scan3A_82 = arith.constant 0 : i32
      %scan3A_83 = arith.constant 0 : i32
      %scan3A_84 = arith.constant 8 : i32
      %scan3A_85 = arith.addi %scan3A_83, %scan3A_84 : i32
      %scan3A_86 = arith.constant 1 : i32
      scf.for %scan3A_95 = %scan3A_83 to %scan3A_85 step %scan3A_86  : i32 {
        %mul3A_96 = arith.constant 128 : i32
        %mul3A_97 = arith.muli %add3A_66, %mul3A_96 : i32
        %mul3A_98 = arith.constant 16 : i32
        %mul3A_99 = arith.muli %scan3A_95, %mul3A_98 : i32
        %add3A_100 = arith.addi %mul3A_97, %mul3A_99 : i32
        %get3A = arith.index_cast %add3A_100 : i32 to index
        %get3A_101 = tpu.vector_load %arg8[%get3A] {strides = array<i32>} : memref<6400xi32, #tpu.memory_space<vmem>>, vector<16xi32>,
        %get3A_102 = vector.shape_cast %get3A_101 : vector<16xi32> to vector<16xi32>
        %slice3A = vector.extract_strided_slice %get3A_102 {offsets = [0], sizes = [1], strides = [1]} : vector<16xi32> to vector<1xi32>
        %squeeze3A = vector.extract %slice3A[0] : i32 from vector<1xi32>
        %mul3A_103 = arith.constant 16 : i32
        %mul3A_104 = arith.muli %scan3A_95, %mul3A_103 : i32
        %add3A_105 = arith.constant 0 : i32
        %add3A_106 = arith.addi %mul3A_104, %add3A_105 : i32
        %add3A_107 = arith.constant 0 : i32
        %add3A_108 = arith.addi %add3A_100, %add3A_107 : i32
        %rem3A = arith.constant 200 : i32
        %rem3A_109 = arith.remsi %add3A_108, %rem3A : i32
        %add3A_110 = arith.constant 0 : i32
        %add3A_111 = arith.addi %squeeze3A, %add3A_110 : i32
        %get3A_112 = arith.index_cast %add3A_106 : i32 to index
        %get3A_113 = arith.index_cast %add3A_111 : i32 to index
        %get3A_114 = tpu.vector_load %arg10[%get3A_112, %get3A_113] {strides = array<i32>} : memref<128x128xf32, #tpu.memory_space<vmem>>, vector<1x16xf32>,
        %get3A_115 = vector.shape_cast %get3A_114 : vector<1x16xf32> to vector<16xf32>
        %mul3A_116 = arith.constant 8.000000e+00 : f32
        %mul3A_117 = vector.broadcast %mul3A_116 : f32 to vector<16xf32>
        %mul3A_118 = arith.mulf %get3A_115, %mul3A_117 : vector<16xf32>
        %get3A_119 = arith.index_cast %rem3A_109 : i32 to index
        %get3A_120 = arith.constant 0 : index
        %get3A_121 = tpu.vector_load %arg13[%get3A_119, %get3A_120] {strides = array<i32>} : memref<200x64xf32, #tpu.memory_space<vmem>>, vector<1x16xf32>,
        %get3A_122 = vector.shape_cast %get3A_121 : vector<1x16xf32> to vector<16xf32>
        %add3A_123 = arith.addf %mul3A_118, %get3A_122 : vector<16xf32>
        %swap3A = arith.index_cast %add3A_106 : i32 to index
        %swap3A_124 = arith.constant 0 : index
        %swap3A_125 = tpu.vector_load %arg12[%swap3A, %swap3A_124] {strides = array<i32>} : memref<128x64xf32, #tpu.memory_space<vmem>>, vector<1x16xf32>,
        %swap3A_126 = vector.shape_cast %swap3A_125 : vector<1x16xf32> to vector<16xf32>
        %swap3A_127 = vector.shape_cast %add3A_123 : vector<16xf32> to vector<1x16xf32>
        tpu.vector_store %arg12[%swap3A, %swap3A_124], %swap3A_127 {strides = array<i32>} : memref<128x64xf32, #tpu.memory_space<vmem>>, vector<1x16xf32>,
        %add3A_128 = arith.constant 16 : i32
        %add3A_129 = arith.addi %squeeze3A, %add3A_128 : i32
        %get3A_130 = arith.index_cast %add3A_106 : i32 to index
        %get3A_131 = arith.index_cast %add3A_129 : i32 to index
        %get3A_132 = tpu.vector_load %arg10[%get3A_130, %get3A_131] {strides = array<i32>} : memref<128x128xf32, #tpu.memory_space<vmem>>, vector<1x16xf32>,
        %get3A_133 = vector.shape_cast %get3A_132 : vector<1x16xf32> to vector<16xf32>
        %mul3A_134 = arith.constant 8.000000e+00 : f32
        %mul3A_135 = vector.broadcast %mul3A_134 : f32 to vector<16xf32>
        %mul3A_136 = arith.mulf %get3A_133, %mul3A_135 : vector<16xf32>
        %get3A_137 = arith.index_cast %rem3A_109 : i32 to index
        %get3A_138 = arith.constant 16 : index
        %get3A_139 = tpu.vector_load %arg13[%get3A_137, %get3A_138] {strides = array<i32>} : memref<200x64xf32, #tpu.memory_space<vmem>>, vector<1x16xf32>,
        %get3A_140 = vector.shape_cast %get3A_139 : vector<1x16xf32> to vector<16xf32>
        %add3A_141 = arith.addf %mul3A_136, %get3A_140 : vector<16xf32>
        %swap3A_142 = arith.index_cast %add3A_106 : i32 to index
        %swap3A_143 = arith.constant 16 : index
        %swap3A_144 = tpu.vector_load %arg12[%swap3A_142, %swap3A_143] {strides = array<i32>} : memref<128x64xf32, #tpu.memory_space<vmem>>, vector<1x16xf32>,
        %swap3A_145 = vector.shape_cast %swap3A_144 : vector<1x16xf32> to vector<16xf32>
        %swap3A_146 = vector.shape_cast %add3A_141 : vector<16xf32> to vector<1x16xf32>
        tpu.vector_store %arg12[%swap3A_142, %swap3A_143], %swap3A_146 {strides = array<i32>} : memref<128x64xf32, #tpu.memory_space<vmem>>, vector<1x16xf32>,
        %add3A_147 = arith.constant 32 : i32
        %add3A_148 = arith.addi %squeeze3A, %add3A_147 : i32
        %get3A_149 = arith.index_cast %add3A_106 : i32 to index
        %get3A_150 = arith.index_cast %add3A_148 : i32 to index
        %get3A_151 = tpu.vector_load %arg10[%get3A_149, %get3A_150] {strides = array<i32>} : memref<128x128xf32, #tpu.memory_space<vmem>>, vector<1x16xf32>,
        %get3A_152 = vector.shape_cast %get3A_151 : vector<1x16xf32> to vector<16xf32>
        %mul3A_153 = arith.constant 8.000000e+00 : f32
        %mul3A_154 = vector.broadcast %mul3A_153 : f32 to vector<16xf32>
        %mul3A_155 = arith.mulf %get3A_152, %mul3A_154 : vector<16xf32>
        %get3A_156 = arith.index_cast %rem3A_109 : i32 to index
        %get3A_157 = arith.constant 32 : index
        %get3A_158 = tpu.vector_load %arg13[%get3A_156, %get3A_157] {strides = array<i32>} : memref<200x64xf32, #tpu.memory_space<vmem>>, vector<1x16xf32>,
        %get3A_159 = vector.shape_cast %get3A_158 : vector<1x16xf32> to vector<16xf32>
        %add3A_160 = arith.addf %mul3A_155, %get3A_159 : vector<16xf32>
        %swap3A_161 = arith.index_cast %add3A_106 : i32 to index
        %swap3A_162 = arith.constant 32 : index
        %swap3A_163 = tpu.vector_load %arg12[%swap3A_161, %swap3A_162] {strides = array<i32>} : memref<128x64xf32, #tpu.memory_space<vmem>>, vector<1x16xf32>,
        %swap3A_164 = vector.shape_cast %swap3A_163 : vector<1x16xf32> to vector<16xf32>
        %swap3A_165 = vector.shape_cast %add3A_160 : vector<16xf32> to vector<1x16xf32>
        tpu.vector_store %arg12[%swap3A_161, %swap3A_162], %swap3A_165 {strides = array<i32>} : memref<128x64xf32, #tpu.memory_space<vmem>>, vector<1x16xf32>,
        %add3A_166 = arith.constant 48 : i32
        %add3A_167 = arith.addi %squeeze3A, %add3A_166 : i32
        %get3A_168 = arith.index_cast %add3A_106 : i32 to index
        %get3A_169 = arith.index_cast %add3A_167 : i32 to index
        %get3A_170 = tpu.vector_load %arg10[%get3A_168, %get3A_169] {strides = array<i32>} : memref<128x128xf32, #tpu.memory_space<vmem>>, vector<1x16xf32>,
        %get3A_171 = vector.shape_cast %get3A_170 : vector<1x16xf32> to vector<16xf32>
        %mul3A_172 = arith.constant 8.000000e+00 : f32
        %mul3A_173 = vector.broadcast %mul3A_172 : f32 to vector<16xf32>
        %mul3A_174 = arith.mulf %get3A_171, %mul3A_173 : vector<16xf32>
        %get3A_175 = arith.index_cast %rem3A_109 : i32 to index
        %get3A_176 = arith.constant 48 : index
        %get3A_177 = tpu.vector_load %arg13[%get3A_175, %get3A_176] {strides = array<i32>} : memref<200x64xf32, #tpu.memory_space<vmem>>, vector<1x16xf32>,
        %get3A_178 = vector.shape_cast %get3A_177 : vector<1x16xf32> to vector<16xf32>
        %add3A_179 = arith.addf %mul3A_174, %get3A_178 : vector<16xf32>
        %swap3A_180 = arith.index_cast %add3A_106 : i32 to index
        %swap3A_181 = arith.constant 48 : index
        %swap3A_182 = tpu.vector_load %arg12[%swap3A_180, %swap3A_181] {strides = array<i32>} : memref<128x64xf32, #tpu.memory_space<vmem>>, vector<1x16xf32>,
        %swap3A_183 = vector.shape_cast %swap3A_182 : vector<1x16xf32> to vector<16xf32>
        %swap3A_184 = vector.shape_cast %add3A_179 : vector<16xf32> to vector<1x16xf32>
        tpu.vector_store %arg12[%swap3A_180, %swap3A_181], %swap3A_184 {strides = array<i32>} : memref<128x64xf32, #tpu.memory_space<vmem>>, vector<1x16xf32>,
        %slice3A_185 = vector.extract_strided_slice %get3A_102 {offsets = [1], sizes = [1], strides = [1]} : vector<16xi32> to vector<1xi32>
        %squeeze3A_186 = vector.extract %slice3A_185[0] : i32 from vector<1xi32>
        %mul3A_187 = arith.constant 16 : i32
        %mul3A_188 = arith.muli %scan3A_95, %mul3A_187 : i32
        %add3A_189 = arith.constant 1 : i32
        %add3A_190 = arith.addi %mul3A_188, %add3A_189 : i32
        %add3A_191 = arith.constant 1 : i32
        %add3A_192 = arith.addi %add3A_100, %add3A_191 : i32
        %rem3A_193 = arith.constant 200 : i32
        %rem3A_194 = arith.remsi %add3A_192, %rem3A_193 : i32
        %add3A_195 = arith.constant 0 : i32
        %add3A_196 = arith.addi %squeeze3A_186, %add3A_195 : i32
        %get3A_197 = arith.index_cast %add3A_190 : i32 to index
        %get3A_198 = arith.index_cast %add3A_196 : i32 to index
        %get3A_199 = tpu.vector_load %arg10[%get3A_197, %get3A_198] {strides = array<i32>} : memref<128x128xf32, #tpu.memory_space<vmem>>, vector<1x16xf32>,
        %get3A_200 = vector.shape_cast %get3A_199 : vector<1x16xf32> to vector<16xf32>
        %mul3A_201 = arith.constant 8.000000e+00 : f32
        %mul3A_202 = vector.broadcast %mul3A_201 : f32 to vector<16xf32>
        %mul3A_203 = arith.mulf %get3A_200, %mul3A_202 : vector<16xf32>
        %get3A_204 = arith.index_cast %rem3A_194 : i32 to index
        %get3A_205 = arith.constant 0 : index
        %get3A_206 = tpu.vector_load %arg13[%get3A_204, %get3A_205] {strides = array<i32>} : memref<200x64xf32, #tpu.memory_space<vmem>>, vector<1x16xf32>,
        %get3A_207 = vector.shape_cast %get3A_206 : vector<1x16xf32> to vector<16xf32>
        %add3A_208 = arith.addf %mul3A_203, %get3A_207 : vector<16xf32>
        %swap3A_209 = arith.index_cast %add3A_190 : i32 to index
        %swap3A_210 = arith.constant 0 : index
        %swap3A_211 = tpu.vector_load %arg12[%swap3A_209, %swap3A_210] {strides = array<i32>} : memref<128x64xf32, #tpu.memory_space<vmem>>, vector<1x16xf32>,
        %swap3A_212 = vector.shape_cast %swap3A_211 : vector<1x16xf32> to vector<16xf32>
        %swap3A_213 = vector.shape_cast %add3A_208 : vector<16xf32> to vector<1x16xf32>
        tpu.vector_store %arg12[%swap3A_209, %swap3A_210], %swap3A_213 {strides = array<i32>} : memref<128x64xf32, #tpu.memory_space<vmem>>, vector<1x16xf32>,
        %add3A_214 = arith.constant 16 : i32
        %add3A_215 = arith.addi %squeeze3A_186, %add3A_214 : i32
        %get3A_216 = arith.index_cast %add3A_190 : i32 to index
        %get3A_217 = arith.index_cast %add3A_215 : i32 to index
        %get3A_218 = tpu.vector_load %arg10[%get3A_216, %get3A_217] {strides = array<i32>} : memref<128x128xf32, #tpu.memory_space<vmem>>, vector<1x16xf32>,
        %get3A_219 = vector.shape_cast %get3A_218 : vector<1x16xf32> to vector<16xf32>
        %mul3A_220 = arith.constant 8.000000e+00 : f32
        %mul3A_221 = vector.broadcast %mul3A_220 : f32 to vector<16xf32>
        %mul3A_222 = arith.mulf %get3A_219, %mul3A_221 : vector<16xf32>
        %get3A_223 = arith.index_cast %rem3A_194 : i32 to index
        %get3A_224 = arith.constant 16 : index
        %get3A_225 = tpu.vector_load %arg13[%get3A_223, %get3A_224] {strides = array<i32>} : memref<200x64xf32, #tpu.memory_space<vmem>>, vector<1x16xf32>,
        %get3A_226 = vector.shape_cast %get3A_225 : vector<1x16xf32> to vector<16xf32>
        %add3A_227 = arith.addf %mul3A_222, %get3A_226 : vector<16xf32>
        %swap3A_228 = arith.index_cast %add3A_190 : i32 to index
        %swap3A_229 = arith.constant 16 : index
        %swap3A_230 = tpu.vector_load %arg12[%swap3A_228, %swap3A_229] {strides = array<i32>} : memref<128x64xf32, #tpu.memory_space<vmem>>, vector<1x16xf32>,
        %swap3A_231 = vector.shape_cast %swap3A_230 : vector<1x16xf32> to vector<16xf32>
        %swap3A_232 = vector.shape_cast %add3A_227 : vector<16xf32> to vector<1x16xf32>
        tpu.vector_store %arg12[%swap3A_228, %swap3A_229], %swap3A_232 {strides = array<i32>} : memref<128x64xf32, #tpu.memory_space<vmem>>, vector<1x16xf32>,
        %add3A_233 = arith.constant 32 : i32
        %add3A_234 = arith.addi %squeeze3A_186, %add3A_233 : i32
        %get3A_235 = arith.index_cast %add3A_190 : i32 to index
        %get3A_236 = arith.index_cast %add3A_234 : i32 to index
        %get3A_237 = tpu.vector_load %arg10[%get3A_235, %get3A_236] {strides = array<i32>} : memref<128x128xf32, #tpu.memory_space<vmem>>, vector<1x16xf32>,
        %get3A_238 = vector.shape_cast %get3A_237 : vector<1x16xf32> to vector<16xf32>
        %mul3A_239 = arith.constant 8.000000e+00 : f32
        %mul3A_240 = vector.broadcast %mul3A_239 : f32 to vector<16xf32>
        %mul3A_241 = arith.mulf %get3A_238, %mul3A_240 : vector<16xf32>
        %get3A_242 = arith.index_cast %rem3A_194 : i32 to index
        %get3A_243 = arith.constant 32 : index
        %get3A_244 = tpu.vector_load %arg13[%get3A_242, %get3A_243] {strides = array<i32>} : memref<200x64xf32, #tpu.memory_space<vmem>>, vector<1x16xf32>,
        %get3A_245 = vector.shape_cast %get3A_244 : vector<1x16xf32> to vector<16xf32>
        %add3A_246 = arith.addf %mul3A_241, %get3A_245 : vector<16xf32>
        %swap3A_247 = arith.index_cast %add3A_190 : i32 to index
        %swap3A_248 = arith.constant 32 : index
        %swap3A_249 = tpu.vector_load %arg12[%swap3A_247, %swap3A_248] {strides = array<i32>} : memref<128x64xf32, #tpu.memory_space<vmem>>, vector<1x16xf32>,
        %swap3A_250 = vector.shape_cast %swap3A_249 : vector<1x16xf32> to vector<16xf32>
        %swap3A_251 = vector.shape_cast %add3A_246 : vector<16xf32> to vector<1x16xf32>
        tpu.vector_store %arg12[%swap3A_247, %swap3A_248], %swap3A_251 {strides = array<i32>} : memref<128x64xf32, #tpu.memory_space<vmem>>, vector<1x16xf32>,
        %add3A_252 = arith.constant 48 : i32
        %add3A_253 = arith.addi %squeeze3A_186, %add3A_252 : i32
        %get3A_254 = arith.index_cast %add3A_190 : i32 to index
        %get3A_255 = arith.index_cast %add3A_253 : i32 to index
        %get3A_256 = tpu.vector_load %arg10[%get3A_254, %get3A_255] {strides = array<i32>} : memref<128x128xf32, #tpu.memory_space<vmem>>, vector<1x16xf32>,
        %get3A_257 = vector.shape_cast %get3A_256 : vector<1x16xf32> to vector<16xf32>
        %mul3A_258 = arith.constant 8.000000e+00 : f32
        %mul3A_259 = vector.broadcast %mul3A_258 : f32 to vector<16xf32>
        %mul3A_260 = arith.mulf %get3A_257, %mul3A_259 : vector<16xf32>
        %get3A_261 = arith.index_cast %rem3A_194 : i32 to index
        %get3A_262 = arith.constant 48 : index
        %get3A_263 = tpu.vector_load %arg13[%get3A_261, %get3A_262] {strides = array<i32>} : memref<200x64xf32, #tpu.memory_space<vmem>>, vector<1x16xf32>,
        %get3A_264 = vector.shape_cast %get3A_263 : vector<1x16xf32> to vector<16xf32>
        %add3A_265 = arith.addf %mul3A_260, %get3A_264 : vector<16xf32>
        %swap3A_266 = arith.index_cast %add3A_190 : i32 to index
        %swap3A_267 = arith.constant 48 : index
        %swap3A_268 = tpu.vector_load %arg12[%swap3A_266, %swap3A_267] {strides = array<i32>} : memref<128x64xf32, #tpu.memory_space<vmem>>, vector<1x16xf32>,
        %swap3A_269 = vector.shape_cast %swap3A_268 : vector<1x16xf32> to vector<16xf32>
        %swap3A_270 = vector.shape_cast %add3A_265 : vector<16xf32> to vector<1x16xf32>
        tpu.vector_store %arg12[%swap3A_266, %swap3A_267], %swap3A_270 {strides = array<i32>} : memref<128x64xf32, #tpu.memory_space<vmem>>, vector<1x16xf32>,
        %slice3A_271 = vector.extract_strided_slice %get3A_102 {offsets = [2], sizes = [1], strides = [1]} : vector<16xi32> to vector<1xi32>
        %squeeze3A_272 = vector.extract %slice3A_271[0] : i32 from vector<1xi32>
        %mul3A_273 = arith.constant 16 : i32
        %mul3A_274 = arith.muli %scan3A_95, %mul3A_273 : i32
        %add3A_275 = arith.constant 2 : i32
        %add3A_276 = arith.addi %mul3A_274, %add3A_275 : i32
        %add3A_277 = arith.constant 2 : i32
        %add3A_278 = arith.addi %add3A_100, %add3A_277 : i32
        %rem3A_279 = arith.constant 200 : i32
        %rem3A_280 = arith.remsi %add3A_278, %rem3A_279 : i32
        %add3A_281 = arith.constant 0 : i32
        %add3A_282 = arith.addi %squeeze3A_272, %add3A_281 : i32
        %get3A_283 = arith.index_cast %add3A_276 : i32 to index
        %get3A_284 = arith.index_cast %add3A_282 : i32 to index
        %get3A_285 = tpu.vector_load %arg10[%get3A_283, %get3A_284] {strides = array<i32>} : memref<128x128xf32, #tpu.memory_space<vmem>>, vector<1x16xf32>,
        %get3A_286 = vector.shape_cast %get3A_285 : vector<1x16xf32> to vector<16xf32>
        %mul3A_287 = arith.constant 8.000000e+00 : f32
        %mul3A_288 = vector.broadcast %mul3A_287 : f32 to vector<16xf32>
        %mul3A_289 = arith.mulf %get3A_286, %mul3A_288 : vector<16xf32>
        %get3A_290 = arith.index_cast %rem3A_280 : i32 to index
        %get3A_291 = arith.constant 0 : index
        %get3A_292 = tpu.vector_load %arg13[%get3A_290, %get3A_291] {strides = array<i32>} : memref<200x64xf32, #tpu.memory_space<vmem>>, vector<1x16xf32>,
        %get3A_293 = vector.shape_cast %get3A_292 : vector<1x16xf32> to vector<16xf32>
        %add3A_294 = arith.addf %mul3A_289, %get3A_293 : vector<16xf32>
        %swap3A_295 = arith.index_cast %add3A_276 : i32 to index
        %swap3A_296 = arith.constant 0 : index
        %swap3A_297 = tpu.vector_load %arg12[%swap3A_295, %swap3A_296] {strides = array<i32>} : memref<128x64xf32, #tpu.memory_space<vmem>>, vector<1x16xf32>,
        %swap3A_298 = vector.shape_cast %swap3A_297 : vector<1x16xf32> to vector<16xf32>
        %swap3A_299 = vector.shape_cast %add3A_294 : vector<16xf32> to vector<1x16xf32>
        tpu.vector_store %arg12[%swap3A_295, %swap3A_296], %swap3A_299 {strides = array<i32>} : memref<128x64xf32, #tpu.memory_space<vmem>>, vector<1x16xf32>,
        %add3A_300 = arith.constant 16 : i32
        %add3A_301 = arith.addi %squeeze3A_272, %add3A_300 : i32
        %get3A_302 = arith.index_cast %add3A_276 : i32 to index
        %get3A_303 = arith.index_cast %add3A_301 : i32 to index
        %get3A_304 = tpu.vector_load %arg10[%get3A_302, %get3A_303] {strides = array<i32>} : memref<128x128xf32, #tpu.memory_space<vmem>>, vector<1x16xf32>,
        %get3A_305 = vector.shape_cast %get3A_304 : vector<1x16xf32> to vector<16xf32>
        %mul3A_306 = arith.constant 8.000000e+00 : f32
        %mul3A_307 = vector.broadcast %mul3A_306 : f32 to vector<16xf32>
        %mul3A_308 = arith.mulf %get3A_305, %mul3A_307 : vector<16xf32>
        %get3A_309 = arith.index_cast %rem3A_280 : i32 to index
        %get3A_310 = arith.constant 16 : index
        %get3A_311 = tpu.vector_load %arg13[%get3A_309, %get3A_310] {strides = array<i32>} : memref<200x64xf32, #tpu.memory_space<vmem>>, vector<1x16xf32>,
        %get3A_312 = vector.shape_cast %get3A_311 : vector<1x16xf32> to vector<16xf32>
        %add3A_313 = arith.addf %mul3A_308, %get3A_312 : vector<16xf32>
        %swap3A_314 = arith.index_cast %add3A_276 : i32 to index
        %swap3A_315 = arith.constant 16 : index
        %swap3A_316 = tpu.vector_load %arg12[%swap3A_314, %swap3A_315] {strides = array<i32>} : memref<128x64xf32, #tpu.memory_space<vmem>>, vector<1x16xf32>,
        %swap3A_317 = vector.shape_cast %swap3A_316 : vector<1x16xf32> to vector<16xf32>
        %swap3A_318 = vector.shape_cast %add3A_313 : vector<16xf32> to vector<1x16xf32>
        tpu.vector_store %arg12[%swap3A_314, %swap3A_315], %swap3A_318 {strides = array<i32>} : memref<128x64xf32, #tpu.memory_space<vmem>>, vector<1x16xf32>,
        %add3A_319 = arith.constant 32 : i32
        %add3A_320 = arith.addi %squeeze3A_272, %add3A_319 : i32
        %get3A_321 = arith.index_cast %add3A_276 : i32 to index
        %get3A_322 = arith.index_cast %add3A_320 : i32 to index
        %get3A_323 = tpu.vector_load %arg10[%get3A_321, %get3A_322] {strides = array<i32>} : memref<128x128xf32, #tpu.memory_space<vmem>>, vector<1x16xf32>,
        %get3A_324 = vector.shape_cast %get3A_323 : vector<1x16xf32> to vector<16xf32>
        %mul3A_325 = arith.constant 8.000000e+00 : f32
        %mul3A_326 = vector.broadcast %mul3A_325 : f32 to vector<16xf32>
        %mul3A_327 = arith.mulf %get3A_324, %mul3A_326 : vector<16xf32>
        %get3A_328 = arith.index_cast %rem3A_280 : i32 to index
        %get3A_329 = arith.constant 32 : index
        %get3A_330 = tpu.vector_load %arg13[%get3A_328, %get3A_329] {strides = array<i32>} : memref<200x64xf32, #tpu.memory_space<vmem>>, vector<1x16xf32>,
        %get3A_331 = vector.shape_cast %get3A_330 : vector<1x16xf32> to vector<16xf32>
        %add3A_332 = arith.addf %mul3A_327, %get3A_331 : vector<16xf32>
        %swap3A_333 = arith.index_cast %add3A_276 : i32 to index
        %swap3A_334 = arith.constant 32 : index
        %swap3A_335 = tpu.vector_load %arg12[%swap3A_333, %swap3A_334] {strides = array<i32>} : memref<128x64xf32, #tpu.memory_space<vmem>>, vector<1x16xf32>,
        %swap3A_336 = vector.shape_cast %swap3A_335 : vector<1x16xf32> to vector<16xf32>
        %swap3A_337 = vector.shape_cast %add3A_332 : vector<16xf32> to vector<1x16xf32>
        tpu.vector_store %arg12[%swap3A_333, %swap3A_334], %swap3A_337 {strides = array<i32>} : memref<128x64xf32, #tpu.memory_space<vmem>>, vector<1x16xf32>,
        %add3A_338 = arith.constant 48 : i32
        %add3A_339 = arith.addi %squeeze3A_272, %add3A_338 : i32
        %get3A_340 = arith.index_cast %add3A_276 : i32 to index
        %get3A_341 = arith.index_cast %add3A_339 : i32 to index
        %get3A_342 = tpu.vector_load %arg10[%get3A_340, %get3A_341] {strides = array<i32>} : memref<128x128xf32, #tpu.memory_space<vmem>>, vector<1x16xf32>,
        %get3A_343 = vector.shape_cast %get3A_342 : vector<1x16xf32> to vector<16xf32>
        %mul3A_344 = arith.constant 8.000000e+00 : f32
        %mul3A_345 = vector.broadcast %mul3A_344 : f32 to vector<16xf32>
        %mul3A_346 = arith.mulf %get3A_343, %mul3A_345 : vector<16xf32>
        %get3A_347 = arith.index_cast %rem3A_280 : i32 to index
        %get3A_348 = arith.constant 48 : index
        %get3A_349 = tpu.vector_load %arg13[%get3A_347, %get3A_348] {strides = array<i32>} : memref<200x64xf32, #tpu.memory_space<vmem>>, vector<1x16xf32>,
        %get3A_350 = vector.shape_cast %get3A_349 : vector<1x16xf32> to vector<16xf32>
        %add3A_351 = arith.addf %mul3A_346, %get3A_350 : vector<16xf32>
        %swap3A_352 = arith.index_cast %add3A_276 : i32 to index
        %swap3A_353 = arith.constant 48 : index
        %swap3A_354 = tpu.vector_load %arg12[%swap3A_352, %swap3A_353] {strides = array<i32>} : memref<128x64xf32, #tpu.memory_space<vmem>>, vector<1x16xf32>,
        %swap3A_355 = vector.shape_cast %swap3A_354 : vector<1x16xf32> to vector<16xf32>
        %swap3A_356 = vector.shape_cast %add3A_351 : vector<16xf32> to vector<1x16xf32>
        tpu.vector_store %arg12[%swap3A_352, %swap3A_353], %swap3A_356 {strides = array<i32>} : memref<128x64xf32, #tpu.memory_space<vmem>>, vector<1x16xf32>,
        %slice3A_357 = vector.extract_strided_slice %get3A_102 {offsets = [3], sizes = [1], strides = [1]} : vector<16xi32> to vector<1xi32>
        %squeeze3A_358 = vector.extract %slice3A_357[0] : i32 from vector<1xi32>
        %mul3A_359 = arith.constant 16 : i32
        %mul3A_360 = arith.muli %scan3A_95, %mul3A_359 : i32
        %add3A_361 = arith.constant 3 : i32
        %add3A_362 = arith.addi %mul3A_360, %add3A_361 : i32
        %add3A_363 = arith.constant 3 : i32
        %add3A_364 = arith.addi %add3A_100, %add3A_363 : i32
        %rem3A_365 = arith.constant 200 : i32
        %rem3A_366 = arith.remsi %add3A_364, %rem3A_365 : i32
        %add3A_367 = arith.constant 0 : i32
        %add3A_368 = arith.addi %squeeze3A_358, %add3A_367 : i32
        %get3A_369 = arith.index_cast %add3A_362 : i32 to index
        %get3A_370 = arith.index_cast %add3A_368 : i32 to index
        %get3A_371 = tpu.vector_load %arg10[%get3A_369, %get3A_370] {strides = array<i32>} : memref<128x128xf32, #tpu.memory_space<vmem>>, vector<1x16xf32>,
        %get3A_372 = vector.shape_cast %get3A_371 : vector<1x16xf32> to vector<16xf32>
        %mul3A_373 = arith.constant 8.000000e+00 : f32
        %mul3A_374 = vector.broadcast %mul3A_373 : f32 to vector<16xf32>
        %mul3A_375 = arith.mulf %get3A_372, %mul3A_374 : vector<16xf32>
        %get3A_376 = arith.index_cast %rem3A_366 : i32 to index
        %get3A_377 = arith.constant 0 : index
        %get3A_378 = tpu.vector_load %arg13[%get3A_376, %get3A_377] {strides = array<i32>} : memref<200x64xf32, #tpu.memory_space<vmem>>, vector<1x16xf32>,
        %get3A_379 = vector.shape_cast %get3A_378 : vector<1x16xf32> to vector<16xf32>
        %add3A_380 = arith.addf %mul3A_375, %get3A_379 : vector<16xf32>
        %swap3A_381 = arith.index_cast %add3A_362 : i32 to index
        %swap3A_382 = arith.constant 0 : index
        %swap3A_383 = tpu.vector_load %arg12[%swap3A_381, %swap3A_382] {strides = array<i32>} : memref<128x64xf32, #tpu.memory_space<vmem>>, vector<1x16xf32>,
        %swap3A_384 = vector.shape_cast %swap3A_383 : vector<1x16xf32> to vector<16xf32>
        %swap3A_385 = vector.shape_cast %add3A_380 : vector<16xf32> to vector<1x16xf32>
        tpu.vector_store %arg12[%swap3A_381, %swap3A_382], %swap3A_385 {strides = array<i32>} : memref<128x64xf32, #tpu.memory_space<vmem>>, vector<1x16xf32>,
        %add3A_386 = arith.constant 16 : i32
        %add3A_387 = arith.addi %squeeze3A_358, %add3A_386 : i32
        %get3A_388 = arith.index_cast %add3A_362 : i32 to index
        %get3A_389 = arith.index_cast %add3A_387 : i32 to index
        %get3A_390 = tpu.vector_load %arg10[%get3A_388, %get3A_389] {strides = array<i32>} : memref<128x128xf32, #tpu.memory_space<vmem>>, vector<1x16xf32>,
        %get3A_391 = vector.shape_cast %get3A_390 : vector<1x16xf32> to vector<16xf32>
        %mul3A_392 = arith.constant 8.000000e+00 : f32
        %mul3A_393 = vector.broadcast %mul3A_392 : f32 to vector<16xf32>
        %mul3A_394 = arith.mulf %get3A_391, %mul3A_393 : vector<16xf32>
        %get3A_395 = arith.index_cast %rem3A_366 : i32 to index
        %get3A_396 = arith.constant 16 : index
        %get3A_397 = tpu.vector_load %arg13[%get3A_395, %get3A_396] {strides = array<i32>} : memref<200x64xf32, #tpu.memory_space<vmem>>, vector<1x16xf32>,
        %get3A_398 = vector.shape_cast %get3A_397 : vector<1x16xf32> to vector<16xf32>
        %add3A_399 = arith.addf %mul3A_394, %get3A_398 : vector<16xf32>
        %swap3A_400 = arith.index_cast %add3A_362 : i32 to index
        %swap3A_401 = arith.constant 16 : index
        %swap3A_402 = tpu.vector_load %arg12[%swap3A_400, %swap3A_401] {strides = array<i32>} : memref<128x64xf32, #tpu.memory_space<vmem>>, vector<1x16xf32>,
        %swap3A_403 = vector.shape_cast %swap3A_402 : vector<1x16xf32> to vector<16xf32>
        %swap3A_404 = vector.shape_cast %add3A_399 : vector<16xf32> to vector<1x16xf32>
        tpu.vector_store %arg12[%swap3A_400, %swap3A_401], %swap3A_404 {strides = array<i32>} : memref<128x64xf32, #tpu.memory_space<vmem>>, vector<1x16xf32>,
        %add3A_405 = arith.constant 32 : i32
        %add3A_406 = arith.addi %squeeze3A_358, %add3A_405 : i32
        %get3A_407 = arith.index_cast %add3A_362 : i32 to index
        %get3A_408 = arith.index_cast %add3A_406 : i32 to index
        %get3A_409 = tpu.vector_load %arg10[%get3A_407, %get3A_408] {strides = array<i32>} : memref<128x128xf32, #tpu.memory_space<vmem>>, vector<1x16xf32>,
        %get3A_410 = vector.shape_cast %get3A_409 : vector<1x16xf32> to vector<16xf32>
        %mul3A_411 = arith.constant 8.000000e+00 : f32
        %mul3A_412 = vector.broadcast %mul3A_411 : f32 to vector<16xf32>
        %mul3A_413 = arith.mulf %get3A_410, %mul3A_412 : vector<16xf32>
        %get3A_414 = arith.index_cast %rem3A_366 : i32 to index
        %get3A_415 = arith.constant 32 : index
        %get3A_416 = tpu.vector_load %arg13[%get3A_414, %get3A_415] {strides = array<i32>} : memref<200x64xf32, #tpu.memory_space<vmem>>, vector<1x16xf32>,
        %get3A_417 = vector.shape_cast %get3A_416 : vector<1x16xf32> to vector<16xf32>
        %add3A_418 = arith.addf %mul3A_413, %get3A_417 : vector<16xf32>
        %swap3A_419 = arith.index_cast %add3A_362 : i32 to index
        %swap3A_420 = arith.constant 32 : index
        %swap3A_421 = tpu.vector_load %arg12[%swap3A_419, %swap3A_420] {strides = array<i32>} : memref<128x64xf32, #tpu.memory_space<vmem>>, vector<1x16xf32>,
        %swap3A_422 = vector.shape_cast %swap3A_421 : vector<1x16xf32> to vector<16xf32>
        %swap3A_423 = vector.shape_cast %add3A_418 : vector<16xf32> to vector<1x16xf32>
        tpu.vector_store %arg12[%swap3A_419, %swap3A_420], %swap3A_423 {strides = array<i32>} : memref<128x64xf32, #tpu.memory_space<vmem>>, vector<1x16xf32>,
        %add3A_424 = arith.constant 48 : i32
        %add3A_425 = arith.addi %squeeze3A_358, %add3A_424 : i32
        %get3A_426 = arith.index_cast %add3A_362 : i32 to index
        %get3A_427 = arith.index_cast %add3A_425 : i32 to index
        %get3A_428 = tpu.vector_load %arg10[%get3A_426, %get3A_427] {strides = array<i32>} : memref<128x128xf32, #tpu.memory_space<vmem>>, vector<1x16xf32>,
        %get3A_429 = vector.shape_cast %get3A_428 : vector<1x16xf32> to vector<16xf32>
        %mul3A_430 = arith.constant 8.000000e+00 : f32
        %mul3A_431 = vector.broadcast %mul3A_430 : f32 to vector<16xf32>
        %mul3A_432 = arith.mulf %get3A_429, %mul3A_431 : vector<16xf32>
        %get3A_433 = arith.index_cast %rem3A_366 : i32 to index
        %get3A_434 = arith.constant 48 : index
        %get3A_435 = tpu.vector_load %arg13[%get3A_433, %get3A_434] {strides = array<i32>} : memref<200x64xf32, #tpu.memory_space<vmem>>, vector<1x16xf32>,
        %get3A_436 = vector.shape_cast %get3A_435 : vector<1x16xf32> to vector<16xf32>
        %add3A_437 = arith.addf %mul3A_432, %get3A_436 : vector<16xf32>
        %swap3A_438 = arith.index_cast %add3A_362 : i32 to index
        %swap3A_439 = arith.constant 48 : index
        %swap3A_440 = tpu.vector_load %arg12[%swap3A_438, %swap3A_439] {strides = array<i32>} : memref<128x64xf32, #tpu.memory_space<vmem>>, vector<1x16xf32>,
        %swap3A_441 = vector.shape_cast %swap3A_440 : vector<1x16xf32> to vector<16xf32>
        %swap3A_442 = vector.shape_cast %add3A_437 : vector<16xf32> to vector<1x16xf32>
        tpu.vector_store %arg12[%swap3A_438, %swap3A_439], %swap3A_442 {strides = array<i32>} : memref<128x64xf32, #tpu.memory_space<vmem>>, vector<1x16xf32>,
        %slice3A_443 = vector.extract_strided_slice %get3A_102 {offsets = [4], sizes = [1], strides = [1]} : vector<16xi32> to vector<1xi32>
        %squeeze3A_444 = vector.extract %slice3A_443[0] : i32 from vector<1xi32>
        %mul3A_445 = arith.constant 16 : i32
        %mul3A_446 = arith.muli %scan3A_95, %mul3A_445 : i32
        %add3A_447 = arith.constant 4 : i32
        %add3A_448 = arith.addi %mul3A_446, %add3A_447 : i32
        %add3A_449 = arith.constant 4 : i32
        %add3A_450 = arith.addi %add3A_100, %add3A_449 : i32
        %rem3A_451 = arith.constant 200 : i32
        %rem3A_452 = arith.remsi %add3A_450, %rem3A_451 : i32
        %add3A_453 = arith.constant 0 : i32
        %add3A_454 = arith.addi %squeeze3A_444, %add3A_453 : i32
        %get3A_455 = arith.index_cast %add3A_448 : i32 to index
        %get3A_456 = arith.index_cast %add3A_454 : i32 to index
        %get3A_457 = tpu.vector_load %arg10[%get3A_455, %get3A_456] {strides = array<i32>} : memref<128x128xf32, #tpu.memory_space<vmem>>, vector<1x16xf32>,
        %get3A_458 = vector.shape_cast %get3A_457 : vector<1x16xf32> to vector<16xf32>
        %mul3A_459 = arith.constant 8.000000e+00 : f32
        %mul3A_460 = vector.broadcast %mul3A_459 : f32 to vector<16xf32>
        %mul3A_461 = arith.mulf %get3A_458, %mul3A_460 : vector<16xf32>
        %get3A_462 = arith.index_cast %rem3A_452 : i32 to index
        %get3A_463 = arith.constant 0 : index
        %get3A_464 = tpu.vector_load %arg13[%get3A_462, %get3A_463] {strides = array<i32>} : memref<200x64xf32, #tpu.memory_space<vmem>>, vector<1x16xf32>,
        %get3A_465 = vector.shape_cast %get3A_464 : vector<1x16xf32> to vector<16xf32>
        %add3A_466 = arith.addf %mul3A_461, %get3A_465 : vector<16xf32>
        %swap3A_467 = arith.index_cast %add3A_448 : i32 to index
        %swap3A_468 = arith.constant 0 : index
        %swap3A_469 = tpu.vector_load %arg12[%swap3A_467, %swap3A_468] {strides = array<i32>} : memref<128x64xf32, #tpu.memory_space<vmem>>, vector<1x16xf32>,
        %swap3A_470 = vector.shape_cast %swap3A_469 : vector<1x16xf32> to vector<16xf32>
        %swap3A_471 = vector.shape_cast %add3A_466 : vector<16xf32> to vector<1x16xf32>
        tpu.vector_store %arg12[%swap3A_467, %swap3A_468], %swap3A_471 {strides = array<i32>} : memref<128x64xf32, #tpu.memory_space<vmem>>, vector<1x16xf32>,
        %add3A_472 = arith.constant 16 : i32
        %add3A_473 = arith.addi %squeeze3A_444, %add3A_472 : i32
        %get3A_474 = arith.index_cast %add3A_448 : i32 to index
        %get3A_475 = arith.index_cast %add3A_473 : i32 to index
        %get3A_476 = tpu.vector_load %arg10[%get3A_474, %get3A_475] {strides = array<i32>} : memref<128x128xf32, #tpu.memory_space<vmem>>, vector<1x16xf32>,
        %get3A_477 = vector.shape_cast %get3A_476 : vector<1x16xf32> to vector<16xf32>
        %mul3A_478 = arith.constant 8.000000e+00 : f32
        %mul3A_479 = vector.broadcast %mul3A_478 : f32 to vector<16xf32>
        %mul3A_480 = arith.mulf %get3A_477, %mul3A_479 : vector<16xf32>
        %get3A_481 = arith.index_cast %rem3A_452 : i32 to index
        %get3A_482 = arith.constant 16 : index
        %get3A_483 = tpu.vector_load %arg13[%get3A_481, %get3A_482] {strides = array<i32>} : memref<200x64xf32, #tpu.memory_space<vmem>>, vector<1x16xf32>,
        %get3A_484 = vector.shape_cast %get3A_483 : vector<1x16xf32> to vector<16xf32>
        %add3A_485 = arith.addf %mul3A_480, %get3A_484 : vector<16xf32>
        %swap3A_486 = arith.index_cast %add3A_448 : i32 to index
        %swap3A_487 = arith.constant 16 : index
        %swap3A_488 = tpu.vector_load %arg12[%swap3A_486, %swap3A_487] {strides = array<i32>} : memref<128x64xf32, #tpu.memory_space<vmem>>, vector<1x16xf32>,
        %swap3A_489 = vector.shape_cast %swap3A_488 : vector<1x16xf32> to vector<16xf32>
        %swap3A_490 = vector.shape_cast %add3A_485 : vector<16xf32> to vector<1x16xf32>
        tpu.vector_store %arg12[%swap3A_486, %swap3A_487], %swap3A_490 {strides = array<i32>} : memref<128x64xf32, #tpu.memory_space<vmem>>, vector<1x16xf32>,
        %add3A_491 = arith.constant 32 : i32
        %add3A_492 = arith.addi %squeeze3A_444, %add3A_491 : i32
        %get3A_493 = arith.index_cast %add3A_448 : i32 to index
        %get3A_494 = arith.index_cast %add3A_492 : i32 to index
        %get3A_495 = tpu.vector_load %arg10[%get3A_493, %get3A_494] {strides = array<i32>} : memref<128x128xf32, #tpu.memory_space<vmem>>, vector<1x16xf32>,
        %get3A_496 = vector.shape_cast %get3A_495 : vector<1x16xf32> to vector<16xf32>
        %mul3A_497 = arith.constant 8.000000e+00 : f32
        %mul3A_498 = vector.broadcast %mul3A_497 : f32 to vector<16xf32>
        %mul3A_499 = arith.mulf %get3A_496, %mul3A_498 : vector<16xf32>
        %get3A_500 = arith.index_cast %rem3A_452 : i32 to index
        %get3A_501 = arith.constant 32 : index
        %get3A_502 = tpu.vector_load %arg13[%get3A_500, %get3A_501] {strides = array<i32>} : memref<200x64xf32, #tpu.memory_space<vmem>>, vector<1x16xf32>,
        %get3A_503 = vector.shape_cast %get3A_502 : vector<1x16xf32> to vector<16xf32>
        %add3A_504 = arith.addf %mul3A_499, %get3A_503 : vector<16xf32>
        %swap3A_505 = arith.index_cast %add3A_448 : i32 to index
        %swap3A_506 = arith.constant 32 : index
        %swap3A_507 = tpu.vector_load %arg12[%swap3A_505, %swap3A_506] {strides = array<i32>} : memref<128x64xf32, #tpu.memory_space<vmem>>, vector<1x16xf32>,
        %swap3A_508 = vector.shape_cast %swap3A_507 : vector<1x16xf32> to vector<16xf32>
        %swap3A_509 = vector.shape_cast %add3A_504 : vector<16xf32> to vector<1x16xf32>
        tpu.vector_store %arg12[%swap3A_505, %swap3A_506], %swap3A_509 {strides = array<i32>} : memref<128x64xf32, #tpu.memory_space<vmem>>, vector<1x16xf32>,
        %add3A_510 = arith.constant 48 : i32
        %add3A_511 = arith.addi %squeeze3A_444, %add3A_510 : i32
        %get3A_512 = arith.index_cast %add3A_448 : i32 to index
        %get3A_513 = arith.index_cast %add3A_511 : i32 to index
        %get3A_514 = tpu.vector_load %arg10[%get3A_512, %get3A_513] {strides = array<i32>} : memref<128x128xf32, #tpu.memory_space<vmem>>, vector<1x16xf32>,
        %get3A_515 = vector.shape_cast %get3A_514 : vector<1x16xf32> to vector<16xf32>
        %mul3A_516 = arith.constant 8.000000e+00 : f32
        %mul3A_517 = vector.broadcast %mul3A_516 : f32 to vector<16xf32>
        %mul3A_518 = arith.mulf %get3A_515, %mul3A_517 : vector<16xf32>
        %get3A_519 = arith.index_cast %rem3A_452 : i32 to index
        %get3A_520 = arith.constant 48 : index
        %get3A_521 = tpu.vector_load %arg13[%get3A_519, %get3A_520] {strides = array<i32>} : memref<200x64xf32, #tpu.memory_space<vmem>>, vector<1x16xf32>,
        %get3A_522 = vector.shape_cast %get3A_521 : vector<1x16xf32> to vector<16xf32>
        %add3A_523 = arith.addf %mul3A_518, %get3A_522 : vector<16xf32>
        %swap3A_524 = arith.index_cast %add3A_448 : i32 to index
        %swap3A_525 = arith.constant 48 : index
        %swap3A_526 = tpu.vector_load %arg12[%swap3A_524, %swap3A_525] {strides = array<i32>} : memref<128x64xf32, #tpu.memory_space<vmem>>, vector<1x16xf32>,
        %swap3A_527 = vector.shape_cast %swap3A_526 : vector<1x16xf32> to vector<16xf32>
        %swap3A_528 = vector.shape_cast %add3A_523 : vector<16xf32> to vector<1x16xf32>
        tpu.vector_store %arg12[%swap3A_524, %swap3A_525], %swap3A_528 {strides = array<i32>} : memref<128x64xf32, #tpu.memory_space<vmem>>, vector<1x16xf32>,
        %slice3A_529 = vector.extract_strided_slice %get3A_102 {offsets = [5], sizes = [1], strides = [1]} : vector<16xi32> to vector<1xi32>
        %squeeze3A_530 = vector.extract %slice3A_529[0] : i32 from vector<1xi32>
        %mul3A_531 = arith.constant 16 : i32
        %mul3A_532 = arith.muli %scan3A_95, %mul3A_531 : i32
        %add3A_533 = arith.constant 5 : i32
        %add3A_534 = arith.addi %mul3A_532, %add3A_533 : i32
        %add3A_535 = arith.constant 5 : i32
        %add3A_536 = arith.addi %add3A_100, %add3A_535 : i32
        %rem3A_537 = arith.constant 200 : i32
        %rem3A_538 = arith.remsi %add3A_536, %rem3A_537 : i32
        %add3A_539 = arith.constant 0 : i32
        %add3A_540 = arith.addi %squeeze3A_530, %add3A_539 : i32
        %get3A_541 = arith.index_cast %add3A_534 : i32 to index
        %get3A_542 = arith.index_cast %add3A_540 : i32 to index
        %get3A_543 = tpu.vector_load %arg10[%get3A_541, %get3A_542] {strides = array<i32>} : memref<128x128xf32, #tpu.memory_space<vmem>>, vector<1x16xf32>,
        %get3A_544 = vector.shape_cast %get3A_543 : vector<1x16xf32> to vector<16xf32>
        %mul3A_545 = arith.constant 8.000000e+00 : f32
        %mul3A_546 = vector.broadcast %mul3A_545 : f32 to vector<16xf32>
        %mul3A_547 = arith.mulf %get3A_544, %mul3A_546 : vector<16xf32>
        %get3A_548 = arith.index_cast %rem3A_538 : i32 to index
        %get3A_549 = arith.constant 0 : index
        %get3A_550 = tpu.vector_load %arg13[%get3A_548, %get3A_549] {strides = array<i32>} : memref<200x64xf32, #tpu.memory_space<vmem>>, vector<1x16xf32>,
        %get3A_551 = vector.shape_cast %get3A_550 : vector<1x16xf32> to vector<16xf32>
        %add3A_552 = arith.addf %mul3A_547, %get3A_551 : vector<16xf32>
        %swap3A_553 = arith.index_cast %add3A_534 : i32 to index
        %swap3A_554 = arith.constant 0 : index
        %swap3A_555 = tpu.vector_load %arg12[%swap3A_553, %swap3A_554] {strides = array<i32>} : memref<128x64xf32, #tpu.memory_space<vmem>>, vector<1x16xf32>,
        %swap3A_556 = vector.shape_cast %swap3A_555 : vector<1x16xf32> to vector<16xf32>
        %swap3A_557 = vector.shape_cast %add3A_552 : vector<16xf32> to vector<1x16xf32>
        tpu.vector_store %arg12[%swap3A_553, %swap3A_554], %swap3A_557 {strides = array<i32>} : memref<128x64xf32, #tpu.memory_space<vmem>>, vector<1x16xf32>,
        %add3A_558 = arith.constant 16 : i32
        %add3A_559 = arith.addi %squeeze3A_530, %add3A_558 : i32
        %get3A_560 = arith.index_cast %add3A_534 : i32 to index
        %get3A_561 = arith.index_cast %add3A_559 : i32 to index
        %get3A_562 = tpu.vector_load %arg10[%get3A_560, %get3A_561] {strides = array<i32>} : memref<128x128xf32, #tpu.memory_space<vmem>>, vector<1x16xf32>,
        %get3A_563 = vector.shape_cast %get3A_562 : vector<1x16xf32> to vector<16xf32>
        %mul3A_564 = arith.constant 8.000000e+00 : f32
        %mul3A_565 = vector.broadcast %mul3A_564 : f32 to vector<16xf32>
        %mul3A_566 = arith.mulf %get3A_563, %mul3A_565 : vector<16xf32>
        %get3A_567 = arith.index_cast %rem3A_538 : i32 to index
        %get3A_568 = arith.constant 16 : index
        %get3A_569 = tpu.vector_load %arg13[%get3A_567, %get3A_568] {strides = array<i32>} : memref<200x64xf32, #tpu.memory_space<vmem>>, vector<1x16xf32>,
        %get3A_570 = vector.shape_cast %get3A_569 : vector<1x16xf32> to vector<16xf32>
        %add3A_571 = arith.addf %mul3A_566, %get3A_570 : vector<16xf32>
        %swap3A_572 = arith.index_cast %add3A_534 : i32 to index
        %swap3A_573 = arith.constant 16 : index
        %swap3A_574 = tpu.vector_load %arg12[%swap3A_572, %swap3A_573] {strides = array<i32>} : memref<128x64xf32, #tpu.memory_space<vmem>>, vector<1x16xf32>,
        %swap3A_575 = vector.shape_cast %swap3A_574 : vector<1x16xf32> to vector<16xf32>
        %swap3A_576 = vector.shape_cast %add3A_571 : vector<16xf32> to vector<1x16xf32>
        tpu.vector_store %arg12[%swap3A_572, %swap3A_573], %swap3A_576 {strides = array<i32>} : memref<128x64xf32, #tpu.memory_space<vmem>>, vector<1x16xf32>,
        %add3A_577 = arith.constant 32 : i32
        %add3A_578 = arith.addi %squeeze3A_530, %add3A_577 : i32
        %get3A_579 = arith.index_cast %add3A_534 : i32 to index
        %get3A_580 = arith.index_cast %add3A_578 : i32 to index
        %get3A_581 = tpu.vector_load %arg10[%get3A_579, %get3A_580] {strides = array<i32>} : memref<128x128xf32, #tpu.memory_space<vmem>>, vector<1x16xf32>,
        %get3A_582 = vector.shape_cast %get3A_581 : vector<1x16xf32> to vector<16xf32>
        %mul3A_583 = arith.constant 8.000000e+00 : f32
        %mul3A_584 = vector.broadcast %mul3A_583 : f32 to vector<16xf32>
        %mul3A_585 = arith.mulf %get3A_582, %mul3A_584 : vector<16xf32>
        %get3A_586 = arith.index_cast %rem3A_538 : i32 to index
        %get3A_587 = arith.constant 32 : index
        %get3A_588 = tpu.vector_load %arg13[%get3A_586, %get3A_587] {strides = array<i32>} : memref<200x64xf32, #tpu.memory_space<vmem>>, vector<1x16xf32>,
        %get3A_589 = vector.shape_cast %get3A_588 : vector<1x16xf32> to vector<16xf32>
        %add3A_590 = arith.addf %mul3A_585, %get3A_589 : vector<16xf32>
        %swap3A_591 = arith.index_cast %add3A_534 : i32 to index
        %swap3A_592 = arith.constant 32 : index
        %swap3A_593 = tpu.vector_load %arg12[%swap3A_591, %swap3A_592] {strides = array<i32>} : memref<128x64xf32, #tpu.memory_space<vmem>>, vector<1x16xf32>,
        %swap3A_594 = vector.shape_cast %swap3A_593 : vector<1x16xf32> to vector<16xf32>
        %swap3A_595 = vector.shape_cast %add3A_590 : vector<16xf32> to vector<1x16xf32>
        tpu.vector_store %arg12[%swap3A_591, %swap3A_592], %swap3A_595 {strides = array<i32>} : memref<128x64xf32, #tpu.memory_space<vmem>>, vector<1x16xf32>,
        %add3A_596 = arith.constant 48 : i32
        %add3A_597 = arith.addi %squeeze3A_530, %add3A_596 : i32
        %get3A_598 = arith.index_cast %add3A_534 : i32 to index
        %get3A_599 = arith.index_cast %add3A_597 : i32 to index
        %get3A_600 = tpu.vector_load %arg10[%get3A_598, %get3A_599] {strides = array<i32>} : memref<128x128xf32, #tpu.memory_space<vmem>>, vector<1x16xf32>,
        %get3A_601 = vector.shape_cast %get3A_600 : vector<1x16xf32> to vector<16xf32>
        %mul3A_602 = arith.constant 8.000000e+00 : f32
        %mul3A_603 = vector.broadcast %mul3A_602 : f32 to vector<16xf32>
        %mul3A_604 = arith.mulf %get3A_601, %mul3A_603 : vector<16xf32>
        %get3A_605 = arith.index_cast %rem3A_538 : i32 to index
        %get3A_606 = arith.constant 48 : index
        %get3A_607 = tpu.vector_load %arg13[%get3A_605, %get3A_606] {strides = array<i32>} : memref<200x64xf32, #tpu.memory_space<vmem>>, vector<1x16xf32>,
        %get3A_608 = vector.shape_cast %get3A_607 : vector<1x16xf32> to vector<16xf32>
        %add3A_609 = arith.addf %mul3A_604, %get3A_608 : vector<16xf32>
        %swap3A_610 = arith.index_cast %add3A_534 : i32 to index
        %swap3A_611 = arith.constant 48 : index
        %swap3A_612 = tpu.vector_load %arg12[%swap3A_610, %swap3A_611] {strides = array<i32>} : memref<128x64xf32, #tpu.memory_space<vmem>>, vector<1x16xf32>,
        %swap3A_613 = vector.shape_cast %swap3A_612 : vector<1x16xf32> to vector<16xf32>
        %swap3A_614 = vector.shape_cast %add3A_609 : vector<16xf32> to vector<1x16xf32>
        tpu.vector_store %arg12[%swap3A_610, %swap3A_611], %swap3A_614 {strides = array<i32>} : memref<128x64xf32, #tpu.memory_space<vmem>>, vector<1x16xf32>,
        %slice3A_615 = vector.extract_strided_slice %get3A_102 {offsets = [6], sizes = [1], strides = [1]} : vector<16xi32> to vector<1xi32>
        %squeeze3A_616 = vector.extract %slice3A_615[0] : i32 from vector<1xi32>
        %mul3A_617 = arith.constant 16 : i32
        %mul3A_618 = arith.muli %scan3A_95, %mul3A_617 : i32
        %add3A_619 = arith.constant 6 : i32
        %add3A_620 = arith.addi %mul3A_618, %add3A_619 : i32
        %add3A_621 = arith.constant 6 : i32
        %add3A_622 = arith.addi %add3A_100, %add3A_621 : i32
        %rem3A_623 = arith.constant 200 : i32
        %rem3A_624 = arith.remsi %add3A_622, %rem3A_623 : i32
        %add3A_625 = arith.constant 0 : i32
        %add3A_626 = arith.addi %squeeze3A_616, %add3A_625 : i32
        %get3A_627 = arith.index_cast %add3A_620 : i32 to index
        %get3A_628 = arith.index_cast %add3A_626 : i32 to index
        %get3A_629 = tpu.vector_load %arg10[%get3A_627, %get3A_628] {strides = array<i32>} : memref<128x128xf32, #tpu.memory_space<vmem>>, vector<1x16xf32>,
        %get3A_630 = vector.shape_cast %get3A_629 : vector<1x16xf32> to vector<16xf32>
        %mul3A_631 = arith.constant 8.000000e+00 : f32
        %mul3A_632 = vector.broadcast %mul3A_631 : f32 to vector<16xf32>
        %mul3A_633 = arith.mulf %get3A_630, %mul3A_632 : vector<16xf32>
        %get3A_634 = arith.index_cast %rem3A_624 : i32 to index
        %get3A_635 = arith.constant 0 : index
        %get3A_636 = tpu.vector_load %arg13[%get3A_634, %get3A_635] {strides = array<i32>} : memref<200x64xf32, #tpu.memory_space<vmem>>, vector<1x16xf32>,
        %get3A_637 = vector.shape_cast %get3A_636 : vector<1x16xf32> to vector<16xf32>
        %add3A_638 = arith.addf %mul3A_633, %get3A_637 : vector<16xf32>
        %swap3A_639 = arith.index_cast %add3A_620 : i32 to index
        %swap3A_640 = arith.constant 0 : index
        %swap3A_641 = tpu.vector_load %arg12[%swap3A_639, %swap3A_640] {strides = array<i32>} : memref<128x64xf32, #tpu.memory_space<vmem>>, vector<1x16xf32>,
        %swap3A_642 = vector.shape_cast %swap3A_641 : vector<1x16xf32> to vector<16xf32>
        %swap3A_643 = vector.shape_cast %add3A_638 : vector<16xf32> to vector<1x16xf32>
        tpu.vector_store %arg12[%swap3A_639, %swap3A_640], %swap3A_643 {strides = array<i32>} : memref<128x64xf32, #tpu.memory_space<vmem>>, vector<1x16xf32>,
        %add3A_644 = arith.constant 16 : i32
        %add3A_645 = arith.addi %squeeze3A_616, %add3A_644 : i32
        %get3A_646 = arith.index_cast %add3A_620 : i32 to index
        %get3A_647 = arith.index_cast %add3A_645 : i32 to index
        %get3A_648 = tpu.vector_load %arg10[%get3A_646, %get3A_647] {strides = array<i32>} : memref<128x128xf32, #tpu.memory_space<vmem>>, vector<1x16xf32>,
        %get3A_649 = vector.shape_cast %get3A_648 : vector<1x16xf32> to vector<16xf32>
        %mul3A_650 = arith.constant 8.000000e+00 : f32
        %mul3A_651 = vector.broadcast %mul3A_650 : f32 to vector<16xf32>
        %mul3A_652 = arith.mulf %get3A_649, %mul3A_651 : vector<16xf32>
        %get3A_653 = arith.index_cast %rem3A_624 : i32 to index
        %get3A_654 = arith.constant 16 : index
        %get3A_655 = tpu.vector_load %arg13[%get3A_653, %get3A_654] {strides = array<i32>} : memref<200x64xf32, #tpu.memory_space<vmem>>, vector<1x16xf32>,
        %get3A_656 = vector.shape_cast %get3A_655 : vector<1x16xf32> to vector<16xf32>
        %add3A_657 = arith.addf %mul3A_652, %get3A_656 : vector<16xf32>
        %swap3A_658 = arith.index_cast %add3A_620 : i32 to index
        %swap3A_659 = arith.constant 16 : index
        %swap3A_660 = tpu.vector_load %arg12[%swap3A_658, %swap3A_659] {strides = array<i32>} : memref<128x64xf32, #tpu.memory_space<vmem>>, vector<1x16xf32>,
        %swap3A_661 = vector.shape_cast %swap3A_660 : vector<1x16xf32> to vector<16xf32>
        %swap3A_662 = vector.shape_cast %add3A_657 : vector<16xf32> to vector<1x16xf32>
        tpu.vector_store %arg12[%swap3A_658, %swap3A_659], %swap3A_662 {strides = array<i32>} : memref<128x64xf32, #tpu.memory_space<vmem>>, vector<1x16xf32>,
        %add3A_663 = arith.constant 32 : i32
        %add3A_664 = arith.addi %squeeze3A_616, %add3A_663 : i32
        %get3A_665 = arith.index_cast %add3A_620 : i32 to index
        %get3A_666 = arith.index_cast %add3A_664 : i32 to index
        %get3A_667 = tpu.vector_load %arg10[%get3A_665, %get3A_666] {strides = array<i32>} : memref<128x128xf32, #tpu.memory_space<vmem>>, vector<1x16xf32>,
        %get3A_668 = vector.shape_cast %get3A_667 : vector<1x16xf32> to vector<16xf32>
        %mul3A_669 = arith.constant 8.000000e+00 : f32
        %mul3A_670 = vector.broadcast %mul3A_669 : f32 to vector<16xf32>
        %mul3A_671 = arith.mulf %get3A_668, %mul3A_670 : vector<16xf32>
        %get3A_672 = arith.index_cast %rem3A_624 : i32 to index
        %get3A_673 = arith.constant 32 : index
        %get3A_674 = tpu.vector_load %arg13[%get3A_672, %get3A_673] {strides = array<i32>} : memref<200x64xf32, #tpu.memory_space<vmem>>, vector<1x16xf32>,
        %get3A_675 = vector.shape_cast %get3A_674 : vector<1x16xf32> to vector<16xf32>
        %add3A_676 = arith.addf %mul3A_671, %get3A_675 : vector<16xf32>
        %swap3A_677 = arith.index_cast %add3A_620 : i32 to index
        %swap3A_678 = arith.constant 32 : index
        %swap3A_679 = tpu.vector_load %arg12[%swap3A_677, %swap3A_678] {strides = array<i32>} : memref<128x64xf32, #tpu.memory_space<vmem>>, vector<1x16xf32>,
        %swap3A_680 = vector.shape_cast %swap3A_679 : vector<1x16xf32> to vector<16xf32>
        %swap3A_681 = vector.shape_cast %add3A_676 : vector<16xf32> to vector<1x16xf32>
        tpu.vector_store %arg12[%swap3A_677, %swap3A_678], %swap3A_681 {strides = array<i32>} : memref<128x64xf32, #tpu.memory_space<vmem>>, vector<1x16xf32>,
        %add3A_682 = arith.constant 48 : i32
        %add3A_683 = arith.addi %squeeze3A_616, %add3A_682 : i32
        %get3A_684 = arith.index_cast %add3A_620 : i32 to index
        %get3A_685 = arith.index_cast %add3A_683 : i32 to index
        %get3A_686 = tpu.vector_load %arg10[%get3A_684, %get3A_685] {strides = array<i32>} : memref<128x128xf32, #tpu.memory_space<vmem>>, vector<1x16xf32>,
        %get3A_687 = vector.shape_cast %get3A_686 : vector<1x16xf32> to vector<16xf32>
        %mul3A_688 = arith.constant 8.000000e+00 : f32
        %mul3A_689 = vector.broadcast %mul3A_688 : f32 to vector<16xf32>
        %mul3A_690 = arith.mulf %get3A_687, %mul3A_689 : vector<16xf32>
        %get3A_691 = arith.index_cast %rem3A_624 : i32 to index
        %get3A_692 = arith.constant 48 : index
        %get3A_693 = tpu.vector_load %arg13[%get3A_691, %get3A_692] {strides = array<i32>} : memref<200x64xf32, #tpu.memory_space<vmem>>, vector<1x16xf32>,
        %get3A_694 = vector.shape_cast %get3A_693 : vector<1x16xf32> to vector<16xf32>
        %add3A_695 = arith.addf %mul3A_690, %get3A_694 : vector<16xf32>
        %swap3A_696 = arith.index_cast %add3A_620 : i32 to index
        %swap3A_697 = arith.constant 48 : index
        %swap3A_698 = tpu.vector_load %arg12[%swap3A_696, %swap3A_697] {strides = array<i32>} : memref<128x64xf32, #tpu.memory_space<vmem>>, vector<1x16xf32>,
        %swap3A_699 = vector.shape_cast %swap3A_698 : vector<1x16xf32> to vector<16xf32>
        %swap3A_700 = vector.shape_cast %add3A_695 : vector<16xf32> to vector<1x16xf32>
        tpu.vector_store %arg12[%swap3A_696, %swap3A_697], %swap3A_700 {strides = array<i32>} : memref<128x64xf32, #tpu.memory_space<vmem>>, vector<1x16xf32>,
        %slice3A_701 = vector.extract_strided_slice %get3A_102 {offsets = [7], sizes = [1], strides = [1]} : vector<16xi32> to vector<1xi32>
        %squeeze3A_702 = vector.extract %slice3A_701[0] : i32 from vector<1xi32>
        %mul3A_703 = arith.constant 16 : i32
        %mul3A_704 = arith.muli %scan3A_95, %mul3A_703 : i32
        %add3A_705 = arith.constant 7 : i32
        %add3A_706 = arith.addi %mul3A_704, %add3A_705 : i32
        %add3A_707 = arith.constant 7 : i32
        %add3A_708 = arith.addi %add3A_100, %add3A_707 : i32
        %rem3A_709 = arith.constant 200 : i32
        %rem3A_710 = arith.remsi %add3A_708, %rem3A_709 : i32
        %add3A_711 = arith.constant 0 : i32
        %add3A_712 = arith.addi %squeeze3A_702, %add3A_711 : i32
        %get3A_713 = arith.index_cast %add3A_706 : i32 to index
        %get3A_714 = arith.index_cast %add3A_712 : i32 to index
        %get3A_715 = tpu.vector_load %arg10[%get3A_713, %get3A_714] {strides = array<i32>} : memref<128x128xf32, #tpu.memory_space<vmem>>, vector<1x16xf32>,
        %get3A_716 = vector.shape_cast %get3A_715 : vector<1x16xf32> to vector<16xf32>
        %mul3A_717 = arith.constant 8.000000e+00 : f32
        %mul3A_718 = vector.broadcast %mul3A_717 : f32 to vector<16xf32>
        %mul3A_719 = arith.mulf %get3A_716, %mul3A_718 : vector<16xf32>
        %get3A_720 = arith.index_cast %rem3A_710 : i32 to index
        %get3A_721 = arith.constant 0 : index
        %get3A_722 = tpu.vector_load %arg13[%get3A_720, %get3A_721] {strides = array<i32>} : memref<200x64xf32, #tpu.memory_space<vmem>>, vector<1x16xf32>,
        %get3A_723 = vector.shape_cast %get3A_722 : vector<1x16xf32> to vector<16xf32>
        %add3A_724 = arith.addf %mul3A_719, %get3A_723 : vector<16xf32>
        %swap3A_725 = arith.index_cast %add3A_706 : i32 to index
        %swap3A_726 = arith.constant 0 : index
        %swap3A_727 = tpu.vector_load %arg12[%swap3A_725, %swap3A_726] {strides = array<i32>} : memref<128x64xf32, #tpu.memory_space<vmem>>, vector<1x16xf32>,
        %swap3A_728 = vector.shape_cast %swap3A_727 : vector<1x16xf32> to vector<16xf32>
        %swap3A_729 = vector.shape_cast %add3A_724 : vector<16xf32> to vector<1x16xf32>
        tpu.vector_store %arg12[%swap3A_725, %swap3A_726], %swap3A_729 {strides = array<i32>} : memref<128x64xf32, #tpu.memory_space<vmem>>, vector<1x16xf32>,
        %add3A_730 = arith.constant 16 : i32
        %add3A_731 = arith.addi %squeeze3A_702, %add3A_730 : i32
        %get3A_732 = arith.index_cast %add3A_706 : i32 to index
        %get3A_733 = arith.index_cast %add3A_731 : i32 to index
        %get3A_734 = tpu.vector_load %arg10[%get3A_732, %get3A_733] {strides = array<i32>} : memref<128x128xf32, #tpu.memory_space<vmem>>, vector<1x16xf32>,
        %get3A_735 = vector.shape_cast %get3A_734 : vector<1x16xf32> to vector<16xf32>
        %mul3A_736 = arith.constant 8.000000e+00 : f32
        %mul3A_737 = vector.broadcast %mul3A_736 : f32 to vector<16xf32>
        %mul3A_738 = arith.mulf %get3A_735, %mul3A_737 : vector<16xf32>
        %get3A_739 = arith.index_cast %rem3A_710 : i32 to index
        %get3A_740 = arith.constant 16 : index
        %get3A_741 = tpu.vector_load %arg13[%get3A_739, %get3A_740] {strides = array<i32>} : memref<200x64xf32, #tpu.memory_space<vmem>>, vector<1x16xf32>,
        %get3A_742 = vector.shape_cast %get3A_741 : vector<1x16xf32> to vector<16xf32>
        %add3A_743 = arith.addf %mul3A_738, %get3A_742 : vector<16xf32>
        %swap3A_744 = arith.index_cast %add3A_706 : i32 to index
        %swap3A_745 = arith.constant 16 : index
        %swap3A_746 = tpu.vector_load %arg12[%swap3A_744, %swap3A_745] {strides = array<i32>} : memref<128x64xf32, #tpu.memory_space<vmem>>, vector<1x16xf32>,
        %swap3A_747 = vector.shape_cast %swap3A_746 : vector<1x16xf32> to vector<16xf32>
        %swap3A_748 = vector.shape_cast %add3A_743 : vector<16xf32> to vector<1x16xf32>
        tpu.vector_store %arg12[%swap3A_744, %swap3A_745], %swap3A_748 {strides = array<i32>} : memref<128x64xf32, #tpu.memory_space<vmem>>, vector<1x16xf32>,
        %add3A_749 = arith.constant 32 : i32
        %add3A_750 = arith.addi %squeeze3A_702, %add3A_749 : i32
        %get3A_751 = arith.index_cast %add3A_706 : i32 to index
        %get3A_752 = arith.index_cast %add3A_750 : i32 to index
        %get3A_753 = tpu.vector_load %arg10[%get3A_751, %get3A_752] {strides = array<i32>} : memref<128x128xf32, #tpu.memory_space<vmem>>, vector<1x16xf32>,
        %get3A_754 = vector.shape_cast %get3A_753 : vector<1x16xf32> to vector<16xf32>
        %mul3A_755 = arith.constant 8.000000e+00 : f32
        %mul3A_756 = vector.broadcast %mul3A_755 : f32 to vector<16xf32>
        %mul3A_757 = arith.mulf %get3A_754, %mul3A_756 : vector<16xf32>
        %get3A_758 = arith.index_cast %rem3A_710 : i32 to index
        %get3A_759 = arith.constant 32 : index
        %get3A_760 = tpu.vector_load %arg13[%get3A_758, %get3A_759] {strides = array<i32>} : memref<200x64xf32, #tpu.memory_space<vmem>>, vector<1x16xf32>,
        %get3A_761 = vector.shape_cast %get3A_760 : vector<1x16xf32> to vector<16xf32>
        %add3A_762 = arith.addf %mul3A_757, %get3A_761 : vector<16xf32>
        %swap3A_763 = arith.index_cast %add3A_706 : i32 to index
        %swap3A_764 = arith.constant 32 : index
        %swap3A_765 = tpu.vector_load %arg12[%swap3A_763, %swap3A_764] {strides = array<i32>} : memref<128x64xf32, #tpu.memory_space<vmem>>, vector<1x16xf32>,
        %swap3A_766 = vector.shape_cast %swap3A_765 : vector<1x16xf32> to vector<16xf32>
        %swap3A_767 = vector.shape_cast %add3A_762 : vector<16xf32> to vector<1x16xf32>
        tpu.vector_store %arg12[%swap3A_763, %swap3A_764], %swap3A_767 {strides = array<i32>} : memref<128x64xf32, #tpu.memory_space<vmem>>, vector<1x16xf32>,
        %add3A_768 = arith.constant 48 : i32
        %add3A_769 = arith.addi %squeeze3A_702, %add3A_768 : i32
        %get3A_770 = arith.index_cast %add3A_706 : i32 to index
        %get3A_771 = arith.index_cast %add3A_769 : i32 to index
        %get3A_772 = tpu.vector_load %arg10[%get3A_770, %get3A_771] {strides = array<i32>} : memref<128x128xf32, #tpu.memory_space<vmem>>, vector<1x16xf32>,
        %get3A_773 = vector.shape_cast %get3A_772 : vector<1x16xf32> to vector<16xf32>
        %mul3A_774 = arith.constant 8.000000e+00 : f32
        %mul3A_775 = vector.broadcast %mul3A_774 : f32 to vector<16xf32>
        %mul3A_776 = arith.mulf %get3A_773, %mul3A_775 : vector<16xf32>
        %get3A_777 = arith.index_cast %rem3A_710 : i32 to index
        %get3A_778 = arith.constant 48 : index
        %get3A_779 = tpu.vector_load %arg13[%get3A_777, %get3A_778] {strides = array<i32>} : memref<200x64xf32, #tpu.memory_space<vmem>>, vector<1x16xf32>,
        %get3A_780 = vector.shape_cast %get3A_779 : vector<1x16xf32> to vector<16xf32>
        %add3A_781 = arith.addf %mul3A_776, %get3A_780 : vector<16xf32>
        %swap3A_782 = arith.index_cast %add3A_706 : i32 to index
        %swap3A_783 = arith.constant 48 : index
        %swap3A_784 = tpu.vector_load %arg12[%swap3A_782, %swap3A_783] {strides = array<i32>} : memref<128x64xf32, #tpu.memory_space<vmem>>, vector<1x16xf32>,
        %swap3A_785 = vector.shape_cast %swap3A_784 : vector<1x16xf32> to vector<16xf32>
        %swap3A_786 = vector.shape_cast %add3A_781 : vector<16xf32> to vector<1x16xf32>
        tpu.vector_store %arg12[%swap3A_782, %swap3A_783], %swap3A_786 {strides = array<i32>} : memref<128x64xf32, #tpu.memory_space<vmem>>, vector<1x16xf32>,
        %slice3A_787 = vector.extract_strided_slice %get3A_102 {offsets = [8], sizes = [1], strides = [1]} : vector<16xi32> to vector<1xi32>
        %squeeze3A_788 = vector.extract %slice3A_787[0] : i32 from vector<1xi32>
        %mul3A_789 = arith.constant 16 : i32
        %mul3A_790 = arith.muli %scan3A_95, %mul3A_789 : i32
        %add3A_791 = arith.constant 8 : i32
        %add3A_792 = arith.addi %mul3A_790, %add3A_791 : i32
        %add3A_793 = arith.constant 8 : i32
        %add3A_794 = arith.addi %add3A_100, %add3A_793 : i32
        %rem3A_795 = arith.constant 200 : i32
        %rem3A_796 = arith.remsi %add3A_794, %rem3A_795 : i32
        %add3A_797 = arith.constant 0 : i32
        %add3A_798 = arith.addi %squeeze3A_788, %add3A_797 : i32
        %get3A_799 = arith.index_cast %add3A_792 : i32 to index
        %get3A_800 = arith.index_cast %add3A_798 : i32 to index
        %get3A_801 = tpu.vector_load %arg10[%get3A_799, %get3A_800] {strides = array<i32>} : memref<128x128xf32, #tpu.memory_space<vmem>>, vector<1x16xf32>,
        %get3A_802 = vector.shape_cast %get3A_801 : vector<1x16xf32> to vector<16xf32>
        %mul3A_803 = arith.constant 8.000000e+00 : f32
        %mul3A_804 = vector.broadcast %mul3A_803 : f32 to vector<16xf32>
        %mul3A_805 = arith.mulf %get3A_802, %mul3A_804 : vector<16xf32>
        %get3A_806 = arith.index_cast %rem3A_796 : i32 to index
        %get3A_807 = arith.constant 0 : index
        %get3A_808 = tpu.vector_load %arg13[%get3A_806, %get3A_807] {strides = array<i32>} : memref<200x64xf32, #tpu.memory_space<vmem>>, vector<1x16xf32>,
        %get3A_809 = vector.shape_cast %get3A_808 : vector<1x16xf32> to vector<16xf32>
        %add3A_810 = arith.addf %mul3A_805, %get3A_809 : vector<16xf32>
        %swap3A_811 = arith.index_cast %add3A_792 : i32 to index
        %swap3A_812 = arith.constant 0 : index
        %swap3A_813 = tpu.vector_load %arg12[%swap3A_811, %swap3A_812] {strides = array<i32>} : memref<128x64xf32, #tpu.memory_space<vmem>>, vector<1x16xf32>,
        %swap3A_814 = vector.shape_cast %swap3A_813 : vector<1x16xf32> to vector<16xf32>
        %swap3A_815 = vector.shape_cast %add3A_810 : vector<16xf32> to vector<1x16xf32>
        tpu.vector_store %arg12[%swap3A_811, %swap3A_812], %swap3A_815 {strides = array<i32>} : memref<128x64xf32, #tpu.memory_space<vmem>>, vector<1x16xf32>,
        %add3A_816 = arith.constant 16 : i32
        %add3A_817 = arith.addi %squeeze3A_788, %add3A_816 : i32
        %get3A_818 = arith.index_cast %add3A_792 : i32 to index
        %get3A_819 = arith.index_cast %add3A_817 : i32 to index
        %get3A_820 = tpu.vector_load %arg10[%get3A_818, %get3A_819] {strides = array<i32>} : memref<128x128xf32, #tpu.memory_space<vmem>>, vector<1x16xf32>,
        %get3A_821 = vector.shape_cast %get3A_820 : vector<1x16xf32> to vector<16xf32>
        %mul3A_822 = arith.constant 8.000000e+00 : f32
        %mul3A_823 = vector.broadcast %mul3A_822 : f32 to vector<16xf32>
        %mul3A_824 = arith.mulf %get3A_821, %mul3A_823 : vector<16xf32>
        %get3A_825 = arith.index_cast %rem3A_796 : i32 to index
        %get3A_826 = arith.constant 16 : index
        %get3A_827 = tpu.vector_load %arg13[%get3A_825, %get3A_826] {strides = array<i32>} : memref<200x64xf32, #tpu.memory_space<vmem>>, vector<1x16xf32>,
        %get3A_828 = vector.shape_cast %get3A_827 : vector<1x16xf32> to vector<16xf32>
        %add3A_829 = arith.addf %mul3A_824, %get3A_828 : vector<16xf32>
        %swap3A_830 = arith.index_cast %add3A_792 : i32 to index
        %swap3A_831 = arith.constant 16 : index
        %swap3A_832 = tpu.vector_load %arg12[%swap3A_830, %swap3A_831] {strides = array<i32>} : memref<128x64xf32, #tpu.memory_space<vmem>>, vector<1x16xf32>,
        %swap3A_833 = vector.shape_cast %swap3A_832 : vector<1x16xf32> to vector<16xf32>
        %swap3A_834 = vector.shape_cast %add3A_829 : vector<16xf32> to vector<1x16xf32>
        tpu.vector_store %arg12[%swap3A_830, %swap3A_831], %swap3A_834 {strides = array<i32>} : memref<128x64xf32, #tpu.memory_space<vmem>>, vector<1x16xf32>,
        %add3A_835 = arith.constant 32 : i32
        %add3A_836 = arith.addi %squeeze3A_788, %add3A_835 : i32
        %get3A_837 = arith.index_cast %add3A_792 : i32 to index
        %get3A_838 = arith.index_cast %add3A_836 : i32 to index
        %get3A_839 = tpu.vector_load %arg10[%get3A_837, %get3A_838] {strides = array<i32>} : memref<128x128xf32, #tpu.memory_space<vmem>>, vector<1x16xf32>,
        %get3A_840 = vector.shape_cast %get3A_839 : vector<1x16xf32> to vector<16xf32>
        %mul3A_841 = arith.constant 8.000000e+00 : f32
        %mul3A_842 = vector.broadcast %mul3A_841 : f32 to vector<16xf32>
        %mul3A_843 = arith.mulf %get3A_840, %mul3A_842 : vector<16xf32>
        %get3A_844 = arith.index_cast %rem3A_796 : i32 to index
        %get3A_845 = arith.constant 32 : index
        %get3A_846 = tpu.vector_load %arg13[%get3A_844, %get3A_845] {strides = array<i32>} : memref<200x64xf32, #tpu.memory_space<vmem>>, vector<1x16xf32>,
        %get3A_847 = vector.shape_cast %get3A_846 : vector<1x16xf32> to vector<16xf32>
        %add3A_848 = arith.addf %mul3A_843, %get3A_847 : vector<16xf32>
        %swap3A_849 = arith.index_cast %add3A_792 : i32 to index
        %swap3A_850 = arith.constant 32 : index
        %swap3A_851 = tpu.vector_load %arg12[%swap3A_849, %swap3A_850] {strides = array<i32>} : memref<128x64xf32, #tpu.memory_space<vmem>>, vector<1x16xf32>,
        %swap3A_852 = vector.shape_cast %swap3A_851 : vector<1x16xf32> to vector<16xf32>
        %swap3A_853 = vector.shape_cast %add3A_848 : vector<16xf32> to vector<1x16xf32>
        tpu.vector_store %arg12[%swap3A_849, %swap3A_850], %swap3A_853 {strides = array<i32>} : memref<128x64xf32, #tpu.memory_space<vmem>>, vector<1x16xf32>,
        %add3A_854 = arith.constant 48 : i32
        %add3A_855 = arith.addi %squeeze3A_788, %add3A_854 : i32
        %get3A_856 = arith.index_cast %add3A_792 : i32 to index
        %get3A_857 = arith.index_cast %add3A_855 : i32 to index
        %get3A_858 = tpu.vector_load %arg10[%get3A_856, %get3A_857] {strides = array<i32>} : memref<128x128xf32, #tpu.memory_space<vmem>>, vector<1x16xf32>,
        %get3A_859 = vector.shape_cast %get3A_858 : vector<1x16xf32> to vector<16xf32>
        %mul3A_860 = arith.constant 8.000000e+00 : f32
        %mul3A_861 = vector.broadcast %mul3A_860 : f32 to vector<16xf32>
        %mul3A_862 = arith.mulf %get3A_859, %mul3A_861 : vector<16xf32>
        %get3A_863 = arith.index_cast %rem3A_796 : i32 to index
        %get3A_864 = arith.constant 48 : index
        %get3A_865 = tpu.vector_load %arg13[%get3A_863, %get3A_864] {strides = array<i32>} : memref<200x64xf32, #tpu.memory_space<vmem>>, vector<1x16xf32>,
        %get3A_866 = vector.shape_cast %get3A_865 : vector<1x16xf32> to vector<16xf32>
        %add3A_867 = arith.addf %mul3A_862, %get3A_866 : vector<16xf32>
        %swap3A_868 = arith.index_cast %add3A_792 : i32 to index
        %swap3A_869 = arith.constant 48 : index
        %swap3A_870 = tpu.vector_load %arg12[%swap3A_868, %swap3A_869] {strides = array<i32>} : memref<128x64xf32, #tpu.memory_space<vmem>>, vector<1x16xf32>,
        %swap3A_871 = vector.shape_cast %swap3A_870 : vector<1x16xf32> to vector<16xf32>
        %swap3A_872 = vector.shape_cast %add3A_867 : vector<16xf32> to vector<1x16xf32>
        tpu.vector_store %arg12[%swap3A_868, %swap3A_869], %swap3A_872 {strides = array<i32>} : memref<128x64xf32, #tpu.memory_space<vmem>>, vector<1x16xf32>,
        %slice3A_873 = vector.extract_strided_slice %get3A_102 {offsets = [9], sizes = [1], strides = [1]} : vector<16xi32> to vector<1xi32>
        %squeeze3A_874 = vector.extract %slice3A_873[0] : i32 from vector<1xi32>
        %mul3A_875 = arith.constant 16 : i32
        %mul3A_876 = arith.muli %scan3A_95, %mul3A_875 : i32
        %add3A_877 = arith.constant 9 : i32
        %add3A_878 = arith.addi %mul3A_876, %add3A_877 : i32
        %add3A_879 = arith.constant 9 : i32
        %add3A_880 = arith.addi %add3A_100, %add3A_879 : i32
        %rem3A_881 = arith.constant 200 : i32
        %rem3A_882 = arith.remsi %add3A_880, %rem3A_881 : i32
        %add3A_883 = arith.constant 0 : i32
        %add3A_884 = arith.addi %squeeze3A_874, %add3A_883 : i32
        %get3A_885 = arith.index_cast %add3A_878 : i32 to index
        %get3A_886 = arith.index_cast %add3A_884 : i32 to index
        %get3A_887 = tpu.vector_load %arg10[%get3A_885, %get3A_886] {strides = array<i32>} : memref<128x128xf32, #tpu.memory_space<vmem>>, vector<1x16xf32>,
        %get3A_888 = vector.shape_cast %get3A_887 : vector<1x16xf32> to vector<16xf32>
        %mul3A_889 = arith.constant 8.000000e+00 : f32
        %mul3A_890 = vector.broadcast %mul3A_889 : f32 to vector<16xf32>
        %mul3A_891 = arith.mulf %get3A_888, %mul3A_890 : vector<16xf32>
        %get3A_892 = arith.index_cast %rem3A_882 : i32 to index
        %get3A_893 = arith.constant 0 : index
        %get3A_894 = tpu.vector_load %arg13[%get3A_892, %get3A_893] {strides = array<i32>} : memref<200x64xf32, #tpu.memory_space<vmem>>, vector<1x16xf32>,
        %get3A_895 = vector.shape_cast %get3A_894 : vector<1x16xf32> to vector<16xf32>
        %add3A_896 = arith.addf %mul3A_891, %get3A_895 : vector<16xf32>
        %swap3A_897 = arith.index_cast %add3A_878 : i32 to index
        %swap3A_898 = arith.constant 0 : index
        %swap3A_899 = tpu.vector_load %arg12[%swap3A_897, %swap3A_898] {strides = array<i32>} : memref<128x64xf32, #tpu.memory_space<vmem>>, vector<1x16xf32>,
        %swap3A_900 = vector.shape_cast %swap3A_899 : vector<1x16xf32> to vector<16xf32>
        %swap3A_901 = vector.shape_cast %add3A_896 : vector<16xf32> to vector<1x16xf32>
        tpu.vector_store %arg12[%swap3A_897, %swap3A_898], %swap3A_901 {strides = array<i32>} : memref<128x64xf32, #tpu.memory_space<vmem>>, vector<1x16xf32>,
        %add3A_902 = arith.constant 16 : i32
        %add3A_903 = arith.addi %squeeze3A_874, %add3A_902 : i32
        %get3A_904 = arith.index_cast %add3A_878 : i32 to index
        %get3A_905 = arith.index_cast %add3A_903 : i32 to index
        %get3A_906 = tpu.vector_load %arg10[%get3A_904, %get3A_905] {strides = array<i32>} : memref<128x128xf32, #tpu.memory_space<vmem>>, vector<1x16xf32>,
        %get3A_907 = vector.shape_cast %get3A_906 : vector<1x16xf32> to vector<16xf32>
        %mul3A_908 = arith.constant 8.000000e+00 : f32
        %mul3A_909 = vector.broadcast %mul3A_908 : f32 to vector<16xf32>
        %mul3A_910 = arith.mulf %get3A_907, %mul3A_909 : vector<16xf32>
        %get3A_911 = arith.index_cast %rem3A_882 : i32 to index
        %get3A_912 = arith.constant 16 : index
        %get3A_913 = tpu.vector_load %arg13[%get3A_911, %get3A_912] {strides = array<i32>} : memref<200x64xf32, #tpu.memory_space<vmem>>, vector<1x16xf32>,
        %get3A_914 = vector.shape_cast %get3A_913 : vector<1x16xf32> to vector<16xf32>
        %add3A_915 = arith.addf %mul3A_910, %get3A_914 : vector<16xf32>
        %swap3A_916 = arith.index_cast %add3A_878 : i32 to index
        %swap3A_917 = arith.constant 16 : index
        %swap3A_918 = tpu.vector_load %arg12[%swap3A_916, %swap3A_917] {strides = array<i32>} : memref<128x64xf32, #tpu.memory_space<vmem>>, vector<1x16xf32>,
        %swap3A_919 = vector.shape_cast %swap3A_918 : vector<1x16xf32> to vector<16xf32>
        %swap3A_920 = vector.shape_cast %add3A_915 : vector<16xf32> to vector<1x16xf32>
        tpu.vector_store %arg12[%swap3A_916, %swap3A_917], %swap3A_920 {strides = array<i32>} : memref<128x64xf32, #tpu.memory_space<vmem>>, vector<1x16xf32>,
        %add3A_921 = arith.constant 32 : i32
        %add3A_922 = arith.addi %squeeze3A_874, %add3A_921 : i32
        %get3A_923 = arith.index_cast %add3A_878 : i32 to index
        %get3A_924 = arith.index_cast %add3A_922 : i32 to index
        %get3A_925 = tpu.vector_load %arg10[%get3A_923, %get3A_924] {strides = array<i32>} : memref<128x128xf32, #tpu.memory_space<vmem>>, vector<1x16xf32>,
        %get3A_926 = vector.shape_cast %get3A_925 : vector<1x16xf32> to vector<16xf32>
        %mul3A_927 = arith.constant 8.000000e+00 : f32
        %mul3A_928 = vector.broadcast %mul3A_927 : f32 to vector<16xf32>
        %mul3A_929 = arith.mulf %get3A_926, %mul3A_928 : vector<16xf32>
        %get3A_930 = arith.index_cast %rem3A_882 : i32 to index
        %get3A_931 = arith.constant 32 : index
        %get3A_932 = tpu.vector_load %arg13[%get3A_930, %get3A_931] {strides = array<i32>} : memref<200x64xf32, #tpu.memory_space<vmem>>, vector<1x16xf32>,
        %get3A_933 = vector.shape_cast %get3A_932 : vector<1x16xf32> to vector<16xf32>
        %add3A_934 = arith.addf %mul3A_929, %get3A_933 : vector<16xf32>
        %swap3A_935 = arith.index_cast %add3A_878 : i32 to index
        %swap3A_936 = arith.constant 32 : index
        %swap3A_937 = tpu.vector_load %arg12[%swap3A_935, %swap3A_936] {strides = array<i32>} : memref<128x64xf32, #tpu.memory_space<vmem>>, vector<1x16xf32>,
        %swap3A_938 = vector.shape_cast %swap3A_937 : vector<1x16xf32> to vector<16xf32>
        %swap3A_939 = vector.shape_cast %add3A_934 : vector<16xf32> to vector<1x16xf32>
        tpu.vector_store %arg12[%swap3A_935, %swap3A_936], %swap3A_939 {strides = array<i32>} : memref<128x64xf32, #tpu.memory_space<vmem>>, vector<1x16xf32>,
        %add3A_940 = arith.constant 48 : i32
        %add3A_941 = arith.addi %squeeze3A_874, %add3A_940 : i32
        %get3A_942 = arith.index_cast %add3A_878 : i32 to index
        %get3A_943 = arith.index_cast %add3A_941 : i32 to index
        %get3A_944 = tpu.vector_load %arg10[%get3A_942, %get3A_943] {strides = array<i32>} : memref<128x128xf32, #tpu.memory_space<vmem>>, vector<1x16xf32>,
        %get3A_945 = vector.shape_cast %get3A_944 : vector<1x16xf32> to vector<16xf32>
        %mul3A_946 = arith.constant 8.000000e+00 : f32
        %mul3A_947 = vector.broadcast %mul3A_946 : f32 to vector<16xf32>
        %mul3A_948 = arith.mulf %get3A_945, %mul3A_947 : vector<16xf32>
        %get3A_949 = arith.index_cast %rem3A_882 : i32 to index
        %get3A_950 = arith.constant 48 : index
        %get3A_951 = tpu.vector_load %arg13[%get3A_949, %get3A_950] {strides = array<i32>} : memref<200x64xf32, #tpu.memory_space<vmem>>, vector<1x16xf32>,
        %get3A_952 = vector.shape_cast %get3A_951 : vector<1x16xf32> to vector<16xf32>
        %add3A_953 = arith.addf %mul3A_948, %get3A_952 : vector<16xf32>
        %swap3A_954 = arith.index_cast %add3A_878 : i32 to index
        %swap3A_955 = arith.constant 48 : index
        %swap3A_956 = tpu.vector_load %arg12[%swap3A_954, %swap3A_955] {strides = array<i32>} : memref<128x64xf32, #tpu.memory_space<vmem>>, vector<1x16xf32>,
        %swap3A_957 = vector.shape_cast %swap3A_956 : vector<1x16xf32> to vector<16xf32>
        %swap3A_958 = vector.shape_cast %add3A_953 : vector<16xf32> to vector<1x16xf32>
        tpu.vector_store %arg12[%swap3A_954, %swap3A_955], %swap3A_958 {strides = array<i32>} : memref<128x64xf32, #tpu.memory_space<vmem>>, vector<1x16xf32>,
        %slice3A_959 = vector.extract_strided_slice %get3A_102 {offsets = [10], sizes = [1], strides = [1]} : vector<16xi32> to vector<1xi32>
        %squeeze3A_960 = vector.extract %slice3A_959[0] : i32 from vector<1xi32>
        %mul3A_961 = arith.constant 16 : i32
        %mul3A_962 = arith.muli %scan3A_95, %mul3A_961 : i32
        %add3A_963 = arith.constant 10 : i32
        %add3A_964 = arith.addi %mul3A_962, %add3A_963 : i32
        %add3A_965 = arith.constant 10 : i32
        %add3A_966 = arith.addi %add3A_100, %add3A_965 : i32
        %rem3A_967 = arith.constant 200 : i32
        %rem3A_968 = arith.remsi %add3A_966, %rem3A_967 : i32
        %add3A_969 = arith.constant 0 : i32
        %add3A_970 = arith.addi %squeeze3A_960, %add3A_969 : i32
        %get3A_971 = arith.index_cast %add3A_964 : i32 to index
        %get3A_972 = arith.index_cast %add3A_970 : i32 to index
        %get3A_973 = tpu.vector_load %arg10[%get3A_971, %get3A_972] {strides = array<i32>} : memref<128x128xf32, #tpu.memory_space<vmem>>, vector<1x16xf32>,
        %get3A_974 = vector.shape_cast %get3A_973 : vector<1x16xf32> to vector<16xf32>
        %mul3A_975 = arith.constant 8.000000e+00 : f32
        %mul3A_976 = vector.broadcast %mul3A_975 : f32 to vector<16xf32>
        %mul3A_977 = arith.mulf %get3A_974, %mul3A_976 : vector<16xf32>
        %get3A_978 = arith.index_cast %rem3A_968 : i32 to index
        %get3A_979 = arith.constant 0 : index
        %get3A_980 = tpu.vector_load %arg13[%get3A_978, %get3A_979] {strides = array<i32>} : memref<200x64xf32, #tpu.memory_space<vmem>>, vector<1x16xf32>,
        %get3A_981 = vector.shape_cast %get3A_980 : vector<1x16xf32> to vector<16xf32>
        %add3A_982 = arith.addf %mul3A_977, %get3A_981 : vector<16xf32>
        %swap3A_983 = arith.index_cast %add3A_964 : i32 to index
        %swap3A_984 = arith.constant 0 : index
        %swap3A_985 = tpu.vector_load %arg12[%swap3A_983, %swap3A_984] {strides = array<i32>} : memref<128x64xf32, #tpu.memory_space<vmem>>, vector<1x16xf32>,
        %swap3A_986 = vector.shape_cast %swap3A_985 : vector<1x16xf32> to vector<16xf32>
        %swap3A_987 = vector.shape_cast %add3A_982 : vector<16xf32> to vector<1x16xf32>
        tpu.vector_store %arg12[%swap3A_983, %swap3A_984], %swap3A_987 {strides = array<i32>} : memref<128x64xf32, #tpu.memory_space<vmem>>, vector<1x16xf32>,
        %add3A_988 = arith.constant 16 : i32
        %add3A_989 = arith.addi %squeeze3A_960, %add3A_988 : i32
        %get3A_990 = arith.index_cast %add3A_964 : i32 to index
        %get3A_991 = arith.index_cast %add3A_989 : i32 to index
        %get3A_992 = tpu.vector_load %arg10[%get3A_990, %get3A_991] {strides = array<i32>} : memref<128x128xf32, #tpu.memory_space<vmem>>, vector<1x16xf32>,
        %get3A_993 = vector.shape_cast %get3A_992 : vector<1x16xf32> to vector<16xf32>
        %mul3A_994 = arith.constant 8.000000e+00 : f32
        %mul3A_995 = vector.broadcast %mul3A_994 : f32 to vector<16xf32>
        %mul3A_996 = arith.mulf %get3A_993, %mul3A_995 : vector<16xf32>
        %get3A_997 = arith.index_cast %rem3A_968 : i32 to index
        %get3A_998 = arith.constant 16 : index
        %get3A_999 = tpu.vector_load %arg13[%get3A_997, %get3A_998] {strides = array<i32>} : memref<200x64xf32, #tpu.memory_space<vmem>>, vector<1x16xf32>,
        %get3A_1000 = vector.shape_cast %get3A_999 : vector<1x16xf32> to vector<16xf32>
        %add3A_1001 = arith.addf %mul3A_996, %get3A_1000 : vector<16xf32>
        %swap3A_1002 = arith.index_cast %add3A_964 : i32 to index
        %swap3A_1003 = arith.constant 16 : index
        %swap3A_1004 = tpu.vector_load %arg12[%swap3A_1002, %swap3A_1003] {strides = array<i32>} : memref<128x64xf32, #tpu.memory_space<vmem>>, vector<1x16xf32>,
        %swap3A_1005 = vector.shape_cast %swap3A_1004 : vector<1x16xf32> to vector<16xf32>
        %swap3A_1006 = vector.shape_cast %add3A_1001 : vector<16xf32> to vector<1x16xf32>
        tpu.vector_store %arg12[%swap3A_1002, %swap3A_1003], %swap3A_1006 {strides = array<i32>} : memref<128x64xf32, #tpu.memory_space<vmem>>, vector<1x16xf32>,
        %add3A_1007 = arith.constant 32 : i32
        %add3A_1008 = arith.addi %squeeze3A_960, %add3A_1007 : i32
        %get3A_1009 = arith.index_cast %add3A_964 : i32 to index
        %get3A_1010 = arith.index_cast %add3A_1008 : i32 to index
        %get3A_1011 = tpu.vector_load %arg10[%get3A_1009, %get3A_1010] {strides = array<i32>} : memref<128x128xf32, #tpu.memory_space<vmem>>, vector<1x16xf32>,
        %get3A_1012 = vector.shape_cast %get3A_1011 : vector<1x16xf32> to vector<16xf32>
        %mul3A_1013 = arith.constant 8.000000e+00 : f32
        %mul3A_1014 = vector.broadcast %mul3A_1013 : f32 to vector<16xf32>
        %mul3A_1015 = arith.mulf %get3A_1012, %mul3A_1014 : vector<16xf32>
        %get3A_1016 = arith.index_cast %rem3A_968 : i32 to index
        %get3A_1017 = arith.constant 32 : index
        %get3A_1018 = tpu.vector_load %arg13[%get3A_1016, %get3A_1017] {strides = array<i32>} : memref<200x64xf32, #tpu.memory_space<vmem>>, vector<1x16xf32>,
        %get3A_1019 = vector.shape_cast %get3A_1018 : vector<1x16xf32> to vector<16xf32>
        %add3A_1020 = arith.addf %mul3A_1015, %get3A_1019 : vector<16xf32>
        %swap3A_1021 = arith.index_cast %add3A_964 : i32 to index
        %swap3A_1022 = arith.constant 32 : index
        %swap3A_1023 = tpu.vector_load %arg12[%swap3A_1021, %swap3A_1022] {strides = array<i32>} : memref<128x64xf32, #tpu.memory_space<vmem>>, vector<1x16xf32>,
        %swap3A_1024 = vector.shape_cast %swap3A_1023 : vector<1x16xf32> to vector<16xf32>
        %swap3A_1025 = vector.shape_cast %add3A_1020 : vector<16xf32> to vector<1x16xf32>
        tpu.vector_store %arg12[%swap3A_1021, %swap3A_1022], %swap3A_1025 {strides = array<i32>} : memref<128x64xf32, #tpu.memory_space<vmem>>, vector<1x16xf32>,
        %add3A_1026 = arith.constant 48 : i32
        %add3A_1027 = arith.addi %squeeze3A_960, %add3A_1026 : i32
        %get3A_1028 = arith.index_cast %add3A_964 : i32 to index
        %get3A_1029 = arith.index_cast %add3A_1027 : i32 to index
        %get3A_1030 = tpu.vector_load %arg10[%get3A_1028, %get3A_1029] {strides = array<i32>} : memref<128x128xf32, #tpu.memory_space<vmem>>, vector<1x16xf32>,
        %get3A_1031 = vector.shape_cast %get3A_1030 : vector<1x16xf32> to vector<16xf32>
        %mul3A_1032 = arith.constant 8.000000e+00 : f32
        %mul3A_1033 = vector.broadcast %mul3A_1032 : f32 to vector<16xf32>
        %mul3A_1034 = arith.mulf %get3A_1031, %mul3A_1033 : vector<16xf32>
        %get3A_1035 = arith.index_cast %rem3A_968 : i32 to index
        %get3A_1036 = arith.constant 48 : index
        %get3A_1037 = tpu.vector_load %arg13[%get3A_1035, %get3A_1036] {strides = array<i32>} : memref<200x64xf32, #tpu.memory_space<vmem>>, vector<1x16xf32>,
        %get3A_1038 = vector.shape_cast %get3A_1037 : vector<1x16xf32> to vector<16xf32>
        %add3A_1039 = arith.addf %mul3A_1034, %get3A_1038 : vector<16xf32>
        %swap3A_1040 = arith.index_cast %add3A_964 : i32 to index
        %swap3A_1041 = arith.constant 48 : index
        %swap3A_1042 = tpu.vector_load %arg12[%swap3A_1040, %swap3A_1041] {strides = array<i32>} : memref<128x64xf32, #tpu.memory_space<vmem>>, vector<1x16xf32>,
        %swap3A_1043 = vector.shape_cast %swap3A_1042 : vector<1x16xf32> to vector<16xf32>
        %swap3A_1044 = vector.shape_cast %add3A_1039 : vector<16xf32> to vector<1x16xf32>
        tpu.vector_store %arg12[%swap3A_1040, %swap3A_1041], %swap3A_1044 {strides = array<i32>} : memref<128x64xf32, #tpu.memory_space<vmem>>, vector<1x16xf32>,
        %slice3A_1045 = vector.extract_strided_slice %get3A_102 {offsets = [11], sizes = [1], strides = [1]} : vector<16xi32> to vector<1xi32>
        %squeeze3A_1046 = vector.extract %slice3A_1045[0] : i32 from vector<1xi32>
        %mul3A_1047 = arith.constant 16 : i32
        %mul3A_1048 = arith.muli %scan3A_95, %mul3A_1047 : i32
        %add3A_1049 = arith.constant 11 : i32
        %add3A_1050 = arith.addi %mul3A_1048, %add3A_1049 : i32
        %add3A_1051 = arith.constant 11 : i32
        %add3A_1052 = arith.addi %add3A_100, %add3A_1051 : i32
        %rem3A_1053 = arith.constant 200 : i32
        %rem3A_1054 = arith.remsi %add3A_1052, %rem3A_1053 : i32
        %add3A_1055 = arith.constant 0 : i32
        %add3A_1056 = arith.addi %squeeze3A_1046, %add3A_1055 : i32
        %get3A_1057 = arith.index_cast %add3A_1050 : i32 to index
        %get3A_1058 = arith.index_cast %add3A_1056 : i32 to index
        %get3A_1059 = tpu.vector_load %arg10[%get3A_1057, %get3A_1058] {strides = array<i32>} : memref<128x128xf32, #tpu.memory_space<vmem>>, vector<1x16xf32>,
        %get3A_1060 = vector.shape_cast %get3A_1059 : vector<1x16xf32> to vector<16xf32>
        %mul3A_1061 = arith.constant 8.000000e+00 : f32
        %mul3A_1062 = vector.broadcast %mul3A_1061 : f32 to vector<16xf32>
        %mul3A_1063 = arith.mulf %get3A_1060, %mul3A_1062 : vector<16xf32>
        %get3A_1064 = arith.index_cast %rem3A_1054 : i32 to index
        %get3A_1065 = arith.constant 0 : index
        %get3A_1066 = tpu.vector_load %arg13[%get3A_1064, %get3A_1065] {strides = array<i32>} : memref<200x64xf32, #tpu.memory_space<vmem>>, vector<1x16xf32>,
        %get3A_1067 = vector.shape_cast %get3A_1066 : vector<1x16xf32> to vector<16xf32>
        %add3A_1068 = arith.addf %mul3A_1063, %get3A_1067 : vector<16xf32>
        %swap3A_1069 = arith.index_cast %add3A_1050 : i32 to index
        %swap3A_1070 = arith.constant 0 : index
        %swap3A_1071 = tpu.vector_load %arg12[%swap3A_1069, %swap3A_1070] {strides = array<i32>} : memref<128x64xf32, #tpu.memory_space<vmem>>, vector<1x16xf32>,
        %swap3A_1072 = vector.shape_cast %swap3A_1071 : vector<1x16xf32> to vector<16xf32>
        %swap3A_1073 = vector.shape_cast %add3A_1068 : vector<16xf32> to vector<1x16xf32>
        tpu.vector_store %arg12[%swap3A_1069, %swap3A_1070], %swap3A_1073 {strides = array<i32>} : memref<128x64xf32, #tpu.memory_space<vmem>>, vector<1x16xf32>,
        %add3A_1074 = arith.constant 16 : i32
        %add3A_1075 = arith.addi %squeeze3A_1046, %add3A_1074 : i32
        %get3A_1076 = arith.index_cast %add3A_1050 : i32 to index
        %get3A_1077 = arith.index_cast %add3A_1075 : i32 to index
        %get3A_1078 = tpu.vector_load %arg10[%get3A_1076, %get3A_1077] {strides = array<i32>} : memref<128x128xf32, #tpu.memory_space<vmem>>, vector<1x16xf32>,
        %get3A_1079 = vector.shape_cast %get3A_1078 : vector<1x16xf32> to vector<16xf32>
        %mul3A_1080 = arith.constant 8.000000e+00 : f32
        %mul3A_1081 = vector.broadcast %mul3A_1080 : f32 to vector<16xf32>
        %mul3A_1082 = arith.mulf %get3A_1079, %mul3A_1081 : vector<16xf32>
        %get3A_1083 = arith.index_cast %rem3A_1054 : i32 to index
        %get3A_1084 = arith.constant 16 : index
        %get3A_1085 = tpu.vector_load %arg13[%get3A_1083, %get3A_1084] {strides = array<i32>} : memref<200x64xf32, #tpu.memory_space<vmem>>, vector<1x16xf32>,
        %get3A_1086 = vector.shape_cast %get3A_1085 : vector<1x16xf32> to vector<16xf32>
        %add3A_1087 = arith.addf %mul3A_1082, %get3A_1086 : vector<16xf32>
        %swap3A_1088 = arith.index_cast %add3A_1050 : i32 to index
        %swap3A_1089 = arith.constant 16 : index
        %swap3A_1090 = tpu.vector_load %arg12[%swap3A_1088, %swap3A_1089] {strides = array<i32>} : memref<128x64xf32, #tpu.memory_space<vmem>>, vector<1x16xf32>,
        %swap3A_1091 = vector.shape_cast %swap3A_1090 : vector<1x16xf32> to vector<16xf32>
        %swap3A_1092 = vector.shape_cast %add3A_1087 : vector<16xf32> to vector<1x16xf32>
        tpu.vector_store %arg12[%swap3A_1088, %swap3A_1089], %swap3A_1092 {strides = array<i32>} : memref<128x64xf32, #tpu.memory_space<vmem>>, vector<1x16xf32>,
        %add3A_1093 = arith.constant 32 : i32
        %add3A_1094 = arith.addi %squeeze3A_1046, %add3A_1093 : i32
        %get3A_1095 = arith.index_cast %add3A_1050 : i32 to index
        %get3A_1096 = arith.index_cast %add3A_1094 : i32 to index
        %get3A_1097 = tpu.vector_load %arg10[%get3A_1095, %get3A_1096] {strides = array<i32>} : memref<128x128xf32, #tpu.memory_space<vmem>>, vector<1x16xf32>,
        %get3A_1098 = vector.shape_cast %get3A_1097 : vector<1x16xf32> to vector<16xf32>
        %mul3A_1099 = arith.constant 8.000000e+00 : f32
        %mul3A_1100 = vector.broadcast %mul3A_1099 : f32 to vector<16xf32>
        %mul3A_1101 = arith.mulf %get3A_1098, %mul3A_1100 : vector<16xf32>
        %get3A_1102 = arith.index_cast %rem3A_1054 : i32 to index
        %get3A_1103 = arith.constant 32 : index
        %get3A_1104 = tpu.vector_load %arg13[%get3A_1102, %get3A_1103] {strides = array<i32>} : memref<200x64xf32, #tpu.memory_space<vmem>>, vector<1x16xf32>,
        %get3A_1105 = vector.shape_cast %get3A_1104 : vector<1x16xf32> to vector<16xf32>
        %add3A_1106 = arith.addf %mul3A_1101, %get3A_1105 : vector<16xf32>
        %swap3A_1107 = arith.index_cast %add3A_1050 : i32 to index
        %swap3A_1108 = arith.constant 32 : index
        %swap3A_1109 = tpu.vector_load %arg12[%swap3A_1107, %swap3A_1108] {strides = array<i32>} : memref<128x64xf32, #tpu.memory_space<vmem>>, vector<1x16xf32>,
        %swap3A_1110 = vector.shape_cast %swap3A_1109 : vector<1x16xf32> to vector<16xf32>
        %swap3A_1111 = vector.shape_cast %add3A_1106 : vector<16xf32> to vector<1x16xf32>
        tpu.vector_store %arg12[%swap3A_1107, %swap3A_1108], %swap3A_1111 {strides = array<i32>} : memref<128x64xf32, #tpu.memory_space<vmem>>, vector<1x16xf32>,
        %add3A_1112 = arith.constant 48 : i32
        %add3A_1113 = arith.addi %squeeze3A_1046, %add3A_1112 : i32
        %get3A_1114 = arith.index_cast %add3A_1050 : i32 to index
        %get3A_1115 = arith.index_cast %add3A_1113 : i32 to index
        %get3A_1116 = tpu.vector_load %arg10[%get3A_1114, %get3A_1115] {strides = array<i32>} : memref<128x128xf32, #tpu.memory_space<vmem>>, vector<1x16xf32>,
        %get3A_1117 = vector.shape_cast %get3A_1116 : vector<1x16xf32> to vector<16xf32>
        %mul3A_1118 = arith.constant 8.000000e+00 : f32
        %mul3A_1119 = vector.broadcast %mul3A_1118 : f32 to vector<16xf32>
        %mul3A_1120 = arith.mulf %get3A_1117, %mul3A_1119 : vector<16xf32>
        %get3A_1121 = arith.index_cast %rem3A_1054 : i32 to index
        %get3A_1122 = arith.constant 48 : index
        %get3A_1123 = tpu.vector_load %arg13[%get3A_1121, %get3A_1122] {strides = array<i32>} : memref<200x64xf32, #tpu.memory_space<vmem>>, vector<1x16xf32>,
        %get3A_1124 = vector.shape_cast %get3A_1123 : vector<1x16xf32> to vector<16xf32>
        %add3A_1125 = arith.addf %mul3A_1120, %get3A_1124 : vector<16xf32>
        %swap3A_1126 = arith.index_cast %add3A_1050 : i32 to index
        %swap3A_1127 = arith.constant 48 : index
        %swap3A_1128 = tpu.vector_load %arg12[%swap3A_1126, %swap3A_1127] {strides = array<i32>} : memref<128x64xf32, #tpu.memory_space<vmem>>, vector<1x16xf32>,
        %swap3A_1129 = vector.shape_cast %swap3A_1128 : vector<1x16xf32> to vector<16xf32>
        %swap3A_1130 = vector.shape_cast %add3A_1125 : vector<16xf32> to vector<1x16xf32>
        tpu.vector_store %arg12[%swap3A_1126, %swap3A_1127], %swap3A_1130 {strides = array<i32>} : memref<128x64xf32, #tpu.memory_space<vmem>>, vector<1x16xf32>,
        %slice3A_1131 = vector.extract_strided_slice %get3A_102 {offsets = [12], sizes = [1], strides = [1]} : vector<16xi32> to vector<1xi32>
        %squeeze3A_1132 = vector.extract %slice3A_1131[0] : i32 from vector<1xi32>
        %mul3A_1133 = arith.constant 16 : i32
        %mul3A_1134 = arith.muli %scan3A_95, %mul3A_1133 : i32
        %add3A_1135 = arith.constant 12 : i32
        %add3A_1136 = arith.addi %mul3A_1134, %add3A_1135 : i32
        %add3A_1137 = arith.constant 12 : i32
        %add3A_1138 = arith.addi %add3A_100, %add3A_1137 : i32
        %rem3A_1139 = arith.constant 200 : i32
        %rem3A_1140 = arith.remsi %add3A_1138, %rem3A_1139 : i32
        %add3A_1141 = arith.constant 0 : i32
        %add3A_1142 = arith.addi %squeeze3A_1132, %add3A_1141 : i32
        %get3A_1143 = arith.index_cast %add3A_1136 : i32 to index
        %get3A_1144 = arith.index_cast %add3A_1142 : i32 to index
        %get3A_1145 = tpu.vector_load %arg10[%get3A_1143, %get3A_1144] {strides = array<i32>} : memref<128x128xf32, #tpu.memory_space<vmem>>, vector<1x16xf32>,
        %get3A_1146 = vector.shape_cast %get3A_1145 : vector<1x16xf32> to vector<16xf32>
        %mul3A_1147 = arith.constant 8.000000e+00 : f32
        %mul3A_1148 = vector.broadcast %mul3A_1147 : f32 to vector<16xf32>
        %mul3A_1149 = arith.mulf %get3A_1146, %mul3A_1148 : vector<16xf32>
        %get3A_1150 = arith.index_cast %rem3A_1140 : i32 to index
        %get3A_1151 = arith.constant 0 : index
        %get3A_1152 = tpu.vector_load %arg13[%get3A_1150, %get3A_1151] {strides = array<i32>} : memref<200x64xf32, #tpu.memory_space<vmem>>, vector<1x16xf32>,
        %get3A_1153 = vector.shape_cast %get3A_1152 : vector<1x16xf32> to vector<16xf32>
        %add3A_1154 = arith.addf %mul3A_1149, %get3A_1153 : vector<16xf32>
        %swap3A_1155 = arith.index_cast %add3A_1136 : i32 to index
        %swap3A_1156 = arith.constant 0 : index
        %swap3A_1157 = tpu.vector_load %arg12[%swap3A_1155, %swap3A_1156] {strides = array<i32>} : memref<128x64xf32, #tpu.memory_space<vmem>>, vector<1x16xf32>,
        %swap3A_1158 = vector.shape_cast %swap3A_1157 : vector<1x16xf32> to vector<16xf32>
        %swap3A_1159 = vector.shape_cast %add3A_1154 : vector<16xf32> to vector<1x16xf32>
        tpu.vector_store %arg12[%swap3A_1155, %swap3A_1156], %swap3A_1159 {strides = array<i32>} : memref<128x64xf32, #tpu.memory_space<vmem>>, vector<1x16xf32>,
        %add3A_1160 = arith.constant 16 : i32
        %add3A_1161 = arith.addi %squeeze3A_1132, %add3A_1160 : i32
        %get3A_1162 = arith.index_cast %add3A_1136 : i32 to index
        %get3A_1163 = arith.index_cast %add3A_1161 : i32 to index
        %get3A_1164 = tpu.vector_load %arg10[%get3A_1162, %get3A_1163] {strides = array<i32>} : memref<128x128xf32, #tpu.memory_space<vmem>>, vector<1x16xf32>,
        %get3A_1165 = vector.shape_cast %get3A_1164 : vector<1x16xf32> to vector<16xf32>
        %mul3A_1166 = arith.constant 8.000000e+00 : f32
        %mul3A_1167 = vector.broadcast %mul3A_1166 : f32 to vector<16xf32>
        %mul3A_1168 = arith.mulf %get3A_1165, %mul3A_1167 : vector<16xf32>
        %get3A_1169 = arith.index_cast %rem3A_1140 : i32 to index
        %get3A_1170 = arith.constant 16 : index
        %get3A_1171 = tpu.vector_load %arg13[%get3A_1169, %get3A_1170] {strides = array<i32>} : memref<200x64xf32, #tpu.memory_space<vmem>>, vector<1x16xf32>,
        %get3A_1172 = vector.shape_cast %get3A_1171 : vector<1x16xf32> to vector<16xf32>
        %add3A_1173 = arith.addf %mul3A_1168, %get3A_1172 : vector<16xf32>
        %swap3A_1174 = arith.index_cast %add3A_1136 : i32 to index
        %swap3A_1175 = arith.constant 16 : index
        %swap3A_1176 = tpu.vector_load %arg12[%swap3A_1174, %swap3A_1175] {strides = array<i32>} : memref<128x64xf32, #tpu.memory_space<vmem>>, vector<1x16xf32>,
        %swap3A_1177 = vector.shape_cast %swap3A_1176 : vector<1x16xf32> to vector<16xf32>
        %swap3A_1178 = vector.shape_cast %add3A_1173 : vector<16xf32> to vector<1x16xf32>
        tpu.vector_store %arg12[%swap3A_1174, %swap3A_1175], %swap3A_1178 {strides = array<i32>} : memref<128x64xf32, #tpu.memory_space<vmem>>, vector<1x16xf32>,
        %add3A_1179 = arith.constant 32 : i32
        %add3A_1180 = arith.addi %squeeze3A_1132, %add3A_1179 : i32
        %get3A_1181 = arith.index_cast %add3A_1136 : i32 to index
        %get3A_1182 = arith.index_cast %add3A_1180 : i32 to index
        %get3A_1183 = tpu.vector_load %arg10[%get3A_1181, %get3A_1182] {strides = array<i32>} : memref<128x128xf32, #tpu.memory_space<vmem>>, vector<1x16xf32>,
        %get3A_1184 = vector.shape_cast %get3A_1183 : vector<1x16xf32> to vector<16xf32>
        %mul3A_1185 = arith.constant 8.000000e+00 : f32
        %mul3A_1186 = vector.broadcast %mul3A_1185 : f32 to vector<16xf32>
        %mul3A_1187 = arith.mulf %get3A_1184, %mul3A_1186 : vector<16xf32>
        %get3A_1188 = arith.index_cast %rem3A_1140 : i32 to index
        %get3A_1189 = arith.constant 32 : index
        %get3A_1190 = tpu.vector_load %arg13[%get3A_1188, %get3A_1189] {strides = array<i32>} : memref<200x64xf32, #tpu.memory_space<vmem>>, vector<1x16xf32>,
        %get3A_1191 = vector.shape_cast %get3A_1190 : vector<1x16xf32> to vector<16xf32>
        %add3A_1192 = arith.addf %mul3A_1187, %get3A_1191 : vector<16xf32>
        %swap3A_1193 = arith.index_cast %add3A_1136 : i32 to index
        %swap3A_1194 = arith.constant 32 : index
        %swap3A_1195 = tpu.vector_load %arg12[%swap3A_1193, %swap3A_1194] {strides = array<i32>} : memref<128x64xf32, #tpu.memory_space<vmem>>, vector<1x16xf32>,
        %swap3A_1196 = vector.shape_cast %swap3A_1195 : vector<1x16xf32> to vector<16xf32>
        %swap3A_1197 = vector.shape_cast %add3A_1192 : vector<16xf32> to vector<1x16xf32>
        tpu.vector_store %arg12[%swap3A_1193, %swap3A_1194], %swap3A_1197 {strides = array<i32>} : memref<128x64xf32, #tpu.memory_space<vmem>>, vector<1x16xf32>,
        %add3A_1198 = arith.constant 48 : i32
        %add3A_1199 = arith.addi %squeeze3A_1132, %add3A_1198 : i32
        %get3A_1200 = arith.index_cast %add3A_1136 : i32 to index
        %get3A_1201 = arith.index_cast %add3A_1199 : i32 to index
        %get3A_1202 = tpu.vector_load %arg10[%get3A_1200, %get3A_1201] {strides = array<i32>} : memref<128x128xf32, #tpu.memory_space<vmem>>, vector<1x16xf32>,
        %get3A_1203 = vector.shape_cast %get3A_1202 : vector<1x16xf32> to vector<16xf32>
        %mul3A_1204 = arith.constant 8.000000e+00 : f32
        %mul3A_1205 = vector.broadcast %mul3A_1204 : f32 to vector<16xf32>
        %mul3A_1206 = arith.mulf %get3A_1203, %mul3A_1205 : vector<16xf32>
        %get3A_1207 = arith.index_cast %rem3A_1140 : i32 to index
        %get3A_1208 = arith.constant 48 : index
        %get3A_1209 = tpu.vector_load %arg13[%get3A_1207, %get3A_1208] {strides = array<i32>} : memref<200x64xf32, #tpu.memory_space<vmem>>, vector<1x16xf32>,
        %get3A_1210 = vector.shape_cast %get3A_1209 : vector<1x16xf32> to vector<16xf32>
        %add3A_1211 = arith.addf %mul3A_1206, %get3A_1210 : vector<16xf32>
        %swap3A_1212 = arith.index_cast %add3A_1136 : i32 to index
        %swap3A_1213 = arith.constant 48 : index
        %swap3A_1214 = tpu.vector_load %arg12[%swap3A_1212, %swap3A_1213] {strides = array<i32>} : memref<128x64xf32, #tpu.memory_space<vmem>>, vector<1x16xf32>,
        %swap3A_1215 = vector.shape_cast %swap3A_1214 : vector<1x16xf32> to vector<16xf32>
        %swap3A_1216 = vector.shape_cast %add3A_1211 : vector<16xf32> to vector<1x16xf32>
        tpu.vector_store %arg12[%swap3A_1212, %swap3A_1213], %swap3A_1216 {strides = array<i32>} : memref<128x64xf32, #tpu.memory_space<vmem>>, vector<1x16xf32>,
        %slice3A_1217 = vector.extract_strided_slice %get3A_102 {offsets = [13], sizes = [1], strides = [1]} : vector<16xi32> to vector<1xi32>
        %squeeze3A_1218 = vector.extract %slice3A_1217[0] : i32 from vector<1xi32>
        %mul3A_1219 = arith.constant 16 : i32
        %mul3A_1220 = arith.muli %scan3A_95, %mul3A_1219 : i32
        %add3A_1221 = arith.constant 13 : i32
        %add3A_1222 = arith.addi %mul3A_1220, %add3A_1221 : i32
        %add3A_1223 = arith.constant 13 : i32
        %add3A_1224 = arith.addi %add3A_100, %add3A_1223 : i32
        %rem3A_1225 = arith.constant 200 : i32
        %rem3A_1226 = arith.remsi %add3A_1224, %rem3A_1225 : i32
        %add3A_1227 = arith.constant 0 : i32
        %add3A_1228 = arith.addi %squeeze3A_1218, %add3A_1227 : i32
        %get3A_1229 = arith.index_cast %add3A_1222 : i32 to index
        %get3A_1230 = arith.index_cast %add3A_1228 : i32 to index
        %get3A_1231 = tpu.vector_load %arg10[%get3A_1229, %get3A_1230] {strides = array<i32>} : memref<128x128xf32, #tpu.memory_space<vmem>>, vector<1x16xf32>,
        %get3A_1232 = vector.shape_cast %get3A_1231 : vector<1x16xf32> to vector<16xf32>
        %mul3A_1233 = arith.constant 8.000000e+00 : f32
        %mul3A_1234 = vector.broadcast %mul3A_1233 : f32 to vector<16xf32>
        %mul3A_1235 = arith.mulf %get3A_1232, %mul3A_1234 : vector<16xf32>
        %get3A_1236 = arith.index_cast %rem3A_1226 : i32 to index
        %get3A_1237 = arith.constant 0 : index
        %get3A_1238 = tpu.vector_load %arg13[%get3A_1236, %get3A_1237] {strides = array<i32>} : memref<200x64xf32, #tpu.memory_space<vmem>>, vector<1x16xf32>,
        %get3A_1239 = vector.shape_cast %get3A_1238 : vector<1x16xf32> to vector<16xf32>
        %add3A_1240 = arith.addf %mul3A_1235, %get3A_1239 : vector<16xf32>
        %swap3A_1241 = arith.index_cast %add3A_1222 : i32 to index
        %swap3A_1242 = arith.constant 0 : index
        %swap3A_1243 = tpu.vector_load %arg12[%swap3A_1241, %swap3A_1242] {strides = array<i32>} : memref<128x64xf32, #tpu.memory_space<vmem>>, vector<1x16xf32>,
        %swap3A_1244 = vector.shape_cast %swap3A_1243 : vector<1x16xf32> to vector<16xf32>
        %swap3A_1245 = vector.shape_cast %add3A_1240 : vector<16xf32> to vector<1x16xf32>
        tpu.vector_store %arg12[%swap3A_1241, %swap3A_1242], %swap3A_1245 {strides = array<i32>} : memref<128x64xf32, #tpu.memory_space<vmem>>, vector<1x16xf32>,
        %add3A_1246 = arith.constant 16 : i32
        %add3A_1247 = arith.addi %squeeze3A_1218, %add3A_1246 : i32
        %get3A_1248 = arith.index_cast %add3A_1222 : i32 to index
        %get3A_1249 = arith.index_cast %add3A_1247 : i32 to index
        %get3A_1250 = tpu.vector_load %arg10[%get3A_1248, %get3A_1249] {strides = array<i32>} : memref<128x128xf32, #tpu.memory_space<vmem>>, vector<1x16xf32>,
        %get3A_1251 = vector.shape_cast %get3A_1250 : vector<1x16xf32> to vector<16xf32>
        %mul3A_1252 = arith.constant 8.000000e+00 : f32
        %mul3A_1253 = vector.broadcast %mul3A_1252 : f32 to vector<16xf32>
        %mul3A_1254 = arith.mulf %get3A_1251, %mul3A_1253 : vector<16xf32>
        %get3A_1255 = arith.index_cast %rem3A_1226 : i32 to index
        %get3A_1256 = arith.constant 16 : index
        %get3A_1257 = tpu.vector_load %arg13[%get3A_1255, %get3A_1256] {strides = array<i32>} : memref<200x64xf32, #tpu.memory_space<vmem>>, vector<1x16xf32>,
        %get3A_1258 = vector.shape_cast %get3A_1257 : vector<1x16xf32> to vector<16xf32>
        %add3A_1259 = arith.addf %mul3A_1254, %get3A_1258 : vector<16xf32>
        %swap3A_1260 = arith.index_cast %add3A_1222 : i32 to index
        %swap3A_1261 = arith.constant 16 : index
        %swap3A_1262 = tpu.vector_load %arg12[%swap3A_1260, %swap3A_1261] {strides = array<i32>} : memref<128x64xf32, #tpu.memory_space<vmem>>, vector<1x16xf32>,
        %swap3A_1263 = vector.shape_cast %swap3A_1262 : vector<1x16xf32> to vector<16xf32>
        %swap3A_1264 = vector.shape_cast %add3A_1259 : vector<16xf32> to vector<1x16xf32>
        tpu.vector_store %arg12[%swap3A_1260, %swap3A_1261], %swap3A_1264 {strides = array<i32>} : memref<128x64xf32, #tpu.memory_space<vmem>>, vector<1x16xf32>,
        %add3A_1265 = arith.constant 32 : i32
        %add3A_1266 = arith.addi %squeeze3A_1218, %add3A_1265 : i32
        %get3A_1267 = arith.index_cast %add3A_1222 : i32 to index
        %get3A_1268 = arith.index_cast %add3A_1266 : i32 to index
        %get3A_1269 = tpu.vector_load %arg10[%get3A_1267, %get3A_1268] {strides = array<i32>} : memref<128x128xf32, #tpu.memory_space<vmem>>, vector<1x16xf32>,
        %get3A_1270 = vector.shape_cast %get3A_1269 : vector<1x16xf32> to vector<16xf32>
        %mul3A_1271 = arith.constant 8.000000e+00 : f32
        %mul3A_1272 = vector.broadcast %mul3A_1271 : f32 to vector<16xf32>
        %mul3A_1273 = arith.mulf %get3A_1270, %mul3A_1272 : vector<16xf32>
        %get3A_1274 = arith.index_cast %rem3A_1226 : i32 to index
        %get3A_1275 = arith.constant 32 : index
        %get3A_1276 = tpu.vector_load %arg13[%get3A_1274, %get3A_1275] {strides = array<i32>} : memref<200x64xf32, #tpu.memory_space<vmem>>, vector<1x16xf32>,
        %get3A_1277 = vector.shape_cast %get3A_1276 : vector<1x16xf32> to vector<16xf32>
        %add3A_1278 = arith.addf %mul3A_1273, %get3A_1277 : vector<16xf32>
        %swap3A_1279 = arith.index_cast %add3A_1222 : i32 to index
        %swap3A_1280 = arith.constant 32 : index
        %swap3A_1281 = tpu.vector_load %arg12[%swap3A_1279, %swap3A_1280] {strides = array<i32>} : memref<128x64xf32, #tpu.memory_space<vmem>>, vector<1x16xf32>,
        %swap3A_1282 = vector.shape_cast %swap3A_1281 : vector<1x16xf32> to vector<16xf32>
        %swap3A_1283 = vector.shape_cast %add3A_1278 : vector<16xf32> to vector<1x16xf32>
        tpu.vector_store %arg12[%swap3A_1279, %swap3A_1280], %swap3A_1283 {strides = array<i32>} : memref<128x64xf32, #tpu.memory_space<vmem>>, vector<1x16xf32>,
        %add3A_1284 = arith.constant 48 : i32
        %add3A_1285 = arith.addi %squeeze3A_1218, %add3A_1284 : i32
        %get3A_1286 = arith.index_cast %add3A_1222 : i32 to index
        %get3A_1287 = arith.index_cast %add3A_1285 : i32 to index
        %get3A_1288 = tpu.vector_load %arg10[%get3A_1286, %get3A_1287] {strides = array<i32>} : memref<128x128xf32, #tpu.memory_space<vmem>>, vector<1x16xf32>,
        %get3A_1289 = vector.shape_cast %get3A_1288 : vector<1x16xf32> to vector<16xf32>
        %mul3A_1290 = arith.constant 8.000000e+00 : f32
        %mul3A_1291 = vector.broadcast %mul3A_1290 : f32 to vector<16xf32>
        %mul3A_1292 = arith.mulf %get3A_1289, %mul3A_1291 : vector<16xf32>
        %get3A_1293 = arith.index_cast %rem3A_1226 : i32 to index
        %get3A_1294 = arith.constant 48 : index
        %get3A_1295 = tpu.vector_load %arg13[%get3A_1293, %get3A_1294] {strides = array<i32>} : memref<200x64xf32, #tpu.memory_space<vmem>>, vector<1x16xf32>,
        %get3A_1296 = vector.shape_cast %get3A_1295 : vector<1x16xf32> to vector<16xf32>
        %add3A_1297 = arith.addf %mul3A_1292, %get3A_1296 : vector<16xf32>
        %swap3A_1298 = arith.index_cast %add3A_1222 : i32 to index
        %swap3A_1299 = arith.constant 48 : index
        %swap3A_1300 = tpu.vector_load %arg12[%swap3A_1298, %swap3A_1299] {strides = array<i32>} : memref<128x64xf32, #tpu.memory_space<vmem>>, vector<1x16xf32>,
        %swap3A_1301 = vector.shape_cast %swap3A_1300 : vector<1x16xf32> to vector<16xf32>
        %swap3A_1302 = vector.shape_cast %add3A_1297 : vector<16xf32> to vector<1x16xf32>
        tpu.vector_store %arg12[%swap3A_1298, %swap3A_1299], %swap3A_1302 {strides = array<i32>} : memref<128x64xf32, #tpu.memory_space<vmem>>, vector<1x16xf32>,
        %slice3A_1303 = vector.extract_strided_slice %get3A_102 {offsets = [14], sizes = [1], strides = [1]} : vector<16xi32> to vector<1xi32>
        %squeeze3A_1304 = vector.extract %slice3A_1303[0] : i32 from vector<1xi32>
        %mul3A_1305 = arith.constant 16 : i32
        %mul3A_1306 = arith.muli %scan3A_95, %mul3A_1305 : i32
        %add3A_1307 = arith.constant 14 : i32
        %add3A_1308 = arith.addi %mul3A_1306, %add3A_1307 : i32
        %add3A_1309 = arith.constant 14 : i32
        %add3A_1310 = arith.addi %add3A_100, %add3A_1309 : i32
        %rem3A_1311 = arith.constant 200 : i32
        %rem3A_1312 = arith.remsi %add3A_1310, %rem3A_1311 : i32
        %add3A_1313 = arith.constant 0 : i32
        %add3A_1314 = arith.addi %squeeze3A_1304, %add3A_1313 : i32
        %get3A_1315 = arith.index_cast %add3A_1308 : i32 to index
        %get3A_1316 = arith.index_cast %add3A_1314 : i32 to index
        %get3A_1317 = tpu.vector_load %arg10[%get3A_1315, %get3A_1316] {strides = array<i32>} : memref<128x128xf32, #tpu.memory_space<vmem>>, vector<1x16xf32>,
        %get3A_1318 = vector.shape_cast %get3A_1317 : vector<1x16xf32> to vector<16xf32>
        %mul3A_1319 = arith.constant 8.000000e+00 : f32
        %mul3A_1320 = vector.broadcast %mul3A_1319 : f32 to vector<16xf32>
        %mul3A_1321 = arith.mulf %get3A_1318, %mul3A_1320 : vector<16xf32>
        %get3A_1322 = arith.index_cast %rem3A_1312 : i32 to index
        %get3A_1323 = arith.constant 0 : index
        %get3A_1324 = tpu.vector_load %arg13[%get3A_1322, %get3A_1323] {strides = array<i32>} : memref<200x64xf32, #tpu.memory_space<vmem>>, vector<1x16xf32>,
        %get3A_1325 = vector.shape_cast %get3A_1324 : vector<1x16xf32> to vector<16xf32>
        %add3A_1326 = arith.addf %mul3A_1321, %get3A_1325 : vector<16xf32>
        %swap3A_1327 = arith.index_cast %add3A_1308 : i32 to index
        %swap3A_1328 = arith.constant 0 : index
        %swap3A_1329 = tpu.vector_load %arg12[%swap3A_1327, %swap3A_1328] {strides = array<i32>} : memref<128x64xf32, #tpu.memory_space<vmem>>, vector<1x16xf32>,
        %swap3A_1330 = vector.shape_cast %swap3A_1329 : vector<1x16xf32> to vector<16xf32>
        %swap3A_1331 = vector.shape_cast %add3A_1326 : vector<16xf32> to vector<1x16xf32>
        tpu.vector_store %arg12[%swap3A_1327, %swap3A_1328], %swap3A_1331 {strides = array<i32>} : memref<128x64xf32, #tpu.memory_space<vmem>>, vector<1x16xf32>,
        %add3A_1332 = arith.constant 16 : i32
        %add3A_1333 = arith.addi %squeeze3A_1304, %add3A_1332 : i32
        %get3A_1334 = arith.index_cast %add3A_1308 : i32 to index
        %get3A_1335 = arith.index_cast %add3A_1333 : i32 to index
        %get3A_1336 = tpu.vector_load %arg10[%get3A_1334, %get3A_1335] {strides = array<i32>} : memref<128x128xf32, #tpu.memory_space<vmem>>, vector<1x16xf32>,
        %get3A_1337 = vector.shape_cast %get3A_1336 : vector<1x16xf32> to vector<16xf32>
        %mul3A_1338 = arith.constant 8.000000e+00 : f32
        %mul3A_1339 = vector.broadcast %mul3A_1338 : f32 to vector<16xf32>
        %mul3A_1340 = arith.mulf %get3A_1337, %mul3A_1339 : vector<16xf32>
        %get3A_1341 = arith.index_cast %rem3A_1312 : i32 to index
        %get3A_1342 = arith.constant 16 : index
        %get3A_1343 = tpu.vector_load %arg13[%get3A_1341, %get3A_1342] {strides = array<i32>} : memref<200x64xf32, #tpu.memory_space<vmem>>, vector<1x16xf32>,
        %get3A_1344 = vector.shape_cast %get3A_1343 : vector<1x16xf32> to vector<16xf32>
        %add3A_1345 = arith.addf %mul3A_1340, %get3A_1344 : vector<16xf32>
        %swap3A_1346 = arith.index_cast %add3A_1308 : i32 to index
        %swap3A_1347 = arith.constant 16 : index
        %swap3A_1348 = tpu.vector_load %arg12[%swap3A_1346, %swap3A_1347] {strides = array<i32>} : memref<128x64xf32, #tpu.memory_space<vmem>>, vector<1x16xf32>,
        %swap3A_1349 = vector.shape_cast %swap3A_1348 : vector<1x16xf32> to vector<16xf32>
        %swap3A_1350 = vector.shape_cast %add3A_1345 : vector<16xf32> to vector<1x16xf32>
        tpu.vector_store %arg12[%swap3A_1346, %swap3A_1347], %swap3A_1350 {strides = array<i32>} : memref<128x64xf32, #tpu.memory_space<vmem>>, vector<1x16xf32>,
        %add3A_1351 = arith.constant 32 : i32
        %add3A_1352 = arith.addi %squeeze3A_1304, %add3A_1351 : i32
        %get3A_1353 = arith.index_cast %add3A_1308 : i32 to index
        %get3A_1354 = arith.index_cast %add3A_1352 : i32 to index
        %get3A_1355 = tpu.vector_load %arg10[%get3A_1353, %get3A_1354] {strides = array<i32>} : memref<128x128xf32, #tpu.memory_space<vmem>>, vector<1x16xf32>,
        %get3A_1356 = vector.shape_cast %get3A_1355 : vector<1x16xf32> to vector<16xf32>
        %mul3A_1357 = arith.constant 8.000000e+00 : f32
        %mul3A_1358 = vector.broadcast %mul3A_1357 : f32 to vector<16xf32>
        %mul3A_1359 = arith.mulf %get3A_1356, %mul3A_1358 : vector<16xf32>
        %get3A_1360 = arith.index_cast %rem3A_1312 : i32 to index
        %get3A_1361 = arith.constant 32 : index
        %get3A_1362 = tpu.vector_load %arg13[%get3A_1360, %get3A_1361] {strides = array<i32>} : memref<200x64xf32, #tpu.memory_space<vmem>>, vector<1x16xf32>,
        %get3A_1363 = vector.shape_cast %get3A_1362 : vector<1x16xf32> to vector<16xf32>
        %add3A_1364 = arith.addf %mul3A_1359, %get3A_1363 : vector<16xf32>
        %swap3A_1365 = arith.index_cast %add3A_1308 : i32 to index
        %swap3A_1366 = arith.constant 32 : index
        %swap3A_1367 = tpu.vector_load %arg12[%swap3A_1365, %swap3A_1366] {strides = array<i32>} : memref<128x64xf32, #tpu.memory_space<vmem>>, vector<1x16xf32>,
        %swap3A_1368 = vector.shape_cast %swap3A_1367 : vector<1x16xf32> to vector<16xf32>
        %swap3A_1369 = vector.shape_cast %add3A_1364 : vector<16xf32> to vector<1x16xf32>
        tpu.vector_store %arg12[%swap3A_1365, %swap3A_1366], %swap3A_1369 {strides = array<i32>} : memref<128x64xf32, #tpu.memory_space<vmem>>, vector<1x16xf32>,
        %add3A_1370 = arith.constant 48 : i32
        %add3A_1371 = arith.addi %squeeze3A_1304, %add3A_1370 : i32
        %get3A_1372 = arith.index_cast %add3A_1308 : i32 to index
        %get3A_1373 = arith.index_cast %add3A_1371 : i32 to index
        %get3A_1374 = tpu.vector_load %arg10[%get3A_1372, %get3A_1373] {strides = array<i32>} : memref<128x128xf32, #tpu.memory_space<vmem>>, vector<1x16xf32>,
        %get3A_1375 = vector.shape_cast %get3A_1374 : vector<1x16xf32> to vector<16xf32>
        %mul3A_1376 = arith.constant 8.000000e+00 : f32
        %mul3A_1377 = vector.broadcast %mul3A_1376 : f32 to vector<16xf32>
        %mul3A_1378 = arith.mulf %get3A_1375, %mul3A_1377 : vector<16xf32>
        %get3A_1379 = arith.index_cast %rem3A_1312 : i32 to index
        %get3A_1380 = arith.constant 48 : index
        %get3A_1381 = tpu.vector_load %arg13[%get3A_1379, %get3A_1380] {strides = array<i32>} : memref<200x64xf32, #tpu.memory_space<vmem>>, vector<1x16xf32>,
        %get3A_1382 = vector.shape_cast %get3A_1381 : vector<1x16xf32> to vector<16xf32>
        %add3A_1383 = arith.addf %mul3A_1378, %get3A_1382 : vector<16xf32>
        %swap3A_1384 = arith.index_cast %add3A_1308 : i32 to index
        %swap3A_1385 = arith.constant 48 : index
        %swap3A_1386 = tpu.vector_load %arg12[%swap3A_1384, %swap3A_1385] {strides = array<i32>} : memref<128x64xf32, #tpu.memory_space<vmem>>, vector<1x16xf32>,
        %swap3A_1387 = vector.shape_cast %swap3A_1386 : vector<1x16xf32> to vector<16xf32>
        %swap3A_1388 = vector.shape_cast %add3A_1383 : vector<16xf32> to vector<1x16xf32>
        tpu.vector_store %arg12[%swap3A_1384, %swap3A_1385], %swap3A_1388 {strides = array<i32>} : memref<128x64xf32, #tpu.memory_space<vmem>>, vector<1x16xf32>,
        %slice3A_1389 = vector.extract_strided_slice %get3A_102 {offsets = [15], sizes = [1], strides = [1]} : vector<16xi32> to vector<1xi32>
        %squeeze3A_1390 = vector.extract %slice3A_1389[0] : i32 from vector<1xi32>
        %mul3A_1391 = arith.constant 16 : i32
        %mul3A_1392 = arith.muli %scan3A_95, %mul3A_1391 : i32
        %add3A_1393 = arith.constant 15 : i32
        %add3A_1394 = arith.addi %mul3A_1392, %add3A_1393 : i32
        %add3A_1395 = arith.constant 15 : i32
        %add3A_1396 = arith.addi %add3A_100, %add3A_1395 : i32
        %rem3A_1397 = arith.constant 200 : i32
        %rem3A_1398 = arith.remsi %add3A_1396, %rem3A_1397 : i32
        %add3A_1399 = arith.constant 0 : i32
        %add3A_1400 = arith.addi %squeeze3A_1390, %add3A_1399 : i32
        %get3A_1401 = arith.index_cast %add3A_1394 : i32 to index
        %get3A_1402 = arith.index_cast %add3A_1400 : i32 to index
        %get3A_1403 = tpu.vector_load %arg10[%get3A_1401, %get3A_1402] {strides = array<i32>} : memref<128x128xf32, #tpu.memory_space<vmem>>, vector<1x16xf32>,
        %get3A_1404 = vector.shape_cast %get3A_1403 : vector<1x16xf32> to vector<16xf32>
        %mul3A_1405 = arith.constant 8.000000e+00 : f32
        %mul3A_1406 = vector.broadcast %mul3A_1405 : f32 to vector<16xf32>
        %mul3A_1407 = arith.mulf %get3A_1404, %mul3A_1406 : vector<16xf32>
        %get3A_1408 = arith.index_cast %rem3A_1398 : i32 to index
        %get3A_1409 = arith.constant 0 : index
        %get3A_1410 = tpu.vector_load %arg13[%get3A_1408, %get3A_1409] {strides = array<i32>} : memref<200x64xf32, #tpu.memory_space<vmem>>, vector<1x16xf32>,
        %get3A_1411 = vector.shape_cast %get3A_1410 : vector<1x16xf32> to vector<16xf32>
        %add3A_1412 = arith.addf %mul3A_1407, %get3A_1411 : vector<16xf32>
        %swap3A_1413 = arith.index_cast %add3A_1394 : i32 to index
        %swap3A_1414 = arith.constant 0 : index
        %swap3A_1415 = tpu.vector_load %arg12[%swap3A_1413, %swap3A_1414] {strides = array<i32>} : memref<128x64xf32, #tpu.memory_space<vmem>>, vector<1x16xf32>,
        %swap3A_1416 = vector.shape_cast %swap3A_1415 : vector<1x16xf32> to vector<16xf32>
        %swap3A_1417 = vector.shape_cast %add3A_1412 : vector<16xf32> to vector<1x16xf32>
        tpu.vector_store %arg12[%swap3A_1413, %swap3A_1414], %swap3A_1417 {strides = array<i32>} : memref<128x64xf32, #tpu.memory_space<vmem>>, vector<1x16xf32>,
        %add3A_1418 = arith.constant 16 : i32
        %add3A_1419 = arith.addi %squeeze3A_1390, %add3A_1418 : i32
        %get3A_1420 = arith.index_cast %add3A_1394 : i32 to index
        %get3A_1421 = arith.index_cast %add3A_1419 : i32 to index
        %get3A_1422 = tpu.vector_load %arg10[%get3A_1420, %get3A_1421] {strides = array<i32>} : memref<128x128xf32, #tpu.memory_space<vmem>>, vector<1x16xf32>,
        %get3A_1423 = vector.shape_cast %get3A_1422 : vector<1x16xf32> to vector<16xf32>
        %mul3A_1424 = arith.constant 8.000000e+00 : f32
        %mul3A_1425 = vector.broadcast %mul3A_1424 : f32 to vector<16xf32>
        %mul3A_1426 = arith.mulf %get3A_1423, %mul3A_1425 : vector<16xf32>
        %get3A_1427 = arith.index_cast %rem3A_1398 : i32 to index
        %get3A_1428 = arith.constant 16 : index
        %get3A_1429 = tpu.vector_load %arg13[%get3A_1427, %get3A_1428] {strides = array<i32>} : memref<200x64xf32, #tpu.memory_space<vmem>>, vector<1x16xf32>,
        %get3A_1430 = vector.shape_cast %get3A_1429 : vector<1x16xf32> to vector<16xf32>
        %add3A_1431 = arith.addf %mul3A_1426, %get3A_1430 : vector<16xf32>
        %swap3A_1432 = arith.index_cast %add3A_1394 : i32 to index
        %swap3A_1433 = arith.constant 16 : index
        %swap3A_1434 = tpu.vector_load %arg12[%swap3A_1432, %swap3A_1433] {strides = array<i32>} : memref<128x64xf32, #tpu.memory_space<vmem>>, vector<1x16xf32>,
        %swap3A_1435 = vector.shape_cast %swap3A_1434 : vector<1x16xf32> to vector<16xf32>
        %swap3A_1436 = vector.shape_cast %add3A_1431 : vector<16xf32> to vector<1x16xf32>
        tpu.vector_store %arg12[%swap3A_1432, %swap3A_1433], %swap3A_1436 {strides = array<i32>} : memref<128x64xf32, #tpu.memory_space<vmem>>, vector<1x16xf32>,
        %add3A_1437 = arith.constant 32 : i32
        %add3A_1438 = arith.addi %squeeze3A_1390, %add3A_1437 : i32
        %get3A_1439 = arith.index_cast %add3A_1394 : i32 to index
        %get3A_1440 = arith.index_cast %add3A_1438 : i32 to index
        %get3A_1441 = tpu.vector_load %arg10[%get3A_1439, %get3A_1440] {strides = array<i32>} : memref<128x128xf32, #tpu.memory_space<vmem>>, vector<1x16xf32>,
        %get3A_1442 = vector.shape_cast %get3A_1441 : vector<1x16xf32> to vector<16xf32>
        %mul3A_1443 = arith.constant 8.000000e+00 : f32
        %mul3A_1444 = vector.broadcast %mul3A_1443 : f32 to vector<16xf32>
        %mul3A_1445 = arith.mulf %get3A_1442, %mul3A_1444 : vector<16xf32>
        %get3A_1446 = arith.index_cast %rem3A_1398 : i32 to index
        %get3A_1447 = arith.constant 32 : index
        %get3A_1448 = tpu.vector_load %arg13[%get3A_1446, %get3A_1447] {strides = array<i32>} : memref<200x64xf32, #tpu.memory_space<vmem>>, vector<1x16xf32>,
        %get3A_1449 = vector.shape_cast %get3A_1448 : vector<1x16xf32> to vector<16xf32>
        %add3A_1450 = arith.addf %mul3A_1445, %get3A_1449 : vector<16xf32>
        %swap3A_1451 = arith.index_cast %add3A_1394 : i32 to index
        %swap3A_1452 = arith.constant 32 : index
        %swap3A_1453 = tpu.vector_load %arg12[%swap3A_1451, %swap3A_1452] {strides = array<i32>} : memref<128x64xf32, #tpu.memory_space<vmem>>, vector<1x16xf32>,
        %swap3A_1454 = vector.shape_cast %swap3A_1453 : vector<1x16xf32> to vector<16xf32>
        %swap3A_1455 = vector.shape_cast %add3A_1450 : vector<16xf32> to vector<1x16xf32>
        tpu.vector_store %arg12[%swap3A_1451, %swap3A_1452], %swap3A_1455 {strides = array<i32>} : memref<128x64xf32, #tpu.memory_space<vmem>>, vector<1x16xf32>,
        %add3A_1456 = arith.constant 48 : i32
        %add3A_1457 = arith.addi %squeeze3A_1390, %add3A_1456 : i32
        %get3A_1458 = arith.index_cast %add3A_1394 : i32 to index
        %get3A_1459 = arith.index_cast %add3A_1457 : i32 to index
        %get3A_1460 = tpu.vector_load %arg10[%get3A_1458, %get3A_1459] {strides = array<i32>} : memref<128x128xf32, #tpu.memory_space<vmem>>, vector<1x16xf32>,
        %get3A_1461 = vector.shape_cast %get3A_1460 : vector<1x16xf32> to vector<16xf32>
        %mul3A_1462 = arith.constant 8.000000e+00 : f32
        %mul3A_1463 = vector.broadcast %mul3A_1462 : f32 to vector<16xf32>
        %mul3A_1464 = arith.mulf %get3A_1461, %mul3A_1463 : vector<16xf32>
        %get3A_1465 = arith.index_cast %rem3A_1398 : i32 to index
        %get3A_1466 = arith.constant 48 : index
        %get3A_1467 = tpu.vector_load %arg13[%get3A_1465, %get3A_1466] {strides = array<i32>} : memref<200x64xf32, #tpu.memory_space<vmem>>, vector<1x16xf32>,
        %get3A_1468 = vector.shape_cast %get3A_1467 : vector<1x16xf32> to vector<16xf32>
        %add3A_1469 = arith.addf %mul3A_1464, %get3A_1468 : vector<16xf32>
        %swap3A_1470 = arith.index_cast %add3A_1394 : i32 to index
        %swap3A_1471 = arith.constant 48 : index
        %swap3A_1472 = tpu.vector_load %arg12[%swap3A_1470, %swap3A_1471] {strides = array<i32>} : memref<128x64xf32, #tpu.memory_space<vmem>>, vector<1x16xf32>,
        %swap3A_1473 = vector.shape_cast %swap3A_1472 : vector<1x16xf32> to vector<16xf32>
        %swap3A_1474 = vector.shape_cast %add3A_1469 : vector<16xf32> to vector<1x16xf32>
        tpu.vector_store %arg12[%swap3A_1470, %swap3A_1471], %swap3A_1474 {strides = array<i32>} : memref<128x64xf32, #tpu.memory_space<vmem>>, vector<1x16xf32>,
      }
      %scan3A_87 = arith.constant 8 : i32
      %mul3A_88 = arith.constant 128 : i32
      %mul3A_89 = arith.muli %add3A_66, %mul3A_88 : i32
      %add3A_90 = arith.addi %mul3A_2, %mul3A_89 : i32
      %dma_start3A_91 = arith.constant 0 : i32
      %dma_start3A_92 = tpu.memref_slice %arg5[%add3A_90, %dma_start3A_91] : memref<204800x64xf32, #tpu.memory_space<hbm>> -> memref<128x64xf32, #tpu.memory_space<hbm>>
      %dma_start3A_93 = arith.constant 0 : i32
      %dma_start3A_94 = tpu.memref_slice %arg5[%add3A_90, %dma_start3A_93] : memref<204800x64xf32, #tpu.memory_space<hbm>> -> memref<128x64xf32, #tpu.memory_space<hbm>>
      tpu.enqueue_dma source(%arg12 : memref<128x64xf32, #tpu.memory_space<vmem>>) target(%dma_start3A_94 : memref<128x64xf32, #tpu.memory_space<hbm>>) target_semaphore(%arg17 : memref<!tpu.dma_semaphore, #tpu.memory_space<semaphore_mem>>)
    }
    %scan3A_17 = arith.constant 25 : i32
    %add3A_18 = arith.constant 6144 : i32
    %add3A_19 = arith.addi %mul3A_2, %add3A_18 : i32
    %dma_wait3A = arith.constant 0 : i32
    %dma_wait3A_20 = tpu.memref_slice %arg5[%add3A_19, %dma_wait3A] : memref<204800x64xf32, #tpu.memory_space<hbm>> -> memref<128x64xf32, #tpu.memory_space<hbm>>
    %dma_wait3A_21 = arith.constant 0 : i32
    %dma_wait3A_22 = tpu.memref_slice %arg5[%add3A_19, %dma_wait3A_21] : memref<204800x64xf32, #tpu.memory_space<hbm>> -> memref<128x64xf32, #tpu.memory_space<hbm>>
    tpu.wait_dma2 semaphore(%arg16 : memref<!tpu.dma_semaphore, #tpu.memory_space<semaphore_mem>>) src(%arg11 : memref<128x64xf32, #tpu.memory_space<vmem>>) dst(%dma_wait3A_22 : memref<128x64xf32, #tpu.memory_space<hbm>>)
    %add3A_23 = arith.constant 6272 : i32
    %add3A_24 = arith.addi %mul3A_2, %add3A_23 : i32
    %dma_wait3A_25 = arith.constant 0 : i32
    %dma_wait3A_26 = tpu.memref_slice %arg5[%add3A_24, %dma_wait3A_25] : memref<204800x64xf32, #tpu.memory_space<hbm>> -> memref<128x64xf32, #tpu.memory_space<hbm>>
    %dma_wait3A_27 = arith.constant 0 : i32
    %dma_wait3A_28 = tpu.memref_slice %arg5[%add3A_24, %dma_wait3A_27] : memref<204800x64xf32, #tpu.memory_space<hbm>> -> memref<128x64xf32, #tpu.memory_space<hbm>>
    tpu.wait_dma2 semaphore(%arg17 : memref<!tpu.dma_semaphore, #tpu.memory_space<semaphore_mem>>) src(%arg12 : memref<128x64xf32, #tpu.memory_space<vmem>>) dst(%dma_wait3A_28 : memref<128x64xf32, #tpu.memory_space<hbm>>)
    return
  }
}

</mosaic_0001>

<sc_bundles>
// kernel: _embed.3.cloned.1.call-start
scs
__scs_entry_jumppad:
0x0: {  	(pc) =	sbr.rel $0x88, $3  }
0x1: {  	(tag) =	ssettag $0x0;
	lr =	simm.s32 $0x1  }
0x2: {  	[smem:$0x3F9E] =	sst lr;
	_ =	strace $0xD0000000  }
0x3: {  	_ = 	snop  }
0x4: {  	_ = 	snop  }
0x5: {  	_ = 	snop  }
0x6: {  	_ = 	snop  }
0x7: {  	_ = 	snop  }
__scs_overlays_trampoline_lowered:
0x8: {  	[smem:$0x3FAD] =	sst s0  }
0x9: {  	[smem:$0x3FAE] =	sst s1  }
0xa: {  	[smem:$0x3FAF] =	sst s2  }
0xb: {  	[smem:$0x3FB0] =	sst s3  }
0xc: {  	[smem:$0x3FB1] =	sst s4  }
0xd: {  	[smem:$0x3FB2] =	sst s5  }
0xe: {  	[smem:$0x3FB3] =	sst s6  }
0xf: {  	[smem:$0x3FB4] =	sst s7  }
0x10: {  	[smem:$0x3FB5] =	sst s8  }
0x11: {  	[smem:$0x3FB6] =	sst s9;
	s0 =	simm.s32 @!p0 $0x0  }
0x12: {  	s1 =	sld [smem:$0x3F9C];
	s0 =	simm.s32 @p0 $0x1  }
0x13: {  	[smem:$0x3FB7] =	sst s0;
	s0 =	simm.s32 @!p1 $0x0  }
0x14: {  	s2 =	sld [smem:$0x3F9B];
	s0 =	simm.s32 @p1 $0x1  }
0x15: {  	[smem:$0x3FB8] =	sst s0;
	s0 =	simm.s32 @!p2 $0x0  }
0x16: {  	s3 =	sld [smem:$0x3FDB];
	s0 =	simm.s32 @p2 $0x1  }
0x17: {  	s4 =	simm.s32 $0x1BF5;
	[smem:$0x3FBA] =	sst s0  }
0x18: {  	s0 =	sld [smem:$0x3F9D];
	_ =	swait.ge [sflag:s4], $0x0  }
0x19: {  	s7 =	sld [smem:$0x3F9E]  }
0x1a: {  	s8 =	sadd.s32 $0xFFFFE003, lr  }
0x1b: {  	s9 =	sadd.s32 $0xFFFFFEF7, lr;
	s5 =	simm.s32 $0xFFFFFFFF;
	p2 =	slt.u32 s8, $0xFFFFF086  }
0x1c: {  	p1 =	slt.u32 s9, $0xF7A;
	s5 =	simm.s32 @!p2 $0x0  }
0x1d: {  	s5 =	simm.s32 @p1 $0x1;
	p0 =	seq.s32 s7, s2  }
0x1e: {  	s7 =	smul.u32 @!p0 $0xF7A, s2;
	p2 =	seq.s32 @!p0 s5, $0x0  }
0x1f: {  	s9 =	smul.u32 $0xF7A, s1;
	s8 =	simm.s32 @!p0 $0x1BF5;
	p2 =	por !p2, p0  }
0x20: {  	[sflag:s8] =	ssyncset.s32 @!p0 $0xFFFFF086;
	s6 =	sadd.s32 @!p0 s3, s7;
	s7 =	simm.s32 @!p0 $0x108  }
0x21: {  	s3 =	sadd.s32 s3, s9;
	s6 =	sadd.s32 @!p0 $0x88, s6;
	s7 =	simm.s32 @p2 $0x1082  }
0x22: {  	[simem:s7], [sflag:s8] =	dma.local @!p0 [hbm:s6], $0xF7A  }
0x23: {  	s9 =	sor.u32 $0xD0000000, s2;
	s6 =	simm.s32 $0x108;
	_ =	swait.ge @!p0 [sflag:s8], $0x0  }
0x24: {  	s3 =	sadd.s32 $0x88, s3;
	s6 =	simm.s32 @!p1 $0x1082;
	[sflag:s4] =	ssyncset.s32 $0xFFFFF086  }
0x25: {  	[simem:s6], [sflag:s4] =	dma.local [hbm:s3], $0xF7A  }
0x26: {  	[smem:$0x3F9E] =	sst s1;
	(tag) =	ssettag s2;
	_ =	strace s9  }
0x27: {  	s1 =	sld [smem:$0x3FAE]  }
0x28: {  	s2 =	sld [smem:$0x3FAF]  }
0x29: {  	s4 =	sld [smem:$0x3FB1]  }
0x2a: {  	p0 =	seq.s32 s5, $0x0;
	s5 =	sld [smem:$0x3FB2]  }
0x2b: {  	s6 =	sld [smem:$0x3FB3]  }
0x2c: {  	s7 =	sld [smem:$0x3FB4]  }
0x2d: {  	s3 =	simm.s32 $0x108;
	s8 =	sld [smem:$0x3FB5]  }
0x2e: {  	s3 =	simm.s32 @!p0 $0x1082;
	s9 =	sld [smem:$0x3FB6]  }
0x2f: {  	lr =	sadd.s32 s0, s3;
	s0 =	sld [smem:$0x3FAD]  }
0x30: {  	s3 =	sld [smem:$0x3FB0]  }
0x31: {  	[smem:$0x3FB9] =	sst s10  }
0x32: {  	s10 =	sld [smem:$0x3FB7];
	_ =	sdelay $0x3  }
0x33: {  	p0 =	seq.s32 s10, $0x1;
	s10 =	sld [smem:$0x3FB9];
	_ =	sdelay $0x3  }
0x34: {  	[smem:$0x3FB9] =	sst s10  }
0x35: {  	s10 =	sld [smem:$0x3FB8];
	_ =	sdelay $0x3  }
0x36: {  	p1 =	seq.s32 s10, $0x1;
	s10 =	sld [smem:$0x3FB9];
	_ =	sdelay $0x3  }
0x37: {  	[smem:$0x3FB9] =	sst s10  }
0x38: {  	s10 =	sld [smem:$0x3FBA]  }
0x39: {  	_ = 	snop;
	(pc) =	sbr.ind lr, $3  }
0x3a: {  	_ = 	snop  }
0x3b: {  	_ = 	snop  }
0x3c: {  	p2 =	seq.s32 s10, $0x1;
	s10 =	sld [smem:$0x3FB9]  }
0x3d: {  	_ =	shalt  }
0x3e: {  	_ =	shalt  }
0x3f: {  	_ =	shalt  }
0x40: {  	_ =	shalt  }
0x41: {  	_ =	shalt  }
0x42: {  	_ =	shalt  }
0x43: {  	_ =	shalt  }
0x44: {  	_ =	shalt  }
0x45: {  	_ =	shalt  }
0x46: {  	_ =	shalt  }
0x47: {  	_ =	shalt  }
0x48: {  	_ =	shalt  }
0x49: {  	_ =	shalt  }
0x4a: {  	_ =	shalt  }
0x4b: {  	_ =	shalt  }
0x4c: {  	_ =	shalt  }
0x4d: {  	_ =	shalt  }
0x4e: {  	_ =	shalt  }
0x4f: {  	_ =	shalt  }
0x50: {  	_ =	shalt  }
0x51: {  	_ =	shalt  }
0x52: {  	_ =	shalt  }
0x53: {  	_ =	shalt  }
0x54: {  	_ =	shalt  }
0x55: {  	_ =	shalt  }
0x56: {  	_ =	shalt  }
0x57: {  	_ =	shalt  }
0x58: {  	_ =	shalt  }
0x59: {  	_ =	shalt  }
0x5a: {  	_ =	shalt  }
0x5b: {  	_ =	shalt  }
0x5c: {  	_ =	shalt  }
0x5d: {  	_ =	shalt  }
0x5e: {  	_ =	shalt  }
0x5f: {  	_ =	shalt  }
0x60: {  	_ =	shalt  }
0x61: {  	_ =	shalt  }
0x62: {  	_ =	shalt  }
0x63: {  	_ =	shalt  }
0x64: {  	_ =	shalt  }
0x65: {  	_ =	shalt  }
0x66: {  	_ =	shalt  }
0x67: {  	_ =	shalt  }
0x68: {  	_ =	shalt  }
0x69: {  	_ =	shalt  }
0x6a: {  	_ =	shalt  }
0x6b: {  	_ =	shalt  }
0x6c: {  	_ =	shalt  }
0x6d: {  	_ =	shalt  }
0x6e: {  	_ =	shalt  }
0x6f: {  	_ =	shalt  }
0x70: {  	_ =	shalt  }
0x71: {  	_ =	shalt  }
0x72: {  	_ =	shalt  }
0x73: {  	_ =	shalt  }
0x74: {  	_ =	shalt  }
0x75: {  	_ =	shalt  }
0x76: {  	_ =	shalt  }
0x77: {  	_ =	shalt  }
0x78: {  	_ =	shalt  }
0x79: {  	_ =	shalt  }
0x7a: {  	_ =	shalt  }
0x7b: {  	_ =	shalt  }
0x7c: {  	_ =	shalt  }
0x7d: {  	_ =	shalt  }
0x7e: {  	_ =	shalt  }
0x7f: {  	_ =	shalt  }
0x80: {  	_ =	shalt  }
0x81: {  	_ =	shalt  }
0x82: {  	_ =	shalt  }
0x83: {  	_ =	shalt  }
0x84: {  	_ =	shalt  }
0x85: {  	_ =	shalt  }
0x86: {  	_ =	shalt  }
0x87: {  	_ =	shalt  }
.Lfunc_end0:
.L_simem_size_0:
called_computation_lowered:
.L_overlay_start_0:
0x88: {  	s2 =	sld [smem:$0x3FD9]  }
0x89: {  	s3 =	sld [smem:$0x3FFE];
	_ =	sdelay $0x1  }
0x8a: {  	s1 =	srdreg.scid  }
0x8b: {  	s0 =	sand.u32 $0x1, s1  }
0x8c: {  	s17 =	sshll.u32 s0, $0xA;
	s2 =	sadd.s32 s3, s2  }
0x8d: {  	s2 =	sadd.s32 s2, s17  }
0x8e: {  	[smem:$0x3FC5] =	sst s2  }
0x8f: {  	_ = 	snop  }
0x90: {  	s2 =	sld [smem:$0x3FC9]  }
0x91: {  	s18 =	sld [smem:$0x3FC8]  }
0x92: {  	s4 =	sld [smem:$0x3FD0];
	(tm) =	ssettm $0x1  }
0x93: {  	s5 =	sld [smem:$0x3FFB];
	_ =	sdelay $0x3  }
0x94: {  	_ =	strace s5  }
0x95: {  	s5 =	sld [smem:$0x3FFC];
	_ =	sdelay $0x3  }
0x96: {  	_ =	strace s5  }
0x97: {  	s5 =	sld [smem:$0x3FFD];
	_ =	sdelay $0x3  }
0x98: {  	_ =	strace s5  }
0x99: {  	_ =	strace $0x8FFFFFFF  }
0x9a: {  	s19 =	sld [smem:$0x3FDB];
	_ =	sdelay $0x1  }
0x9b: {  	s6 =	simm.s32 $_scs_section_size  }
0x9c: {  	s7 =	simm.s32 $_size__tile_overlayer_lowered;
	s8 =	simm.s32 $_tile_overlayer_lowered  }
0x9d: {  	s22 =	simm.s32 $0x1BFF;
	s21 =	sshll.u32 s8, $0x1;
	s5 =	sadd.s32 s6, s19  }
0x9e: {  	s9 =	simm.s32 $0x0;
	s20 =	sshll.u32 s7, $0x1;
	s7 =	sadd.s32 s21, s5  }
0x9f: {  	[timem:s9], [sflag:s22] =	dma.local [hbm:s7], s20  }
0xa0: {  	_ =	swait.ge [sflag:s22], s20  }
0xa1: {  	s6 =	ssub.s32 $0x0, s20;
	[sflag:s22] =	ssyncset.done $0x0  }
0xa2: {  	[sflag:s22] =	ssyncadd.s32 s6;
	_ =	sdelay $0x1  }
0xa3: {  	s23 =	simm.s32 $0x1B8B  }
0xa4: {  	_ =	swait.ge [sflag:s23], $0x1  }
0xa5: {  	[sflag:s23] =	ssyncset.done $0x0  }
0xa6: {  	s25 =	simm.s32 $0x1B8E;
	s24 =	sld [smem:$0x3FFE];
	[sflag:s23] =	ssyncadd.s32 $0xFFFFFFFF  }
0xa7: {  	s26 =	simm.s32 $execute0_lowered;
	[smem:$0x3FD2] =	sst s25  }
0xa8: {  	s7 =	sshll.u32 s26, $0x1;
	_ =	strace $0x80000046;
	[dreg:$0x1] =	wrdreg $0xFFFFFFFF  }
0xa9: {  	s28 =	simm.s32 $_size_execute0_lowered;
	s5 =	sadd.s32 s5, s7;
	[dreg:$0x0] =	wrdreg $0x0  }
0xaa: {  	s7 =	sshll.u32 s28, $0x1;
	[dreg:$0x2] =	wrdreg s5  }
0xab: {  	[dreg:$0x3] =	wrdreg s7  }
0xac: {  	[dreg:$0x4] =	wrdreg $0xC0  }
0xad: {  	_ =	task [dreg:s9], $0x5FFFF  }
0xae: {  	[dreg:$0x1] =	wrdreg $0xFFFFFFFF  }
0xaf: {  	[dreg:$0x0] =	wrdreg $0x60  }
0xb0: {  	[dreg:$0x2] =	wrdreg s2  }
0xb1: {  	[dreg:$0x3] =	wrdreg s18  }
0xb2: {  	[dreg:$0x4] =	wrdreg s4  }
0xb3: {  	[dreg:$0x5] =	wrdreg s24  }
0xb4: {  	[dreg:$0x6] =	wrdreg $0x9  }
0xb5: {  	_ =	task.clear_ibuf [dreg:s9], $0x7FFFF;
	_ =	strace $0x90000046  }
0xb6: {  	s29 =	simm.s32 $0x9;
	_ =	strace $0x80000048  }
0xb7: {  	_ =	swait.ge [sflag:s29], $0x1  }
0xb8: {  	[sflag:s29] =	ssyncadd.s32 $0xFFFFFFFF  }
0xb9: {  	_ =	strace $0x90000048  }
0xba: {  	_ =	sfence  }
0xbb: {  	s30 =	sld [smem:$0x0];
	_ =	sdelay $0x2  }
0xbc: {  	s31 =	sshll.u32 s1, $0xD;
	s1 =	sshrl.u32 s1, $0x2  }
0xbd: {  	s3 =	sand.u32 $0x4000, s31;
	s1 =	sadd.s32 s1, s30  }
0xbe: {  	s0 =	sor.u32 s3, s0;
	s1 =	sshll.u32 s1, $0x11  }
0xbf: {  	s0 =	sor.u32 s1, s0  }
0xc0: {  	s0 =	sadd.s32 $0x8F2B, s0  }
0xc1: {  	[sflag:s0] =	ssyncadd.remote.s32 $0x1  }
0xc2: {  	_ =	sfence.sel $0xFFFF  }
0xc3: {  	[dreg:$0x0] =	wrdreg $0xFFFFFFFF;
	(pc) =	sbr.abs _section_cstart, $3  }
0xc4: {  	[dreg:$0x1] =	wrdreg $0xFFFFFFFF  }
0xc5: {  	_ =	task.clear_ibuf [dreg:s9], $0x2FFFF;
	_ =	strace $0x9FFFFFFF  }
0xc6: {  	(tm) =	ssettm $0x7FFFFFFF  }
0xc7: {  	_ =	shalt  }
tec
execute0_lowered:
.L_overlay_start_1:
0x0: {  	(tag) =	ssettag $0x1  }
0x1: {  	s0 =	rddreg [dreg:$0x0];
	s1 =	srdreg.scid  }
0x2: {  	s2 =	stileid.u32;
	s3 =	rddreg [dreg:$0x3]  }
0x3: {  	s19 =	simm.s32 $0x0;
	s1 =	sand.u32 $0x1, s1;
	s2 =	sshll.u32 s2, $0x1  }
0x4: {  	[smem:$0x7FF] =	sst s19;
	s24 =	sadd.s32 $0x400, s3;
	s2 =	sor.u32 s1, s2  }
0x5: {  	s1 =	ssub.s32 $0x2, s1;
	_ =	strace $0x80000047;
	s5 =	smul.u32 $0x1900, s2  }
0x6: {  	[dreg:$0x6] =	wrdreg s24;
	s4 =	sshrl.u32 s1, $0x1;
	s30 =	smul.u32 $0xC8000, s2  }
0x7: {  	s1 =	ssub.s32 s1, s4;
	[dreg:$0x5] =	wrdreg s5  }
0x8: {  	s5 =	sshrl.u32 s5, $0x3;
	[dreg:$0x8] =	wrdreg s30;
	s31 =	smax.u32 s1, $0x1  }
0x9: {  	s0 =	sadd.s32 s0, s5;
	[dreg:$0x9] =	wrdreg s31  }
0xa: {  	v0 =	vimm.s32 $0x0;
	s2 =	simm.s32 $0x0;
	[dreg:$0x7] =	wrdreg s0  }
.LBB2_1:
0xb: {  	[dreg:$0xa] =	wrdreg s2  }
0xc: {  	s0 =	rddreg [dreg:$0x7];
	s1 =	simm.s32 $0x5  }
0xd: {  	[tilespmem:s19], [sflag:$0x5] =	stream.linear.gather [hbm4b:s0+s19], $0x1900, $0x38;
	[tilespmem:$0x1AF00] =	vst v63  }
0xe: {  	_ =	swait.ge [sflag:s1], $0x1900  }
0xf: {  	[sflag:s1] =	ssyncset.done $0x0  }
0x10: {  	[sflag:s1] =	ssyncadd.s32 $0xFFFFE700  }
0x11: {  	s31 =	simm.s32 $0x14B00;
	s30 =	rddreg [dreg:$0x2]  }
0x12: {  	[tilespmem:s31], [sflag:$0x5] =	stream.linear.gather [hbm4b:s30+s19], $0x6400, $0x38;
	[tilespmem:$0x1AF00] =	vst v63  }
0x13: {  	_ =	swait.ge [sflag:s1], $0x6400  }
0x14: {  	[sflag:s1] =	ssyncset.done $0x0  }
0x15: {  	s0 =	simm.s32 $0x0;
	[sflag:s1] =	ssyncadd.s32 $0xFFFF9C00  }
0x16: {  	v1 =	vld [tilespmem:s0+$0x0];
	_ =	sdelay $0x2  }
0x17: {  	s1 =	simm.s32 $0x40  }
.LBB2_2:
0x18: {  	p0 =	sne.s32 s1, $0x63C0  }
.Ltmp0:
0x19: {  	s2 =	sshra.s32 s1, $0x2;
	s1 =	sadd.s32 $0x40, s1;
	v2 =	vadd.s32 $0xFFF83000, v1;
	v3 =	vmov v1;
	(pc) =	sbr.rel @p0 .LBB2_2-.Ltmp0, $4  }
0x1a: {  	v1 =	vld [tilespmem:s2+$0x0];
	vm0 =	vgt.s32 v2, $0xFFFFFFFF  }
0x1b: {  	v2 =	vsel vm0, $0xFFF83000, v0;
	v4 =	vsel vm0, $0x40, v0  }
0x1c: {  	v2 =	vadd.s32 v3, v2;
	[tilespmem:s0+$0x3200] =	vst v4  }
0x1d: {  	[tilespmem:s0+$0x1900] =	vst v2;
	s0 =	smov.u32 s2  }
0x1e: {  	s25 =	simm.s32 $0x80;
	s17 =	rddreg [dreg:$0x1]  }
0x1f: {  	s1 =	simm.s32 $0x1900;
	s2 =	simm.s32 $0x4B00;
	s4 =	simm.s32 $0xF  }
0x20: {  	s14 =	simm.s32 $0xE;
	s20 =	simm.s32 $0xD;
	s15 =	simm.s32 $0xB  }
0x21: {  	s13 =	simm.s32 $0xA;
	s5 =	simm.s32 $0x9;
	s18 =	simm.s32 $0x8E  }
0x22: {  	s23 =	simm.s32 $0x8;
	s19 =	simm.s32 $0x8D;
	[dreg:$0x1e] =	wrdreg s18  }
0x23: {  	s6 =	simm.s32 $0x7;
	s24 =	simm.s32 $0x8C;
	[dreg:$0x1f] =	wrdreg s19  }
0x24: {  	s8 =	simm.s32 $0x6;
	s26 =	simm.s32 $0x8B;
	[smem:$0x7F2] =	sst s24  }
0x25: {  	s11 =	simm.s32 $0x5;
	s30 =	simm.s32 $0x8A;
	[smem:$0x7F3] =	sst s26  }
0x26: {  	s12 =	simm.s32 $0x4;
	s3 =	simm.s32 $0x87;
	[smem:$0x7F4] =	sst s30  }
0x27: {  	s7 =	simm.s32 $0x3;
	s16 =	simm.s32 $0x86;
	[smem:$0x7F7] =	sst s3  }
0x28: {  	s9 =	simm.s32 $0x2;
	v2 =	vadd.s32 $0xFFF83000, v1;
	[smem:$0x7F8] =	sst s16;
	s18 =	simm.s32 $0x85  }
0x29: {  	s21 =	simm.s32 $0x1;
	s19 =	simm.s32 $0x84;
	vm0 =	vgt.s32 v2, $0xFFFFFFFF;
	[smem:$0x7F9] =	sst s18  }
0x2a: {  	s10 =	simm.s32 $0x0;
	s24 =	simm.s32 $0x83;
	[smem:$0x7FA] =	sst s19;
	v2 =	vsel vm0, $0xFFF83000, v0;
	v3 =	vsel vm0, $0x40, v0  }
0x2b: {  	s22 =	simm.s32 $0x3200;
	s26 =	simm.s32 $0x82;
	[smem:$0x7FB] =	sst s24;
	v1 =	vadd.s32 v1, v2;
	[tilespmem:s0+$0x3200] =	vst v3  }
0x2c: {  	s31 =	simm.s32 $0x8F;
	s30 =	simm.s32 $0x81;
	[smem:$0x7FC] =	sst s26;
	[tilespmem:s0+$0x1900] =	vst v1  }
0x2d: {  	[tilespmem:s2], [sflag:$0x1] =	stream.indirect.gather [hbm4b:s17+s25], $0x80, s1, s25, $0xb8;
	[tilespmem:$0x1AF00] =	vst v63  }
0x2e: {  	s28 =	simm.s32 $0x0;
	[smem:$0x7FD] =	sst s30;
	s1 =	simm.s32 $0x89  }
0x2f: {  	s29 =	simm.s32 $0x0;
	s2 =	simm.s32 $0x88;
	[smem:$0x7F5] =	sst s1  }
0x30: {  	s26 =	simm.s32 $0x3280;
	s17 =	simm.s32 $0xC;
	[smem:$0x7F6] =	sst s2  }
.LBB2_4:
0x31: {  	[dreg:$0x1d] =	wrdreg s31  }
0x32: {  	[dreg:$0xb] =	wrdreg s25  }
0x33: {  	s16 =	sshll.u32 s29, $0x8;
	s1 =	rddreg [dreg:$0x1];
	s2 =	simm.s32 $0x80  }
0x34: {  	s3 =	simm.s32 $0x8B00;
	s24 =	simm.s32 $0x1;
	s0 =	sadd.s32 $0x1980, s16  }
0x35: {  	[tilespmem:s3], [sflag:$0x2] =	stream.indirect.gather [hbm4b:s1+s2], $0x80, s0, s2, $0xb8;
	[tilespmem:$0x1AF00] =	vst v63  }
0x36: {  	_ =	swait.ge [sflag:s24], $0x4000  }
0x37: {  	p0 =	seq.s32 s29, $0x0;
	[sflag:s24] =	ssyncset.done $0x0  }
0x38: {  	s0 =	simm.s32 @!p0 $0x3;
	[sflag:s24] =	ssyncadd.s32 $0xFFFFC000  }
0x39: {  	_ =	swait.ge @!p0 [sflag:s0], $0x4000;
	[dreg:$0x1c] =	wrdreg s22  }
0x3a: {  	[dreg:$0x1b] =	wrdreg s10  }
0x3b: {  	[dreg:$0x1a] =	wrdreg s21  }
0x3c: {  	[dreg:$0x19] =	wrdreg s9  }
0x3d: {  	[dreg:$0x18] =	wrdreg s7  }
0x3e: {  	[dreg:$0x17] =	wrdreg s12  }
0x3f: {  	[dreg:$0x16] =	wrdreg s11  }
0x40: {  	[dreg:$0x15] =	wrdreg s8  }
0x41: {  	[dreg:$0x14] =	wrdreg s6  }
0x42: {  	[dreg:$0x13] =	wrdreg s23  }
0x43: {  	[dreg:$0x12] =	wrdreg s5  }
0x44: {  	[dreg:$0x11] =	wrdreg s13  }
0x45: {  	[dreg:$0x10] =	wrdreg s15  }
0x46: {  	s30 =	sshra.s32 s28, $0x2;
	[dreg:$0xf] =	wrdreg s17  }
0x47: {  	s31 =	sadd.s32 $0x14B00, s30;
	[dreg:$0xe] =	wrdreg s20  }
0x48: {  	s25 =	sor.u32 $0x80, s16;
	s3 =	smov.u32 s8;
	[dreg:$0xd] =	wrdreg s14  }
0x49: {  	s2 =	smov.u32 s5;
	s1 =	smov.u32 s4;
	[dreg:$0xc] =	wrdreg s4  }
0x4a: {  	s5 =	simm.s32 $0x0;
	[sflag:s0] =	ssyncset.done @!p0 $0x0;
	[smem:$0x7F0] =	sst s16  }
0x4b: {  	v1 =	vmov s31;
	[smem:$0x7F1] =	sst s25;
	[sflag:s0] =	ssyncadd.s32 @!p0 $0xFFFFC000;
	s0 =	smov.u32 s6  }
.LBB2_5:
0x4c: {  	v2 =	vld [tilespmem:s22+$0x0];
	_ =	sdelay $0x4  }
0x4d: {  	(v2sf) =	vpush v2, $0x0;
	_ =	sdelay $0xe  }
0x4e: {  	s4 =	smulhi.u32 $0x51EB851F, s10;
	s19 =	spop (v2sf)  }
0x4f: {  	s8 =	sand.u32 $0x7F, s19;
	s16 =	sshll.u32 s19, $0x2  }
0x50: {  	s4 =	sshrl.u32 s4, $0x6;
	s16 =	sand.u32 $0xFFFFFE00, s16;
	s8 =	sshll.u32 s8, $0x2  }
0x51: {  	s4 =	smul.u32 $0xFFFE7000, s4;
	s8 =	sor.u32 s8, s16  }
0x52: {  	s16 =	sshra.s32 s8, $0x2;
	s8 =	sshra.s32 s5, $0x2  }
0x53: {  	s4 =	sshra.s32 s4, $0x2;
	s16 =	sadd.s32 s8, s16  }
0x54: {  	s4 =	sadd.s32 s30, s4;
	v3 =	vld [tilespmem:s16+$0x4B00]  }
0x55: {  	s4 =	sadd.s32 s8, s4  }
0x56: {  	v4 =	vld [tilespmem:s4+$0x14B00];
	_ =	sdelay $0x1  }
0x57: {  	s24 =	sadd.s32 $0x10, s19  }
0x58: {  	s18 =	sand.u32 $0x7F, s24;
	s16 =	sshll.u32 s24, $0x2;
	v3 =	vmul.f32 $8.000000000e+00, v3  }
0x59: {  	s18 =	sshll.u32 s18, $0x2;
	s16 =	sand.u32 $0xFFFFFE00, s16  }
0x5a: {  	s16 =	sor.u32 s18, s16;
	v3 =	vadd.f32 v4, v3  }
0x5b: {  	s16 =	sshra.s32 s16, $0x2  }
0x5c: {  	s16 =	sadd.s32 s8, s16;
	[tilespmem:s8+$0xCB00] =	vst v3  }
0x5d: {  	v3 =	vld [tilespmem:s16+$0x4B00]  }
0x5e: {  	s4 =	sadd.s32 $0x14B00, s4  }
0x5f: {  	v63 =	vld [tilespmem:s4+$0x10];
	_ =	sdelay $0x1  }
0x60: {  	s25 =	sadd.s32 $0x20, s19  }
0x61: {  	s6 =	sand.u32 $0x7F, s25;
	s16 =	sshll.u32 s25, $0x2;
	v3 =	vmul.f32 $8.000000000e+00, v3  }
0x62: {  	s18 =	sshll.u32 s6, $0x2;
	s16 =	sand.u32 $0xFFFFFE00, s16  }
0x63: {  	s16 =	sor.u32 s18, s16;
	v3 =	vadd.f32 v63, v3  }
0x64: {  	s16 =	sshra.s32 s16, $0x2  }
0x65: {  	(v2sf) =	vpush v2, $0x1;
	s16 =	sadd.s32 s8, s16;
	[tilespmem:s8+$0xCB10] =	vst v3  }
0x66: {  	v3 =	vld [tilespmem:s16+$0x4B00];
	_ =	sdelay $0x1  }
0x67: {  	v8 =	vld [tilespmem:s4+$0x20];
	_ =	sdelay $0x1  }
0x68: {  	s18 =	sadd.s32 $0x30, s19  }
0x69: {  	s19 =	sand.u32 $0x7F, s18;
	s16 =	sshll.u32 s18, $0x2;
	v3 =	vmul.f32 $8.000000000e+00, v3  }
0x6a: {  	s18 =	sshll.u32 s19, $0x2;
	s16 =	sand.u32 $0xFFFFFE00, s16  }
0x6b: {  	s16 =	sor.u32 s18, s16;
	v3 =	vadd.f32 v8, v3  }
0x6c: {  	s16 =	sshra.s32 s16, $0x2  }
0x6d: {  	s16 =	sadd.s32 s8, s16;
	[tilespmem:s8+$0xCB20] =	vst v3  }
0x6e: {  	v3 =	vld [tilespmem:s16+$0x4B00];
	_ =	sdelay $0x1  }
0x6f: {  	v9 =	vld [tilespmem:s4+$0x30];
	_ =	sdelay $0x1  }
0x70: {  	s16 =	spop (v2sf)  }
0x71: {  	s24 =	smulhi.u32 $0x51EB851F, s21;
	s25 =	sand.u32 $0x7F, s16;
	s6 =	sshll.u32 s16, $0x2;
	v3 =	vmul.f32 $8.000000000e+00, v3  }
0x72: {  	s19 =	sand.u32 $0xFFFFFE00, s6;
	s18 =	sshll.u32 s25, $0x2  }
0x73: {  	s4 =	sshrl.u32 s24, $0x6;
	s18 =	sor.u32 s18, s19;
	v3 =	vadd.f32 v9, v3  }
0x74: {  	s6 =	smul.u32 $0xFFFE7000, s4;
	s18 =	sshra.s32 s18, $0x2  }
0x75: {  	s24 =	sadd.s32 s5, s28;
	s18 =	sadd.s32 s8, s18;
	[tilespmem:s8+$0xCB30] =	vst v3  }
0x76: {  	s19 =	sshra.s32 s24, $0x2;
	s6 =	sshra.s32 s6, $0x2;
	v3 =	vld [tilespmem:s18+$0x4B80]  }
0x77: {  	s6 =	sadd.s32 s19, s6  }
0x78: {  	v10 =	vld [tilespmem:s6+$0x14B80];
	_ =	sdelay $0x1  }
0x79: {  	s25 =	sadd.s32 $0x10, s16  }
0x7a: {  	s24 =	sand.u32 $0x7F, s25;
	s18 =	sshll.u32 s25, $0x2;
	v3 =	vmul.f32 $8.000000000e+00, v3  }
0x7b: {  	s24 =	sshll.u32 s24, $0x2;
	s18 =	sand.u32 $0xFFFFFE00, s18  }
0x7c: {  	s25 =	smul.u32 $0x19000, s4;
	s18 =	sor.u32 s24, s18;
	v3 =	vadd.f32 v10, v3  }
0x7d: {  	s4 =	sshra.s32 s18, $0x2  }
0x7e: {  	s24 =	ssub.s32 $0x240, s25;
	s4 =	sadd.s32 s8, s4;
	[tilespmem:s8+$0xCB80] =	vst v3  }
0x7f: {  	s18 =	sshra.s32 s24, $0x2;
	v3 =	vld [tilespmem:s4+$0x4B80];
	s4 =	sadd.s32 s8, s31  }
0x80: {  	s18 =	sadd.s32 s18, s4  }
0x81: {  	v11 =	vld [tilespmem:s18+$0x0];
	_ =	sdelay $0x1  }
0x82: {  	s18 =	sadd.s32 $0x20, s16  }
0x83: {  	s24 =	sand.u32 $0x7F, s18;
	s18 =	sshll.u32 s18, $0x2;
	v3 =	vmul.f32 $8.000000000e+00, v3  }
0x84: {  	s18 =	sand.u32 $0xFFFFFE00, s18;
	s24 =	sshll.u32 s24, $0x2  }
0x85: {  	s18 =	sor.u32 s24, s18;
	v3 =	vadd.f32 v11, v3  }
0x86: {  	s18 =	sshra.s32 s18, $0x2  }
0x87: {  	(v2sf) =	vpush v2, $0x2;
	s25 =	ssub.s32 $0x280, s25;
	s18 =	sadd.s32 s8, s18;
	[tilespmem:s8+$0xCB90] =	vst v3  }
0x88: {  	s25 =	sshra.s32 s25, $0x2;
	v3 =	vld [tilespmem:s18+$0x4B80]  }
0x89: {  	s18 =	sadd.s32 s25, s4  }
0x8a: {  	v12 =	vld [tilespmem:s18+$0x0];
	_ =	sdelay $0x1  }
0x8b: {  	s16 =	sadd.s32 $0x30, s16  }
0x8c: {  	s24 =	sand.u32 $0x7F, s16;
	s16 =	sshll.u32 s16, $0x2;
	v3 =	vmul.f32 $8.000000000e+00, v3  }
0x8d: {  	s16 =	sand.u32 $0xFFFFFE00, s16;
	s18 =	sshll.u32 s24, $0x2  }
0x8e: {  	s16 =	sor.u32 s18, s16;
	v3 =	vadd.f32 v12, v3  }
0x8f: {  	s16 =	sshra.s32 s16, $0x2  }
0x90: {  	s16 =	sadd.s32 s8, s16;
	[tilespmem:s8+$0xCBA0] =	vst v3  }
0x91: {  	v3 =	vld [tilespmem:s16+$0x4B80];
	_ =	sdelay $0x1  }
0x92: {  	v13 =	vld [tilespmem:s6+$0x14BB0];
	_ =	sdelay $0x1  }
0x93: {  	s6 =	spop (v2sf)  }
0x94: {  	s16 =	smulhi.u32 $0x51EB851F, s9;
	s18 =	sand.u32 $0x7F, s6;
	s25 =	sshll.u32 s6, $0x2;
	v3 =	vmul.f32 $8.000000000e+00, v3  }
0x95: {  	s24 =	sand.u32 $0xFFFFFE00, s25;
	s18 =	sshll.u32 s18, $0x2  }
0x96: {  	s16 =	sshrl.u32 s16, $0x6;
	s18 =	sor.u32 s18, s24;
	v3 =	vadd.f32 v13, v3  }
0x97: {  	s25 =	smul.u32 $0xFFFE7000, s16;
	s18 =	sshra.s32 s18, $0x2  }
0x98: {  	s18 =	sadd.s32 s8, s18;
	[tilespmem:s8+$0xCBB0] =	vst v3  }
0x99: {  	s24 =	sshra.s32 s25, $0x2;
	v3 =	vld [tilespmem:s18+$0x4C00]  }
0x9a: {  	s18 =	sadd.s32 s19, s24  }
0x9b: {  	v14 =	vld [tilespmem:s18+$0x14C00];
	_ =	sdelay $0x1  }
0x9c: {  	s24 =	sadd.s32 $0x10, s6  }
0x9d: {  	s25 =	sand.u32 $0x7F, s24;
	s24 =	sshll.u32 s24, $0x2;
	v3 =	vmul.f32 $8.000000000e+00, v3  }
0x9e: {  	s24 =	sand.u32 $0xFFFFFE00, s24;
	s25 =	sshll.u32 s25, $0x2  }
0x9f: {  	s16 =	smul.u32 $0x19000, s16;
	s24 =	sor.u32 s25, s24;
	v3 =	vadd.f32 v14, v3  }
0xa0: {  	s24 =	sshra.s32 s24, $0x2  }
0xa1: {  	s25 =	ssub.s32 $0x440, s16;
	s24 =	sadd.s32 s8, s24;
	[tilespmem:s8+$0xCC00] =	vst v3  }
0xa2: {  	s25 =	sshra.s32 s25, $0x2;
	v3 =	vld [tilespmem:s24+$0x4C00]  }
0xa3: {  	s24 =	sadd.s32 s25, s4  }
0xa4: {  	v15 =	vld [tilespmem:s24+$0x0];
	_ =	sdelay $0x1  }
0xa5: {  	s24 =	sadd.s32 $0x20, s6  }
0xa6: {  	s25 =	sand.u32 $0x7F, s24;
	s24 =	sshll.u32 s24, $0x2;
	v3 =	vmul.f32 $8.000000000e+00, v3  }
0xa7: {  	s24 =	sand.u32 $0xFFFFFE00, s24;
	s25 =	sshll.u32 s25, $0x2  }
0xa8: {  	s24 =	sor.u32 s25, s24;
	v3 =	vadd.f32 v15, v3  }
0xa9: {  	s24 =	sshra.s32 s24, $0x2  }
0xaa: {  	(v2sf) =	vpush v2, $0x3;
	s16 =	ssub.s32 $0x480, s16;
	s24 =	sadd.s32 s8, s24;
	[tilespmem:s8+$0xCC10] =	vst v3  }
0xab: {  	s16 =	sshra.s32 s16, $0x2;
	v3 =	vld [tilespmem:s24+$0x4C00]  }
0xac: {  	s16 =	sadd.s32 s16, s4  }
0xad: {  	v16 =	vld [tilespmem:s16+$0x0];
	_ =	sdelay $0x1  }
0xae: {  	s6 =	sadd.s32 $0x30, s6  }
0xaf: {  	s24 =	sand.u32 $0x7F, s6;
	s6 =	sshll.u32 s6, $0x2;
	v3 =	vmul.f32 $8.000000000e+00, v3  }
0xb0: {  	s6 =	sand.u32 $0xFFFFFE00, s6;
	s16 =	sshll.u32 s24, $0x2  }
0xb1: {  	s6 =	sor.u32 s16, s6;
	v3 =	vadd.f32 v16, v3  }
0xb2: {  	s6 =	sshra.s32 s6, $0x2  }
0xb3: {  	s6 =	sadd.s32 s8, s6;
	[tilespmem:s8+$0xCC20] =	vst v3  }
0xb4: {  	v3 =	vld [tilespmem:s6+$0x4C00];
	_ =	sdelay $0x1  }
0xb5: {  	v17 =	vld [tilespmem:s18+$0x14C30];
	_ =	sdelay $0x1  }
0xb6: {  	s6 =	spop (v2sf)  }
0xb7: {  	s16 =	smulhi.u32 $0x51EB851F, s7;
	s18 =	sand.u32 $0x7F, s6;
	s25 =	sshll.u32 s6, $0x2;
	v3 =	vmul.f32 $8.000000000e+00, v3  }
0xb8: {  	s24 =	sand.u32 $0xFFFFFE00, s25;
	s18 =	sshll.u32 s18, $0x2  }
0xb9: {  	s16 =	sshrl.u32 s16, $0x6;
	s18 =	sor.u32 s18, s24;
	v3 =	vadd.f32 v17, v3  }
0xba: {  	s25 =	smul.u32 $0xFFFE7000, s16;
	s18 =	sshra.s32 s18, $0x2  }
0xbb: {  	s18 =	sadd.s32 s8, s18;
	[tilespmem:s8+$0xCC30] =	vst v3  }
0xbc: {  	s24 =	sshra.s32 s25, $0x2;
	v3 =	vld [tilespmem:s18+$0x4C80]  }
0xbd: {  	s18 =	sadd.s32 s19, s24  }
0xbe: {  	v18 =	vld [tilespmem:s18+$0x14C80];
	_ =	sdelay $0x1  }
0xbf: {  	s24 =	sadd.s32 $0x10, s6  }
0xc0: {  	s25 =	sand.u32 $0x7F, s24;
	s24 =	sshll.u32 s24, $0x2;
	v3 =	vmul.f32 $8.000000000e+00, v3  }
0xc1: {  	s24 =	sand.u32 $0xFFFFFE00, s24;
	s25 =	sshll.u32 s25, $0x2  }
0xc2: {  	s16 =	smul.u32 $0x19000, s16;
	s24 =	sor.u32 s25, s24;
	v3 =	vadd.f32 v18, v3  }
0xc3: {  	s24 =	sshra.s32 s24, $0x2  }
0xc4: {  	s25 =	ssub.s32 $0x640, s16;
	s24 =	sadd.s32 s8, s24;
	[tilespmem:s8+$0xCC80] =	vst v3  }
0xc5: {  	s25 =	sshra.s32 s25, $0x2;
	v3 =	vld [tilespmem:s24+$0x4C80]  }
0xc6: {  	s24 =	sadd.s32 s25, s4  }
0xc7: {  	v19 =	vld [tilespmem:s24+$0x0];
	_ =	sdelay $0x1  }
0xc8: {  	s24 =	sadd.s32 $0x20, s6  }
0xc9: {  	s25 =	sand.u32 $0x7F, s24;
	s24 =	sshll.u32 s24, $0x2;
	v3 =	vmul.f32 $8.000000000e+00, v3  }
0xca: {  	s24 =	sand.u32 $0xFFFFFE00, s24;
	s25 =	sshll.u32 s25, $0x2  }
0xcb: {  	s24 =	sor.u32 s25, s24;
	v3 =	vadd.f32 v19, v3  }
0xcc: {  	s24 =	sshra.s32 s24, $0x2  }
0xcd: {  	(v2sf) =	vpush v2, $0x4;
	s16 =	ssub.s32 $0x680, s16;
	s24 =	sadd.s32 s8, s24;
	[tilespmem:s8+$0xCC90] =	vst v3  }
0xce: {  	s16 =	sshra.s32 s16, $0x2;
	v3 =	vld [tilespmem:s24+$0x4C80]  }
0xcf: {  	s16 =	sadd.s32 s16, s4  }
0xd0: {  	v20 =	vld [tilespmem:s16+$0x0];
	_ =	sdelay $0x1  }
0xd1: {  	s6 =	sadd.s32 $0x30, s6  }
0xd2: {  	s25 =	sand.u32 $0x7F, s6;
	s6 =	sshll.u32 s6, $0x2;
	v3 =	vmul.f32 $8.000000000e+00, v3  }
0xd3: {  	s6 =	sand.u32 $0xFFFFFE00, s6;
	s16 =	sshll.u32 s25, $0x2  }
0xd4: {  	s6 =	sor.u32 s16, s6;
	v3 =	vadd.f32 v20, v3  }
0xd5: {  	s6 =	sshra.s32 s6, $0x2  }
0xd6: {  	s6 =	sadd.s32 s8, s6;
	[tilespmem:s8+$0xCCA0] =	vst v3  }
0xd7: {  	v3 =	vld [tilespmem:s6+$0x4C80];
	_ =	sdelay $0x1  }
0xd8: {  	v21 =	vld [tilespmem:s18+$0x14CB0];
	_ =	sdelay $0x1  }
0xd9: {  	s24 =	smulhi.u32 $0x51EB851F, s12;
	s16 =	spop (v2sf)  }
0xda: {  	s25 =	sshll.u32 s16, $0x2;
	s18 =	sand.u32 $0x7F, s16;
	v3 =	vmul.f32 $8.000000000e+00, v3  }
0xdb: {  	s6 =	sshrl.u32 s24, $0x6;
	s24 =	sand.u32 $0xFFFFFE00, s25;
	s18 =	sshll.u32 s18, $0x2  }
0xdc: {  	s25 =	smul.u32 $0x19000, s6;
	s18 =	sor.u32 s18, s24;
	v3 =	vadd.f32 v21, v3  }
0xdd: {  	s18 =	sshra.s32 s18, $0x2  }
0xde: {  	s24 =	ssub.s32 $0x800, s25;
	s18 =	sadd.s32 s8, s18;
	[tilespmem:s8+$0xCCB0] =	vst v3  }
0xdf: {  	s24 =	sshra.s32 s24, $0x2;
	v3 =	vld [tilespmem:s18+$0x4D00]  }
0xe0: {  	s18 =	sadd.s32 s24, s4  }
0xe1: {  	v22 =	vld [tilespmem:s18+$0x0];
	_ =	sdelay $0x1  }
0xe2: {  	s18 =	sadd.s32 $0x10, s16  }
0xe3: {  	s24 =	sand.u32 $0x7F, s18;
	s18 =	sshll.u32 s18, $0x2;
	v3 =	vmul.f32 $8.000000000e+00, v3  }
0xe4: {  	s18 =	sand.u32 $0xFFFFFE00, s18;
	s24 =	sshll.u32 s24, $0x2  }
0xe5: {  	s18 =	sor.u32 s24, s18;
	v3 =	vadd.f32 v22, v3  }
0xe6: {  	s18 =	sshra.s32 s18, $0x2  }
0xe7: {  	s24 =	ssub.s32 $0x840, s25;
	s18 =	sadd.s32 s8, s18;
	[tilespmem:s8+$0xCD00] =	vst v3  }
0xe8: {  	s24 =	sshra.s32 s24, $0x2;
	v3 =	vld [tilespmem:s18+$0x4D00]  }
0xe9: {  	s18 =	sadd.s32 s24, s4  }
0xea: {  	v23 =	vld [tilespmem:s18+$0x0];
	_ =	sdelay $0x1  }
0xeb: {  	s18 =	sadd.s32 $0x20, s16  }
0xec: {  	s24 =	sand.u32 $0x7F, s18;
	s18 =	sshll.u32 s18, $0x2;
	v3 =	vmul.f32 $8.000000000e+00, v3  }
0xed: {  	s18 =	sand.u32 $0xFFFFFE00, s18;
	s24 =	sshll.u32 s24, $0x2  }
0xee: {  	s18 =	sor.u32 s24, s18;
	v3 =	vadd.f32 v23, v3  }
0xef: {  	s18 =	sshra.s32 s18, $0x2  }
0xf0: {  	(v2sf) =	vpush v2, $0x5;
	s25 =	ssub.s32 $0x880, s25;
	s18 =	sadd.s32 s8, s18;
	[tilespmem:s8+$0xCD10] =	vst v3  }
0xf1: {  	s25 =	sshra.s32 s25, $0x2;
	v3 =	vld [tilespmem:s18+$0x4D00]  }
0xf2: {  	s18 =	sadd.s32 s25, s4  }
0xf3: {  	v24 =	vld [tilespmem:s18+$0x0];
	_ =	sdelay $0x1  }
0xf4: {  	s16 =	sadd.s32 $0x30, s16  }
0xf5: {  	s24 =	sand.u32 $0x7F, s16;
	s16 =	sshll.u32 s16, $0x2;
	v3 =	vmul.f32 $8.000000000e+00, v3  }
0xf6: {  	s16 =	sand.u32 $0xFFFFFE00, s16;
	s18 =	sshll.u32 s24, $0x2  }
0xf7: {  	s16 =	sor.u32 s18, s16;
	v3 =	vadd.f32 v24, v3  }
0xf8: {  	s6 =	smul.u32 $0xFFFE7000, s6;
	s16 =	sshra.s32 s16, $0x2  }
0xf9: {  	s16 =	sadd.s32 s8, s16;
	[tilespmem:s8+$0xCD20] =	vst v3  }
0xfa: {  	s6 =	sshra.s32 s6, $0x2;
	v3 =	vld [tilespmem:s16+$0x4D00]  }
0xfb: {  	s6 =	sadd.s32 s19, s6  }
0xfc: {  	v25 =	vld [tilespmem:s6+$0x14D30];
	_ =	sdelay $0x1  }
0xfd: {  	s6 =	spop (v2sf)  }
0xfe: {  	s16 =	smulhi.u32 $0x51EB851F, s11;
	s18 =	sand.u32 $0x7F, s6;
	s25 =	sshll.u32 s6, $0x2;
	v3 =	vmul.f32 $8.000000000e+00, v3  }
0xff: {  	s24 =	sand.u32 $0xFFFFFE00, s25;
	s18 =	sshll.u32 s18, $0x2  }
0x100: {  	s16 =	sshrl.u32 s16, $0x6;
	s18 =	sor.u32 s18, s24;
	v3 =	vadd.f32 v25, v3  }
0x101: {  	s25 =	smul.u32 $0xFFFE7000, s16;
	s18 =	sshra.s32 s18, $0x2  }
0x102: {  	s18 =	sadd.s32 s8, s18;
	[tilespmem:s8+$0xCD30] =	vst v3  }
0x103: {  	s24 =	sshra.s32 s25, $0x2;
	v3 =	vld [tilespmem:s18+$0x4D80]  }
0x104: {  	s18 =	sadd.s32 s19, s24  }
0x105: {  	v26 =	vld [tilespmem:s18+$0x14D80];
	_ =	sdelay $0x1  }
0x106: {  	s24 =	sadd.s32 $0x10, s6  }
0x107: {  	s25 =	sand.u32 $0x7F, s24;
	s24 =	sshll.u32 s24, $0x2;
	v3 =	vmul.f32 $8.000000000e+00, v3  }
0x108: {  	s24 =	sand.u32 $0xFFFFFE00, s24;
	s25 =	sshll.u32 s25, $0x2  }
0x109: {  	s16 =	smul.u32 $0x19000, s16;
	s24 =	sor.u32 s25, s24;
	v3 =	vadd.f32 v26, v3  }
0x10a: {  	s24 =	sshra.s32 s24, $0x2  }
0x10b: {  	s25 =	ssub.s32 $0xA40, s16;
	s24 =	sadd.s32 s8, s24;
	[tilespmem:s8+$0xCD80] =	vst v3  }
0x10c: {  	s25 =	sshra.s32 s25, $0x2;
	v3 =	vld [tilespmem:s24+$0x4D80]  }
0x10d: {  	s24 =	sadd.s32 s25, s4  }
0x10e: {  	v27 =	vld [tilespmem:s24+$0x0];
	_ =	sdelay $0x1  }
0x10f: {  	s24 =	sadd.s32 $0x20, s6  }
0x110: {  	s25 =	sand.u32 $0x7F, s24;
	s24 =	sshll.u32 s24, $0x2;
	v3 =	vmul.f32 $8.000000000e+00, v3  }
0x111: {  	s24 =	sand.u32 $0xFFFFFE00, s24;
	s25 =	sshll.u32 s25, $0x2  }
0x112: {  	s24 =	sor.u32 s25, s24;
	v3 =	vadd.f32 v27, v3  }
0x113: {  	s24 =	sshra.s32 s24, $0x2  }
0x114: {  	(v2sf) =	vpush v2, $0x6;
	s16 =	ssub.s32 $0xA80, s16;
	s24 =	sadd.s32 s8, s24;
	[tilespmem:s8+$0xCD90] =	vst v3  }
0x115: {  	s16 =	sshra.s32 s16, $0x2;
	v3 =	vld [tilespmem:s24+$0x4D80]  }
0x116: {  	s16 =	sadd.s32 s16, s4  }
0x117: {  	v28 =	vld [tilespmem:s16+$0x0];
	_ =	sdelay $0x1  }
0x118: {  	s6 =	sadd.s32 $0x30, s6  }
0x119: {  	s24 =	sand.u32 $0x7F, s6;
	s6 =	sshll.u32 s6, $0x2;
	v3 =	vmul.f32 $8.000000000e+00, v3  }
0x11a: {  	s6 =	sand.u32 $0xFFFFFE00, s6;
	s16 =	sshll.u32 s24, $0x2  }
0x11b: {  	s6 =	sor.u32 s16, s6;
	v3 =	vadd.f32 v28, v3  }
0x11c: {  	s6 =	sshra.s32 s6, $0x2  }
0x11d: {  	s6 =	sadd.s32 s8, s6;
	[tilespmem:s8+$0xCDA0] =	vst v3  }
0x11e: {  	v3 =	vld [tilespmem:s6+$0x4D80];
	_ =	sdelay $0x1  }
0x11f: {  	v29 =	vld [tilespmem:s18+$0x14DB0];
	_ =	sdelay $0x1  }
0x120: {  	s6 =	spop (v2sf)  }
0x121: {  	s16 =	smulhi.u32 $0x51EB851F, s3;
	s18 =	sand.u32 $0x7F, s6;
	s25 =	sshll.u32 s6, $0x2;
	v3 =	vmul.f32 $8.000000000e+00, v3  }
0x122: {  	s24 =	sand.u32 $0xFFFFFE00, s25;
	s18 =	sshll.u32 s18, $0x2  }
0x123: {  	s16 =	sshrl.u32 s16, $0x6;
	s18 =	sor.u32 s18, s24;
	v3 =	vadd.f32 v29, v3  }
0x124: {  	s25 =	smul.u32 $0xFFFE7000, s16;
	s18 =	sshra.s32 s18, $0x2  }
0x125: {  	s18 =	sadd.s32 s8, s18;
	[tilespmem:s8+$0xCDB0] =	vst v3  }
0x126: {  	s24 =	sshra.s32 s25, $0x2;
	v3 =	vld [tilespmem:s18+$0x4E00]  }
0x127: {  	s18 =	sadd.s32 s19, s24  }
0x128: {  	v30 =	vld [tilespmem:s18+$0x14E00];
	_ =	sdelay $0x1  }
0x129: {  	s24 =	sadd.s32 $0x10, s6  }
0x12a: {  	s25 =	sand.u32 $0x7F, s24;
	s24 =	sshll.u32 s24, $0x2;
	v3 =	vmul.f32 $8.000000000e+00, v3  }
0x12b: {  	s24 =	sand.u32 $0xFFFFFE00, s24;
	s25 =	sshll.u32 s25, $0x2  }
0x12c: {  	s16 =	smul.u32 $0x19000, s16;
	s24 =	sor.u32 s25, s24;
	v3 =	vadd.f32 v30, v3  }
0x12d: {  	s24 =	sshra.s32 s24, $0x2  }
0x12e: {  	s25 =	ssub.s32 $0xC40, s16;
	s24 =	sadd.s32 s8, s24;
	[tilespmem:s8+$0xCE00] =	vst v3  }
0x12f: {  	s25 =	sshra.s32 s25, $0x2;
	v3 =	vld [tilespmem:s24+$0x4E00]  }
0x130: {  	s24 =	sadd.s32 s25, s4  }
0x131: {  	v31 =	vld [tilespmem:s24+$0x0];
	_ =	sdelay $0x1  }
0x132: {  	s24 =	sadd.s32 $0x20, s6  }
0x133: {  	s25 =	sand.u32 $0x7F, s24;
	s24 =	sshll.u32 s24, $0x2;
	v3 =	vmul.f32 $8.000000000e+00, v3  }
0x134: {  	s24 =	sand.u32 $0xFFFFFE00, s24;
	s25 =	sshll.u32 s25, $0x2  }
0x135: {  	s24 =	sor.u32 s25, s24;
	v3 =	vadd.f32 v31, v3  }
0x136: {  	s24 =	sshra.s32 s24, $0x2  }
0x137: {  	(v2sf) =	vpush v2, $0x7;
	s16 =	ssub.s32 $0xC80, s16;
	s24 =	sadd.s32 s8, s24;
	[tilespmem:s8+$0xCE10] =	vst v3  }
0x138: {  	s16 =	sshra.s32 s16, $0x2;
	v3 =	vld [tilespmem:s24+$0x4E00]  }
0x139: {  	s16 =	sadd.s32 s16, s4  }
0x13a: {  	v32 =	vld [tilespmem:s16+$0x0];
	_ =	sdelay $0x1  }
0x13b: {  	s6 =	sadd.s32 $0x30, s6  }
0x13c: {  	s24 =	sand.u32 $0x7F, s6;
	s6 =	sshll.u32 s6, $0x2;
	v3 =	vmul.f32 $8.000000000e+00, v3  }
0x13d: {  	s6 =	sand.u32 $0xFFFFFE00, s6;
	s16 =	sshll.u32 s24, $0x2  }
0x13e: {  	s6 =	sor.u32 s16, s6;
	v3 =	vadd.f32 v32, v3  }
0x13f: {  	s6 =	sshra.s32 s6, $0x2  }
0x140: {  	s6 =	sadd.s32 s8, s6;
	[tilespmem:s8+$0xCE20] =	vst v3  }
0x141: {  	v3 =	vld [tilespmem:s6+$0x4E00];
	_ =	sdelay $0x1  }
0x142: {  	v33 =	vld [tilespmem:s18+$0x14E30];
	_ =	sdelay $0x1  }
0x143: {  	s6 =	spop (v2sf)  }
0x144: {  	s16 =	smulhi.u32 $0x51EB851F, s0;
	s18 =	sand.u32 $0x7F, s6;
	s25 =	sshll.u32 s6, $0x2;
	v3 =	vmul.f32 $8.000000000e+00, v3  }
0x145: {  	s24 =	sand.u32 $0xFFFFFE00, s25;
	s18 =	sshll.u32 s18, $0x2  }
0x146: {  	s16 =	sshrl.u32 s16, $0x6;
	s18 =	sor.u32 s18, s24;
	v3 =	vadd.f32 v33, v3  }
0x147: {  	s25 =	smul.u32 $0xFFFE7000, s16;
	s18 =	sshra.s32 s18, $0x2  }
0x148: {  	s18 =	sadd.s32 s8, s18;
	[tilespmem:s8+$0xCE30] =	vst v3  }
0x149: {  	s24 =	sshra.s32 s25, $0x2;
	v3 =	vld [tilespmem:s18+$0x4E80]  }
0x14a: {  	s18 =	sadd.s32 s19, s24  }
0x14b: {  	v34 =	vld [tilespmem:s18+$0x14E80];
	_ =	sdelay $0x1  }
0x14c: {  	s24 =	sadd.s32 $0x10, s6  }
0x14d: {  	s25 =	sand.u32 $0x7F, s24;
	s24 =	sshll.u32 s24, $0x2;
	v3 =	vmul.f32 $8.000000000e+00, v3  }
0x14e: {  	s24 =	sand.u32 $0xFFFFFE00, s24;
	s25 =	sshll.u32 s25, $0x2  }
0x14f: {  	s16 =	smul.u32 $0x19000, s16;
	s24 =	sor.u32 s25, s24;
	v3 =	vadd.f32 v34, v3  }
0x150: {  	s24 =	sshra.s32 s24, $0x2  }
0x151: {  	s25 =	ssub.s32 $0xE40, s16;
	s24 =	sadd.s32 s8, s24;
	[tilespmem:s8+$0xCE80] =	vst v3  }
0x152: {  	s25 =	sshra.s32 s25, $0x2;
	v3 =	vld [tilespmem:s24+$0x4E80]  }
0x153: {  	s24 =	sadd.s32 s25, s4  }
0x154: {  	v35 =	vld [tilespmem:s24+$0x0];
	_ =	sdelay $0x1  }
0x155: {  	s24 =	sadd.s32 $0x20, s6  }
0x156: {  	s25 =	sand.u32 $0x7F, s24;
	s24 =	sshll.u32 s24, $0x2;
	v3 =	vmul.f32 $8.000000000e+00, v3  }
0x157: {  	s24 =	sand.u32 $0xFFFFFE00, s24;
	s25 =	sshll.u32 s25, $0x2  }
0x158: {  	s24 =	sor.u32 s25, s24;
	v3 =	vadd.f32 v35, v3  }
0x159: {  	s24 =	sshra.s32 s24, $0x2  }
0x15a: {  	(v2sf) =	vpush v2, $0x8;
	s16 =	ssub.s32 $0xE80, s16;
	s24 =	sadd.s32 s8, s24;
	[tilespmem:s8+$0xCE90] =	vst v3  }
0x15b: {  	s16 =	sshra.s32 s16, $0x2;
	v3 =	vld [tilespmem:s24+$0x4E80]  }
0x15c: {  	s16 =	sadd.s32 s16, s4  }
0x15d: {  	v36 =	vld [tilespmem:s16+$0x0];
	_ =	sdelay $0x1  }
0x15e: {  	s6 =	sadd.s32 $0x30, s6  }
0x15f: {  	s25 =	sand.u32 $0x7F, s6;
	s6 =	sshll.u32 s6, $0x2;
	v3 =	vmul.f32 $8.000000000e+00, v3  }
0x160: {  	s6 =	sand.u32 $0xFFFFFE00, s6;
	s16 =	sshll.u32 s25, $0x2  }
0x161: {  	s6 =	sor.u32 s16, s6;
	v3 =	vadd.f32 v36, v3  }
0x162: {  	s6 =	sshra.s32 s6, $0x2  }
0x163: {  	s6 =	sadd.s32 s8, s6;
	[tilespmem:s8+$0xCEA0] =	vst v3  }
0x164: {  	v3 =	vld [tilespmem:s6+$0x4E80];
	_ =	sdelay $0x1  }
0x165: {  	v37 =	vld [tilespmem:s18+$0x14EB0];
	_ =	sdelay $0x1  }
0x166: {  	s24 =	smulhi.u32 $0x51EB851F, s23;
	s16 =	spop (v2sf)  }
0x167: {  	s25 =	sshll.u32 s16, $0x2;
	s18 =	sand.u32 $0x7F, s16;
	v3 =	vmul.f32 $8.000000000e+00, v3  }
0x168: {  	s6 =	sshrl.u32 s24, $0x6;
	s24 =	sand.u32 $0xFFFFFE00, s25;
	s18 =	sshll.u32 s18, $0x2  }
0x169: {  	s25 =	smul.u32 $0x19000, s6;
	s18 =	sor.u32 s18, s24;
	v3 =	vadd.f32 v37, v3  }
0x16a: {  	s18 =	sshra.s32 s18, $0x2  }
0x16b: {  	s24 =	ssub.s32 $0x1000, s25;
	s18 =	sadd.s32 s8, s18;
	[tilespmem:s8+$0xCEB0] =	vst v3  }
0x16c: {  	s24 =	sshra.s32 s24, $0x2;
	v3 =	vld [tilespmem:s18+$0x4F00]  }
0x16d: {  	s18 =	sadd.s32 s24, s4  }
0x16e: {  	v38 =	vld [tilespmem:s18+$0x0];
	_ =	sdelay $0x1  }
0x16f: {  	s18 =	sadd.s32 $0x10, s16  }
0x170: {  	s24 =	sand.u32 $0x7F, s18;
	s18 =	sshll.u32 s18, $0x2;
	v3 =	vmul.f32 $8.000000000e+00, v3  }
0x171: {  	s18 =	sand.u32 $0xFFFFFE00, s18;
	s24 =	sshll.u32 s24, $0x2  }
0x172: {  	s18 =	sor.u32 s24, s18;
	v3 =	vadd.f32 v38, v3  }
0x173: {  	s18 =	sshra.s32 s18, $0x2  }
0x174: {  	s24 =	ssub.s32 $0x1040, s25;
	s18 =	sadd.s32 s8, s18;
	[tilespmem:s8+$0xCF00] =	vst v3  }
0x175: {  	s24 =	sshra.s32 s24, $0x2;
	v3 =	vld [tilespmem:s18+$0x4F00]  }
0x176: {  	s18 =	sadd.s32 s24, s4  }
0x177: {  	v39 =	vld [tilespmem:s18+$0x0];
	_ =	sdelay $0x1  }
0x178: {  	s18 =	sadd.s32 $0x20, s16  }
0x179: {  	s24 =	sand.u32 $0x7F, s18;
	s18 =	sshll.u32 s18, $0x2;
	v3 =	vmul.f32 $8.000000000e+00, v3  }
0x17a: {  	s18 =	sand.u32 $0xFFFFFE00, s18;
	s24 =	sshll.u32 s24, $0x2  }
0x17b: {  	s18 =	sor.u32 s24, s18;
	v3 =	vadd.f32 v39, v3  }
0x17c: {  	s18 =	sshra.s32 s18, $0x2  }
0x17d: {  	(v2sf) =	vpush v2, $0x9;
	s25 =	ssub.s32 $0x1080, s25;
	s18 =	sadd.s32 s8, s18;
	[tilespmem:s8+$0xCF10] =	vst v3  }
0x17e: {  	s25 =	sshra.s32 s25, $0x2;
	v3 =	vld [tilespmem:s18+$0x4F00]  }
0x17f: {  	s18 =	sadd.s32 s25, s4  }
0x180: {  	v40 =	vld [tilespmem:s18+$0x0];
	_ =	sdelay $0x1  }
0x181: {  	s16 =	sadd.s32 $0x30, s16  }
0x182: {  	s24 =	sand.u32 $0x7F, s16;
	s16 =	sshll.u32 s16, $0x2;
	v3 =	vmul.f32 $8.000000000e+00, v3  }
0x183: {  	s16 =	sand.u32 $0xFFFFFE00, s16;
	s18 =	sshll.u32 s24, $0x2  }
0x184: {  	s16 =	sor.u32 s18, s16;
	v3 =	vadd.f32 v40, v3  }
0x185: {  	s6 =	smul.u32 $0xFFFE7000, s6;
	s16 =	sshra.s32 s16, $0x2  }
0x186: {  	s16 =	sadd.s32 s8, s16;
	[tilespmem:s8+$0xCF20] =	vst v3  }
0x187: {  	s6 =	sshra.s32 s6, $0x2;
	v3 =	vld [tilespmem:s16+$0x4F00]  }
0x188: {  	s6 =	sadd.s32 s19, s6  }
0x189: {  	v41 =	vld [tilespmem:s6+$0x14F30];
	_ =	sdelay $0x1  }
0x18a: {  	s6 =	spop (v2sf)  }
0x18b: {  	s16 =	smulhi.u32 $0x51EB851F, s2;
	s18 =	sand.u32 $0x7F, s6;
	s25 =	sshll.u32 s6, $0x2;
	v3 =	vmul.f32 $8.000000000e+00, v3  }
0x18c: {  	s24 =	sand.u32 $0xFFFFFE00, s25;
	s18 =	sshll.u32 s18, $0x2  }
0x18d: {  	s16 =	sshrl.u32 s16, $0x6;
	s18 =	sor.u32 s18, s24;
	v3 =	vadd.f32 v41, v3  }
0x18e: {  	s25 =	smul.u32 $0xFFFE7000, s16;
	s18 =	sshra.s32 s18, $0x2  }
0x18f: {  	s18 =	sadd.s32 s8, s18;
	[tilespmem:s8+$0xCF30] =	vst v3  }
0x190: {  	s24 =	sshra.s32 s25, $0x2;
	v3 =	vld [tilespmem:s18+$0x4F80]  }
0x191: {  	s18 =	sadd.s32 s19, s24  }
0x192: {  	v42 =	vld [tilespmem:s18+$0x14F80];
	_ =	sdelay $0x1  }
0x193: {  	s24 =	sadd.s32 $0x10, s6  }
0x194: {  	s25 =	sand.u32 $0x7F, s24;
	s24 =	sshll.u32 s24, $0x2;
	v3 =	vmul.f32 $8.000000000e+00, v3  }
0x195: {  	s24 =	sand.u32 $0xFFFFFE00, s24;
	s25 =	sshll.u32 s25, $0x2  }
0x196: {  	s16 =	smul.u32 $0x19000, s16;
	s24 =	sor.u32 s25, s24;
	v3 =	vadd.f32 v42, v3  }
0x197: {  	s24 =	sshra.s32 s24, $0x2  }
0x198: {  	s25 =	ssub.s32 $0x1240, s16;
	s24 =	sadd.s32 s8, s24;
	[tilespmem:s8+$0xCF80] =	vst v3  }
0x199: {  	s25 =	sshra.s32 s25, $0x2;
	v3 =	vld [tilespmem:s24+$0x4F80]  }
0x19a: {  	s24 =	sadd.s32 s25, s4  }
0x19b: {  	v43 =	vld [tilespmem:s24+$0x0];
	_ =	sdelay $0x1  }
0x19c: {  	s24 =	sadd.s32 $0x20, s6  }
0x19d: {  	s25 =	sand.u32 $0x7F, s24;
	s24 =	sshll.u32 s24, $0x2;
	v3 =	vmul.f32 $8.000000000e+00, v3  }
0x19e: {  	s24 =	sand.u32 $0xFFFFFE00, s24;
	s25 =	sshll.u32 s25, $0x2  }
0x19f: {  	s24 =	sor.u32 s25, s24;
	v3 =	vadd.f32 v43, v3  }
0x1a0: {  	s24 =	sshra.s32 s24, $0x2  }
0x1a1: {  	(v2sf) =	vpush v2, $0xA;
	s16 =	ssub.s32 $0x1280, s16;
	s24 =	sadd.s32 s8, s24;
	[tilespmem:s8+$0xCF90] =	vst v3  }
0x1a2: {  	s16 =	sshra.s32 s16, $0x2;
	v3 =	vld [tilespmem:s24+$0x4F80]  }
0x1a3: {  	s16 =	sadd.s32 s16, s4  }
0x1a4: {  	v44 =	vld [tilespmem:s16+$0x0];
	_ =	sdelay $0x1  }
0x1a5: {  	s6 =	sadd.s32 $0x30, s6  }
0x1a6: {  	s24 =	sand.u32 $0x7F, s6;
	s6 =	sshll.u32 s6, $0x2;
	v3 =	vmul.f32 $8.000000000e+00, v3  }
0x1a7: {  	s6 =	sand.u32 $0xFFFFFE00, s6;
	s16 =	sshll.u32 s24, $0x2  }
0x1a8: {  	s6 =	sor.u32 s16, s6;
	v3 =	vadd.f32 v44, v3  }
0x1a9: {  	s6 =	sshra.s32 s6, $0x2  }
0x1aa: {  	s6 =	sadd.s32 s8, s6;
	[tilespmem:s8+$0xCFA0] =	vst v3  }
0x1ab: {  	v3 =	vld [tilespmem:s6+$0x4F80];
	_ =	sdelay $0x1  }
0x1ac: {  	v45 =	vld [tilespmem:s18+$0x14FB0];
	_ =	sdelay $0x1  }
0x1ad: {  	s6 =	spop (v2sf)  }
0x1ae: {  	s16 =	smulhi.u32 $0x51EB851F, s13;
	s18 =	sand.u32 $0x7F, s6;
	s25 =	sshll.u32 s6, $0x2;
	v3 =	vmul.f32 $8.000000000e+00, v3  }
0x1af: {  	s24 =	sand.u32 $0xFFFFFE00, s25;
	s18 =	sshll.u32 s18, $0x2  }
0x1b0: {  	s16 =	sshrl.u32 s16, $0x6;
	s18 =	sor.u32 s18, s24;
	v3 =	vadd.f32 v45, v3  }
0x1b1: {  	s25 =	smul.u32 $0xFFFE7000, s16;
	s18 =	sshra.s32 s18, $0x2  }
0x1b2: {  	s18 =	sadd.s32 s8, s18;
	[tilespmem:s8+$0xCFB0] =	vst v3  }
0x1b3: {  	s24 =	sshra.s32 s25, $0x2;
	v3 =	vld [tilespmem:s18+$0x5000]  }
0x1b4: {  	s18 =	sadd.s32 s19, s24  }
0x1b5: {  	v46 =	vld [tilespmem:s18+$0x15000];
	_ =	sdelay $0x1  }
0x1b6: {  	s24 =	sadd.s32 $0x10, s6  }
0x1b7: {  	s25 =	sand.u32 $0x7F, s24;
	s24 =	sshll.u32 s24, $0x2;
	v3 =	vmul.f32 $8.000000000e+00, v3  }
0x1b8: {  	s24 =	sand.u32 $0xFFFFFE00, s24;
	s25 =	sshll.u32 s25, $0x2  }
0x1b9: {  	s16 =	smul.u32 $0x19000, s16;
	s24 =	sor.u32 s25, s24;
	v3 =	vadd.f32 v46, v3  }
0x1ba: {  	s24 =	sshra.s32 s24, $0x2  }
0x1bb: {  	s25 =	ssub.s32 $0x1440, s16;
	s24 =	sadd.s32 s8, s24;
	[tilespmem:s8+$0xD000] =	vst v3  }
0x1bc: {  	s25 =	sshra.s32 s25, $0x2;
	v3 =	vld [tilespmem:s24+$0x5000]  }
0x1bd: {  	s24 =	sadd.s32 s25, s4  }
0x1be: {  	v47 =	vld [tilespmem:s24+$0x0];
	_ =	sdelay $0x1  }
0x1bf: {  	s24 =	sadd.s32 $0x20, s6  }
0x1c0: {  	s25 =	sand.u32 $0x7F, s24;
	s24 =	sshll.u32 s24, $0x2;
	v3 =	vmul.f32 $8.000000000e+00, v3  }
0x1c1: {  	s24 =	sand.u32 $0xFFFFFE00, s24;
	s25 =	sshll.u32 s25, $0x2  }
0x1c2: {  	s24 =	sor.u32 s25, s24;
	v3 =	vadd.f32 v47, v3  }
0x1c3: {  	s24 =	sshra.s32 s24, $0x2  }
0x1c4: {  	(v2sf) =	vpush v2, $0xB;
	s16 =	ssub.s32 $0x1480, s16;
	s24 =	sadd.s32 s8, s24;
	[tilespmem:s8+$0xD010] =	vst v3  }
0x1c5: {  	s16 =	sshra.s32 s16, $0x2;
	v3 =	vld [tilespmem:s24+$0x5000]  }
0x1c6: {  	s16 =	sadd.s32 s16, s4  }
0x1c7: {  	v48 =	vld [tilespmem:s16+$0x0];
	_ =	sdelay $0x1  }
0x1c8: {  	s6 =	sadd.s32 $0x30, s6  }
0x1c9: {  	s24 =	sand.u32 $0x7F, s6;
	s6 =	sshll.u32 s6, $0x2;
	v3 =	vmul.f32 $8.000000000e+00, v3  }
0x1ca: {  	s6 =	sand.u32 $0xFFFFFE00, s6;
	s16 =	sshll.u32 s24, $0x2  }
0x1cb: {  	s6 =	sor.u32 s16, s6;
	v3 =	vadd.f32 v48, v3  }
0x1cc: {  	s6 =	sshra.s32 s6, $0x2  }
0x1cd: {  	s6 =	sadd.s32 s8, s6;
	[tilespmem:s8+$0xD020] =	vst v3  }
0x1ce: {  	v3 =	vld [tilespmem:s6+$0x5000];
	_ =	sdelay $0x1  }
0x1cf: {  	v49 =	vld [tilespmem:s18+$0x15030];
	_ =	sdelay $0x1  }
0x1d0: {  	s6 =	spop (v2sf)  }
0x1d1: {  	s16 =	smulhi.u32 $0x51EB851F, s15;
	s18 =	sand.u32 $0x7F, s6;
	s25 =	sshll.u32 s6, $0x2;
	v3 =	vmul.f32 $8.000000000e+00, v3  }
0x1d2: {  	s24 =	sand.u32 $0xFFFFFE00, s25;
	s18 =	sshll.u32 s18, $0x2  }
0x1d3: {  	s16 =	sshrl.u32 s16, $0x6;
	s18 =	sor.u32 s18, s24;
	v3 =	vadd.f32 v49, v3  }
0x1d4: {  	s25 =	smul.u32 $0xFFFE7000, s16;
	s18 =	sshra.s32 s18, $0x2  }
0x1d5: {  	s18 =	sadd.s32 s8, s18;
	[tilespmem:s8+$0xD030] =	vst v3  }
0x1d6: {  	s24 =	sshra.s32 s25, $0x2;
	v3 =	vld [tilespmem:s18+$0x5080]  }
0x1d7: {  	s18 =	sadd.s32 s19, s24  }
0x1d8: {  	v50 =	vld [tilespmem:s18+$0x15080];
	_ =	sdelay $0x1  }
0x1d9: {  	s24 =	sadd.s32 $0x10, s6  }
0x1da: {  	s25 =	sand.u32 $0x7F, s24;
	s24 =	sshll.u32 s24, $0x2;
	v3 =	vmul.f32 $8.000000000e+00, v3  }
0x1db: {  	s24 =	sand.u32 $0xFFFFFE00, s24;
	s25 =	sshll.u32 s25, $0x2  }
0x1dc: {  	s16 =	smul.u32 $0x19000, s16;
	s24 =	sor.u32 s25, s24;
	v3 =	vadd.f32 v50, v3  }
0x1dd: {  	s24 =	sshra.s32 s24, $0x2  }
0x1de: {  	s25 =	ssub.s32 $0x1640, s16;
	s24 =	sadd.s32 s8, s24;
	[tilespmem:s8+$0xD080] =	vst v3  }
0x1df: {  	s25 =	sshra.s32 s25, $0x2;
	v3 =	vld [tilespmem:s24+$0x5080]  }
0x1e0: {  	s24 =	sadd.s32 s25, s4  }
0x1e1: {  	v51 =	vld [tilespmem:s24+$0x0];
	_ =	sdelay $0x1  }
0x1e2: {  	s24 =	sadd.s32 $0x20, s6  }
0x1e3: {  	s25 =	sand.u32 $0x7F, s24;
	s24 =	sshll.u32 s24, $0x2;
	v3 =	vmul.f32 $8.000000000e+00, v3  }
0x1e4: {  	s24 =	sand.u32 $0xFFFFFE00, s24;
	s25 =	sshll.u32 s25, $0x2  }
0x1e5: {  	s24 =	sor.u32 s25, s24;
	v3 =	vadd.f32 v51, v3  }
0x1e6: {  	s24 =	sshra.s32 s24, $0x2  }
0x1e7: {  	(v2sf) =	vpush v2, $0xC;
	s16 =	ssub.s32 $0x1680, s16;
	s24 =	sadd.s32 s8, s24;
	[tilespmem:s8+$0xD090] =	vst v3  }
0x1e8: {  	s16 =	sshra.s32 s16, $0x2;
	v3 =	vld [tilespmem:s24+$0x5080]  }
0x1e9: {  	s16 =	sadd.s32 s16, s4  }
0x1ea: {  	v52 =	vld [tilespmem:s16+$0x0];
	_ =	sdelay $0x1  }
0x1eb: {  	s6 =	sadd.s32 $0x30, s6  }
0x1ec: {  	s24 =	sand.u32 $0x7F, s6;
	s6 =	sshll.u32 s6, $0x2;
	v3 =	vmul.f32 $8.000000000e+00, v3  }
0x1ed: {  	s6 =	sand.u32 $0xFFFFFE00, s6;
	s16 =	sshll.u32 s24, $0x2  }
0x1ee: {  	s6 =	sor.u32 s16, s6;
	v3 =	vadd.f32 v52, v3  }
0x1ef: {  	s6 =	sshra.s32 s6, $0x2  }
0x1f0: {  	s6 =	sadd.s32 s8, s6;
	[tilespmem:s8+$0xD0A0] =	vst v3  }
0x1f1: {  	v3 =	vld [tilespmem:s6+$0x5080];
	_ =	sdelay $0x1  }
0x1f2: {  	v53 =	vld [tilespmem:s18+$0x150B0];
	_ =	sdelay $0x1  }
0x1f3: {  	s6 =	spop (v2sf)  }
0x1f4: {  	s16 =	smulhi.u32 $0x51EB851F, s17;
	s18 =	sand.u32 $0x7F, s6;
	s25 =	sshll.u32 s6, $0x2;
	v3 =	vmul.f32 $8.000000000e+00, v3  }
0x1f5: {  	s24 =	sand.u32 $0xFFFFFE00, s25;
	s18 =	sshll.u32 s18, $0x2  }
0x1f6: {  	s16 =	sshrl.u32 s16, $0x6;
	s18 =	sor.u32 s18, s24;
	v3 =	vadd.f32 v53, v3  }
0x1f7: {  	s25 =	smul.u32 $0xFFFE7000, s16;
	s18 =	sshra.s32 s18, $0x2  }
0x1f8: {  	s18 =	sadd.s32 s8, s18;
	[tilespmem:s8+$0xD0B0] =	vst v3  }
0x1f9: {  	s24 =	sshra.s32 s25, $0x2;
	v3 =	vld [tilespmem:s18+$0x5100]  }
0x1fa: {  	s18 =	sadd.s32 s19, s24  }
0x1fb: {  	v54 =	vld [tilespmem:s18+$0x15100];
	_ =	sdelay $0x1  }
0x1fc: {  	s24 =	sadd.s32 $0x10, s6  }
0x1fd: {  	s25 =	sand.u32 $0x7F, s24;
	s24 =	sshll.u32 s24, $0x2;
	v3 =	vmul.f32 $8.000000000e+00, v3  }
0x1fe: {  	s24 =	sand.u32 $0xFFFFFE00, s24;
	s25 =	sshll.u32 s25, $0x2  }
0x1ff: {  	s16 =	smul.u32 $0x19000, s16;
	s24 =	sor.u32 s25, s24;
	v3 =	vadd.f32 v54, v3  }
0x200: {  	s24 =	sshra.s32 s24, $0x2  }
0x201: {  	s25 =	ssub.s32 $0x1840, s16;
	s24 =	sadd.s32 s8, s24;
	[tilespmem:s8+$0xD100] =	vst v3  }
0x202: {  	s25 =	sshra.s32 s25, $0x2;
	v3 =	vld [tilespmem:s24+$0x5100]  }
0x203: {  	s24 =	sadd.s32 s25, s4  }
0x204: {  	v55 =	vld [tilespmem:s24+$0x0];
	_ =	sdelay $0x1  }
0x205: {  	s24 =	sadd.s32 $0x20, s6  }
0x206: {  	s25 =	sand.u32 $0x7F, s24;
	s24 =	sshll.u32 s24, $0x2;
	v3 =	vmul.f32 $8.000000000e+00, v3  }
0x207: {  	s24 =	sand.u32 $0xFFFFFE00, s24;
	s25 =	sshll.u32 s25, $0x2  }
0x208: {  	s24 =	sor.u32 s25, s24;
	v3 =	vadd.f32 v55, v3  }
0x209: {  	s24 =	sshra.s32 s24, $0x2  }
0x20a: {  	(v2sf) =	vpush v2, $0xD;
	s16 =	ssub.s32 $0x1880, s16;
	s24 =	sadd.s32 s8, s24;
	[tilespmem:s8+$0xD110] =	vst v3  }
0x20b: {  	s16 =	sshra.s32 s16, $0x2;
	v3 =	vld [tilespmem:s24+$0x5100]  }
0x20c: {  	s16 =	sadd.s32 s16, s4  }
0x20d: {  	v56 =	vld [tilespmem:s16+$0x0];
	_ =	sdelay $0x1  }
0x20e: {  	s6 =	sadd.s32 $0x30, s6  }
0x20f: {  	s24 =	sand.u32 $0x7F, s6;
	s6 =	sshll.u32 s6, $0x2;
	v3 =	vmul.f32 $8.000000000e+00, v3  }
0x210: {  	s6 =	sand.u32 $0xFFFFFE00, s6;
	s16 =	sshll.u32 s24, $0x2  }
0x211: {  	s6 =	sor.u32 s16, s6;
	v3 =	vadd.f32 v56, v3  }
0x212: {  	s6 =	sshra.s32 s6, $0x2  }
0x213: {  	s6 =	sadd.s32 s8, s6;
	[tilespmem:s8+$0xD120] =	vst v3  }
0x214: {  	v3 =	vld [tilespmem:s6+$0x5100];
	_ =	sdelay $0x1  }
0x215: {  	v57 =	vld [tilespmem:s18+$0x15130];
	_ =	sdelay $0x1  }
0x216: {  	s6 =	spop (v2sf)  }
0x217: {  	s16 =	smulhi.u32 $0x51EB851F, s20;
	s18 =	sand.u32 $0x7F, s6;
	s25 =	sshll.u32 s6, $0x2;
	v3 =	vmul.f32 $8.000000000e+00, v3  }
0x218: {  	s24 =	sand.u32 $0xFFFFFE00, s25;
	s18 =	sshll.u32 s18, $0x2  }
0x219: {  	s16 =	sshrl.u32 s16, $0x6;
	s18 =	sor.u32 s18, s24;
	v3 =	vadd.f32 v57, v3  }
0x21a: {  	s25 =	smul.u32 $0xFFFE7000, s16;
	s18 =	sshra.s32 s18, $0x2  }
0x21b: {  	s18 =	sadd.s32 s8, s18;
	[tilespmem:s8+$0xD130] =	vst v3  }
0x21c: {  	s24 =	sshra.s32 s25, $0x2;
	v3 =	vld [tilespmem:s18+$0x5180]  }
0x21d: {  	s18 =	sadd.s32 s19, s24  }
0x21e: {  	v58 =	vld [tilespmem:s18+$0x15180];
	_ =	sdelay $0x1  }
0x21f: {  	s24 =	sadd.s32 $0x10, s6  }
0x220: {  	s25 =	sand.u32 $0x7F, s24;
	s24 =	sshll.u32 s24, $0x2;
	v3 =	vmul.f32 $8.000000000e+00, v3  }
0x221: {  	s24 =	sand.u32 $0xFFFFFE00, s24;
	s25 =	sshll.u32 s25, $0x2  }
0x222: {  	s16 =	smul.u32 $0x19000, s16;
	s24 =	sor.u32 s25, s24;
	v3 =	vadd.f32 v58, v3  }
0x223: {  	s24 =	sshra.s32 s24, $0x2  }
0x224: {  	s25 =	ssub.s32 $0x1A40, s16;
	s24 =	sadd.s32 s8, s24;
	[tilespmem:s8+$0xD180] =	vst v3  }
0x225: {  	s25 =	sshra.s32 s25, $0x2;
	v3 =	vld [tilespmem:s24+$0x5180]  }
0x226: {  	s24 =	sadd.s32 s25, s4  }
0x227: {  	v59 =	vld [tilespmem:s24+$0x0];
	_ =	sdelay $0x1  }
0x228: {  	s24 =	sadd.s32 $0x20, s6  }
0x229: {  	s25 =	sand.u32 $0x7F, s24;
	s24 =	sshll.u32 s24, $0x2;
	v3 =	vmul.f32 $8.000000000e+00, v3  }
0x22a: {  	s24 =	sand.u32 $0xFFFFFE00, s24;
	s25 =	sshll.u32 s25, $0x2  }
0x22b: {  	s24 =	sor.u32 s25, s24;
	v3 =	vadd.f32 v59, v3  }
0x22c: {  	s24 =	sshra.s32 s24, $0x2  }
0x22d: {  	(v2sf) =	vpush v2, $0xE;
	s16 =	ssub.s32 $0x1A80, s16;
	s24 =	sadd.s32 s8, s24;
	[tilespmem:s8+$0xD190] =	vst v3  }
0x22e: {  	s16 =	sshra.s32 s16, $0x2;
	v3 =	vld [tilespmem:s24+$0x5180]  }
0x22f: {  	s16 =	sadd.s32 s16, s4  }
0x230: {  	v60 =	vld [tilespmem:s16+$0x0];
	_ =	sdelay $0x1  }
0x231: {  	s6 =	sadd.s32 $0x30, s6  }
0x232: {  	s24 =	sand.u32 $0x7F, s6;
	s6 =	sshll.u32 s6, $0x2;
	v3 =	vmul.f32 $8.000000000e+00, v3  }
0x233: {  	s6 =	sand.u32 $0xFFFFFE00, s6;
	s16 =	sshll.u32 s24, $0x2  }
0x234: {  	s6 =	sor.u32 s16, s6;
	v3 =	vadd.f32 v60, v3  }
0x235: {  	s6 =	sshra.s32 s6, $0x2  }
0x236: {  	s6 =	sadd.s32 s8, s6;
	[tilespmem:s8+$0xD1A0] =	vst v3  }
0x237: {  	v3 =	vld [tilespmem:s6+$0x5180];
	_ =	sdelay $0x1  }
0x238: {  	v61 =	vld [tilespmem:s18+$0x151B0];
	_ =	sdelay $0x1  }
0x239: {  	s6 =	spop (v2sf)  }
0x23a: {  	s16 =	smulhi.u32 $0x51EB851F, s14;
	s18 =	sand.u32 $0x7F, s6;
	s25 =	sshll.u32 s6, $0x2;
	v3 =	vmul.f32 $8.000000000e+00, v3  }
0x23b: {  	s24 =	sand.u32 $0xFFFFFE00, s25;
	s18 =	sshll.u32 s18, $0x2  }
0x23c: {  	s16 =	sshrl.u32 s16, $0x6;
	s18 =	sor.u32 s18, s24;
	v3 =	vadd.f32 v61, v3  }
0x23d: {  	s25 =	smul.u32 $0xFFFE7000, s16;
	s18 =	sshra.s32 s18, $0x2  }
0x23e: {  	s18 =	sadd.s32 s8, s18;
	[tilespmem:s8+$0xD1B0] =	vst v3  }
0x23f: {  	s24 =	sshra.s32 s25, $0x2;
	v3 =	vld [tilespmem:s18+$0x5200]  }
0x240: {  	s18 =	sadd.s32 s19, s24  }
0x241: {  	v62 =	vld [tilespmem:s18+$0x15200];
	_ =	sdelay $0x1  }
0x242: {  	s24 =	sadd.s32 $0x10, s6  }
0x243: {  	s25 =	sand.u32 $0x7F, s24;
	s19 =	sshll.u32 s24, $0x2;
	v3 =	vmul.f32 $8.000000000e+00, v3  }
0x244: {  	s19 =	sand.u32 $0xFFFFFE00, s19;
	s24 =	sshll.u32 s25, $0x2  }
0x245: {  	s16 =	smul.u32 $0x19000, s16;
	s19 =	sor.u32 s24, s19;
	v3 =	vadd.f32 v62, v3  }
0x246: {  	s19 =	sshra.s32 s19, $0x2  }
0x247: {  	s25 =	ssub.s32 $0x1C40, s16;
	s19 =	sadd.s32 s8, s19;
	[tilespmem:s8+$0xD200] =	vst v3  }
0x248: {  	s25 =	sshra.s32 s25, $0x2;
	v3 =	vld [tilespmem:s19+$0x5200]  }
0x249: {  	s19 =	sadd.s32 s25, s4  }
0x24a: {  	v63 =	vld [tilespmem:s19+$0x0];
	_ =	sdelay $0x1  }
0x24b: {  	s24 =	sadd.s32 $0x20, s6  }
0x24c: {  	s25 =	sand.u32 $0x7F, s24;
	s19 =	sshll.u32 s24, $0x2;
	v3 =	vmul.f32 $8.000000000e+00, v3  }
0x24d: {  	s24 =	sshll.u32 s25, $0x2;
	s19 =	sand.u32 $0xFFFFFE00, s19  }
0x24e: {  	s19 =	sor.u32 s24, s19;
	v3 =	vadd.f32 v63, v3  }
0x24f: {  	s19 =	sshra.s32 s19, $0x2  }
0x250: {  	(v2sf) =	vpush v2, $0xF;
	s16 =	ssub.s32 $0x1C80, s16;
	s19 =	sadd.s32 s8, s19;
	[tilespmem:s8+$0xD210] =	vst v3  }
0x251: {  	s16 =	sshra.s32 s16, $0x2;
	v2 =	vld [tilespmem:s19+$0x5200]  }
0x252: {  	s4 =	sadd.s32 s16, s4  }
0x253: {  	v3 =	vld [tilespmem:s4+$0x0];
	_ =	sdelay $0x1  }
0x254: {  	s19 =	sadd.s32 $0x30, s6  }
0x255: {  	s6 =	sand.u32 $0x7F, s19;
	s4 =	sshll.u32 s19, $0x2;
	v2 =	vmul.f32 $8.000000000e+00, v2  }
0x256: {  	s4 =	sand.u32 $0xFFFFFE00, s4;
	s6 =	sshll.u32 s6, $0x2  }
0x257: {  	s4 =	sor.u32 s6, s4;
	v2 =	vadd.f32 v3, v2  }
0x258: {  	s4 =	sshra.s32 s4, $0x2  }
0x259: {  	s4 =	sadd.s32 s8, s4;
	[tilespmem:s8+$0xD220] =	vst v2  }
0x25a: {  	v2 =	vld [tilespmem:s4+$0x5200];
	_ =	sdelay $0x1  }
0x25b: {  	v3 =	vld [tilespmem:s18+$0x15230];
	_ =	sdelay $0x1  }
0x25c: {  	s24 =	smulhi.u32 $0x51EB851F, s1;
	s6 =	spop (v2sf)  }
0x25d: {  	s25 =	sand.u32 $0x7F, s6;
	s19 =	sshll.u32 s6, $0x2;
	v2 =	vmul.f32 $8.000000000e+00, v2  }
0x25e: {  	s16 =	sshll.u32 s25, $0x2;
	s4 =	sshrl.u32 s24, $0x6;
	s18 =	sand.u32 $0xFFFFFE00, s19  }
0x25f: {  	s4 =	smul.u32 $0x19000, s4;
	s16 =	sor.u32 s16, s18;
	v2 =	vadd.f32 v3, v2  }
0x260: {  	s16 =	sshra.s32 s16, $0x2  }
0x261: {  	s16 =	sadd.s32 s8, s16;
	s4 =	ssub.s32 s5, s4;
	[tilespmem:s8+$0xD230] =	vst v2  }
0x262: {  	s4 =	sadd.s32 $0x1EC0, s4;
	v2 =	vld [tilespmem:s16+$0x5280]  }
0x263: {  	s4 =	sshra.s32 s4, $0x2  }
0x264: {  	v3 =	vld.idx.msk [tilespmem:v1+s4+$0xFFFFFFD0 ss:$0x1], $0xffff;
	_ =	sdelay $0x1  }
0x265: {  	s24 =	sadd.s32 $0x10, s6  }
0x266: {  	s25 =	sand.u32 $0x7F, s24;
	s16 =	sshll.u32 s24, $0x2;
	v2 =	vmul.f32 $8.000000000e+00, v2  }
0x267: {  	s18 =	sshll.u32 s25, $0x2;
	s16 =	sand.u32 $0xFFFFFE00, s16  }
0x268: {  	s16 =	sor.u32 s18, s16;
	v2 =	vadd.f32 v3, v2  }
0x269: {  	s16 =	sshra.s32 s16, $0x2  }
0x26a: {  	s16 =	sadd.s32 s8, s16;
	[tilespmem:s8+$0xD280] =	vst v2  }
0x26b: {  	v2 =	vld [tilespmem:s16+$0x5280];
	_ =	sdelay $0x1  }
0x26c: {  	v3 =	vld.idx.msk [tilespmem:v1+s4+$0xFFFFFFE0 ss:$0x1], $0xffff;
	_ =	sdelay $0x1  }
0x26d: {  	s19 =	sadd.s32 $0x20, s6  }
0x26e: {  	s24 =	sand.u32 $0x7F, s19;
	s16 =	sshll.u32 s19, $0x2;
	v2 =	vmul.f32 $8.000000000e+00, v2  }
0x26f: {  	s18 =	sshll.u32 s24, $0x2;
	s16 =	sand.u32 $0xFFFFFE00, s16  }
0x270: {  	s16 =	sor.u32 s18, s16;
	v2 =	vadd.f32 v3, v2  }
0x271: {  	s16 =	sshra.s32 s16, $0x2  }
0x272: {  	s16 =	sadd.s32 s8, s16;
	[tilespmem:s8+$0xD290] =	vst v2  }
0x273: {  	v2 =	vld [tilespmem:s16+$0x5280];
	_ =	sdelay $0x1  }
0x274: {  	v3 =	vld.idx.msk [tilespmem:v1+s4+$0xFFFFFFF0 ss:$0x1], $0xffff;
	_ =	sdelay $0x1  }
0x275: {  	s6 =	sadd.s32 $0x30, s6  }
0x276: {  	s25 =	sand.u32 $0x7F, s6;
	s6 =	sshll.u32 s6, $0x2;
	v2 =	vmul.f32 $8.000000000e+00, v2  }
0x277: {  	s6 =	sand.u32 $0xFFFFFE00, s6;
	s16 =	sshll.u32 s25, $0x2  }
0x278: {  	s6 =	sor.u32 s16, s6;
	v2 =	vadd.f32 v3, v2  }
0x279: {  	s6 =	sshra.s32 s6, $0x2  }
0x27a: {  	s6 =	sadd.s32 s8, s6;
	[tilespmem:s8+$0xD2A0] =	vst v2  }
0x27b: {  	v2 =	vld [tilespmem:s6+$0x5280];
	_ =	sdelay $0x1  }
0x27c: {  	v3 =	vld.idx.msk [tilespmem:v1+s4+$0x0 ss:$0x1], $0xffff  }
0x27d: {  	p1 =	sne.s32 s5, $0xE000;
	s10 =	sadd.s32 $0x10, s10  }
0x27e: {  	s22 =	sadd.s32 $0x10, s22;
	s21 =	sadd.s32 $0x10, s21;
	s9 =	sadd.s32 $0x10, s9  }
.Ltmp1:
0x27f: {  	s7 =	sadd.s32 $0x10, s7;
	s12 =	sadd.s32 $0x10, s12;
	v2 =	vmul.f32 $8.000000000e+00, v2;
	(pc) =	sbr.rel @p1 .LBB2_5-.Ltmp1, $4  }
0x280: {  	s11 =	sadd.s32 $0x10, s11;
	s3 =	sadd.s32 $0x10, s3;
	s0 =	sadd.s32 $0x10, s0  }
0x281: {  	s23 =	sadd.s32 $0x10, s23;
	s2 =	sadd.s32 $0x10, s2;
	s13 =	sadd.s32 $0x10, s13;
	v2 =	vadd.f32 v3, v2  }
0x282: {  	s15 =	sadd.s32 $0x10, s15;
	s17 =	sadd.s32 $0x10, s17;
	s20 =	sadd.s32 $0x10, s20  }
0x283: {  	s14 =	sadd.s32 $0x10, s14;
	s1 =	sadd.s32 $0x10, s1;
	s5 =	sadd.s32 $0x2000, s5;
	[tilespmem:s8+$0xD2B0] =	vst v2  }
0x284: {  	p1 =	sne.s32 s29, $0x18  }
.Ltmp2:
0x285: {  	s0 =	sshll.u32 s29, $0xF;
	s1 =	rddreg [dreg:$0x8];
	(pc) =	sbr.rel @p1 .LBB2_8-.Ltmp2, $4  }
0x286: {  	s0 =	sadd.s32 s1, s0  }
0x287: {  	s24 =	rddreg [dreg:$0x6];
	s0 =	sshrl.u32 s0, $0x3  }
0x288: {  	s19 =	simm.s32 $0x0;
	s31 =	simm.s32 $0xCB00;
	s0 =	sadd.s32 s24, s0  }
0x289: {  	[hbm4b:s0+s19] =	stream.linear.scatter [tilespmem:s31], [sflag:$0x3], $0x4000, $0x38;
	[tilespmem:$0x1AF00] =	vst v63  }
.Ltmp3:
0x28a: {  	(pc) =	sbr.rel .LBB2_9-.Ltmp3, $4  }
0x28b: {  	s0 =	simm.s32 $0x2  }
0x28c: {  	_ =	swait.ge [sflag:s0], $0x4000  }
0x28d: {  	[sflag:s0] =	ssyncset.done $0x0;
	s25 =	rddreg [dreg:$0xb]  }
0x28e: {  	s31 =	rddreg [dreg:$0x1d];
	[sflag:s0] =	ssyncadd.s32 $0xFFFFC000  }
.LBB2_8:
0x28f: {  	s0 =	sld [smem:$0x7F0];
	_ =	sdelay $0x1  }
0x290: {  	s1 =	rddreg [dreg:$0x1]  }
0x291: {  	s2 =	simm.s32 $0x4B00;
	s3 =	simm.s32 $0x80;
	s0 =	sand.u32 $0x3FFFFF00, s0  }
.Ltmp4:
0x292: {  	s25 =	simm.s32 $0x2;
	s0 =	sadd.s32 $0x1A00, s0;
	(pc) =	sbr.rel @p0 .LBB2_10-.Ltmp4, $4  }
0x293: {  	[tilespmem:s2], [sflag:$0x1] =	stream.indirect.gather [hbm4b:s1+s3], $0x80, s0, s3, $0xb8;
	[tilespmem:$0x1AF00] =	vst v63  }
0x294: {  	_ =	swait.ge [sflag:s25], $0x4000  }
0x295: {  	[sflag:s25] =	ssyncset.done $0x0;
	s31 =	rddreg [dreg:$0x1d]  }
0x296: {  	[sflag:s25] =	ssyncadd.s32 $0xFFFFC000;
	s25 =	rddreg [dreg:$0xb]  }
.LBB2_9:
0x297: {  	s0 =	simm.s32 $0x4  }
0x298: {  	_ =	swait.ge [sflag:s0], $0x4000  }
0x299: {  	[sflag:s0] =	ssyncset.done $0x0  }
0x29a: {  	[sflag:s0] =	ssyncadd.s32 $0xFFFFC000  }
.LBB2_10:
0x29b: {  	s3 =	sld [smem:$0x7FD]  }
0x29c: {  	s5 =	sld [smem:$0x7FC]  }
0x29d: {  	s7 =	sld [smem:$0x7FB]  }
0x29e: {  	s8 =	sld [smem:$0x7FA]  }
0x29f: {  	s9 =	sld [smem:$0x7F9]  }
0x2a0: {  	s10 =	sld [smem:$0x7F8]  }
0x2a1: {  	s11 =	sld [smem:$0x7F7]  }
0x2a2: {  	s12 =	sld [smem:$0x7F6]  }
0x2a3: {  	s13 =	sld [smem:$0x7F5]  }
0x2a4: {  	s14 =	sld [smem:$0x7F4]  }
0x2a5: {  	s15 =	sld [smem:$0x7F3]  }
0x2a6: {  	s17 =	sld [smem:$0x7F2]  }
0x2a7: {  	s0 =	simm.s32 $0x0;
	s1 =	smov.u32 s26;
	s20 =	rddreg [dreg:$0x1f]  }
0x2a8: {  	s2 =	smov.u32 s25;
	s21 =	rddreg [dreg:$0x1e];
	s22 =	smov.u32 s31  }
.LBB2_11:
0x2a9: {  	v1 =	vld [tilespmem:s1+$0x0];
	_ =	sdelay $0x4  }
0x2aa: {  	(v2sf) =	vpush v1, $0x0;
	_ =	sdelay $0xe  }
0x2ab: {  	s4 =	smulhi.u32 $0x51EB851F, s2;
	s6 =	spop (v2sf)  }
0x2ac: {  	s16 =	sand.u32 $0x7F, s6;
	s18 =	sshll.u32 s6, $0x2  }
0x2ad: {  	s4 =	sshrl.u32 s4, $0x6;
	s18 =	sand.u32 $0xFFFFFE00, s18;
	s16 =	sshll.u32 s16, $0x2  }
0x2ae: {  	s4 =	smul.u32 $0xFFFE7000, s4;
	s16 =	sor.u32 s16, s18  }
0x2af: {  	s23 =	sshra.s32 s0, $0x2;
	s16 =	sshra.s32 s16, $0x2  }
0x2b0: {  	s4 =	sshra.s32 s4, $0x2;
	s16 =	sadd.s32 s23, s16  }
0x2b1: {  	s4 =	sadd.s32 s30, s4;
	v2 =	vld [tilespmem:s16+$0x8B00]  }
0x2b2: {  	s4 =	sadd.s32 s23, s4  }
0x2b3: {  	v3 =	vld [tilespmem:s4+$0x18B00];
	_ =	sdelay $0x1  }
0x2b4: {  	s16 =	sadd.s32 $0x10, s6  }
0x2b5: {  	s18 =	sand.u32 $0x7F, s16;
	s16 =	sshll.u32 s16, $0x2;
	v2 =	vmul.f32 $8.000000000e+00, v2  }
0x2b6: {  	s16 =	sand.u32 $0xFFFFFE00, s16;
	s18 =	sshll.u32 s18, $0x2  }
0x2b7: {  	s16 =	sor.u32 s18, s16;
	v2 =	vadd.f32 v3, v2  }
0x2b8: {  	s16 =	sshra.s32 s16, $0x2  }
0x2b9: {  	s16 =	sadd.s32 s23, s16;
	[tilespmem:s23+$0x10B00] =	vst v2  }
0x2ba: {  	v2 =	vld [tilespmem:s16+$0x8B00]  }
0x2bb: {  	s4 =	sadd.s32 $0x18B00, s4  }
0x2bc: {  	v3 =	vld [tilespmem:s4+$0x10];
	_ =	sdelay $0x1  }
0x2bd: {  	s16 =	sadd.s32 $0x20, s6  }
0x2be: {  	s18 =	sand.u32 $0x7F, s16;
	s16 =	sshll.u32 s16, $0x2;
	v2 =	vmul.f32 $8.000000000e+00, v2  }
0x2bf: {  	s16 =	sand.u32 $0xFFFFFE00, s16;
	s18 =	sshll.u32 s18, $0x2  }
0x2c0: {  	s16 =	sor.u32 s18, s16;
	v2 =	vadd.f32 v3, v2  }
0x2c1: {  	s16 =	sshra.s32 s16, $0x2  }
0x2c2: {  	(v2sf) =	vpush v1, $0x1;
	s16 =	sadd.s32 s23, s16;
	[tilespmem:s23+$0x10B10] =	vst v2  }
0x2c3: {  	v2 =	vld [tilespmem:s16+$0x8B00];
	_ =	sdelay $0x1  }
0x2c4: {  	v3 =	vld [tilespmem:s4+$0x20];
	_ =	sdelay $0x1  }
0x2c5: {  	s6 =	sadd.s32 $0x30, s6  }
0x2c6: {  	s18 =	sand.u32 $0x7F, s6;
	s6 =	sshll.u32 s6, $0x2;
	v2 =	vmul.f32 $8.000000000e+00, v2  }
0x2c7: {  	s6 =	sand.u32 $0xFFFFFE00, s6;
	s16 =	sshll.u32 s18, $0x2  }
0x2c8: {  	s6 =	sor.u32 s16, s6;
	v2 =	vadd.f32 v3, v2  }
0x2c9: {  	s6 =	sshra.s32 s6, $0x2  }
0x2ca: {  	s6 =	sadd.s32 s23, s6;
	[tilespmem:s23+$0x10B20] =	vst v2  }
0x2cb: {  	v2 =	vld [tilespmem:s6+$0x8B00];
	_ =	sdelay $0x1  }
0x2cc: {  	v3 =	vld [tilespmem:s4+$0x30];
	_ =	sdelay $0x1  }
0x2cd: {  	s4 =	smulhi.u32 $0x51EB851F, s3;
	s6 =	spop (v2sf)  }
0x2ce: {  	s16 =	sand.u32 $0x7F, s6;
	s18 =	sshll.u32 s6, $0x2;
	v2 =	vmul.f32 $8.000000000e+00, v2  }
0x2cf: {  	s4 =	sshrl.u32 s4, $0x6;
	s18 =	sand.u32 $0xFFFFFE00, s18;
	s16 =	sshll.u32 s16, $0x2  }
0x2d0: {  	s4 =	smul.u32 $0xFFFE7000, s4;
	s16 =	sor.u32 s16, s18;
	v2 =	vadd.f32 v3, v2  }
0x2d1: {  	s16 =	sshra.s32 s16, $0x2  }
0x2d2: {  	s4 =	sshra.s32 s4, $0x2;
	s16 =	sadd.s32 s23, s16;
	[tilespmem:s23+$0x10B30] =	vst v2  }
0x2d3: {  	s4 =	sadd.s32 s30, s4;
	v2 =	vld [tilespmem:s16+$0x8B80]  }
0x2d4: {  	s4 =	sadd.s32 s23, s4  }
0x2d5: {  	v3 =	vld [tilespmem:s4+$0x18B80];
	_ =	sdelay $0x1  }
0x2d6: {  	s16 =	sadd.s32 $0x10, s6  }
0x2d7: {  	s18 =	sand.u32 $0x7F, s16;
	s16 =	sshll.u32 s16, $0x2;
	v2 =	vmul.f32 $8.000000000e+00, v2  }
0x2d8: {  	s16 =	sand.u32 $0xFFFFFE00, s16;
	s18 =	sshll.u32 s18, $0x2  }
0x2d9: {  	s16 =	sor.u32 s18, s16;
	v2 =	vadd.f32 v3, v2  }
0x2da: {  	s16 =	sshra.s32 s16, $0x2  }
0x2db: {  	s16 =	sadd.s32 s23, s16;
	[tilespmem:s23+$0x10B80] =	vst v2  }
0x2dc: {  	v2 =	vld [tilespmem:s16+$0x8B80]  }
0x2dd: {  	s4 =	sadd.s32 $0x18B80, s4  }
0x2de: {  	v3 =	vld [tilespmem:s4+$0x10];
	_ =	sdelay $0x1  }
0x2df: {  	s16 =	sadd.s32 $0x20, s6  }
0x2e0: {  	s18 =	sand.u32 $0x7F, s16;
	s16 =	sshll.u32 s16, $0x2;
	v2 =	vmul.f32 $8.000000000e+00, v2  }
0x2e1: {  	s16 =	sand.u32 $0xFFFFFE00, s16;
	s18 =	sshll.u32 s18, $0x2  }
0x2e2: {  	s16 =	sor.u32 s18, s16;
	v2 =	vadd.f32 v3, v2  }
0x2e3: {  	s16 =	sshra.s32 s16, $0x2  }
0x2e4: {  	(v2sf) =	vpush v1, $0x2;
	s16 =	sadd.s32 s23, s16;
	[tilespmem:s23+$0x10B90] =	vst v2  }
0x2e5: {  	v2 =	vld [tilespmem:s16+$0x8B80];
	_ =	sdelay $0x1  }
0x2e6: {  	v3 =	vld [tilespmem:s4+$0x20];
	_ =	sdelay $0x1  }
0x2e7: {  	s6 =	sadd.s32 $0x30, s6  }
0x2e8: {  	s18 =	sand.u32 $0x7F, s6;
	s6 =	sshll.u32 s6, $0x2;
	v2 =	vmul.f32 $8.000000000e+00, v2  }
0x2e9: {  	s6 =	sand.u32 $0xFFFFFE00, s6;
	s16 =	sshll.u32 s18, $0x2  }
0x2ea: {  	s6 =	sor.u32 s16, s6;
	v2 =	vadd.f32 v3, v2  }
0x2eb: {  	s6 =	sshra.s32 s6, $0x2  }
0x2ec: {  	s6 =	sadd.s32 s23, s6;
	[tilespmem:s23+$0x10BA0] =	vst v2  }
0x2ed: {  	v2 =	vld [tilespmem:s6+$0x8B80];
	_ =	sdelay $0x1  }
0x2ee: {  	v3 =	vld [tilespmem:s4+$0x30];
	_ =	sdelay $0x1  }
0x2ef: {  	s4 =	smulhi.u32 $0x51EB851F, s5;
	s6 =	spop (v2sf)  }
0x2f0: {  	s16 =	sand.u32 $0x7F, s6;
	s18 =	sshll.u32 s6, $0x2;
	v2 =	vmul.f32 $8.000000000e+00, v2  }
0x2f1: {  	s4 =	sshrl.u32 s4, $0x6;
	s18 =	sand.u32 $0xFFFFFE00, s18;
	s16 =	sshll.u32 s16, $0x2  }
0x2f2: {  	s4 =	smul.u32 $0xFFFE7000, s4;
	s16 =	sor.u32 s16, s18;
	v2 =	vadd.f32 v3, v2  }
0x2f3: {  	s16 =	sshra.s32 s16, $0x2  }
0x2f4: {  	s4 =	sshra.s32 s4, $0x2;
	s16 =	sadd.s32 s23, s16;
	[tilespmem:s23+$0x10BB0] =	vst v2  }
0x2f5: {  	s4 =	sadd.s32 s30, s4;
	v2 =	vld [tilespmem:s16+$0x8C00]  }
0x2f6: {  	s4 =	sadd.s32 s23, s4  }
0x2f7: {  	v3 =	vld [tilespmem:s4+$0x18C00];
	_ =	sdelay $0x1  }
0x2f8: {  	s16 =	sadd.s32 $0x10, s6  }
0x2f9: {  	s18 =	sand.u32 $0x7F, s16;
	s16 =	sshll.u32 s16, $0x2;
	v2 =	vmul.f32 $8.000000000e+00, v2  }
0x2fa: {  	s16 =	sand.u32 $0xFFFFFE00, s16;
	s18 =	sshll.u32 s18, $0x2  }
0x2fb: {  	s16 =	sor.u32 s18, s16;
	v2 =	vadd.f32 v3, v2  }
0x2fc: {  	s16 =	sshra.s32 s16, $0x2  }
0x2fd: {  	s16 =	sadd.s32 s23, s16;
	[tilespmem:s23+$0x10C00] =	vst v2  }
0x2fe: {  	v2 =	vld [tilespmem:s16+$0x8C00]  }
0x2ff: {  	s4 =	sadd.s32 $0x18C00, s4  }
0x300: {  	v3 =	vld [tilespmem:s4+$0x10];
	_ =	sdelay $0x1  }
0x301: {  	s16 =	sadd.s32 $0x20, s6  }
0x302: {  	s18 =	sand.u32 $0x7F, s16;
	s16 =	sshll.u32 s16, $0x2;
	v2 =	vmul.f32 $8.000000000e+00, v2  }
0x303: {  	s16 =	sand.u32 $0xFFFFFE00, s16;
	s18 =	sshll.u32 s18, $0x2  }
0x304: {  	s16 =	sor.u32 s18, s16;
	v2 =	vadd.f32 v3, v2  }
0x305: {  	s16 =	sshra.s32 s16, $0x2  }
0x306: {  	(v2sf) =	vpush v1, $0x3;
	s16 =	sadd.s32 s23, s16;
	[tilespmem:s23+$0x10C10] =	vst v2  }
0x307: {  	v2 =	vld [tilespmem:s16+$0x8C00];
	_ =	sdelay $0x1  }
0x308: {  	v3 =	vld [tilespmem:s4+$0x20];
	_ =	sdelay $0x1  }
0x309: {  	s6 =	sadd.s32 $0x30, s6  }
0x30a: {  	s18 =	sand.u32 $0x7F, s6;
	s6 =	sshll.u32 s6, $0x2;
	v2 =	vmul.f32 $8.000000000e+00, v2  }
0x30b: {  	s6 =	sand.u32 $0xFFFFFE00, s6;
	s16 =	sshll.u32 s18, $0x2  }
0x30c: {  	s6 =	sor.u32 s16, s6;
	v2 =	vadd.f32 v3, v2  }
0x30d: {  	s6 =	sshra.s32 s6, $0x2  }
0x30e: {  	s6 =	sadd.s32 s23, s6;
	[tilespmem:s23+$0x10C20] =	vst v2  }
0x30f: {  	v2 =	vld [tilespmem:s6+$0x8C00];
	_ =	sdelay $0x1  }
0x310: {  	v3 =	vld [tilespmem:s4+$0x30];
	_ =	sdelay $0x1  }
0x311: {  	s4 =	smulhi.u32 $0x51EB851F, s7;
	s6 =	spop (v2sf)  }
0x312: {  	s16 =	sand.u32 $0x7F, s6;
	s18 =	sshll.u32 s6, $0x2;
	v2 =	vmul.f32 $8.000000000e+00, v2  }
0x313: {  	s4 =	sshrl.u32 s4, $0x6;
	s18 =	sand.u32 $0xFFFFFE00, s18;
	s16 =	sshll.u32 s16, $0x2  }
0x314: {  	s4 =	smul.u32 $0xFFFE7000, s4;
	s16 =	sor.u32 s16, s18;
	v2 =	vadd.f32 v3, v2  }
0x315: {  	s16 =	sshra.s32 s16, $0x2  }
0x316: {  	s4 =	sshra.s32 s4, $0x2;
	s16 =	sadd.s32 s23, s16;
	[tilespmem:s23+$0x10C30] =	vst v2  }
0x317: {  	s4 =	sadd.s32 s30, s4;
	v2 =	vld [tilespmem:s16+$0x8C80]  }
0x318: {  	s4 =	sadd.s32 s23, s4  }
0x319: {  	v3 =	vld [tilespmem:s4+$0x18C80];
	_ =	sdelay $0x1  }
0x31a: {  	s16 =	sadd.s32 $0x10, s6  }
0x31b: {  	s18 =	sand.u32 $0x7F, s16;
	s16 =	sshll.u32 s16, $0x2;
	v2 =	vmul.f32 $8.000000000e+00, v2  }
0x31c: {  	s16 =	sand.u32 $0xFFFFFE00, s16;
	s18 =	sshll.u32 s18, $0x2  }
0x31d: {  	s16 =	sor.u32 s18, s16;
	v2 =	vadd.f32 v3, v2  }
0x31e: {  	s16 =	sshra.s32 s16, $0x2  }
0x31f: {  	s16 =	sadd.s32 s23, s16;
	[tilespmem:s23+$0x10C80] =	vst v2  }
0x320: {  	v2 =	vld [tilespmem:s16+$0x8C80]  }
0x321: {  	s4 =	sadd.s32 $0x18C80, s4  }
0x322: {  	v3 =	vld [tilespmem:s4+$0x10];
	_ =	sdelay $0x1  }
0x323: {  	s16 =	sadd.s32 $0x20, s6  }
0x324: {  	s18 =	sand.u32 $0x7F, s16;
	s16 =	sshll.u32 s16, $0x2;
	v2 =	vmul.f32 $8.000000000e+00, v2  }
0x325: {  	s16 =	sand.u32 $0xFFFFFE00, s16;
	s18 =	sshll.u32 s18, $0x2  }
0x326: {  	s16 =	sor.u32 s18, s16;
	v2 =	vadd.f32 v3, v2  }
0x327: {  	s16 =	sshra.s32 s16, $0x2  }
0x328: {  	(v2sf) =	vpush v1, $0x4;
	s16 =	sadd.s32 s23, s16;
	[tilespmem:s23+$0x10C90] =	vst v2  }
0x329: {  	v2 =	vld [tilespmem:s16+$0x8C80];
	_ =	sdelay $0x1  }
0x32a: {  	v3 =	vld [tilespmem:s4+$0x20];
	_ =	sdelay $0x1  }
0x32b: {  	s6 =	sadd.s32 $0x30, s6  }
0x32c: {  	s18 =	sand.u32 $0x7F, s6;
	s6 =	sshll.u32 s6, $0x2;
	v2 =	vmul.f32 $8.000000000e+00, v2  }
0x32d: {  	s6 =	sand.u32 $0xFFFFFE00, s6;
	s16 =	sshll.u32 s18, $0x2  }
0x32e: {  	s6 =	sor.u32 s16, s6;
	v2 =	vadd.f32 v3, v2  }
0x32f: {  	s6 =	sshra.s32 s6, $0x2  }
0x330: {  	s6 =	sadd.s32 s23, s6;
	[tilespmem:s23+$0x10CA0] =	vst v2  }
0x331: {  	v2 =	vld [tilespmem:s6+$0x8C80];
	_ =	sdelay $0x1  }
0x332: {  	v3 =	vld [tilespmem:s4+$0x30];
	_ =	sdelay $0x1  }
0x333: {  	s4 =	smulhi.u32 $0x51EB851F, s8;
	s6 =	spop (v2sf)  }
0x334: {  	s16 =	sand.u32 $0x7F, s6;
	s18 =	sshll.u32 s6, $0x2;
	v2 =	vmul.f32 $8.000000000e+00, v2  }
0x335: {  	s4 =	sshrl.u32 s4, $0x6;
	s18 =	sand.u32 $0xFFFFFE00, s18;
	s16 =	sshll.u32 s16, $0x2  }
0x336: {  	s4 =	smul.u32 $0xFFFE7000, s4;
	s16 =	sor.u32 s16, s18;
	v2 =	vadd.f32 v3, v2  }
0x337: {  	s16 =	sshra.s32 s16, $0x2  }
0x338: {  	s4 =	sshra.s32 s4, $0x2;
	s16 =	sadd.s32 s23, s16;
	[tilespmem:s23+$0x10CB0] =	vst v2  }
0x339: {  	s4 =	sadd.s32 s30, s4;
	v2 =	vld [tilespmem:s16+$0x8D00]  }
0x33a: {  	s4 =	sadd.s32 s23, s4  }
0x33b: {  	v3 =	vld [tilespmem:s4+$0x18D00];
	_ =	sdelay $0x1  }
0x33c: {  	s16 =	sadd.s32 $0x10, s6  }
0x33d: {  	s18 =	sand.u32 $0x7F, s16;
	s16 =	sshll.u32 s16, $0x2;
	v2 =	vmul.f32 $8.000000000e+00, v2  }
0x33e: {  	s16 =	sand.u32 $0xFFFFFE00, s16;
	s18 =	sshll.u32 s18, $0x2  }
0x33f: {  	s16 =	sor.u32 s18, s16;
	v2 =	vadd.f32 v3, v2  }
0x340: {  	s16 =	sshra.s32 s16, $0x2  }
0x341: {  	s16 =	sadd.s32 s23, s16;
	[tilespmem:s23+$0x10D00] =	vst v2  }
0x342: {  	v2 =	vld [tilespmem:s16+$0x8D00]  }
0x343: {  	s4 =	sadd.s32 $0x18D00, s4  }
0x344: {  	v3 =	vld [tilespmem:s4+$0x10];
	_ =	sdelay $0x1  }
0x345: {  	s16 =	sadd.s32 $0x20, s6  }
0x346: {  	s18 =	sand.u32 $0x7F, s16;
	s16 =	sshll.u32 s16, $0x2;
	v2 =	vmul.f32 $8.000000000e+00, v2  }
0x347: {  	s16 =	sand.u32 $0xFFFFFE00, s16;
	s18 =	sshll.u32 s18, $0x2  }
0x348: {  	s16 =	sor.u32 s18, s16;
	v2 =	vadd.f32 v3, v2  }
0x349: {  	s16 =	sshra.s32 s16, $0x2  }
0x34a: {  	(v2sf) =	vpush v1, $0x5;
	s16 =	sadd.s32 s23, s16;
	[tilespmem:s23+$0x10D10] =	vst v2  }
0x34b: {  	v2 =	vld [tilespmem:s16+$0x8D00];
	_ =	sdelay $0x1  }
0x34c: {  	v3 =	vld [tilespmem:s4+$0x20];
	_ =	sdelay $0x1  }
0x34d: {  	s6 =	sadd.s32 $0x30, s6  }
0x34e: {  	s18 =	sand.u32 $0x7F, s6;
	s6 =	sshll.u32 s6, $0x2;
	v2 =	vmul.f32 $8.000000000e+00, v2  }
0x34f: {  	s6 =	sand.u32 $0xFFFFFE00, s6;
	s16 =	sshll.u32 s18, $0x2  }
0x350: {  	s6 =	sor.u32 s16, s6;
	v2 =	vadd.f32 v3, v2  }
0x351: {  	s6 =	sshra.s32 s6, $0x2  }
0x352: {  	s6 =	sadd.s32 s23, s6;
	[tilespmem:s23+$0x10D20] =	vst v2  }
0x353: {  	v2 =	vld [tilespmem:s6+$0x8D00];
	_ =	sdelay $0x1  }
0x354: {  	v3 =	vld [tilespmem:s4+$0x30];
	_ =	sdelay $0x1  }
0x355: {  	s4 =	smulhi.u32 $0x51EB851F, s9;
	s6 =	spop (v2sf)  }
0x356: {  	s16 =	sand.u32 $0x7F, s6;
	s18 =	sshll.u32 s6, $0x2;
	v2 =	vmul.f32 $8.000000000e+00, v2  }
0x357: {  	s4 =	sshrl.u32 s4, $0x6;
	s18 =	sand.u32 $0xFFFFFE00, s18;
	s16 =	sshll.u32 s16, $0x2  }
0x358: {  	s4 =	smul.u32 $0xFFFE7000, s4;
	s16 =	sor.u32 s16, s18;
	v2 =	vadd.f32 v3, v2  }
0x359: {  	s16 =	sshra.s32 s16, $0x2  }
0x35a: {  	s4 =	sshra.s32 s4, $0x2;
	s16 =	sadd.s32 s23, s16;
	[tilespmem:s23+$0x10D30] =	vst v2  }
0x35b: {  	s4 =	sadd.s32 s30, s4;
	v2 =	vld [tilespmem:s16+$0x8D80]  }
0x35c: {  	s4 =	sadd.s32 s23, s4  }
0x35d: {  	v3 =	vld [tilespmem:s4+$0x18D80];
	_ =	sdelay $0x1  }
0x35e: {  	s16 =	sadd.s32 $0x10, s6  }
0x35f: {  	s18 =	sand.u32 $0x7F, s16;
	s16 =	sshll.u32 s16, $0x2;
	v2 =	vmul.f32 $8.000000000e+00, v2  }
0x360: {  	s16 =	sand.u32 $0xFFFFFE00, s16;
	s18 =	sshll.u32 s18, $0x2  }
0x361: {  	s16 =	sor.u32 s18, s16;
	v2 =	vadd.f32 v3, v2  }
0x362: {  	s16 =	sshra.s32 s16, $0x2  }
0x363: {  	s16 =	sadd.s32 s23, s16;
	[tilespmem:s23+$0x10D80] =	vst v2  }
0x364: {  	v2 =	vld [tilespmem:s16+$0x8D80]  }
0x365: {  	s4 =	sadd.s32 $0x18D80, s4  }
0x366: {  	v3 =	vld [tilespmem:s4+$0x10];
	_ =	sdelay $0x1  }
0x367: {  	s16 =	sadd.s32 $0x20, s6  }
0x368: {  	s18 =	sand.u32 $0x7F, s16;
	s16 =	sshll.u32 s16, $0x2;
	v2 =	vmul.f32 $8.000000000e+00, v2  }
0x369: {  	s16 =	sand.u32 $0xFFFFFE00, s16;
	s18 =	sshll.u32 s18, $0x2  }
0x36a: {  	s16 =	sor.u32 s18, s16;
	v2 =	vadd.f32 v3, v2  }
0x36b: {  	s16 =	sshra.s32 s16, $0x2  }
0x36c: {  	(v2sf) =	vpush v1, $0x6;
	s16 =	sadd.s32 s23, s16;
	[tilespmem:s23+$0x10D90] =	vst v2  }
0x36d: {  	v2 =	vld [tilespmem:s16+$0x8D80];
	_ =	sdelay $0x1  }
0x36e: {  	v3 =	vld [tilespmem:s4+$0x20];
	_ =	sdelay $0x1  }
0x36f: {  	s6 =	sadd.s32 $0x30, s6  }
0x370: {  	s18 =	sand.u32 $0x7F, s6;
	s6 =	sshll.u32 s6, $0x2;
	v2 =	vmul.f32 $8.000000000e+00, v2  }
0x371: {  	s6 =	sand.u32 $0xFFFFFE00, s6;
	s16 =	sshll.u32 s18, $0x2  }
0x372: {  	s6 =	sor.u32 s16, s6;
	v2 =	vadd.f32 v3, v2  }
0x373: {  	s6 =	sshra.s32 s6, $0x2  }
0x374: {  	s6 =	sadd.s32 s23, s6;
	[tilespmem:s23+$0x10DA0] =	vst v2  }
0x375: {  	v2 =	vld [tilespmem:s6+$0x8D80];
	_ =	sdelay $0x1  }
0x376: {  	v3 =	vld [tilespmem:s4+$0x30];
	_ =	sdelay $0x1  }
0x377: {  	s4 =	smulhi.u32 $0x51EB851F, s10;
	s6 =	spop (v2sf)  }
0x378: {  	s16 =	sand.u32 $0x7F, s6;
	s18 =	sshll.u32 s6, $0x2;
	v2 =	vmul.f32 $8.000000000e+00, v2  }
0x379: {  	s4 =	sshrl.u32 s4, $0x6;
	s18 =	sand.u32 $0xFFFFFE00, s18;
	s16 =	sshll.u32 s16, $0x2  }
0x37a: {  	s4 =	smul.u32 $0xFFFE7000, s4;
	s16 =	sor.u32 s16, s18;
	v2 =	vadd.f32 v3, v2  }
0x37b: {  	s16 =	sshra.s32 s16, $0x2  }
0x37c: {  	s4 =	sshra.s32 s4, $0x2;
	s16 =	sadd.s32 s23, s16;
	[tilespmem:s23+$0x10DB0] =	vst v2  }
0x37d: {  	s4 =	sadd.s32 s30, s4;
	v2 =	vld [tilespmem:s16+$0x8E00]  }
0x37e: {  	s4 =	sadd.s32 s23, s4  }
0x37f: {  	v3 =	vld [tilespmem:s4+$0x18E00];
	_ =	sdelay $0x1  }
0x380: {  	s16 =	sadd.s32 $0x10, s6  }
0x381: {  	s18 =	sand.u32 $0x7F, s16;
	s16 =	sshll.u32 s16, $0x2;
	v2 =	vmul.f32 $8.000000000e+00, v2  }
0x382: {  	s16 =	sand.u32 $0xFFFFFE00, s16;
	s18 =	sshll.u32 s18, $0x2  }
0x383: {  	s16 =	sor.u32 s18, s16;
	v2 =	vadd.f32 v3, v2  }
0x384: {  	s16 =	sshra.s32 s16, $0x2  }
0x385: {  	s16 =	sadd.s32 s23, s16;
	[tilespmem:s23+$0x10E00] =	vst v2  }
0x386: {  	v2 =	vld [tilespmem:s16+$0x8E00]  }
0x387: {  	s4 =	sadd.s32 $0x18E00, s4  }
0x388: {  	v3 =	vld [tilespmem:s4+$0x10];
	_ =	sdelay $0x1  }
0x389: {  	s16 =	sadd.s32 $0x20, s6  }
0x38a: {  	s18 =	sand.u32 $0x7F, s16;
	s16 =	sshll.u32 s16, $0x2;
	v2 =	vmul.f32 $8.000000000e+00, v2  }
0x38b: {  	s16 =	sand.u32 $0xFFFFFE00, s16;
	s18 =	sshll.u32 s18, $0x2  }
0x38c: {  	s16 =	sor.u32 s18, s16;
	v2 =	vadd.f32 v3, v2  }
0x38d: {  	s16 =	sshra.s32 s16, $0x2  }
0x38e: {  	(v2sf) =	vpush v1, $0x7;
	s16 =	sadd.s32 s23, s16;
	[tilespmem:s23+$0x10E10] =	vst v2  }
0x38f: {  	v2 =	vld [tilespmem:s16+$0x8E00];
	_ =	sdelay $0x1  }
0x390: {  	v3 =	vld [tilespmem:s4+$0x20];
	_ =	sdelay $0x1  }
0x391: {  	s6 =	sadd.s32 $0x30, s6  }
0x392: {  	s18 =	sand.u32 $0x7F, s6;
	s6 =	sshll.u32 s6, $0x2;
	v2 =	vmul.f32 $8.000000000e+00, v2  }
0x393: {  	s6 =	sand.u32 $0xFFFFFE00, s6;
	s16 =	sshll.u32 s18, $0x2  }
0x394: {  	s6 =	sor.u32 s16, s6;
	v2 =	vadd.f32 v3, v2  }
0x395: {  	s6 =	sshra.s32 s6, $0x2  }
0x396: {  	s6 =	sadd.s32 s23, s6;
	[tilespmem:s23+$0x10E20] =	vst v2  }
0x397: {  	v2 =	vld [tilespmem:s6+$0x8E00];
	_ =	sdelay $0x1  }
0x398: {  	v3 =	vld [tilespmem:s4+$0x30];
	_ =	sdelay $0x1  }
0x399: {  	s4 =	smulhi.u32 $0x51EB851F, s11;
	s6 =	spop (v2sf)  }
0x39a: {  	s16 =	sand.u32 $0x7F, s6;
	s18 =	sshll.u32 s6, $0x2;
	v2 =	vmul.f32 $8.000000000e+00, v2  }
0x39b: {  	s4 =	sshrl.u32 s4, $0x6;
	s18 =	sand.u32 $0xFFFFFE00, s18;
	s16 =	sshll.u32 s16, $0x2  }
0x39c: {  	s4 =	smul.u32 $0xFFFE7000, s4;
	s16 =	sor.u32 s16, s18;
	v2 =	vadd.f32 v3, v2  }
0x39d: {  	s16 =	sshra.s32 s16, $0x2  }
0x39e: {  	s4 =	sshra.s32 s4, $0x2;
	s16 =	sadd.s32 s23, s16;
	[tilespmem:s23+$0x10E30] =	vst v2  }
0x39f: {  	s4 =	sadd.s32 s30, s4;
	v2 =	vld [tilespmem:s16+$0x8E80]  }
0x3a0: {  	s4 =	sadd.s32 s23, s4  }
0x3a1: {  	v3 =	vld [tilespmem:s4+$0x18E80];
	_ =	sdelay $0x1  }
0x3a2: {  	s16 =	sadd.s32 $0x10, s6  }
0x3a3: {  	s18 =	sand.u32 $0x7F, s16;
	s16 =	sshll.u32 s16, $0x2;
	v2 =	vmul.f32 $8.000000000e+00, v2  }
0x3a4: {  	s16 =	sand.u32 $0xFFFFFE00, s16;
	s18 =	sshll.u32 s18, $0x2  }
0x3a5: {  	s16 =	sor.u32 s18, s16;
	v2 =	vadd.f32 v3, v2  }
0x3a6: {  	s16 =	sshra.s32 s16, $0x2  }
0x3a7: {  	s16 =	sadd.s32 s23, s16;
	[tilespmem:s23+$0x10E80] =	vst v2  }
0x3a8: {  	v2 =	vld [tilespmem:s16+$0x8E80]  }
0x3a9: {  	s4 =	sadd.s32 $0x18E80, s4  }
0x3aa: {  	v3 =	vld [tilespmem:s4+$0x10];
	_ =	sdelay $0x1  }
0x3ab: {  	s16 =	sadd.s32 $0x20, s6  }
0x3ac: {  	s18 =	sand.u32 $0x7F, s16;
	s16 =	sshll.u32 s16, $0x2;
	v2 =	vmul.f32 $8.000000000e+00, v2  }
0x3ad: {  	s16 =	sand.u32 $0xFFFFFE00, s16;
	s18 =	sshll.u32 s18, $0x2  }
0x3ae: {  	s16 =	sor.u32 s18, s16;
	v2 =	vadd.f32 v3, v2  }
0x3af: {  	s16 =	sshra.s32 s16, $0x2  }
0x3b0: {  	(v2sf) =	vpush v1, $0x8;
	s16 =	sadd.s32 s23, s16;
	[tilespmem:s23+$0x10E90] =	vst v2  }
0x3b1: {  	v2 =	vld [tilespmem:s16+$0x8E80];
	_ =	sdelay $0x1  }
0x3b2: {  	v3 =	vld [tilespmem:s4+$0x20];
	_ =	sdelay $0x1  }
0x3b3: {  	s6 =	sadd.s32 $0x30, s6  }
0x3b4: {  	s18 =	sand.u32 $0x7F, s6;
	s6 =	sshll.u32 s6, $0x2;
	v2 =	vmul.f32 $8.000000000e+00, v2  }
0x3b5: {  	s6 =	sand.u32 $0xFFFFFE00, s6;
	s16 =	sshll.u32 s18, $0x2  }
0x3b6: {  	s6 =	sor.u32 s16, s6;
	v2 =	vadd.f32 v3, v2  }
0x3b7: {  	s6 =	sshra.s32 s6, $0x2  }
0x3b8: {  	s6 =	sadd.s32 s23, s6;
	[tilespmem:s23+$0x10EA0] =	vst v2  }
0x3b9: {  	v2 =	vld [tilespmem:s6+$0x8E80];
	_ =	sdelay $0x1  }
0x3ba: {  	v3 =	vld [tilespmem:s4+$0x30];
	_ =	sdelay $0x1  }
0x3bb: {  	s4 =	smulhi.u32 $0x51EB851F, s12;
	s6 =	spop (v2sf)  }
0x3bc: {  	s16 =	sand.u32 $0x7F, s6;
	s18 =	sshll.u32 s6, $0x2;
	v2 =	vmul.f32 $8.000000000e+00, v2  }
0x3bd: {  	s4 =	sshrl.u32 s4, $0x6;
	s18 =	sand.u32 $0xFFFFFE00, s18;
	s16 =	sshll.u32 s16, $0x2  }
0x3be: {  	s4 =	smul.u32 $0xFFFE7000, s4;
	s16 =	sor.u32 s16, s18;
	v2 =	vadd.f32 v3, v2  }
0x3bf: {  	s16 =	sshra.s32 s16, $0x2  }
0x3c0: {  	s4 =	sshra.s32 s4, $0x2;
	s16 =	sadd.s32 s23, s16;
	[tilespmem:s23+$0x10EB0] =	vst v2  }
0x3c1: {  	s4 =	sadd.s32 s30, s4;
	v2 =	vld [tilespmem:s16+$0x8F00]  }
0x3c2: {  	s4 =	sadd.s32 s23, s4  }
0x3c3: {  	v3 =	vld [tilespmem:s4+$0x18F00];
	_ =	sdelay $0x1  }
0x3c4: {  	s16 =	sadd.s32 $0x10, s6  }
0x3c5: {  	s18 =	sand.u32 $0x7F, s16;
	s16 =	sshll.u32 s16, $0x2;
	v2 =	vmul.f32 $8.000000000e+00, v2  }
0x3c6: {  	s16 =	sand.u32 $0xFFFFFE00, s16;
	s18 =	sshll.u32 s18, $0x2  }
0x3c7: {  	s16 =	sor.u32 s18, s16;
	v2 =	vadd.f32 v3, v2  }
0x3c8: {  	s16 =	sshra.s32 s16, $0x2  }
0x3c9: {  	s16 =	sadd.s32 s23, s16;
	[tilespmem:s23+$0x10F00] =	vst v2  }
0x3ca: {  	v2 =	vld [tilespmem:s16+$0x8F00]  }
0x3cb: {  	s4 =	sadd.s32 $0x18F00, s4  }
0x3cc: {  	v3 =	vld [tilespmem:s4+$0x10];
	_ =	sdelay $0x1  }
0x3cd: {  	s16 =	sadd.s32 $0x20, s6  }
0x3ce: {  	s18 =	sand.u32 $0x7F, s16;
	s16 =	sshll.u32 s16, $0x2;
	v2 =	vmul.f32 $8.000000000e+00, v2  }
0x3cf: {  	s16 =	sand.u32 $0xFFFFFE00, s16;
	s18 =	sshll.u32 s18, $0x2  }
0x3d0: {  	s16 =	sor.u32 s18, s16;
	v2 =	vadd.f32 v3, v2  }
0x3d1: {  	s16 =	sshra.s32 s16, $0x2  }
0x3d2: {  	(v2sf) =	vpush v1, $0x9;
	s16 =	sadd.s32 s23, s16;
	[tilespmem:s23+$0x10F10] =	vst v2  }
0x3d3: {  	v2 =	vld [tilespmem:s16+$0x8F00];
	_ =	sdelay $0x1  }
0x3d4: {  	v3 =	vld [tilespmem:s4+$0x20];
	_ =	sdelay $0x1  }
0x3d5: {  	s6 =	sadd.s32 $0x30, s6  }
0x3d6: {  	s18 =	sand.u32 $0x7F, s6;
	s6 =	sshll.u32 s6, $0x2;
	v2 =	vmul.f32 $8.000000000e+00, v2  }
0x3d7: {  	s6 =	sand.u32 $0xFFFFFE00, s6;
	s16 =	sshll.u32 s18, $0x2  }
0x3d8: {  	s6 =	sor.u32 s16, s6;
	v2 =	vadd.f32 v3, v2  }
0x3d9: {  	s6 =	sshra.s32 s6, $0x2  }
0x3da: {  	s6 =	sadd.s32 s23, s6;
	[tilespmem:s23+$0x10F20] =	vst v2  }
0x3db: {  	v2 =	vld [tilespmem:s6+$0x8F00];
	_ =	sdelay $0x1  }
0x3dc: {  	v3 =	vld [tilespmem:s4+$0x30];
	_ =	sdelay $0x1  }
0x3dd: {  	s4 =	smulhi.u32 $0x51EB851F, s13;
	s6 =	spop (v2sf)  }
0x3de: {  	s16 =	sand.u32 $0x7F, s6;
	s18 =	sshll.u32 s6, $0x2;
	v2 =	vmul.f32 $8.000000000e+00, v2  }
0x3df: {  	s4 =	sshrl.u32 s4, $0x6;
	s18 =	sand.u32 $0xFFFFFE00, s18;
	s16 =	sshll.u32 s16, $0x2  }
0x3e0: {  	s4 =	smul.u32 $0xFFFE7000, s4;
	s16 =	sor.u32 s16, s18;
	v2 =	vadd.f32 v3, v2  }
0x3e1: {  	s16 =	sshra.s32 s16, $0x2  }
0x3e2: {  	s4 =	sshra.s32 s4, $0x2;
	s16 =	sadd.s32 s23, s16;
	[tilespmem:s23+$0x10F30] =	vst v2  }
0x3e3: {  	s4 =	sadd.s32 s30, s4;
	v2 =	vld [tilespmem:s16+$0x8F80]  }
0x3e4: {  	s4 =	sadd.s32 s23, s4  }
0x3e5: {  	v3 =	vld [tilespmem:s4+$0x18F80];
	_ =	sdelay $0x1  }
0x3e6: {  	s16 =	sadd.s32 $0x10, s6  }
0x3e7: {  	s18 =	sand.u32 $0x7F, s16;
	s16 =	sshll.u32 s16, $0x2;
	v2 =	vmul.f32 $8.000000000e+00, v2  }
0x3e8: {  	s16 =	sand.u32 $0xFFFFFE00, s16;
	s18 =	sshll.u32 s18, $0x2  }
0x3e9: {  	s16 =	sor.u32 s18, s16;
	v2 =	vadd.f32 v3, v2  }
0x3ea: {  	s16 =	sshra.s32 s16, $0x2  }
0x3eb: {  	s16 =	sadd.s32 s23, s16;
	[tilespmem:s23+$0x10F80] =	vst v2  }
0x3ec: {  	v2 =	vld [tilespmem:s16+$0x8F80]  }
0x3ed: {  	s4 =	sadd.s32 $0x18F80, s4  }
0x3ee: {  	v3 =	vld [tilespmem:s4+$0x10];
	_ =	sdelay $0x1  }
0x3ef: {  	s16 =	sadd.s32 $0x20, s6  }
0x3f0: {  	s18 =	sand.u32 $0x7F, s16;
	s16 =	sshll.u32 s16, $0x2;
	v2 =	vmul.f32 $8.000000000e+00, v2  }
0x3f1: {  	s16 =	sand.u32 $0xFFFFFE00, s16;
	s18 =	sshll.u32 s18, $0x2  }
0x3f2: {  	s16 =	sor.u32 s18, s16;
	v2 =	vadd.f32 v3, v2  }
0x3f3: {  	s16 =	sshra.s32 s16, $0x2  }
0x3f4: {  	(v2sf) =	vpush v1, $0xA;
	s16 =	sadd.s32 s23, s16;
	[tilespmem:s23+$0x10F90] =	vst v2  }
0x3f5: {  	v2 =	vld [tilespmem:s16+$0x8F80];
	_ =	sdelay $0x1  }
0x3f6: {  	v3 =	vld [tilespmem:s4+$0x20];
	_ =	sdelay $0x1  }
0x3f7: {  	s6 =	sadd.s32 $0x30, s6  }
0x3f8: {  	s18 =	sand.u32 $0x7F, s6;
	s6 =	sshll.u32 s6, $0x2;
	v2 =	vmul.f32 $8.000000000e+00, v2  }
0x3f9: {  	s6 =	sand.u32 $0xFFFFFE00, s6;
	s16 =	sshll.u32 s18, $0x2  }
0x3fa: {  	s6 =	sor.u32 s16, s6;
	v2 =	vadd.f32 v3, v2  }
0x3fb: {  	s6 =	sshra.s32 s6, $0x2  }
0x3fc: {  	s6 =	sadd.s32 s23, s6;
	[tilespmem:s23+$0x10FA0] =	vst v2  }
0x3fd: {  	v2 =	vld [tilespmem:s6+$0x8F80];
	_ =	sdelay $0x1  }
0x3fe: {  	v3 =	vld [tilespmem:s4+$0x30];
	_ =	sdelay $0x1  }
0x3ff: {  	s4 =	smulhi.u32 $0x51EB851F, s14;
	s6 =	spop (v2sf)  }
0x400: {  	s16 =	sand.u32 $0x7F, s6;
	s18 =	sshll.u32 s6, $0x2;
	v2 =	vmul.f32 $8.000000000e+00, v2  }
0x401: {  	s4 =	sshrl.u32 s4, $0x6;
	s18 =	sand.u32 $0xFFFFFE00, s18;
	s16 =	sshll.u32 s16, $0x2  }
0x402: {  	s4 =	smul.u32 $0xFFFE7000, s4;
	s16 =	sor.u32 s16, s18;
	v2 =	vadd.f32 v3, v2  }
0x403: {  	s16 =	sshra.s32 s16, $0x2  }
0x404: {  	s4 =	sshra.s32 s4, $0x2;
	s16 =	sadd.s32 s23, s16;
	[tilespmem:s23+$0x10FB0] =	vst v2  }
0x405: {  	s4 =	sadd.s32 s30, s4;
	v2 =	vld [tilespmem:s16+$0x9000]  }
0x406: {  	s4 =	sadd.s32 s23, s4  }
0x407: {  	v3 =	vld [tilespmem:s4+$0x19000];
	_ =	sdelay $0x1  }
0x408: {  	s16 =	sadd.s32 $0x10, s6  }
0x409: {  	s18 =	sand.u32 $0x7F, s16;
	s16 =	sshll.u32 s16, $0x2;
	v2 =	vmul.f32 $8.000000000e+00, v2  }
0x40a: {  	s16 =	sand.u32 $0xFFFFFE00, s16;
	s18 =	sshll.u32 s18, $0x2  }
0x40b: {  	s16 =	sor.u32 s18, s16;
	v2 =	vadd.f32 v3, v2  }
0x40c: {  	s16 =	sshra.s32 s16, $0x2  }
0x40d: {  	s16 =	sadd.s32 s23, s16;
	[tilespmem:s23+$0x11000] =	vst v2  }
0x40e: {  	v2 =	vld [tilespmem:s16+$0x9000]  }
0x40f: {  	s4 =	sadd.s32 $0x19000, s4  }
0x410: {  	v3 =	vld [tilespmem:s4+$0x10];
	_ =	sdelay $0x1  }
0x411: {  	s16 =	sadd.s32 $0x20, s6  }
0x412: {  	s18 =	sand.u32 $0x7F, s16;
	s16 =	sshll.u32 s16, $0x2;
	v2 =	vmul.f32 $8.000000000e+00, v2  }
0x413: {  	s16 =	sand.u32 $0xFFFFFE00, s16;
	s18 =	sshll.u32 s18, $0x2  }
0x414: {  	s16 =	sor.u32 s18, s16;
	v2 =	vadd.f32 v3, v2  }
0x415: {  	s16 =	sshra.s32 s16, $0x2  }
0x416: {  	(v2sf) =	vpush v1, $0xB;
	s16 =	sadd.s32 s23, s16;
	[tilespmem:s23+$0x11010] =	vst v2  }
0x417: {  	v2 =	vld [tilespmem:s16+$0x9000];
	_ =	sdelay $0x1  }
0x418: {  	v3 =	vld [tilespmem:s4+$0x20];
	_ =	sdelay $0x1  }
0x419: {  	s6 =	sadd.s32 $0x30, s6  }
0x41a: {  	s18 =	sand.u32 $0x7F, s6;
	s6 =	sshll.u32 s6, $0x2;
	v2 =	vmul.f32 $8.000000000e+00, v2  }
0x41b: {  	s6 =	sand.u32 $0xFFFFFE00, s6;
	s16 =	sshll.u32 s18, $0x2  }
0x41c: {  	s6 =	sor.u32 s16, s6;
	v2 =	vadd.f32 v3, v2  }
0x41d: {  	s6 =	sshra.s32 s6, $0x2  }
0x41e: {  	s6 =	sadd.s32 s23, s6;
	[tilespmem:s23+$0x11020] =	vst v2  }
0x41f: {  	v2 =	vld [tilespmem:s6+$0x9000];
	_ =	sdelay $0x1  }
0x420: {  	v3 =	vld [tilespmem:s4+$0x30];
	_ =	sdelay $0x1  }
0x421: {  	s4 =	smulhi.u32 $0x51EB851F, s15;
	s6 =	spop (v2sf)  }
0x422: {  	s16 =	sand.u32 $0x7F, s6;
	s18 =	sshll.u32 s6, $0x2;
	v2 =	vmul.f32 $8.000000000e+00, v2  }
0x423: {  	s4 =	sshrl.u32 s4, $0x6;
	s18 =	sand.u32 $0xFFFFFE00, s18;
	s16 =	sshll.u32 s16, $0x2  }
0x424: {  	s4 =	smul.u32 $0xFFFE7000, s4;
	s16 =	sor.u32 s16, s18;
	v2 =	vadd.f32 v3, v2  }
0x425: {  	s16 =	sshra.s32 s16, $0x2  }
0x426: {  	s4 =	sshra.s32 s4, $0x2;
	s16 =	sadd.s32 s23, s16;
	[tilespmem:s23+$0x11030] =	vst v2  }
0x427: {  	s4 =	sadd.s32 s30, s4;
	v2 =	vld [tilespmem:s16+$0x9080]  }
0x428: {  	s4 =	sadd.s32 s23, s4  }
0x429: {  	v3 =	vld [tilespmem:s4+$0x19080];
	_ =	sdelay $0x1  }
0x42a: {  	s16 =	sadd.s32 $0x10, s6  }
0x42b: {  	s18 =	sand.u32 $0x7F, s16;
	s16 =	sshll.u32 s16, $0x2;
	v2 =	vmul.f32 $8.000000000e+00, v2  }
0x42c: {  	s16 =	sand.u32 $0xFFFFFE00, s16;
	s18 =	sshll.u32 s18, $0x2  }
0x42d: {  	s16 =	sor.u32 s18, s16;
	v2 =	vadd.f32 v3, v2  }
0x42e: {  	s16 =	sshra.s32 s16, $0x2  }
0x42f: {  	s16 =	sadd.s32 s23, s16;
	[tilespmem:s23+$0x11080] =	vst v2  }
0x430: {  	v2 =	vld [tilespmem:s16+$0x9080]  }
0x431: {  	s4 =	sadd.s32 $0x19080, s4  }
0x432: {  	v3 =	vld [tilespmem:s4+$0x10];
	_ =	sdelay $0x1  }
0x433: {  	s16 =	sadd.s32 $0x20, s6  }
0x434: {  	s18 =	sand.u32 $0x7F, s16;
	s16 =	sshll.u32 s16, $0x2;
	v2 =	vmul.f32 $8.000000000e+00, v2  }
0x435: {  	s16 =	sand.u32 $0xFFFFFE00, s16;
	s18 =	sshll.u32 s18, $0x2  }
0x436: {  	s16 =	sor.u32 s18, s16;
	v2 =	vadd.f32 v3, v2  }
0x437: {  	s16 =	sshra.s32 s16, $0x2  }
0x438: {  	(v2sf) =	vpush v1, $0xC;
	s16 =	sadd.s32 s23, s16;
	[tilespmem:s23+$0x11090] =	vst v2  }
0x439: {  	v2 =	vld [tilespmem:s16+$0x9080];
	_ =	sdelay $0x1  }
0x43a: {  	v3 =	vld [tilespmem:s4+$0x20];
	_ =	sdelay $0x1  }
0x43b: {  	s6 =	sadd.s32 $0x30, s6  }
0x43c: {  	s18 =	sand.u32 $0x7F, s6;
	s6 =	sshll.u32 s6, $0x2;
	v2 =	vmul.f32 $8.000000000e+00, v2  }
0x43d: {  	s6 =	sand.u32 $0xFFFFFE00, s6;
	s16 =	sshll.u32 s18, $0x2  }
0x43e: {  	s6 =	sor.u32 s16, s6;
	v2 =	vadd.f32 v3, v2  }
0x43f: {  	s6 =	sshra.s32 s6, $0x2  }
0x440: {  	s6 =	sadd.s32 s23, s6;
	[tilespmem:s23+$0x110A0] =	vst v2  }
0x441: {  	v2 =	vld [tilespmem:s6+$0x9080];
	_ =	sdelay $0x1  }
0x442: {  	v3 =	vld [tilespmem:s4+$0x30];
	_ =	sdelay $0x1  }
0x443: {  	s4 =	smulhi.u32 $0x51EB851F, s17;
	s6 =	spop (v2sf)  }
0x444: {  	s16 =	sand.u32 $0x7F, s6;
	s18 =	sshll.u32 s6, $0x2;
	v2 =	vmul.f32 $8.000000000e+00, v2  }
0x445: {  	s4 =	sshrl.u32 s4, $0x6;
	s18 =	sand.u32 $0xFFFFFE00, s18;
	s16 =	sshll.u32 s16, $0x2  }
0x446: {  	s4 =	smul.u32 $0xFFFE7000, s4;
	s16 =	sor.u32 s16, s18;
	v2 =	vadd.f32 v3, v2  }
0x447: {  	s16 =	sshra.s32 s16, $0x2  }
0x448: {  	s4 =	sshra.s32 s4, $0x2;
	s16 =	sadd.s32 s23, s16;
	[tilespmem:s23+$0x110B0] =	vst v2  }
0x449: {  	s4 =	sadd.s32 s30, s4;
	v2 =	vld [tilespmem:s16+$0x9100]  }
0x44a: {  	s4 =	sadd.s32 s23, s4  }
0x44b: {  	v3 =	vld [tilespmem:s4+$0x19100];
	_ =	sdelay $0x1  }
0x44c: {  	s16 =	sadd.s32 $0x10, s6  }
0x44d: {  	s18 =	sand.u32 $0x7F, s16;
	s16 =	sshll.u32 s16, $0x2;
	v2 =	vmul.f32 $8.000000000e+00, v2  }
0x44e: {  	s16 =	sand.u32 $0xFFFFFE00, s16;
	s18 =	sshll.u32 s18, $0x2  }
0x44f: {  	s16 =	sor.u32 s18, s16;
	v2 =	vadd.f32 v3, v2  }
0x450: {  	s16 =	sshra.s32 s16, $0x2  }
0x451: {  	s16 =	sadd.s32 s23, s16;
	[tilespmem:s23+$0x11100] =	vst v2  }
0x452: {  	v2 =	vld [tilespmem:s16+$0x9100]  }
0x453: {  	s4 =	sadd.s32 $0x19100, s4  }
0x454: {  	v3 =	vld [tilespmem:s4+$0x10];
	_ =	sdelay $0x1  }
0x455: {  	s16 =	sadd.s32 $0x20, s6  }
0x456: {  	s18 =	sand.u32 $0x7F, s16;
	s16 =	sshll.u32 s16, $0x2;
	v2 =	vmul.f32 $8.000000000e+00, v2  }
0x457: {  	s16 =	sand.u32 $0xFFFFFE00, s16;
	s18 =	sshll.u32 s18, $0x2  }
0x458: {  	s16 =	sor.u32 s18, s16;
	v2 =	vadd.f32 v3, v2  }
0x459: {  	s16 =	sshra.s32 s16, $0x2  }
0x45a: {  	(v2sf) =	vpush v1, $0xD;
	s16 =	sadd.s32 s23, s16;
	[tilespmem:s23+$0x11110] =	vst v2  }
0x45b: {  	v2 =	vld [tilespmem:s16+$0x9100];
	_ =	sdelay $0x1  }
0x45c: {  	v3 =	vld [tilespmem:s4+$0x20];
	_ =	sdelay $0x1  }
0x45d: {  	s6 =	sadd.s32 $0x30, s6  }
0x45e: {  	s18 =	sand.u32 $0x7F, s6;
	s6 =	sshll.u32 s6, $0x2;
	v2 =	vmul.f32 $8.000000000e+00, v2  }
0x45f: {  	s6 =	sand.u32 $0xFFFFFE00, s6;
	s16 =	sshll.u32 s18, $0x2  }
0x460: {  	s6 =	sor.u32 s16, s6;
	v2 =	vadd.f32 v3, v2  }
0x461: {  	s6 =	sshra.s32 s6, $0x2  }
0x462: {  	s6 =	sadd.s32 s23, s6;
	[tilespmem:s23+$0x11120] =	vst v2  }
0x463: {  	v2 =	vld [tilespmem:s6+$0x9100];
	_ =	sdelay $0x1  }
0x464: {  	v3 =	vld [tilespmem:s4+$0x30];
	_ =	sdelay $0x1  }
0x465: {  	s4 =	smulhi.u32 $0x51EB851F, s20;
	s6 =	spop (v2sf)  }
0x466: {  	s16 =	sand.u32 $0x7F, s6;
	s18 =	sshll.u32 s6, $0x2;
	v2 =	vmul.f32 $8.000000000e+00, v2  }
0x467: {  	s4 =	sshrl.u32 s4, $0x6;
	s18 =	sand.u32 $0xFFFFFE00, s18;
	s16 =	sshll.u32 s16, $0x2  }
0x468: {  	s4 =	smul.u32 $0xFFFE7000, s4;
	s16 =	sor.u32 s16, s18;
	v2 =	vadd.f32 v3, v2  }
0x469: {  	s16 =	sshra.s32 s16, $0x2  }
0x46a: {  	s4 =	sshra.s32 s4, $0x2;
	s16 =	sadd.s32 s23, s16;
	[tilespmem:s23+$0x11130] =	vst v2  }
0x46b: {  	s4 =	sadd.s32 s30, s4;
	v2 =	vld [tilespmem:s16+$0x9180]  }
0x46c: {  	s4 =	sadd.s32 s23, s4  }
0x46d: {  	v3 =	vld [tilespmem:s4+$0x19180];
	_ =	sdelay $0x1  }
0x46e: {  	s16 =	sadd.s32 $0x10, s6  }
0x46f: {  	s18 =	sand.u32 $0x7F, s16;
	s16 =	sshll.u32 s16, $0x2;
	v2 =	vmul.f32 $8.000000000e+00, v2  }
0x470: {  	s16 =	sand.u32 $0xFFFFFE00, s16;
	s18 =	sshll.u32 s18, $0x2  }
0x471: {  	s16 =	sor.u32 s18, s16;
	v2 =	vadd.f32 v3, v2  }
0x472: {  	s16 =	sshra.s32 s16, $0x2  }
0x473: {  	s16 =	sadd.s32 s23, s16;
	[tilespmem:s23+$0x11180] =	vst v2  }
0x474: {  	v2 =	vld [tilespmem:s16+$0x9180]  }
0x475: {  	s4 =	sadd.s32 $0x19180, s4  }
0x476: {  	v3 =	vld [tilespmem:s4+$0x10];
	_ =	sdelay $0x1  }
0x477: {  	s16 =	sadd.s32 $0x20, s6  }
0x478: {  	s18 =	sand.u32 $0x7F, s16;
	s16 =	sshll.u32 s16, $0x2;
	v2 =	vmul.f32 $8.000000000e+00, v2  }
0x479: {  	s16 =	sand.u32 $0xFFFFFE00, s16;
	s18 =	sshll.u32 s18, $0x2  }
0x47a: {  	s16 =	sor.u32 s18, s16;
	v2 =	vadd.f32 v3, v2  }
0x47b: {  	s16 =	sshra.s32 s16, $0x2  }
0x47c: {  	(v2sf) =	vpush v1, $0xE;
	s16 =	sadd.s32 s23, s16;
	[tilespmem:s23+$0x11190] =	vst v2  }
0x47d: {  	v2 =	vld [tilespmem:s16+$0x9180];
	_ =	sdelay $0x1  }
0x47e: {  	v3 =	vld [tilespmem:s4+$0x20];
	_ =	sdelay $0x1  }
0x47f: {  	s6 =	sadd.s32 $0x30, s6  }
0x480: {  	s18 =	sand.u32 $0x7F, s6;
	s6 =	sshll.u32 s6, $0x2;
	v2 =	vmul.f32 $8.000000000e+00, v2  }
0x481: {  	s6 =	sand.u32 $0xFFFFFE00, s6;
	s16 =	sshll.u32 s18, $0x2  }
0x482: {  	s6 =	sor.u32 s16, s6;
	v2 =	vadd.f32 v3, v2  }
0x483: {  	s6 =	sshra.s32 s6, $0x2  }
0x484: {  	s6 =	sadd.s32 s23, s6;
	[tilespmem:s23+$0x111A0] =	vst v2  }
0x485: {  	v2 =	vld [tilespmem:s6+$0x9180];
	_ =	sdelay $0x1  }
0x486: {  	v3 =	vld [tilespmem:s4+$0x30];
	_ =	sdelay $0x1  }
0x487: {  	s4 =	smulhi.u32 $0x51EB851F, s21;
	s6 =	spop (v2sf)  }
0x488: {  	s16 =	sand.u32 $0x7F, s6;
	s18 =	sshll.u32 s6, $0x2;
	v2 =	vmul.f32 $8.000000000e+00, v2  }
0x489: {  	s4 =	sshrl.u32 s4, $0x6;
	s18 =	sand.u32 $0xFFFFFE00, s18;
	s16 =	sshll.u32 s16, $0x2  }
0x48a: {  	s4 =	smul.u32 $0xFFFE7000, s4;
	s16 =	sor.u32 s16, s18;
	v2 =	vadd.f32 v3, v2  }
0x48b: {  	s16 =	sshra.s32 s16, $0x2  }
0x48c: {  	s4 =	sshra.s32 s4, $0x2;
	s16 =	sadd.s32 s23, s16;
	[tilespmem:s23+$0x111B0] =	vst v2  }
0x48d: {  	s4 =	sadd.s32 s30, s4;
	v2 =	vld [tilespmem:s16+$0x9200]  }
0x48e: {  	s4 =	sadd.s32 s23, s4  }
0x48f: {  	v3 =	vld [tilespmem:s4+$0x19200];
	_ =	sdelay $0x1  }
0x490: {  	s16 =	sadd.s32 $0x10, s6  }
0x491: {  	s18 =	sand.u32 $0x7F, s16;
	s16 =	sshll.u32 s16, $0x2;
	v2 =	vmul.f32 $8.000000000e+00, v2  }
0x492: {  	s16 =	sand.u32 $0xFFFFFE00, s16;
	s18 =	sshll.u32 s18, $0x2  }
0x493: {  	s16 =	sor.u32 s18, s16;
	v2 =	vadd.f32 v3, v2  }
0x494: {  	s16 =	sshra.s32 s16, $0x2  }
0x495: {  	s16 =	sadd.s32 s23, s16;
	[tilespmem:s23+$0x11200] =	vst v2  }
0x496: {  	v2 =	vld [tilespmem:s16+$0x9200]  }
0x497: {  	s4 =	sadd.s32 $0x19200, s4  }
0x498: {  	v3 =	vld [tilespmem:s4+$0x10];
	_ =	sdelay $0x1  }
0x499: {  	s16 =	sadd.s32 $0x20, s6  }
0x49a: {  	s18 =	sand.u32 $0x7F, s16;
	s16 =	sshll.u32 s16, $0x2;
	v2 =	vmul.f32 $8.000000000e+00, v2  }
0x49b: {  	s16 =	sand.u32 $0xFFFFFE00, s16;
	s18 =	sshll.u32 s18, $0x2  }
0x49c: {  	s16 =	sor.u32 s18, s16;
	v2 =	vadd.f32 v3, v2  }
0x49d: {  	s16 =	sshra.s32 s16, $0x2  }
0x49e: {  	(v2sf) =	vpush v1, $0xF;
	s16 =	sadd.s32 s23, s16;
	[tilespmem:s23+$0x11210] =	vst v2  }
0x49f: {  	v1 =	vld [tilespmem:s16+$0x9200];
	_ =	sdelay $0x1  }
0x4a0: {  	v2 =	vld [tilespmem:s4+$0x20];
	_ =	sdelay $0x1  }
0x4a1: {  	s6 =	sadd.s32 $0x30, s6  }
0x4a2: {  	s18 =	sand.u32 $0x7F, s6;
	s6 =	sshll.u32 s6, $0x2;
	v1 =	vmul.f32 $8.000000000e+00, v1  }
0x4a3: {  	s6 =	sand.u32 $0xFFFFFE00, s6;
	s16 =	sshll.u32 s18, $0x2  }
0x4a4: {  	s6 =	sor.u32 s16, s6;
	v1 =	vadd.f32 v2, v1  }
0x4a5: {  	s6 =	sshra.s32 s6, $0x2  }
0x4a6: {  	s6 =	sadd.s32 s23, s6;
	[tilespmem:s23+$0x11220] =	vst v1  }
0x4a7: {  	v1 =	vld [tilespmem:s6+$0x9200];
	_ =	sdelay $0x1  }
0x4a8: {  	v2 =	vld [tilespmem:s4+$0x30];
	_ =	sdelay $0x1  }
0x4a9: {  	s4 =	smulhi.u32 $0x51EB851F, s22;
	s6 =	spop (v2sf)  }
0x4aa: {  	s16 =	sand.u32 $0x7F, s6;
	s18 =	sshll.u32 s6, $0x2;
	v1 =	vmul.f32 $8.000000000e+00, v1  }
0x4ab: {  	s4 =	sshrl.u32 s4, $0x6;
	s18 =	sand.u32 $0xFFFFFE00, s18;
	s16 =	sshll.u32 s16, $0x2  }
0x4ac: {  	s4 =	smul.u32 $0xFFFE7000, s4;
	s16 =	sor.u32 s16, s18;
	v1 =	vadd.f32 v2, v1  }
0x4ad: {  	s16 =	sshra.s32 s16, $0x2  }
0x4ae: {  	s4 =	sshra.s32 s4, $0x2;
	s16 =	sadd.s32 s23, s16;
	[tilespmem:s23+$0x11230] =	vst v1  }
0x4af: {  	s4 =	sadd.s32 s30, s4;
	v1 =	vld [tilespmem:s16+$0x9280]  }
0x4b0: {  	s4 =	sadd.s32 s23, s4  }
0x4b1: {  	v2 =	vld [tilespmem:s4+$0x19280];
	_ =	sdelay $0x1  }
0x4b2: {  	s16 =	sadd.s32 $0x10, s6  }
0x4b3: {  	s18 =	sand.u32 $0x7F, s16;
	s16 =	sshll.u32 s16, $0x2;
	v1 =	vmul.f32 $8.000000000e+00, v1  }
0x4b4: {  	s16 =	sand.u32 $0xFFFFFE00, s16;
	s18 =	sshll.u32 s18, $0x2  }
0x4b5: {  	s16 =	sor.u32 s18, s16;
	v1 =	vadd.f32 v2, v1  }
0x4b6: {  	s16 =	sshra.s32 s16, $0x2  }
0x4b7: {  	s16 =	sadd.s32 s23, s16;
	[tilespmem:s23+$0x11280] =	vst v1  }
0x4b8: {  	v1 =	vld [tilespmem:s16+$0x9280]  }
0x4b9: {  	s4 =	sadd.s32 $0x19280, s4  }
0x4ba: {  	v2 =	vld [tilespmem:s4+$0x10];
	_ =	sdelay $0x1  }
0x4bb: {  	s16 =	sadd.s32 $0x20, s6  }
0x4bc: {  	s18 =	sand.u32 $0x7F, s16;
	s16 =	sshll.u32 s16, $0x2;
	v1 =	vmul.f32 $8.000000000e+00, v1  }
0x4bd: {  	s16 =	sand.u32 $0xFFFFFE00, s16;
	s18 =	sshll.u32 s18, $0x2  }
0x4be: {  	s16 =	sor.u32 s18, s16;
	v1 =	vadd.f32 v2, v1  }
0x4bf: {  	s16 =	sshra.s32 s16, $0x2  }
0x4c0: {  	s16 =	sadd.s32 s23, s16;
	[tilespmem:s23+$0x11290] =	vst v1  }
0x4c1: {  	v1 =	vld [tilespmem:s16+$0x9280];
	_ =	sdelay $0x1  }
0x4c2: {  	v2 =	vld [tilespmem:s4+$0x20];
	_ =	sdelay $0x1  }
0x4c3: {  	s6 =	sadd.s32 $0x30, s6  }
0x4c4: {  	s18 =	sand.u32 $0x7F, s6;
	s6 =	sshll.u32 s6, $0x2;
	v1 =	vmul.f32 $8.000000000e+00, v1  }
0x4c5: {  	s6 =	sand.u32 $0xFFFFFE00, s6;
	s16 =	sshll.u32 s18, $0x2  }
0x4c6: {  	s6 =	sor.u32 s16, s6;
	v1 =	vadd.f32 v2, v1  }
0x4c7: {  	s6 =	sshra.s32 s6, $0x2  }
0x4c8: {  	s6 =	sadd.s32 s23, s6;
	[tilespmem:s23+$0x112A0] =	vst v1  }
0x4c9: {  	v1 =	vld [tilespmem:s6+$0x9280];
	_ =	sdelay $0x1  }
0x4ca: {  	v2 =	vld [tilespmem:s4+$0x30]  }
0x4cb: {  	p0 =	sne.s32 s0, $0xE000;
	s2 =	sadd.s32 $0x10, s2  }
0x4cc: {  	s1 =	sadd.s32 $0x10, s1;
	s0 =	sadd.s32 $0x2000, s0;
	s3 =	sadd.s32 $0x10, s3  }
.Ltmp5:
0x4cd: {  	s5 =	sadd.s32 $0x10, s5;
	s7 =	sadd.s32 $0x10, s7;
	v1 =	vmul.f32 $8.000000000e+00, v1;
	(pc) =	sbr.rel @p0 .LBB2_11-.Ltmp5, $4  }
0x4ce: {  	s8 =	sadd.s32 $0x10, s8;
	s9 =	sadd.s32 $0x10, s9;
	s10 =	sadd.s32 $0x10, s10  }
0x4cf: {  	s11 =	sadd.s32 $0x10, s11;
	s12 =	sadd.s32 $0x10, s12;
	s13 =	sadd.s32 $0x10, s13;
	v1 =	vadd.f32 v2, v1  }
0x4d0: {  	s14 =	sadd.s32 $0x10, s14;
	s15 =	sadd.s32 $0x10, s15;
	s17 =	sadd.s32 $0x10, s17  }
0x4d1: {  	s20 =	sadd.s32 $0x10, s20;
	s21 =	sadd.s32 $0x10, s21;
	s22 =	sadd.s32 $0x10, s22;
	[tilespmem:s23+$0x112B0] =	vst v1  }
0x4d2: {  	s0 =	rddreg [dreg:$0x5]  }
0x4d3: {  	s1 =	sld [smem:$0x7F1]  }
0x4d4: {  	s4 =	rddreg [dreg:$0xc]  }
0x4d5: {  	s14 =	rddreg [dreg:$0xd]  }
0x4d6: {  	s20 =	rddreg [dreg:$0xe]  }
0x4d7: {  	s17 =	rddreg [dreg:$0xf]  }
0x4d8: {  	s15 =	rddreg [dreg:$0x10]  }
0x4d9: {  	s13 =	rddreg [dreg:$0x11]  }
0x4da: {  	s5 =	rddreg [dreg:$0x12]  }
0x4db: {  	s23 =	rddreg [dreg:$0x13]  }
0x4dc: {  	s6 =	rddreg [dreg:$0x14]  }
0x4dd: {  	s8 =	rddreg [dreg:$0x15]  }
0x4de: {  	s11 =	rddreg [dreg:$0x16]  }
0x4df: {  	s12 =	rddreg [dreg:$0x17]  }
0x4e0: {  	s7 =	rddreg [dreg:$0x18]  }
0x4e1: {  	s9 =	rddreg [dreg:$0x19]  }
0x4e2: {  	s21 =	rddreg [dreg:$0x1a]  }
0x4e3: {  	s10 =	rddreg [dreg:$0x1b]  }
0x4e4: {  	s22 =	rddreg [dreg:$0x1c]  }
0x4e5: {  	s2 =	rddreg [dreg:$0x1f]  }
0x4e6: {  	s3 =	sld [smem:$0x7F2]  }
0x4e7: {  	s16 =	sld [smem:$0x7F3]  }
0x4e8: {  	s18 =	sld [smem:$0x7F4];
	s0 =	sadd.s32 s0, s1  }
0x4e9: {  	s1 =	rddreg [dreg:$0x1e];
	s0 =	sshll.u32 s0, $0x4  }
0x4ea: {  	s30 =	simm.s32 $0x10B00;
	s0 =	sadd.s32 s24, s0;
	s24 =	sld [smem:$0x7F5]  }
0x4eb: {  	[hbm4b:s0+s19] =	stream.linear.scatter [tilespmem:s30], [sflag:$0x4], $0x4000, $0x38;
	[tilespmem:$0x1AF00] =	vst v63  }
0x4ec: {  	s30 =	sld [smem:$0x7F6]  }
0x4ed: {  	s0 =	sadd.s32 $0x100, s1;
	s1 =	sld [smem:$0x7F7]  }
0x4ee: {  	[dreg:$0x1e] =	wrdreg s0  }
0x4ef: {  	s0 =	sadd.s32 $0x100, s2;
	s2 =	sld [smem:$0x7F8]  }
0x4f0: {  	s29 =	sadd.s32 $0x1, s29;
	s28 =	sadd.s32 $0x20000, s28;
	[dreg:$0x1f] =	wrdreg s0  }
0x4f1: {  	s31 =	sadd.s32 $0x100, s31;
	s0 =	sadd.s32 $0x100, s3;
	s3 =	sld [smem:$0x7F9]  }
0x4f2: {  	s25 =	sadd.s32 $0x100, s25;
	s26 =	sadd.s32 $0x100, s26;
	[smem:$0x7F2] =	sst s0  }
0x4f3: {  	s4 =	sadd.s32 $0x100, s4;
	s0 =	sadd.s32 $0x100, s16;
	s16 =	sld [smem:$0x7FA]  }
0x4f4: {  	s14 =	sadd.s32 $0x100, s14;
	s20 =	sadd.s32 $0x100, s20;
	[smem:$0x7F3] =	sst s0  }
0x4f5: {  	s17 =	sadd.s32 $0x100, s17;
	s0 =	sadd.s32 $0x100, s18;
	s18 =	sld [smem:$0x7FB]  }
0x4f6: {  	s15 =	sadd.s32 $0x100, s15;
	s13 =	sadd.s32 $0x100, s13;
	[smem:$0x7F4] =	sst s0  }
0x4f7: {  	s5 =	sadd.s32 $0x100, s5;
	s0 =	sadd.s32 $0x100, s24;
	s24 =	sld [smem:$0x7FC]  }
0x4f8: {  	s23 =	sadd.s32 $0x100, s23;
	s6 =	sadd.s32 $0x100, s6;
	[smem:$0x7F5] =	sst s0  }
0x4f9: {  	s8 =	sadd.s32 $0x100, s8;
	s0 =	sadd.s32 $0x100, s30;
	s30 =	sld [smem:$0x7FD]  }
0x4fa: {  	s11 =	sadd.s32 $0x100, s11;
	[smem:$0x7F6] =	sst s0;
	s0 =	sadd.s32 $0x100, s1  }
0x4fb: {  	s12 =	sadd.s32 $0x100, s12;
	[smem:$0x7F7] =	sst s0;
	s0 =	sadd.s32 $0x100, s2  }
0x4fc: {  	p0 =	sne.s32 s29, $0x19;
	[smem:$0x7F8] =	sst s0;
	s0 =	sadd.s32 $0x100, s3  }
.Ltmp6:
0x4fd: {  	[smem:$0x7F9] =	sst s0;
	s0 =	sadd.s32 $0x100, s16;
	(pc) =	sbr.rel @p0 .LBB2_4-.Ltmp6, $4  }
0x4fe: {  	s7 =	sadd.s32 $0x100, s7;
	[smem:$0x7FA] =	sst s0;
	s0 =	sadd.s32 $0x100, s18  }
0x4ff: {  	s9 =	sadd.s32 $0x100, s9;
	[smem:$0x7FB] =	sst s0;
	s0 =	sadd.s32 $0x100, s24  }
0x500: {  	s21 =	sadd.s32 $0x100, s21;
	[smem:$0x7FC] =	sst s0;
	s0 =	sadd.s32 $0x100, s30  }
0x501: {  	s10 =	sadd.s32 $0x100, s10;
	s22 =	sadd.s32 $0x100, s22;
	[smem:$0x7FD] =	sst s0  }
0x502: {  	s0 =	simm.s32 $0x3  }
0x503: {  	_ =	swait.ge [sflag:s0], $0x4000  }
0x504: {  	[sflag:s0] =	ssyncset.done $0x0  }
0x505: {  	s1 =	simm.s32 $0x4;
	[sflag:s0] =	ssyncadd.s32 $0xFFFFC000  }
0x506: {  	_ =	swait.ge [sflag:s1], $0x4000  }
0x507: {  	s2 =	rddreg [dreg:$0xa]  }
0x508: {  	s31 =	rddreg [dreg:$0x9];
	s2 =	sadd.s32 $0x1, s2  }
0x509: {  	p0 =	sne.s32 s2, s31  }
.Ltmp7:
0x50a: {  	_ = 	snop;
	(pc) =	sbr.rel @p0 .LBB2_1-.Ltmp7, $3  }
0x50b: {  	_ =	sdelay $0x1  }
0x50c: {  	[sflag:s1] =	ssyncset.done $0x0  }
0x50d: {  	[sflag:s1] =	ssyncadd.s32 $0xFFFFC000  }
0x50e: {  	_ =	sfence.sel $0x180000  }
0x50f: {  	[bflag:$0x0] =	sbarrier.arrive $0xFFFF  }
0x510: {  	_ =	strace $0x90000047  }
0x511: {  	s0 =	stileid.u32;
	[bflag:$0x2] =	sbarrier.arrive $0xFFFF  }
0x512: {  	p0 =	sne.s32 s0, $0x0;
	s0 =	rddreg [dreg:$0x4]  }
0x513: {  	s0 =	sadd.s32 @!p0 $0x100000, s0  }
0x514: {  	[sflag:s0] =	ssyncadd.tile.s32 @!p0 $0x1;
	_ =	shalt  }
.Lfunc_end2:
_tile_overlayer_lowered:
.L_overlay_start_2:
0x515: {  	(tag) =	ssettag $0x2  }
0x516: {  	s0 =	rddreg [dreg:$0x0];
	s2 =	stileid.u32  }
0x517: {  	s1 =	rddreg [dreg:$0x1];
	p0 =	sne.s32 s2, $0x0  }
0x518: {  	s3 =	rddreg [dreg:$0x2];
	[bflag:$0x3] =	sbarrier.arrive $0xFFFF;
	s2 =	simm.s32 @!p0 $0x1C05  }
0x519: {  	[timem:s3], [sflag:s2] =	dma.local @!p0 [hbm:s0], s1  }
0x51a: {  	s0 =	simm.s32 @!p0 $0x5  }
0x51b: {  	_ =	swait.ge @!p0 [sflag:s0], s1  }
0x51c: {  	s1 =	ssub.s32 @!p0 $0x0, s1;
	[sflag:s0] =	ssyncset.done @!p0 $0x0  }
0x51d: {  	[sflag:s0] =	ssyncadd.s32 @!p0 s1  }
0x51e: {  	[bflag:$0x3] =	sbarrier.arrive $0xFFFF  }
0x51f: {  	_ =	shalt  }

</sc_bundles>
